<compile_context>
chip_gen: v7x
topology: tpu7x:2x2x1
jax: 0.10.2.dev20260603
libtpu: 0.0.44.dev20260713+nightly
codegen_flags: <defaults>
</compile_context>

<pallas_src>
import jax
import jax.numpy as jnp
from jax import lax
from jax.experimental import pallas as pl
from jax.experimental.pallas import tpu as pltpu
from jax.experimental.pallas import tpu_sc as plsc

N = 10000
E = 320000
H = 128
B = 4096

NC, NS = 2, 16
CB = 64
IB = 16
DEPTH = 4
N_PAD = 10240
RPT = N_PAD // NS
PAD_DST = N + 100

EPT0 = 20480
EPT1 = 10240
NB0 = EPT0 // (IB * CB)
NB1 = EPT1 // (IB * CB)

_mesh = plsc.VectorSubcoreMesh(core_axis_name="c", subcore_axis_name="s")
_sc_params = pltpu.CompilerParams(needs_layout_passes=False)


def _run_block(b, src_e, dst_e, x_src, isrc, idst, rows, gs, ss, acc,
               cnt_priv, ones, tile):
    pltpu.sync_copy(src_e.at[tile, pl.ds(b * IB, IB)], isrc)
    pltpu.sync_copy(dst_e.at[tile, pl.ds(b * IB, IB)], idst)
    g = [None] * DEPTH
    s = [None] * DEPTH

    def swait_prev(q):
        @pl.when(b > 0)
        def _():
            pltpu.make_async_copy(rows[q], acc.at[idst.at[0]], ss[q]).wait()

    for j in range(DEPTH - 1):
        swait_prev(j)
        g[j] = pltpu.async_copy(x_src.at[isrc.at[j]], rows[j], gs[j])
    for r in range(IB):
        q = r % DEPTH
        g[q].wait()
        nxt = r + DEPTH - 1
        if nxt < IB:
            qn = nxt % DEPTH
            if nxt - DEPTH >= 0:
                s[qn].wait()
            elif nxt == DEPTH - 1:
                swait_prev(qn)
            g[qn] = pltpu.async_copy(x_src.at[isrc.at[nxt]], rows[qn], gs[qn])
        s[q] = pltpu.async_copy(rows[q], acc.at[idst.at[r]], ss[q], add=True)
        if cnt_priv is not None:
            for k in range(CB // 16):
                d = idst[r, pl.ds(k * 16, 16)]
                plsc.addupdate_scatter(cnt_priv, [d], ones)


def _accumulate_relation(src_e, dst_e, x_src, bufs, acc, tile, n_blocks,
                         cnt_priv):
    (isrc, idst, rows0, rows1, rows2, rows3,
     gs0, gs1, gs2, gs3, ss0, ss1, ss2, ss3) = bufs
    rows = (rows0, rows1, rows2, rows3)
    gs = (gs0, gs1, gs2, gs3)
    ss = (ss0, ss1, ss2, ss3)
    ones = jnp.full((16,), 1.0, jnp.float32)

    def block(b, carry):
        _run_block(b, src_e, dst_e, x_src, isrc, idst, rows, gs, ss, acc,
                   cnt_priv, ones, tile)
        return carry

    lax.fori_loop(0, n_blocks, block, 0)
    for q in range(DEPTH):
        pltpu.make_async_copy(rows[q], acc.at[idst.at[0]], ss[q]).wait()


def _sc_layer0(srcA, dstA, srcB, dstB, x_user, x_item, zeros,
               out_item, out_user, out_cnt,
               isrc, idst, rows0, rows1, rows2, rows3, cnt_priv, acc,
               gs0, gs1, gs2, gs3, ss0, ss1, ss2, ss3):
    c = lax.axis_index("c")
    s = lax.axis_index("s")
    wid = c * NS + s
    bufs = (isrc, idst, rows0, rows1, rows2, rows3,
            gs0, gs1, gs2, gs3, ss0, ss1, ss2, ss3)

    pltpu.sync_copy(zeros.at[pl.ds(s * RPT, RPT)], acc.at[pl.ds(s * RPT, RPT)])
    z16 = jnp.zeros((16,), jnp.float32)

    def zstep(t, carry):
        cnt_priv[pl.ds(t * 16, 16)] = z16
        return carry

    lax.fori_loop(0, N_PAD // 16, zstep, 0)
    plsc.subcore_barrier()

    cp = s & 3

    @pl.when(c == 0)
    def _():
        _accumulate_relation(srcA, dstA, x_user.at[cp], bufs, acc, s, NB0,
                             cnt_priv)

    @pl.when(c == 1)
    def _():
        _accumulate_relation(srcB, dstB, x_item.at[cp], bufs, acc, s, NB0,
                             cnt_priv)

    pltpu.sync_copy(cnt_priv, out_cnt.at[pl.ds(wid * N_PAD, N_PAD)])
    plsc.subcore_barrier()

    @pl.when(c == 0)
    def _():
        pltpu.sync_copy(acc.at[pl.ds(s * RPT, RPT)],
                        out_item.at[pl.ds(s * RPT, RPT)])

    @pl.when(c == 1)
    def _():
        pltpu.sync_copy(acc.at[pl.ds(s * RPT, RPT)],
                        out_user.at[pl.ds(s * RPT, RPT)])


def _sc_layer1(src1, dst1, x_user, zeros, out_part,
               isrc, idst, rows0, rows1, rows2, rows3, acc,
               gs0, gs1, gs2, gs3, ss0, ss1, ss2, ss3):
    c = lax.axis_index("c")
    s = lax.axis_index("s")
    wid = c * NS + s
    bufs = (isrc, idst, rows0, rows1, rows2, rows3,
            gs0, gs1, gs2, gs3, ss0, ss1, ss2, ss3)

    pltpu.sync_copy(zeros.at[pl.ds(s * RPT, RPT)], acc.at[pl.ds(s * RPT, RPT)])
    plsc.subcore_barrier()
    _accumulate_relation(src1, dst1, x_user.at[c * 4 + (s & 3)], bufs, acc,
                         wid, NB1, None)
    plsc.subcore_barrier()
    pltpu.sync_copy(acc.at[pl.ds(s * RPT, RPT)],
                    out_part.at[c, pl.ds(s * RPT, RPT)])


def _sc_gather(table, tids, out, idx_v, rows_v, sem):
    c = lax.axis_index("c")
    s = lax.axis_index("s")
    wid = c * NS + s
    bpw = B // (NC * NS)
    pltpu.sync_copy(tids.at[pl.ds(wid * bpw, bpw)], idx_v)
    pltpu.async_copy(table.at[idx_v], rows_v, sem).wait()
    pltpu.sync_copy(rows_v, out.at[pl.ds(wid * bpw, bpw)])


_seg0 = pl.kernel(
    _sc_layer0, mesh=_mesh, compiler_params=_sc_params,
    out_type=(
        jax.ShapeDtypeStruct((N_PAD, H), jnp.float32),
        jax.ShapeDtypeStruct((N_PAD, H), jnp.float32),
        jax.ShapeDtypeStruct((NC * NS * N_PAD,), jnp.float32),
    ),
    scratch_types=[
        pltpu.VMEM((IB, CB), jnp.int32),
        pltpu.VMEM((IB, CB), jnp.int32),
        pltpu.VMEM((CB, H), jnp.float32),
        pltpu.VMEM((CB, H), jnp.float32),
        pltpu.VMEM((CB, H), jnp.float32),
        pltpu.VMEM((CB, H), jnp.float32),
        pltpu.VMEM((N_PAD,), jnp.float32),
        pltpu.VMEM_SHARED((N_PAD, H), jnp.float32),
    ] + [pltpu.SemaphoreType.DMA] * 8,
)

_seg1 = pl.kernel(
    _sc_layer1, mesh=_mesh, compiler_params=_sc_params,
    out_type=jax.ShapeDtypeStruct((NC, N_PAD, H), jnp.float32),
    scratch_types=[
        pltpu.VMEM((IB, CB), jnp.int32),
        pltpu.VMEM((IB, CB), jnp.int32),
        pltpu.VMEM((CB, H), jnp.float32),
        pltpu.VMEM((CB, H), jnp.float32),
        pltpu.VMEM((CB, H), jnp.float32),
        pltpu.VMEM((CB, H), jnp.float32),
        pltpu.VMEM_SHARED((N_PAD, H), jnp.float32),
    ] + [pltpu.SemaphoreType.DMA] * 8,
)

_gather = pl.kernel(
    _sc_gather, mesh=_mesh, compiler_params=_sc_params,
    out_type=jax.ShapeDtypeStruct((B, H), jnp.float32),
    scratch_types=[
        pltpu.VMEM((B // (NC * NS),), jnp.int32),
        pltpu.VMEM((B // (NC * NS), H), jnp.float32),
        pltpu.SemaphoreType.DMA,
    ],
)



_RB = 2000


def _dense_body(nparts, ncopies, refs):
    *sum_refs, cnt_ref, x_ref, wl_ref, bl_ref, wr_ref, g_ref, b_ref, o_ref = refs
    summed = sum_refs[0][...]
    for r in sum_refs[1:]:
        summed = summed + r[...]
    cnt = jnp.sum(cnt_ref[...], axis=1, keepdims=True)
    inv = 1.0 / jnp.maximum(cnt, 1.0)
    mean = summed * inv
    z = (jnp.dot(mean, wl_ref[...], preferred_element_type=jnp.float32)
         + bl_ref[...]
         + jnp.dot(x_ref[...], wr_ref[...], preferred_element_type=jnp.float32))
    mu = jnp.mean(z, axis=-1, keepdims=True)
    zc = z - mu
    var = jnp.mean(zc * zc, axis=-1, keepdims=True)
    y = zc / jnp.sqrt(var + 1e-5) * g_ref[...] + b_ref[...]
    out = jnp.maximum(y, 0.0)
    if ncopies == 1:
        o_ref[...] = out
    else:
        o_ref[...] = jnp.broadcast_to(out[None], (ncopies,) + out.shape)


def _dense(summed_list, cnt, x_dst, wl, bl, wr, g, b, ncopies=1):
    np_ = len(summed_list)
    row_spec = pl.BlockSpec((_RB, H), lambda i: (i, 0))
    full = pl.BlockSpec((H, H), lambda i: (0, 0))
    vec = pl.BlockSpec((1, H), lambda i: (0, 0))
    if ncopies == 1:
        out_spec = row_spec
        out_shape = jax.ShapeDtypeStruct((N, H), jnp.float32)
    else:
        out_spec = pl.BlockSpec((ncopies, _RB, H), lambda i: (0, i, 0))
        out_shape = jax.ShapeDtypeStruct((ncopies, N, H), jnp.float32)
    return pl.pallas_call(
        lambda *refs: _dense_body(np_, ncopies, refs),
        grid=(N // _RB,),
        in_specs=[row_spec] * np_ + [
            pl.BlockSpec((_RB, NS), lambda i: (i, 0)),
            row_spec, full, vec, full, vec, vec,
        ],
        out_specs=out_spec,
        out_shape=out_shape,
    )(*summed_list, cnt, x_dst, wl.reshape(H, H), bl.reshape(1, H),
      wr.reshape(H, H), g.reshape(1, H), b.reshape(1, H))


def _head_body(h_ref, w1_ref, b1_ref, w2_ref, b2_ref, o_ref):
    y = jnp.maximum(
        jnp.dot(h_ref[...], w1_ref[...], preferred_element_type=jnp.float32)
        + b1_ref[...], 0.0)
    w2 = w2_ref[...]
    o_ref[...] = jnp.sum(y * w2[:, 0][None, :], axis=1, keepdims=True) + b2_ref[...]


def _head(hrows, w1, b1, w2, b2):
    hb = 1024
    return pl.pallas_call(
        _head_body,
        grid=(B // hb,),
        in_specs=[
            pl.BlockSpec((hb, H), lambda i: (i, 0)),
            pl.BlockSpec((H, H // 2), lambda i: (0, 0)),
            pl.BlockSpec((1, H // 2), lambda i: (0, 0)),
            pl.BlockSpec((H // 2, 1), lambda i: (0, 0)),
            pl.BlockSpec((1, 1), lambda i: (0, 0)),
        ],
        out_specs=pl.BlockSpec((hb, 1), lambda i: (i, 0)),
        out_shape=jax.ShapeDtypeStruct((B, 1), jnp.float32),
    )(hrows, w1, b1.reshape(1, H // 2), w2, b2.reshape(1, 1))


def _pad_edges(ei, n_tiles, ept):
    share = E // n_tiles
    src = ei[0].reshape(n_tiles, share)
    dst = ei[1].reshape(n_tiles, share)
    pad = ept - share
    src = jnp.pad(src, ((0, 0), (0, pad)))
    dst = jnp.pad(dst, ((0, 0), (0, pad)), constant_values=PAD_DST)
    return (src.reshape(n_tiles, ept // CB, CB),
            dst.reshape(n_tiles, ept // CB, CB))


def kernel(edge_index_u2i, edge_index_i2u, target_ids, emb_user, emb_item,
           Wl_0_u2i, bl_0_u2i, Wr_0_u2i, Wl_0_i2u, bl_0_i2u, Wr_0_i2u,
           ln_g_0_user, ln_b_0_user, ln_g_0_item, ln_b_0_item,
           Wl_1_u2i, bl_1_u2i, Wr_1_u2i, Wl_1_i2u, bl_1_i2u, Wr_1_i2u,
           ln_g_1_user, ln_b_1_user, ln_g_1_item, ln_b_1_item,
           head_W1, head_b1, head_W2, head_b2):
    sA, dA = _pad_edges(edge_index_u2i, NS, EPT0)
    sB, dB = _pad_edges(edge_index_i2u, NS, EPT0)
    s1, d1 = _pad_edges(edge_index_u2i, NC * NS, EPT1)

    zeros = jnp.zeros((N_PAD, H), jnp.float32)
    emb_user2 = jnp.broadcast_to(emb_user[None], (4, N, H))
    emb_item2 = jnp.broadcast_to(emb_item[None], (4, N, H))

    sum_item0, sum_user0, cnt_raw = _seg0(sA, dA, sB, dB,
                                          emb_user2, emb_item2, zeros)
    cnt_parts = cnt_raw.reshape(NC, NS, N_PAD)
    cnt_item = cnt_parts[0].T
    cnt_user = cnt_parts[1].T

    x1_item = _dense([sum_item0], cnt_item, emb_item,
                     Wl_0_u2i, bl_0_u2i, Wr_0_u2i, ln_g_0_item, ln_b_0_item)
    x1_user = _dense([sum_user0], cnt_user, emb_user,
                     Wl_0_i2u, bl_0_i2u, Wr_0_i2u, ln_g_0_user, ln_b_0_user,
                     ncopies=4 * NC)

    parts = _seg1(s1, d1, x1_user, zeros)
    x2_item = _dense([parts[0], parts[1]], cnt_item, x1_item,
                     Wl_1_u2i, bl_1_u2i, Wr_1_u2i, ln_g_1_item, ln_b_1_item)

    hrows = _gather(x2_item, target_ids)
    out = _head(hrows, head_W1, head_b1, head_W2, head_b2)
    return out[:, 0]

# --- scband reference (transcript-rebuilt; emitter-appended) ---
"""Pipeline reference for scband-standard-hetero-gnn-1099511628112 (READ-ONLY COPY).

The authoritative reference and input builder live on the scoring server;
editing this copy changes nothing except your own understanding.
"""

import jax, jax.numpy as jnp
import numpy as np

N_USER = 10000
N_ITEM = 10000
E = 320000
H = 128
B = 4096
NUM_LAYERS = 2


def setup_inputs(seed: int = 0) -> dict:
    key = jax.random.key(seed)
    ctr = [0]

    def nk():
        ctr[0] += 1
        return jax.random.fold_in(key, ctr[0])

    inp = {}
    inp["edge_index_u2i"] = jax.random.randint(nk(), (2, E), 0, N_ITEM)
    inp["edge_index_i2u"] = jax.random.randint(nk(), (2, E), 0, N_USER)
    inp["target_ids"] = jax.random.randint(nk(), (B,), 0, N_ITEM)
    # learned parameters
    inp["emb_user"] = jax.random.normal(nk(), (N_USER, H), jnp.float32) * 0.05
    inp["emb_item"] = jax.random.normal(nk(), (N_ITEM, H), jnp.float32) * 0.05
    for l in range(NUM_LAYERS):
        for et in ["u2i", "i2u"]:
            inp[f"Wl_{l}_{et}"] = jax.random.normal(nk(), (H, H), jnp.float32) * (1.0 / np.sqrt(H))
            inp[f"bl_{l}_{et}"] = jnp.zeros((H,), jnp.float32)
            inp[f"Wr_{l}_{et}"] = jax.random.normal(nk(), (H, H), jnp.float32) * (1.0 / np.sqrt(H))
        for nt in ["user", "item"]:
            inp[f"ln_g_{l}_{nt}"] = jnp.ones((H,), jnp.float32)
            inp[f"ln_b_{l}_{nt}"] = jnp.zeros((H,), jnp.float32)
    inp["head_W1"] = jax.random.normal(nk(), (H, H // 2), jnp.float32) * (1.0 / np.sqrt(H))
    inp["head_b1"] = jnp.zeros((H // 2,), jnp.float32)
    inp["head_W2"] = jax.random.normal(nk(), (H // 2, 1), jnp.float32) * (1.0 / np.sqrt(H // 2))
    inp["head_b2"] = jnp.zeros((1,), jnp.float32)
    return inp


def _layer_norm(x, g, b, eps=1e-5):
    mu = jnp.mean(x, axis=-1, keepdims=True)
    var = jnp.mean((x - mu) ** 2, axis=-1, keepdims=True)
    return (x - mu) / jnp.sqrt(var + eps) * g + b


def _sage(x_src, x_dst, ei, Wl, bl, Wr):
    # PyG SAGEConv: lin_l(mean_aggr(x_src[src] -> dst)) + lin_r(x_dst)
    src, dst = ei[0], ei[1]
    msg = jnp.take(x_src, src, axis=0)
    summed = jax.ops.segment_sum(msg, dst, num_segments=x_dst.shape[0])
    cnt = jax.ops.segment_sum(jnp.ones((ei.shape[1],), x_src.dtype), dst, num_segments=x_dst.shape[0])
    mean = summed / jnp.maximum(cnt, 1.0)[:, None]
    return mean @ Wl + bl + x_dst @ Wr


def _forward(p, edge_u2i, edge_i2u, target_ids):
    x_user, x_item = p["emb_user"], p["emb_item"]
    for l in range(NUM_LAYERS):
        # HeteroConv(aggr='sum'): each dst type receives from exactly one relation here
        new_item = _sage(x_user, x_item, edge_u2i, p[f"Wl_{l}_u2i"], p[f"bl_{l}_u2i"], p[f"Wr_{l}_u2i"])
        new_user = _sage(x_item, x_user, edge_i2u, p[f"Wl_{l}_i2u"], p[f"bl_{l}_i2u"], p[f"Wr_{l}_i2u"])
        x_user = jax.nn.relu(_layer_norm(new_user, p[f"ln_g_{l}_user"], p[f"ln_b_{l}_user"]))
        x_item = jax.nn.relu(_layer_norm(new_item, p[f"ln_g_{l}_item"], p[f"ln_b_{l}_item"]))
    # target_type = 'item'
    h = jnp.take(x_item, target_ids, axis=0)
    h = jax.nn.relu(h @ p["head_W1"] + p["head_b1"])
    out = h @ p["head_W2"] + p["head_b2"]
    return out.squeeze(-1)


def reference(
    edge_index_u2i,
    edge_index_i2u,
    target_ids,
    emb_user,
    emb_item,
    Wl_0_u2i,
    bl_0_u2i,
    Wr_0_u2i,
    Wl_0_i2u,
    bl_0_i2u,
    Wr_0_i2u,
    ln_g_0_user,
    ln_b_0_user,
    ln_g_0_item,
    ln_b_0_item,
    Wl_1_u2i,
    bl_1_u2i,
    Wr_1_u2i,
    Wl_1_i2u,
    bl_1_i2u,
    Wr_1_i2u,
    ln_g_1_user,
    ln_b_1_user,
    ln_g_1_item,
    ln_b_1_item,
    head_W1,
    head_b1,
    head_W2,
    head_b2,
):
    args = dict(locals())
    edge_u2i = args.pop("edge_index_u2i")
    edge_i2u = args.pop("edge_index_i2u")
    tgt = args.pop("target_ids")
    return _forward(args, edge_u2i, edge_i2u, tgt)

if __name__ == "__main__":
    import jax
    _d = setup_inputs()
    print(jax.jit(kernel)(*tuple(_d.values())))

</pallas_src>

<mosaic_0001>
#map = affine_map<(d0, d1) -> (0, 0)>
#map1 = affine_map<(d0, d1) -> (0)>
module attributes {stable_mosaic.version = 14 : i64} {
  func.func @_sc_gather(%arg0: i32, %arg1: i32, %arg2: memref<10000x128xf32, #tpu.memory_space<hbm>>, %arg3: memref<4096xi32, #tpu.memory_space<hbm>>, %arg4: memref<4096x128xf32, #tpu.memory_space<hbm>>, %arg5: memref<128xi32, #tpu.memory_space<vmem>>, %arg6: memref<128x128xf32, #tpu.memory_space<vmem>>, %arg7: memref<!tpu.dma_semaphore, #tpu.memory_space<semaphore_mem>>) attributes {dimension_semantics = [#tpu.dimension_semantics<core_parallel>, #tpu.dimension_semantics<subcore_parallel>], iteration_bounds = array<i64: 2, 16>, scalar_prefetch = 0 : i64, scratch_operands = 3 : i64, tpu.core_type = #tpu.core_type<sc_vector_subcore>, window_params = [{transform_indices = #map}, {transform_indices = #map1}, {transform_indices = #map}]} {
    %mul3A = arith.constant 16 : i32
    %mul3A_0 = arith.muli %arg0, %mul3A : i32
    %add3A = arith.addi %mul3A_0, %arg1 : i32
    %mul3A_1 = arith.constant 128 : i32
    %mul3A_2 = arith.muli %add3A, %mul3A_1 : i32
    "tpu.region"() ({
      %run_scoped3A = tpu.sem_alloc : memref<!tpu.dma_semaphore, #tpu.memory_space<semaphore_mem>>
      %dma_start3A_9 = tpu.memref_slice %arg3[%mul3A_2] : memref<4096xi32, #tpu.memory_space<hbm>> -> memref<128xi32, #tpu.memory_space<hbm>>
      %dma_start3A_10 = tpu.memref_slice %arg3[%mul3A_2] : memref<4096xi32, #tpu.memory_space<hbm>> -> memref<128xi32, #tpu.memory_space<hbm>>
      tpu.enqueue_dma source(%dma_start3A_10 : memref<128xi32, #tpu.memory_space<hbm>>) target(%arg5 : memref<128xi32, #tpu.memory_space<vmem>>) target_semaphore(%run_scoped3A : memref<!tpu.dma_semaphore, #tpu.memory_space<semaphore_mem>>)
      %dma_wait3A_11 = tpu.memref_slice %arg3[%mul3A_2] : memref<4096xi32, #tpu.memory_space<hbm>> -> memref<128xi32, #tpu.memory_space<hbm>>
      %dma_wait3A_12 = tpu.memref_slice %arg3[%mul3A_2] : memref<4096xi32, #tpu.memory_space<hbm>> -> memref<128xi32, #tpu.memory_space<hbm>>
      tpu.wait_dma2 semaphore(%run_scoped3A : memref<!tpu.dma_semaphore, #tpu.memory_space<semaphore_mem>>) src(%dma_wait3A_12 : memref<128xi32, #tpu.memory_space<hbm>>) dst(%arg5 : memref<128xi32, #tpu.memory_space<vmem>>)
      tpu.yield
    }) : () -> ()
    %dma_start3A = arith.constant 0 : i32
    %dma_start3A_3 = arith.constant 0 : i32
    %dma_start3A_4 = tpu.memref_slice %arg2[%dma_start3A, %dma_start3A_3] : memref<10000x128xf32, #tpu.memory_space<hbm>> -> memref<10000x128xf32, #tpu.memory_space<hbm>>
    tpu.enqueue_indirect_dma source(%dma_start3A_4 : memref<10000x128xf32, #tpu.memory_space<hbm>>) target(%arg6 : memref<128x128xf32, #tpu.memory_space<vmem>>) offsets(%arg5 : memref<128xi32, #tpu.memory_space<vmem>>) semaphore(%arg7 : memref<!tpu.dma_semaphore, #tpu.memory_space<semaphore_mem>>)
    %dma_wait3A = arith.constant 0 : i32
    %dma_wait3A_5 = arith.constant 0 : i32
    %dma_wait3A_6 = tpu.memref_slice %arg2[%dma_wait3A, %dma_wait3A_5] : memref<10000x128xf32, #tpu.memory_space<hbm>> -> memref<10000x128xf32, #tpu.memory_space<hbm>>
    tpu.wait_indirect_dma semaphore(%arg7 : memref<!tpu.dma_semaphore, #tpu.memory_space<semaphore_mem>>) src(%dma_wait3A_6 : memref<10000x128xf32, #tpu.memory_space<hbm>>) dst(%arg6 : memref<128x128xf32, #tpu.memory_space<vmem>>)
    %mul3A_7 = arith.constant 128 : i32
    %mul3A_8 = arith.muli %add3A, %mul3A_7 : i32
    "tpu.region"() ({
      %run_scoped3A = tpu.sem_alloc : memref<!tpu.dma_semaphore, #tpu.memory_space<semaphore_mem>>
      %dma_start3A_9 = arith.constant 0 : i32
      %dma_start3A_10 = tpu.memref_slice %arg4[%mul3A_8, %dma_start3A_9] : memref<4096x128xf32, #tpu.memory_space<hbm>> -> memref<128x128xf32, #tpu.memory_space<hbm>>
      %dma_start3A_11 = arith.constant 0 : i32
      %dma_start3A_12 = tpu.memref_slice %arg4[%mul3A_8, %dma_start3A_11] : memref<4096x128xf32, #tpu.memory_space<hbm>> -> memref<128x128xf32, #tpu.memory_space<hbm>>
      tpu.enqueue_dma source(%arg6 : memref<128x128xf32, #tpu.memory_space<vmem>>) target(%dma_start3A_12 : memref<128x128xf32, #tpu.memory_space<hbm>>) target_semaphore(%run_scoped3A : memref<!tpu.dma_semaphore, #tpu.memory_space<semaphore_mem>>)
      %dma_wait3A_13 = arith.constant 0 : i32
      %dma_wait3A_14 = tpu.memref_slice %arg4[%mul3A_8, %dma_wait3A_13] : memref<4096x128xf32, #tpu.memory_space<hbm>> -> memref<128x128xf32, #tpu.memory_space<hbm>>
      %dma_wait3A_15 = arith.constant 0 : i32
      %dma_wait3A_16 = tpu.memref_slice %arg4[%mul3A_8, %dma_wait3A_15] : memref<4096x128xf32, #tpu.memory_space<hbm>> -> memref<128x128xf32, #tpu.memory_space<hbm>>
      tpu.wait_dma2 semaphore(%run_scoped3A : memref<!tpu.dma_semaphore, #tpu.memory_space<semaphore_mem>>) src(%arg6 : memref<128x128xf32, #tpu.memory_space<vmem>>) dst(%dma_wait3A_16 : memref<128x128xf32, #tpu.memory_space<hbm>>)
      tpu.yield
    }) : () -> ()
    return
  }
}

#map = affine_map<(d0, d1) -> (0, 0, 0)>
#map1 = affine_map<(d0, d1) -> (0, 0)>
#map2 = affine_map<(d0, d1) -> (0)>
module attributes {stable_mosaic.version = 14 : i64} {
  func.func @_sc_layer0(%arg0: i32, %arg1: i32, %arg2: memref<16x320x64xi32, #tpu.memory_space<hbm>>, %arg3: memref<16x320x64xi32, #tpu.memory_space<hbm>>, %arg4: memref<16x320x64xi32, #tpu.memory_space<hbm>>, %arg5: memref<16x320x64xi32, #tpu.memory_space<hbm>>, %arg6: memref<4x10000x128xf32, #tpu.memory_space<hbm>>, %arg7: memref<4x10000x128xf32, #tpu.memory_space<hbm>>, %arg8: memref<10240x128xf32, #tpu.memory_space<hbm>>, %arg9: memref<10240x128xf32, #tpu.memory_space<hbm>>, %arg10: memref<10240x128xf32, #tpu.memory_space<hbm>>, %arg11: memref<327680xf32, #tpu.memory_space<hbm>>, %arg12: memref<16x64xi32, #tpu.memory_space<vmem>>, %arg13: memref<16x64xi32, #tpu.memory_space<vmem>>, %arg14: memref<64x128xf32, #tpu.memory_space<vmem>>, %arg15: memref<64x128xf32, #tpu.memory_space<vmem>>, %arg16: memref<64x128xf32, #tpu.memory_space<vmem>>, %arg17: memref<64x128xf32, #tpu.memory_space<vmem>>, %arg18: memref<10240xf32, #tpu.memory_space<vmem>>, %arg19: memref<10240x128xf32, #tpu.memory_space<vmem_shared>>, %arg20: memref<!tpu.dma_semaphore, #tpu.memory_space<semaphore_mem>>, %arg21: memref<!tpu.dma_semaphore, #tpu.memory_space<semaphore_mem>>, %arg22: memref<!tpu.dma_semaphore, #tpu.memory_space<semaphore_mem>>, %arg23: memref<!tpu.dma_semaphore, #tpu.memory_space<semaphore_mem>>, %arg24: memref<!tpu.dma_semaphore, #tpu.memory_space<semaphore_mem>>, %arg25: memref<!tpu.dma_semaphore, #tpu.memory_space<semaphore_mem>>, %arg26: memref<!tpu.dma_semaphore, #tpu.memory_space<semaphore_mem>>, %arg27: memref<!tpu.dma_semaphore, #tpu.memory_space<semaphore_mem>>) attributes {dimension_semantics = [#tpu.dimension_semantics<core_parallel>, #tpu.dimension_semantics<subcore_parallel>], iteration_bounds = array<i64: 2, 16>, scalar_prefetch = 0 : i64, scratch_operands = 16 : i64, tpu.core_type = #tpu.core_type<sc_vector_subcore>, window_params = [{transform_indices = #map}, {transform_indices = #map}, {transform_indices = #map}, {transform_indices = #map}, {transform_indices = #map}, {transform_indices = #map}, {transform_indices = #map1}, {transform_indices = #map1}, {transform_indices = #map1}, {transform_indices = #map2}]} {
    %mul3A = arith.constant 16 : i32
    %mul3A_0 = arith.muli %arg0, %mul3A : i32
    %add3A = arith.addi %mul3A_0, %arg1 : i32
    %mul3A_1 = arith.constant 640 : i32
    %mul3A_2 = arith.muli %arg1, %mul3A_1 : i32
    %mul3A_3 = arith.constant 640 : i32
    %mul3A_4 = arith.muli %arg1, %mul3A_3 : i32
    "tpu.region"() ({
      %run_scoped3A = tpu.sem_alloc : memref<!tpu.dma_semaphore, #tpu.memory_space<semaphore_mem>>
      %dma_start3A = arith.constant 0 : i32
      %dma_start3A_32 = tpu.memref_slice %arg19[%mul3A_4, %dma_start3A] : memref<10240x128xf32, #tpu.memory_space<vmem_shared>> -> memref<640x128xf32, #tpu.memory_space<vmem_shared>>
      %dma_start3A_33 = arith.constant 0 : i32
      %dma_start3A_34 = tpu.memref_slice %arg8[%mul3A_2, %dma_start3A_33] : memref<10240x128xf32, #tpu.memory_space<hbm>> -> memref<640x128xf32, #tpu.memory_space<hbm>>
      tpu.enqueue_dma source(%dma_start3A_34 : memref<640x128xf32, #tpu.memory_space<hbm>>) target(%dma_start3A_32 : memref<640x128xf32, #tpu.memory_space<vmem_shared>>) target_semaphore(%run_scoped3A : memref<!tpu.dma_semaphore, #tpu.memory_space<semaphore_mem>>)
      %dma_wait3A = arith.constant 0 : i32
      %dma_wait3A_35 = tpu.memref_slice %arg19[%mul3A_4, %dma_wait3A] : memref<10240x128xf32, #tpu.memory_space<vmem_shared>> -> memref<640x128xf32, #tpu.memory_space<vmem_shared>>
      %dma_wait3A_36 = arith.constant 0 : i32
      %dma_wait3A_37 = tpu.memref_slice %arg8[%mul3A_2, %dma_wait3A_36] : memref<10240x128xf32, #tpu.memory_space<hbm>> -> memref<640x128xf32, #tpu.memory_space<hbm>>
      tpu.wait_dma2 semaphore(%run_scoped3A : memref<!tpu.dma_semaphore, #tpu.memory_space<semaphore_mem>>) src(%dma_wait3A_37 : memref<640x128xf32, #tpu.memory_space<hbm>>) dst(%dma_wait3A_35 : memref<640x128xf32, #tpu.memory_space<vmem_shared>>)
      tpu.yield
    }) : () -> ()
    %broadcast_in_dim3A = arith.constant 0.000000e+00 : f32
    %broadcast_in_dim3A_5 = vector.broadcast %broadcast_in_dim3A : f32 to vector<16xf32>
    %scan3A = arith.constant 0 : i32
    %scan3A_6 = arith.constant 0 : i32
    %scan3A_7 = arith.constant 640 : i32
    %scan3A_8 = arith.addi %scan3A_6, %scan3A_7 : i32
    %scan3A_9 = arith.constant 1 : i32
    scf.for %scan3A_32 = %scan3A_6 to %scan3A_8 step %scan3A_9  : i32 {
      %mul3A_33 = arith.constant 16 : i32
      %mul3A_34 = arith.muli %scan3A_32, %mul3A_33 : i32
      %swap3A = arith.index_cast %mul3A_34 : i32 to index
      %swap3A_35 = tpu.vector_load %arg18[%swap3A] {strides = array<i32>} : memref<10240xf32, #tpu.memory_space<vmem>>, vector<16xf32>,
      tpu.vector_store %arg18[%swap3A], %broadcast_in_dim3A_5 {strides = array<i32>} : memref<10240xf32, #tpu.memory_space<vmem>>, vector<16xf32>,
    }
    %scan3A_10 = arith.constant 640 : i32
    %barrier3A = arith.constant 0 : index
    tpu.barrier barrier_id(%barrier3A)
    %and3A = arith.constant 3 : i32
    %and3A_11 = arith.andi %arg1, %and3A : i32
    %eq3A = arith.constant 0 : i32
    %eq3A_12 = arith.cmpi eq, %arg0, %eq3A : i32
    %convert_element_type3A = arith.extui %eq3A_12 : i1 to i32
    %cond3A = arith.constant 0 : i32
    %cond3A_13 = arith.cmpi ne, %convert_element_type3A, %cond3A : i32
    scf.if %cond3A_13 {
      %broadcast_in_dim3A_32 = arith.constant 1.000000e+00 : f32
      %broadcast_in_dim3A_33 = vector.broadcast %broadcast_in_dim3A_32 : f32 to vector<16xf32>
      %scan3A_34 = arith.constant 0 : i32
      %scan3A_35 = arith.constant 0 : i32
      %scan3A_36 = arith.constant 20 : i32
      %scan3A_37 = arith.addi %scan3A_35, %scan3A_36 : i32
      %scan3A_38 = arith.constant 1 : i32
      scf.for %scan3A_67 = %scan3A_35 to %scan3A_37 step %scan3A_38  : i32 {
        %mul3A_68 = arith.constant 16 : i32
        %mul3A_69 = arith.muli %scan3A_67, %mul3A_68 : i32
        "tpu.region"() ({
          %run_scoped3A = tpu.sem_alloc : memref<!tpu.dma_semaphore, #tpu.memory_space<semaphore_mem>>
          %dma_start3A_893 = arith.constant 0 : i32
          %dma_start3A_894 = tpu.memref_slice %arg2[%arg1, %mul3A_69, %dma_start3A_893] : memref<16x320x64xi32, #tpu.memory_space<hbm>> -> memref<1x16x64xi32, #tpu.memory_space<hbm>>
          %dma_start3A_895 = tpu.memref_squeeze %dma_start3A_894 : memref<1x16x64xi32, #tpu.memory_space<hbm>> -> memref<16x64xi32, #tpu.memory_space<hbm>>
          %dma_start3A_896 = arith.constant 0 : i32
          %dma_start3A_897 = tpu.memref_slice %arg2[%arg1, %mul3A_69, %dma_start3A_896] : memref<16x320x64xi32, #tpu.memory_space<hbm>> -> memref<1x16x64xi32, #tpu.memory_space<hbm>>
          %dma_start3A_898 = tpu.memref_squeeze %dma_start3A_897 : memref<1x16x64xi32, #tpu.memory_space<hbm>> -> memref<16x64xi32, #tpu.memory_space<hbm>>
          tpu.enqueue_dma source(%dma_start3A_898 : memref<16x64xi32, #tpu.memory_space<hbm>>) target(%arg12 : memref<16x64xi32, #tpu.memory_space<vmem>>) target_semaphore(%run_scoped3A : memref<!tpu.dma_semaphore, #tpu.memory_space<semaphore_mem>>)
          %dma_wait3A_899 = arith.constant 0 : i32
          %dma_wait3A_900 = tpu.memref_slice %arg2[%arg1, %mul3A_69, %dma_wait3A_899] : memref<16x320x64xi32, #tpu.memory_space<hbm>> -> memref<1x16x64xi32, #tpu.memory_space<hbm>>
          %dma_wait3A_901 = tpu.memref_squeeze %dma_wait3A_900 : memref<1x16x64xi32, #tpu.memory_space<hbm>> -> memref<16x64xi32, #tpu.memory_space<hbm>>
          %dma_wait3A_902 = arith.constant 0 : i32
          %dma_wait3A_903 = tpu.memref_slice %arg2[%arg1, %mul3A_69, %dma_wait3A_902] : memref<16x320x64xi32, #tpu.memory_space<hbm>> -> memref<1x16x64xi32, #tpu.memory_space<hbm>>
          %dma_wait3A_904 = tpu.memref_squeeze %dma_wait3A_903 : memref<1x16x64xi32, #tpu.memory_space<hbm>> -> memref<16x64xi32, #tpu.memory_space<hbm>>
          tpu.wait_dma2 semaphore(%run_scoped3A : memref<!tpu.dma_semaphore, #tpu.memory_space<semaphore_mem>>) src(%dma_wait3A_904 : memref<16x64xi32, #tpu.memory_space<hbm>>) dst(%arg12 : memref<16x64xi32, #tpu.memory_space<vmem>>)
          tpu.yield
        }) : () -> ()
        %mul3A_70 = arith.constant 16 : i32
        %mul3A_71 = arith.muli %scan3A_67, %mul3A_70 : i32
        "tpu.region"() ({
          %run_scoped3A = tpu.sem_alloc : memref<!tpu.dma_semaphore, #tpu.memory_space<semaphore_mem>>
          %dma_start3A_893 = arith.constant 0 : i32
          %dma_start3A_894 = tpu.memref_slice %arg3[%arg1, %mul3A_71, %dma_start3A_893] : memref<16x320x64xi32, #tpu.memory_space<hbm>> -> memref<1x16x64xi32, #tpu.memory_space<hbm>>
          %dma_start3A_895 = tpu.memref_squeeze %dma_start3A_894 : memref<1x16x64xi32, #tpu.memory_space<hbm>> -> memref<16x64xi32, #tpu.memory_space<hbm>>
          %dma_start3A_896 = arith.constant 0 : i32
          %dma_start3A_897 = tpu.memref_slice %arg3[%arg1, %mul3A_71, %dma_start3A_896] : memref<16x320x64xi32, #tpu.memory_space<hbm>> -> memref<1x16x64xi32, #tpu.memory_space<hbm>>
          %dma_start3A_898 = tpu.memref_squeeze %dma_start3A_897 : memref<1x16x64xi32, #tpu.memory_space<hbm>> -> memref<16x64xi32, #tpu.memory_space<hbm>>
          tpu.enqueue_dma source(%dma_start3A_898 : memref<16x64xi32, #tpu.memory_space<hbm>>) target(%arg13 : memref<16x64xi32, #tpu.memory_space<vmem>>) target_semaphore(%run_scoped3A : memref<!tpu.dma_semaphore, #tpu.memory_space<semaphore_mem>>)
          %dma_wait3A_899 = arith.constant 0 : i32
          %dma_wait3A_900 = tpu.memref_slice %arg3[%arg1, %mul3A_71, %dma_wait3A_899] : memref<16x320x64xi32, #tpu.memory_space<hbm>> -> memref<1x16x64xi32, #tpu.memory_space<hbm>>
          %dma_wait3A_901 = tpu.memref_squeeze %dma_wait3A_900 : memref<1x16x64xi32, #tpu.memory_space<hbm>> -> memref<16x64xi32, #tpu.memory_space<hbm>>
          %dma_wait3A_902 = arith.constant 0 : i32
          %dma_wait3A_903 = tpu.memref_slice %arg3[%arg1, %mul3A_71, %dma_wait3A_902] : memref<16x320x64xi32, #tpu.memory_space<hbm>> -> memref<1x16x64xi32, #tpu.memory_space<hbm>>
          %dma_wait3A_904 = tpu.memref_squeeze %dma_wait3A_903 : memref<1x16x64xi32, #tpu.memory_space<hbm>> -> memref<16x64xi32, #tpu.memory_space<hbm>>
          tpu.wait_dma2 semaphore(%run_scoped3A : memref<!tpu.dma_semaphore, #tpu.memory_space<semaphore_mem>>) src(%dma_wait3A_904 : memref<16x64xi32, #tpu.memory_space<hbm>>) dst(%arg13 : memref<16x64xi32, #tpu.memory_space<vmem>>)
          tpu.yield
        }) : () -> ()
        %gt3A = arith.constant 0 : i32
        %gt3A_72 = arith.cmpi sgt, %scan3A_67, %gt3A : i32
        %convert_element_type3A_73 = arith.extui %gt3A_72 : i1 to i32
        %cond3A_74 = arith.constant 0 : i32
        %cond3A_75 = arith.cmpi ne, %convert_element_type3A_73, %cond3A_74 : i32
        scf.if %cond3A_75 {
          %dma_wait3A_893 = arith.constant 0 : i32
          %dma_wait3A_894 = arith.constant 0 : i32
          %dma_wait3A_895 = tpu.memref_slice %arg13[%dma_wait3A_893, %dma_wait3A_894] : memref<16x64xi32, #tpu.memory_space<vmem>> -> memref<1x64xi32, #tpu.memory_space<vmem>>
          %dma_wait3A_896 = tpu.memref_squeeze %dma_wait3A_895 : memref<1x64xi32, #tpu.memory_space<vmem>> -> memref<64xi32, #tpu.memory_space<vmem>>
          %dma_wait3A_897 = arith.constant 0 : i32
          %dma_wait3A_898 = arith.constant 0 : i32
          %dma_wait3A_899 = tpu.memref_slice %arg19[%dma_wait3A_897, %dma_wait3A_898] : memref<10240x128xf32, #tpu.memory_space<vmem_shared>> -> memref<10240x128xf32, #tpu.memory_space<vmem_shared>>
          tpu.wait_indirect_dma semaphore(%arg24 : memref<!tpu.dma_semaphore, #tpu.memory_space<semaphore_mem>>) src(%arg14 : memref<64x128xf32, #tpu.memory_space<vmem>>) dst(%dma_wait3A_899 : memref<10240x128xf32, #tpu.memory_space<vmem_shared>>)
        } else {
        }
        %dma_start3A = arith.constant 0 : i32
        %dma_start3A_76 = arith.constant 0 : i32
        %dma_start3A_77 = tpu.memref_slice %arg12[%dma_start3A, %dma_start3A_76] : memref<16x64xi32, #tpu.memory_space<vmem>> -> memref<1x64xi32, #tpu.memory_space<vmem>>
        %dma_start3A_78 = tpu.memref_squeeze %dma_start3A_77 : memref<1x64xi32, #tpu.memory_space<vmem>> -> memref<64xi32, #tpu.memory_space<vmem>>
        %dma_start3A_79 = arith.constant 0 : i32
        %dma_start3A_80 = arith.constant 0 : i32
        %dma_start3A_81 = tpu.memref_slice %arg6[%and3A_11, %dma_start3A_79, %dma_start3A_80] : memref<4x10000x128xf32, #tpu.memory_space<hbm>> -> memref<1x10000x128xf32, #tpu.memory_space<hbm>>
        %dma_start3A_82 = tpu.memref_squeeze %dma_start3A_81 : memref<1x10000x128xf32, #tpu.memory_space<hbm>> -> memref<10000x128xf32, #tpu.memory_space<hbm>>
        %dma_start3A_83 = arith.constant 0 : i32
        %dma_start3A_84 = arith.constant 0 : i32
        %dma_start3A_85 = tpu.memref_slice %dma_start3A_82[%dma_start3A_83, %dma_start3A_84] : memref<10000x128xf32, #tpu.memory_space<hbm>> -> memref<10000x128xf32, #tpu.memory_space<hbm>>
        tpu.enqueue_indirect_dma source(%dma_start3A_85 : memref<10000x128xf32, #tpu.memory_space<hbm>>) target(%arg14 : memref<64x128xf32, #tpu.memory_space<vmem>>) offsets(%dma_start3A_78 : memref<64xi32, #tpu.memory_space<vmem>>) semaphore(%arg20 : memref<!tpu.dma_semaphore, #tpu.memory_space<semaphore_mem>>)
        %gt3A_86 = arith.constant 0 : i32
        %gt3A_87 = arith.cmpi sgt, %scan3A_67, %gt3A_86 : i32
        %convert_element_type3A_88 = arith.extui %gt3A_87 : i1 to i32
        %cond3A_89 = arith.constant 0 : i32
        %cond3A_90 = arith.cmpi ne, %convert_element_type3A_88, %cond3A_89 : i32
        scf.if %cond3A_90 {
          %dma_wait3A_893 = arith.constant 0 : i32
          %dma_wait3A_894 = arith.constant 0 : i32
          %dma_wait3A_895 = tpu.memref_slice %arg13[%dma_wait3A_893, %dma_wait3A_894] : memref<16x64xi32, #tpu.memory_space<vmem>> -> memref<1x64xi32, #tpu.memory_space<vmem>>
          %dma_wait3A_896 = tpu.memref_squeeze %dma_wait3A_895 : memref<1x64xi32, #tpu.memory_space<vmem>> -> memref<64xi32, #tpu.memory_space<vmem>>
          %dma_wait3A_897 = arith.constant 0 : i32
          %dma_wait3A_898 = arith.constant 0 : i32
          %dma_wait3A_899 = tpu.memref_slice %arg19[%dma_wait3A_897, %dma_wait3A_898] : memref<10240x128xf32, #tpu.memory_space<vmem_shared>> -> memref<10240x128xf32, #tpu.memory_space<vmem_shared>>
          tpu.wait_indirect_dma semaphore(%arg25 : memref<!tpu.dma_semaphore, #tpu.memory_space<semaphore_mem>>) src(%arg15 : memref<64x128xf32, #tpu.memory_space<vmem>>) dst(%dma_wait3A_899 : memref<10240x128xf32, #tpu.memory_space<vmem_shared>>)
        } else {
        }
        %dma_start3A_91 = arith.constant 1 : i32
        %dma_start3A_92 = arith.constant 0 : i32
        %dma_start3A_93 = tpu.memref_slice %arg12[%dma_start3A_91, %dma_start3A_92] : memref<16x64xi32, #tpu.memory_space<vmem>> -> memref<1x64xi32, #tpu.memory_space<vmem>>
        %dma_start3A_94 = tpu.memref_squeeze %dma_start3A_93 : memref<1x64xi32, #tpu.memory_space<vmem>> -> memref<64xi32, #tpu.memory_space<vmem>>
        %dma_start3A_95 = arith.constant 0 : i32
        %dma_start3A_96 = arith.constant 0 : i32
        %dma_start3A_97 = tpu.memref_slice %arg6[%and3A_11, %dma_start3A_95, %dma_start3A_96] : memref<4x10000x128xf32, #tpu.memory_space<hbm>> -> memref<1x10000x128xf32, #tpu.memory_space<hbm>>
        %dma_start3A_98 = tpu.memref_squeeze %dma_start3A_97 : memref<1x10000x128xf32, #tpu.memory_space<hbm>> -> memref<10000x128xf32, #tpu.memory_space<hbm>>
        %dma_start3A_99 = arith.constant 0 : i32
        %dma_start3A_100 = arith.constant 0 : i32
        %dma_start3A_101 = tpu.memref_slice %dma_start3A_98[%dma_start3A_99, %dma_start3A_100] : memref<10000x128xf32, #tpu.memory_space<hbm>> -> memref<10000x128xf32, #tpu.memory_space<hbm>>
        tpu.enqueue_indirect_dma source(%dma_start3A_101 : memref<10000x128xf32, #tpu.memory_space<hbm>>) target(%arg15 : memref<64x128xf32, #tpu.memory_space<vmem>>) offsets(%dma_start3A_94 : memref<64xi32, #tpu.memory_space<vmem>>) semaphore(%arg21 : memref<!tpu.dma_semaphore, #tpu.memory_space<semaphore_mem>>)
        %gt3A_102 = arith.constant 0 : i32
        %gt3A_103 = arith.cmpi sgt, %scan3A_67, %gt3A_102 : i32
        %convert_element_type3A_104 = arith.extui %gt3A_103 : i1 to i32
        %cond3A_105 = arith.constant 0 : i32
        %cond3A_106 = arith.cmpi ne, %convert_element_type3A_104, %cond3A_105 : i32
        scf.if %cond3A_106 {
          %dma_wait3A_893 = arith.constant 0 : i32
          %dma_wait3A_894 = arith.constant 0 : i32
          %dma_wait3A_895 = tpu.memref_slice %arg13[%dma_wait3A_893, %dma_wait3A_894] : memref<16x64xi32, #tpu.memory_space<vmem>> -> memref<1x64xi32, #tpu.memory_space<vmem>>
          %dma_wait3A_896 = tpu.memref_squeeze %dma_wait3A_895 : memref<1x64xi32, #tpu.memory_space<vmem>> -> memref<64xi32, #tpu.memory_space<vmem>>
          %dma_wait3A_897 = arith.constant 0 : i32
          %dma_wait3A_898 = arith.constant 0 : i32
          %dma_wait3A_899 = tpu.memref_slice %arg19[%dma_wait3A_897, %dma_wait3A_898] : memref<10240x128xf32, #tpu.memory_space<vmem_shared>> -> memref<10240x128xf32, #tpu.memory_space<vmem_shared>>
          tpu.wait_indirect_dma semaphore(%arg26 : memref<!tpu.dma_semaphore, #tpu.memory_space<semaphore_mem>>) src(%arg16 : memref<64x128xf32, #tpu.memory_space<vmem>>) dst(%dma_wait3A_899 : memref<10240x128xf32, #tpu.memory_space<vmem_shared>>)
        } else {
        }
        %dma_start3A_107 = arith.constant 2 : i32
        %dma_start3A_108 = arith.constant 0 : i32
        %dma_start3A_109 = tpu.memref_slice %arg12[%dma_start3A_107, %dma_start3A_108] : memref<16x64xi32, #tpu.memory_space<vmem>> -> memref<1x64xi32, #tpu.memory_space<vmem>>
        %dma_start3A_110 = tpu.memref_squeeze %dma_start3A_109 : memref<1x64xi32, #tpu.memory_space<vmem>> -> memref<64xi32, #tpu.memory_space<vmem>>
        %dma_start3A_111 = arith.constant 0 : i32
        %dma_start3A_112 = arith.constant 0 : i32
        %dma_start3A_113 = tpu.memref_slice %arg6[%and3A_11, %dma_start3A_111, %dma_start3A_112] : memref<4x10000x128xf32, #tpu.memory_space<hbm>> -> memref<1x10000x128xf32, #tpu.memory_space<hbm>>
        %dma_start3A_114 = tpu.memref_squeeze %dma_start3A_113 : memref<1x10000x128xf32, #tpu.memory_space<hbm>> -> memref<10000x128xf32, #tpu.memory_space<hbm>>
        %dma_start3A_115 = arith.constant 0 : i32
        %dma_start3A_116 = arith.constant 0 : i32
        %dma_start3A_117 = tpu.memref_slice %dma_start3A_114[%dma_start3A_115, %dma_start3A_116] : memref<10000x128xf32, #tpu.memory_space<hbm>> -> memref<10000x128xf32, #tpu.memory_space<hbm>>
        tpu.enqueue_indirect_dma source(%dma_start3A_117 : memref<10000x128xf32, #tpu.memory_space<hbm>>) target(%arg16 : memref<64x128xf32, #tpu.memory_space<vmem>>) offsets(%dma_start3A_110 : memref<64xi32, #tpu.memory_space<vmem>>) semaphore(%arg22 : memref<!tpu.dma_semaphore, #tpu.memory_space<semaphore_mem>>)
        %dma_wait3A_118 = arith.constant 0 : i32
        %dma_wait3A_119 = arith.constant 0 : i32
        %dma_wait3A_120 = tpu.memref_slice %arg12[%dma_wait3A_118, %dma_wait3A_119] : memref<16x64xi32, #tpu.memory_space<vmem>> -> memref<1x64xi32, #tpu.memory_space<vmem>>
        %dma_wait3A_121 = tpu.memref_squeeze %dma_wait3A_120 : memref<1x64xi32, #tpu.memory_space<vmem>> -> memref<64xi32, #tpu.memory_space<vmem>>
        %dma_wait3A_122 = arith.constant 0 : i32
        %dma_wait3A_123 = arith.constant 0 : i32
        %dma_wait3A_124 = tpu.memref_slice %arg6[%and3A_11, %dma_wait3A_122, %dma_wait3A_123] : memref<4x10000x128xf32, #tpu.memory_space<hbm>> -> memref<1x10000x128xf32, #tpu.memory_space<hbm>>
        %dma_wait3A_125 = tpu.memref_squeeze %dma_wait3A_124 : memref<1x10000x128xf32, #tpu.memory_space<hbm>> -> memref<10000x128xf32, #tpu.memory_space<hbm>>
        %dma_wait3A_126 = arith.constant 0 : i32
        %dma_wait3A_127 = arith.constant 0 : i32
        %dma_wait3A_128 = tpu.memref_slice %dma_wait3A_125[%dma_wait3A_126, %dma_wait3A_127] : memref<10000x128xf32, #tpu.memory_space<hbm>> -> memref<10000x128xf32, #tpu.memory_space<hbm>>
        tpu.wait_indirect_dma semaphore(%arg20 : memref<!tpu.dma_semaphore, #tpu.memory_space<semaphore_mem>>) src(%dma_wait3A_128 : memref<10000x128xf32, #tpu.memory_space<hbm>>) dst(%arg14 : memref<64x128xf32, #tpu.memory_space<vmem>>)
        %gt3A_129 = arith.constant 0 : i32
        %gt3A_130 = arith.cmpi sgt, %scan3A_67, %gt3A_129 : i32
        %convert_element_type3A_131 = arith.extui %gt3A_130 : i1 to i32
        %cond3A_132 = arith.constant 0 : i32
        %cond3A_133 = arith.cmpi ne, %convert_element_type3A_131, %cond3A_132 : i32
        scf.if %cond3A_133 {
          %dma_wait3A_893 = arith.constant 0 : i32
          %dma_wait3A_894 = arith.constant 0 : i32
          %dma_wait3A_895 = tpu.memref_slice %arg13[%dma_wait3A_893, %dma_wait3A_894] : memref<16x64xi32, #tpu.memory_space<vmem>> -> memref<1x64xi32, #tpu.memory_space<vmem>>
          %dma_wait3A_896 = tpu.memref_squeeze %dma_wait3A_895 : memref<1x64xi32, #tpu.memory_space<vmem>> -> memref<64xi32, #tpu.memory_space<vmem>>
          %dma_wait3A_897 = arith.constant 0 : i32
          %dma_wait3A_898 = arith.constant 0 : i32
          %dma_wait3A_899 = tpu.memref_slice %arg19[%dma_wait3A_897, %dma_wait3A_898] : memref<10240x128xf32, #tpu.memory_space<vmem_shared>> -> memref<10240x128xf32, #tpu.memory_space<vmem_shared>>
          tpu.wait_indirect_dma semaphore(%arg27 : memref<!tpu.dma_semaphore, #tpu.memory_space<semaphore_mem>>) src(%arg17 : memref<64x128xf32, #tpu.memory_space<vmem>>) dst(%dma_wait3A_899 : memref<10240x128xf32, #tpu.memory_space<vmem_shared>>)
        } else {
        }
        %dma_start3A_134 = arith.constant 3 : i32
        %dma_start3A_135 = arith.constant 0 : i32
        %dma_start3A_136 = tpu.memref_slice %arg12[%dma_start3A_134, %dma_start3A_135] : memref<16x64xi32, #tpu.memory_space<vmem>> -> memref<1x64xi32, #tpu.memory_space<vmem>>
        %dma_start3A_137 = tpu.memref_squeeze %dma_start3A_136 : memref<1x64xi32, #tpu.memory_space<vmem>> -> memref<64xi32, #tpu.memory_space<vmem>>
        %dma_start3A_138 = arith.constant 0 : i32
        %dma_start3A_139 = arith.constant 0 : i32
        %dma_start3A_140 = tpu.memref_slice %arg6[%and3A_11, %dma_start3A_138, %dma_start3A_139] : memref<4x10000x128xf32, #tpu.memory_space<hbm>> -> memref<1x10000x128xf32, #tpu.memory_space<hbm>>
        %dma_start3A_141 = tpu.memref_squeeze %dma_start3A_140 : memref<1x10000x128xf32, #tpu.memory_space<hbm>> -> memref<10000x128xf32, #tpu.memory_space<hbm>>
        %dma_start3A_142 = arith.constant 0 : i32
        %dma_start3A_143 = arith.constant 0 : i32
        %dma_start3A_144 = tpu.memref_slice %dma_start3A_141[%dma_start3A_142, %dma_start3A_143] : memref<10000x128xf32, #tpu.memory_space<hbm>> -> memref<10000x128xf32, #tpu.memory_space<hbm>>
        tpu.enqueue_indirect_dma source(%dma_start3A_144 : memref<10000x128xf32, #tpu.memory_space<hbm>>) target(%arg17 : memref<64x128xf32, #tpu.memory_space<vmem>>) offsets(%dma_start3A_137 : memref<64xi32, #tpu.memory_space<vmem>>) semaphore(%arg23 : memref<!tpu.dma_semaphore, #tpu.memory_space<semaphore_mem>>)
        %dma_start3A_145 = arith.constant 0 : i32
        %dma_start3A_146 = arith.constant 0 : i32
        %dma_start3A_147 = tpu.memref_slice %arg13[%dma_start3A_145, %dma_start3A_146] : memref<16x64xi32, #tpu.memory_space<vmem>> -> memref<1x64xi32, #tpu.memory_space<vmem>>
        %dma_start3A_148 = tpu.memref_squeeze %dma_start3A_147 : memref<1x64xi32, #tpu.memory_space<vmem>> -> memref<64xi32, #tpu.memory_space<vmem>>
        %dma_start3A_149 = arith.constant 0 : i32
        %dma_start3A_150 = arith.constant 0 : i32
        %dma_start3A_151 = tpu.memref_slice %arg19[%dma_start3A_149, %dma_start3A_150] : memref<10240x128xf32, #tpu.memory_space<vmem_shared>> -> memref<10240x128xf32, #tpu.memory_space<vmem_shared>>
        tpu.enqueue_indirect_dma source(%arg14 : memref<64x128xf32, #tpu.memory_space<vmem>>) target(%dma_start3A_151 : memref<10240x128xf32, #tpu.memory_space<vmem_shared>>) offsets(%dma_start3A_148 : memref<64xi32, #tpu.memory_space<vmem>>) semaphore(%arg24 : memref<!tpu.dma_semaphore, #tpu.memory_space<semaphore_mem>>) {add = true}
        %get3A = arith.constant 0 : i32
        %get3A_152 = arith.index_cast %get3A : i32 to index
        %get3A_153 = arith.constant 0 : index
        %get3A_154 = tpu.vector_load %arg13[%get3A_152, %get3A_153] {strides = array<i32>} : memref<16x64xi32, #tpu.memory_space<vmem>>, vector<16xi32>,
        tpu.vector_store_idx %arg18[%get3A_154], %broadcast_in_dim3A_33 {add = true} : memref<10240xf32, #tpu.memory_space<vmem>>[vector<16xi32>], vector<16xf32>,
        %get3A_155 = arith.constant 0 : i32
        %get3A_156 = arith.index_cast %get3A_155 : i32 to index
        %get3A_157 = arith.constant 16 : index
        %get3A_158 = tpu.vector_load %arg13[%get3A_156, %get3A_157] {strides = array<i32>} : memref<16x64xi32, #tpu.memory_space<vmem>>, vector<16xi32>,
        tpu.vector_store_idx %arg18[%get3A_158], %broadcast_in_dim3A_33 {add = true} : memref<10240xf32, #tpu.memory_space<vmem>>[vector<16xi32>], vector<16xf32>,
        %get3A_159 = arith.constant 0 : i32
        %get3A_160 = arith.index_cast %get3A_159 : i32 to index
        %get3A_161 = arith.constant 32 : index
        %get3A_162 = tpu.vector_load %arg13[%get3A_160, %get3A_161] {strides = array<i32>} : memref<16x64xi32, #tpu.memory_space<vmem>>, vector<16xi32>,
        tpu.vector_store_idx %arg18[%get3A_162], %broadcast_in_dim3A_33 {add = true} : memref<10240xf32, #tpu.memory_space<vmem>>[vector<16xi32>], vector<16xf32>,
        %get3A_163 = arith.constant 0 : i32
        %get3A_164 = arith.index_cast %get3A_163 : i32 to index
        %get3A_165 = arith.constant 48 : index
        %get3A_166 = tpu.vector_load %arg13[%get3A_164, %get3A_165] {strides = array<i32>} : memref<16x64xi32, #tpu.memory_space<vmem>>, vector<16xi32>,
        tpu.vector_store_idx %arg18[%get3A_166], %broadcast_in_dim3A_33 {add = true} : memref<10240xf32, #tpu.memory_space<vmem>>[vector<16xi32>], vector<16xf32>,
        %dma_wait3A_167 = arith.constant 1 : i32
        %dma_wait3A_168 = arith.constant 0 : i32
        %dma_wait3A_169 = tpu.memref_slice %arg12[%dma_wait3A_167, %dma_wait3A_168] : memref<16x64xi32, #tpu.memory_space<vmem>> -> memref<1x64xi32, #tpu.memory_space<vmem>>
        %dma_wait3A_170 = tpu.memref_squeeze %dma_wait3A_169 : memref<1x64xi32, #tpu.memory_space<vmem>> -> memref<64xi32, #tpu.memory_space<vmem>>
        %dma_wait3A_171 = arith.constant 0 : i32
        %dma_wait3A_172 = arith.constant 0 : i32
        %dma_wait3A_173 = tpu.memref_slice %arg6[%and3A_11, %dma_wait3A_171, %dma_wait3A_172] : memref<4x10000x128xf32, #tpu.memory_space<hbm>> -> memref<1x10000x128xf32, #tpu.memory_space<hbm>>
        %dma_wait3A_174 = tpu.memref_squeeze %dma_wait3A_173 : memref<1x10000x128xf32, #tpu.memory_space<hbm>> -> memref<10000x128xf32, #tpu.memory_space<hbm>>
        %dma_wait3A_175 = arith.constant 0 : i32
        %dma_wait3A_176 = arith.constant 0 : i32
        %dma_wait3A_177 = tpu.memref_slice %dma_wait3A_174[%dma_wait3A_175, %dma_wait3A_176] : memref<10000x128xf32, #tpu.memory_space<hbm>> -> memref<10000x128xf32, #tpu.memory_space<hbm>>
        tpu.wait_indirect_dma semaphore(%arg21 : memref<!tpu.dma_semaphore, #tpu.memory_space<semaphore_mem>>) src(%dma_wait3A_177 : memref<10000x128xf32, #tpu.memory_space<hbm>>) dst(%arg15 : memref<64x128xf32, #tpu.memory_space<vmem>>)
        %dma_wait3A_178 = arith.constant 0 : i32
        %dma_wait3A_179 = arith.constant 0 : i32
        %dma_wait3A_180 = tpu.memref_slice %arg13[%dma_wait3A_178, %dma_wait3A_179] : memref<16x64xi32, #tpu.memory_space<vmem>> -> memref<1x64xi32, #tpu.memory_space<vmem>>
        %dma_wait3A_181 = tpu.memref_squeeze %dma_wait3A_180 : memref<1x64xi32, #tpu.memory_space<vmem>> -> memref<64xi32, #tpu.memory_space<vmem>>
        %dma_wait3A_182 = arith.constant 0 : i32
        %dma_wait3A_183 = arith.constant 0 : i32
        %dma_wait3A_184 = tpu.memref_slice %arg19[%dma_wait3A_182, %dma_wait3A_183] : memref<10240x128xf32, #tpu.memory_space<vmem_shared>> -> memref<10240x128xf32, #tpu.memory_space<vmem_shared>>
        tpu.wait_indirect_dma semaphore(%arg24 : memref<!tpu.dma_semaphore, #tpu.memory_space<semaphore_mem>>) src(%arg14 : memref<64x128xf32, #tpu.memory_space<vmem>>) dst(%dma_wait3A_184 : memref<10240x128xf32, #tpu.memory_space<vmem_shared>>)
        %dma_start3A_185 = arith.constant 4 : i32
        %dma_start3A_186 = arith.constant 0 : i32
        %dma_start3A_187 = tpu.memref_slice %arg12[%dma_start3A_185, %dma_start3A_186] : memref<16x64xi32, #tpu.memory_space<vmem>> -> memref<1x64xi32, #tpu.memory_space<vmem>>
        %dma_start3A_188 = tpu.memref_squeeze %dma_start3A_187 : memref<1x64xi32, #tpu.memory_space<vmem>> -> memref<64xi32, #tpu.memory_space<vmem>>
        %dma_start3A_189 = arith.constant 0 : i32
        %dma_start3A_190 = arith.constant 0 : i32
        %dma_start3A_191 = tpu.memref_slice %arg6[%and3A_11, %dma_start3A_189, %dma_start3A_190] : memref<4x10000x128xf32, #tpu.memory_space<hbm>> -> memref<1x10000x128xf32, #tpu.memory_space<hbm>>
        %dma_start3A_192 = tpu.memref_squeeze %dma_start3A_191 : memref<1x10000x128xf32, #tpu.memory_space<hbm>> -> memref<10000x128xf32, #tpu.memory_space<hbm>>
        %dma_start3A_193 = arith.constant 0 : i32
        %dma_start3A_194 = arith.constant 0 : i32
        %dma_start3A_195 = tpu.memref_slice %dma_start3A_192[%dma_start3A_193, %dma_start3A_194] : memref<10000x128xf32, #tpu.memory_space<hbm>> -> memref<10000x128xf32, #tpu.memory_space<hbm>>
        tpu.enqueue_indirect_dma source(%dma_start3A_195 : memref<10000x128xf32, #tpu.memory_space<hbm>>) target(%arg14 : memref<64x128xf32, #tpu.memory_space<vmem>>) offsets(%dma_start3A_188 : memref<64xi32, #tpu.memory_space<vmem>>) semaphore(%arg20 : memref<!tpu.dma_semaphore, #tpu.memory_space<semaphore_mem>>)
        %dma_start3A_196 = arith.constant 1 : i32
        %dma_start3A_197 = arith.constant 0 : i32
        %dma_start3A_198 = tpu.memref_slice %arg13[%dma_start3A_196, %dma_start3A_197] : memref<16x64xi32, #tpu.memory_space<vmem>> -> memref<1x64xi32, #tpu.memory_space<vmem>>
        %dma_start3A_199 = tpu.memref_squeeze %dma_start3A_198 : memref<1x64xi32, #tpu.memory_space<vmem>> -> memref<64xi32, #tpu.memory_space<vmem>>
        %dma_start3A_200 = arith.constant 0 : i32
        %dma_start3A_201 = arith.constant 0 : i32
        %dma_start3A_202 = tpu.memref_slice %arg19[%dma_start3A_200, %dma_start3A_201] : memref<10240x128xf32, #tpu.memory_space<vmem_shared>> -> memref<10240x128xf32, #tpu.memory_space<vmem_shared>>
        tpu.enqueue_indirect_dma source(%arg15 : memref<64x128xf32, #tpu.memory_space<vmem>>) target(%dma_start3A_202 : memref<10240x128xf32, #tpu.memory_space<vmem_shared>>) offsets(%dma_start3A_199 : memref<64xi32, #tpu.memory_space<vmem>>) semaphore(%arg25 : memref<!tpu.dma_semaphore, #tpu.memory_space<semaphore_mem>>) {add = true}
        %get3A_203 = arith.constant 1 : i32
        %get3A_204 = arith.index_cast %get3A_203 : i32 to index
        %get3A_205 = arith.constant 0 : index
        %get3A_206 = tpu.vector_load %arg13[%get3A_204, %get3A_205] {strides = array<i32>} : memref<16x64xi32, #tpu.memory_space<vmem>>, vector<16xi32>,
        tpu.vector_store_idx %arg18[%get3A_206], %broadcast_in_dim3A_33 {add = true} : memref<10240xf32, #tpu.memory_space<vmem>>[vector<16xi32>], vector<16xf32>,
        %get3A_207 = arith.constant 1 : i32
        %get3A_208 = arith.index_cast %get3A_207 : i32 to index
        %get3A_209 = arith.constant 16 : index
        %get3A_210 = tpu.vector_load %arg13[%get3A_208, %get3A_209] {strides = array<i32>} : memref<16x64xi32, #tpu.memory_space<vmem>>, vector<16xi32>,
        tpu.vector_store_idx %arg18[%get3A_210], %broadcast_in_dim3A_33 {add = true} : memref<10240xf32, #tpu.memory_space<vmem>>[vector<16xi32>], vector<16xf32>,
        %get3A_211 = arith.constant 1 : i32
        %get3A_212 = arith.index_cast %get3A_211 : i32 to index
        %get3A_213 = arith.constant 32 : index
        %get3A_214 = tpu.vector_load %arg13[%get3A_212, %get3A_213] {strides = array<i32>} : memref<16x64xi32, #tpu.memory_space<vmem>>, vector<16xi32>,
        tpu.vector_store_idx %arg18[%get3A_214], %broadcast_in_dim3A_33 {add = true} : memref<10240xf32, #tpu.memory_space<vmem>>[vector<16xi32>], vector<16xf32>,
        %get3A_215 = arith.constant 1 : i32
        %get3A_216 = arith.index_cast %get3A_215 : i32 to index
        %get3A_217 = arith.constant 48 : index
        %get3A_218 = tpu.vector_load %arg13[%get3A_216, %get3A_217] {strides = array<i32>} : memref<16x64xi32, #tpu.memory_space<vmem>>, vector<16xi32>,
        tpu.vector_store_idx %arg18[%get3A_218], %broadcast_in_dim3A_33 {add = true} : memref<10240xf32, #tpu.memory_space<vmem>>[vector<16xi32>], vector<16xf32>,
        %dma_wait3A_219 = arith.constant 2 : i32
        %dma_wait3A_220 = arith.constant 0 : i32
        %dma_wait3A_221 = tpu.memref_slice %arg12[%dma_wait3A_219, %dma_wait3A_220] : memref<16x64xi32, #tpu.memory_space<vmem>> -> memref<1x64xi32, #tpu.memory_space<vmem>>
        %dma_wait3A_222 = tpu.memref_squeeze %dma_wait3A_221 : memref<1x64xi32, #tpu.memory_space<vmem>> -> memref<64xi32, #tpu.memory_space<vmem>>
        %dma_wait3A_223 = arith.constant 0 : i32
        %dma_wait3A_224 = arith.constant 0 : i32
        %dma_wait3A_225 = tpu.memref_slice %arg6[%and3A_11, %dma_wait3A_223, %dma_wait3A_224] : memref<4x10000x128xf32, #tpu.memory_space<hbm>> -> memref<1x10000x128xf32, #tpu.memory_space<hbm>>
        %dma_wait3A_226 = tpu.memref_squeeze %dma_wait3A_225 : memref<1x10000x128xf32, #tpu.memory_space<hbm>> -> memref<10000x128xf32, #tpu.memory_space<hbm>>
        %dma_wait3A_227 = arith.constant 0 : i32
        %dma_wait3A_228 = arith.constant 0 : i32
        %dma_wait3A_229 = tpu.memref_slice %dma_wait3A_226[%dma_wait3A_227, %dma_wait3A_228] : memref<10000x128xf32, #tpu.memory_space<hbm>> -> memref<10000x128xf32, #tpu.memory_space<hbm>>
        tpu.wait_indirect_dma semaphore(%arg22 : memref<!tpu.dma_semaphore, #tpu.memory_space<semaphore_mem>>) src(%dma_wait3A_229 : memref<10000x128xf32, #tpu.memory_space<hbm>>) dst(%arg16 : memref<64x128xf32, #tpu.memory_space<vmem>>)
        %dma_wait3A_230 = arith.constant 1 : i32
        %dma_wait3A_231 = arith.constant 0 : i32
        %dma_wait3A_232 = tpu.memref_slice %arg13[%dma_wait3A_230, %dma_wait3A_231] : memref<16x64xi32, #tpu.memory_space<vmem>> -> memref<1x64xi32, #tpu.memory_space<vmem>>
        %dma_wait3A_233 = tpu.memref_squeeze %dma_wait3A_232 : memref<1x64xi32, #tpu.memory_space<vmem>> -> memref<64xi32, #tpu.memory_space<vmem>>
        %dma_wait3A_234 = arith.constant 0 : i32
        %dma_wait3A_235 = arith.constant 0 : i32
        %dma_wait3A_236 = tpu.memref_slice %arg19[%dma_wait3A_234, %dma_wait3A_235] : memref<10240x128xf32, #tpu.memory_space<vmem_shared>> -> memref<10240x128xf32, #tpu.memory_space<vmem_shared>>
        tpu.wait_indirect_dma semaphore(%arg25 : memref<!tpu.dma_semaphore, #tpu.memory_space<semaphore_mem>>) src(%arg15 : memref<64x128xf32, #tpu.memory_space<vmem>>) dst(%dma_wait3A_236 : memref<10240x128xf32, #tpu.memory_space<vmem_shared>>)
        %dma_start3A_237 = arith.constant 5 : i32
        %dma_start3A_238 = arith.constant 0 : i32
        %dma_start3A_239 = tpu.memref_slice %arg12[%dma_start3A_237, %dma_start3A_238] : memref<16x64xi32, #tpu.memory_space<vmem>> -> memref<1x64xi32, #tpu.memory_space<vmem>>
        %dma_start3A_240 = tpu.memref_squeeze %dma_start3A_239 : memref<1x64xi32, #tpu.memory_space<vmem>> -> memref<64xi32, #tpu.memory_space<vmem>>
        %dma_start3A_241 = arith.constant 0 : i32
        %dma_start3A_242 = arith.constant 0 : i32
        %dma_start3A_243 = tpu.memref_slice %arg6[%and3A_11, %dma_start3A_241, %dma_start3A_242] : memref<4x10000x128xf32, #tpu.memory_space<hbm>> -> memref<1x10000x128xf32, #tpu.memory_space<hbm>>
        %dma_start3A_244 = tpu.memref_squeeze %dma_start3A_243 : memref<1x10000x128xf32, #tpu.memory_space<hbm>> -> memref<10000x128xf32, #tpu.memory_space<hbm>>
        %dma_start3A_245 = arith.constant 0 : i32
        %dma_start3A_246 = arith.constant 0 : i32
        %dma_start3A_247 = tpu.memref_slice %dma_start3A_244[%dma_start3A_245, %dma_start3A_246] : memref<10000x128xf32, #tpu.memory_space<hbm>> -> memref<10000x128xf32, #tpu.memory_space<hbm>>
        tpu.enqueue_indirect_dma source(%dma_start3A_247 : memref<10000x128xf32, #tpu.memory_space<hbm>>) target(%arg15 : memref<64x128xf32, #tpu.memory_space<vmem>>) offsets(%dma_start3A_240 : memref<64xi32, #tpu.memory_space<vmem>>) semaphore(%arg21 : memref<!tpu.dma_semaphore, #tpu.memory_space<semaphore_mem>>)
        %dma_start3A_248 = arith.constant 2 : i32
        %dma_start3A_249 = arith.constant 0 : i32
        %dma_start3A_250 = tpu.memref_slice %arg13[%dma_start3A_248, %dma_start3A_249] : memref<16x64xi32, #tpu.memory_space<vmem>> -> memref<1x64xi32, #tpu.memory_space<vmem>>
        %dma_start3A_251 = tpu.memref_squeeze %dma_start3A_250 : memref<1x64xi32, #tpu.memory_space<vmem>> -> memref<64xi32, #tpu.memory_space<vmem>>
        %dma_start3A_252 = arith.constant 0 : i32
        %dma_start3A_253 = arith.constant 0 : i32
        %dma_start3A_254 = tpu.memref_slice %arg19[%dma_start3A_252, %dma_start3A_253] : memref<10240x128xf32, #tpu.memory_space<vmem_shared>> -> memref<10240x128xf32, #tpu.memory_space<vmem_shared>>
        tpu.enqueue_indirect_dma source(%arg16 : memref<64x128xf32, #tpu.memory_space<vmem>>) target(%dma_start3A_254 : memref<10240x128xf32, #tpu.memory_space<vmem_shared>>) offsets(%dma_start3A_251 : memref<64xi32, #tpu.memory_space<vmem>>) semaphore(%arg26 : memref<!tpu.dma_semaphore, #tpu.memory_space<semaphore_mem>>) {add = true}
        %get3A_255 = arith.constant 2 : i32
        %get3A_256 = arith.index_cast %get3A_255 : i32 to index
        %get3A_257 = arith.constant 0 : index
        %get3A_258 = tpu.vector_load %arg13[%get3A_256, %get3A_257] {strides = array<i32>} : memref<16x64xi32, #tpu.memory_space<vmem>>, vector<16xi32>,
        tpu.vector_store_idx %arg18[%get3A_258], %broadcast_in_dim3A_33 {add = true} : memref<10240xf32, #tpu.memory_space<vmem>>[vector<16xi32>], vector<16xf32>,
        %get3A_259 = arith.constant 2 : i32
        %get3A_260 = arith.index_cast %get3A_259 : i32 to index
        %get3A_261 = arith.constant 16 : index
        %get3A_262 = tpu.vector_load %arg13[%get3A_260, %get3A_261] {strides = array<i32>} : memref<16x64xi32, #tpu.memory_space<vmem>>, vector<16xi32>,
        tpu.vector_store_idx %arg18[%get3A_262], %broadcast_in_dim3A_33 {add = true} : memref<10240xf32, #tpu.memory_space<vmem>>[vector<16xi32>], vector<16xf32>,
        %get3A_263 = arith.constant 2 : i32
        %get3A_264 = arith.index_cast %get3A_263 : i32 to index
        %get3A_265 = arith.constant 32 : index
        %get3A_266 = tpu.vector_load %arg13[%get3A_264, %get3A_265] {strides = array<i32>} : memref<16x64xi32, #tpu.memory_space<vmem>>, vector<16xi32>,
        tpu.vector_store_idx %arg18[%get3A_266], %broadcast_in_dim3A_33 {add = true} : memref<10240xf32, #tpu.memory_space<vmem>>[vector<16xi32>], vector<16xf32>,
        %get3A_267 = arith.constant 2 : i32
        %get3A_268 = arith.index_cast %get3A_267 : i32 to index
        %get3A_269 = arith.constant 48 : index
        %get3A_270 = tpu.vector_load %arg13[%get3A_268, %get3A_269] {strides = array<i32>} : memref<16x64xi32, #tpu.memory_space<vmem>>, vector<16xi32>,
        tpu.vector_store_idx %arg18[%get3A_270], %broadcast_in_dim3A_33 {add = true} : memref<10240xf32, #tpu.memory_space<vmem>>[vector<16xi32>], vector<16xf32>,
        %dma_wait3A_271 = arith.constant 3 : i32
        %dma_wait3A_272 = arith.constant 0 : i32
        %dma_wait3A_273 = tpu.memref_slice %arg12[%dma_wait3A_271, %dma_wait3A_272] : memref<16x64xi32, #tpu.memory_space<vmem>> -> memref<1x64xi32, #tpu.memory_space<vmem>>
        %dma_wait3A_274 = tpu.memref_squeeze %dma_wait3A_273 : memref<1x64xi32, #tpu.memory_space<vmem>> -> memref<64xi32, #tpu.memory_space<vmem>>
        %dma_wait3A_275 = arith.constant 0 : i32
        %dma_wait3A_276 = arith.constant 0 : i32
        %dma_wait3A_277 = tpu.memref_slice %arg6[%and3A_11, %dma_wait3A_275, %dma_wait3A_276] : memref<4x10000x128xf32, #tpu.memory_space<hbm>> -> memref<1x10000x128xf32, #tpu.memory_space<hbm>>
        %dma_wait3A_278 = tpu.memref_squeeze %dma_wait3A_277 : memref<1x10000x128xf32, #tpu.memory_space<hbm>> -> memref<10000x128xf32, #tpu.memory_space<hbm>>
        %dma_wait3A_279 = arith.constant 0 : i32
        %dma_wait3A_280 = arith.constant 0 : i32
        %dma_wait3A_281 = tpu.memref_slice %dma_wait3A_278[%dma_wait3A_279, %dma_wait3A_280] : memref<10000x128xf32, #tpu.memory_space<hbm>> -> memref<10000x128xf32, #tpu.memory_space<hbm>>
        tpu.wait_indirect_dma semaphore(%arg23 : memref<!tpu.dma_semaphore, #tpu.memory_space<semaphore_mem>>) src(%dma_wait3A_281 : memref<10000x128xf32, #tpu.memory_space<hbm>>) dst(%arg17 : memref<64x128xf32, #tpu.memory_space<vmem>>)
        %dma_wait3A_282 = arith.constant 2 : i32
        %dma_wait3A_283 = arith.constant 0 : i32
        %dma_wait3A_284 = tpu.memref_slice %arg13[%dma_wait3A_282, %dma_wait3A_283] : memref<16x64xi32, #tpu.memory_space<vmem>> -> memref<1x64xi32, #tpu.memory_space<vmem>>
        %dma_wait3A_285 = tpu.memref_squeeze %dma_wait3A_284 : memref<1x64xi32, #tpu.memory_space<vmem>> -> memref<64xi32, #tpu.memory_space<vmem>>
        %dma_wait3A_286 = arith.constant 0 : i32
        %dma_wait3A_287 = arith.constant 0 : i32
        %dma_wait3A_288 = tpu.memref_slice %arg19[%dma_wait3A_286, %dma_wait3A_287] : memref<10240x128xf32, #tpu.memory_space<vmem_shared>> -> memref<10240x128xf32, #tpu.memory_space<vmem_shared>>
        tpu.wait_indirect_dma semaphore(%arg26 : memref<!tpu.dma_semaphore, #tpu.memory_space<semaphore_mem>>) src(%arg16 : memref<64x128xf32, #tpu.memory_space<vmem>>) dst(%dma_wait3A_288 : memref<10240x128xf32, #tpu.memory_space<vmem_shared>>)
        %dma_start3A_289 = arith.constant 6 : i32
        %dma_start3A_290 = arith.constant 0 : i32
        %dma_start3A_291 = tpu.memref_slice %arg12[%dma_start3A_289, %dma_start3A_290] : memref<16x64xi32, #tpu.memory_space<vmem>> -> memref<1x64xi32, #tpu.memory_space<vmem>>
        %dma_start3A_292 = tpu.memref_squeeze %dma_start3A_291 : memref<1x64xi32, #tpu.memory_space<vmem>> -> memref<64xi32, #tpu.memory_space<vmem>>
        %dma_start3A_293 = arith.constant 0 : i32
        %dma_start3A_294 = arith.constant 0 : i32
        %dma_start3A_295 = tpu.memref_slice %arg6[%and3A_11, %dma_start3A_293, %dma_start3A_294] : memref<4x10000x128xf32, #tpu.memory_space<hbm>> -> memref<1x10000x128xf32, #tpu.memory_space<hbm>>
        %dma_start3A_296 = tpu.memref_squeeze %dma_start3A_295 : memref<1x10000x128xf32, #tpu.memory_space<hbm>> -> memref<10000x128xf32, #tpu.memory_space<hbm>>
        %dma_start3A_297 = arith.constant 0 : i32
        %dma_start3A_298 = arith.constant 0 : i32
        %dma_start3A_299 = tpu.memref_slice %dma_start3A_296[%dma_start3A_297, %dma_start3A_298] : memref<10000x128xf32, #tpu.memory_space<hbm>> -> memref<10000x128xf32, #tpu.memory_space<hbm>>
        tpu.enqueue_indirect_dma source(%dma_start3A_299 : memref<10000x128xf32, #tpu.memory_space<hbm>>) target(%arg16 : memref<64x128xf32, #tpu.memory_space<vmem>>) offsets(%dma_start3A_292 : memref<64xi32, #tpu.memory_space<vmem>>) semaphore(%arg22 : memref<!tpu.dma_semaphore, #tpu.memory_space<semaphore_mem>>)
        %dma_start3A_300 = arith.constant 3 : i32
        %dma_start3A_301 = arith.constant 0 : i32
        %dma_start3A_302 = tpu.memref_slice %arg13[%dma_start3A_300, %dma_start3A_301] : memref<16x64xi32, #tpu.memory_space<vmem>> -> memref<1x64xi32, #tpu.memory_space<vmem>>
        %dma_start3A_303 = tpu.memref_squeeze %dma_start3A_302 : memref<1x64xi32, #tpu.memory_space<vmem>> -> memref<64xi32, #tpu.memory_space<vmem>>
        %dma_start3A_304 = arith.constant 0 : i32
        %dma_start3A_305 = arith.constant 0 : i32
        %dma_start3A_306 = tpu.memref_slice %arg19[%dma_start3A_304, %dma_start3A_305] : memref<10240x128xf32, #tpu.memory_space<vmem_shared>> -> memref<10240x128xf32, #tpu.memory_space<vmem_shared>>
        tpu.enqueue_indirect_dma source(%arg17 : memref<64x128xf32, #tpu.memory_space<vmem>>) target(%dma_start3A_306 : memref<10240x128xf32, #tpu.memory_space<vmem_shared>>) offsets(%dma_start3A_303 : memref<64xi32, #tpu.memory_space<vmem>>) semaphore(%arg27 : memref<!tpu.dma_semaphore, #tpu.memory_space<semaphore_mem>>) {add = true}
        %get3A_307 = arith.constant 3 : i32
        %get3A_308 = arith.index_cast %get3A_307 : i32 to index
        %get3A_309 = arith.constant 0 : index
        %get3A_310 = tpu.vector_load %arg13[%get3A_308, %get3A_309] {strides = array<i32>} : memref<16x64xi32, #tpu.memory_space<vmem>>, vector<16xi32>,
        tpu.vector_store_idx %arg18[%get3A_310], %broadcast_in_dim3A_33 {add = true} : memref<10240xf32, #tpu.memory_space<vmem>>[vector<16xi32>], vector<16xf32>,
        %get3A_311 = arith.constant 3 : i32
        %get3A_312 = arith.index_cast %get3A_311 : i32 to index
        %get3A_313 = arith.constant 16 : index
        %get3A_314 = tpu.vector_load %arg13[%get3A_312, %get3A_313] {strides = array<i32>} : memref<16x64xi32, #tpu.memory_space<vmem>>, vector<16xi32>,
        tpu.vector_store_idx %arg18[%get3A_314], %broadcast_in_dim3A_33 {add = true} : memref<10240xf32, #tpu.memory_space<vmem>>[vector<16xi32>], vector<16xf32>,
        %get3A_315 = arith.constant 3 : i32
        %get3A_316 = arith.index_cast %get3A_315 : i32 to index
        %get3A_317 = arith.constant 32 : index
        %get3A_318 = tpu.vector_load %arg13[%get3A_316, %get3A_317] {strides = array<i32>} : memref<16x64xi32, #tpu.memory_space<vmem>>, vector<16xi32>,
        tpu.vector_store_idx %arg18[%get3A_318], %broadcast_in_dim3A_33 {add = true} : memref<10240xf32, #tpu.memory_space<vmem>>[vector<16xi32>], vector<16xf32>,
        %get3A_319 = arith.constant 3 : i32
        %get3A_320 = arith.index_cast %get3A_319 : i32 to index
        %get3A_321 = arith.constant 48 : index
        %get3A_322 = tpu.vector_load %arg13[%get3A_320, %get3A_321] {strides = array<i32>} : memref<16x64xi32, #tpu.memory_space<vmem>>, vector<16xi32>,
        tpu.vector_store_idx %arg18[%get3A_322], %broadcast_in_dim3A_33 {add = true} : memref<10240xf32, #tpu.memory_space<vmem>>[vector<16xi32>], vector<16xf32>,
        %dma_wait3A_323 = arith.constant 4 : i32
        %dma_wait3A_324 = arith.constant 0 : i32
        %dma_wait3A_325 = tpu.memref_slice %arg12[%dma_wait3A_323, %dma_wait3A_324] : memref<16x64xi32, #tpu.memory_space<vmem>> -> memref<1x64xi32, #tpu.memory_space<vmem>>
        %dma_wait3A_326 = tpu.memref_squeeze %dma_wait3A_325 : memref<1x64xi32, #tpu.memory_space<vmem>> -> memref<64xi32, #tpu.memory_space<vmem>>
        %dma_wait3A_327 = arith.constant 0 : i32
        %dma_wait3A_328 = arith.constant 0 : i32
        %dma_wait3A_329 = tpu.memref_slice %arg6[%and3A_11, %dma_wait3A_327, %dma_wait3A_328] : memref<4x10000x128xf32, #tpu.memory_space<hbm>> -> memref<1x10000x128xf32, #tpu.memory_space<hbm>>
        %dma_wait3A_330 = tpu.memref_squeeze %dma_wait3A_329 : memref<1x10000x128xf32, #tpu.memory_space<hbm>> -> memref<10000x128xf32, #tpu.memory_space<hbm>>
        %dma_wait3A_331 = arith.constant 0 : i32
        %dma_wait3A_332 = arith.constant 0 : i32
        %dma_wait3A_333 = tpu.memref_slice %dma_wait3A_330[%dma_wait3A_331, %dma_wait3A_332] : memref<10000x128xf32, #tpu.memory_space<hbm>> -> memref<10000x128xf32, #tpu.memory_space<hbm>>
        tpu.wait_indirect_dma semaphore(%arg20 : memref<!tpu.dma_semaphore, #tpu.memory_space<semaphore_mem>>) src(%dma_wait3A_333 : memref<10000x128xf32, #tpu.memory_space<hbm>>) dst(%arg14 : memref<64x128xf32, #tpu.memory_space<vmem>>)
        %dma_wait3A_334 = arith.constant 3 : i32
        %dma_wait3A_335 = arith.constant 0 : i32
        %dma_wait3A_336 = tpu.memref_slice %arg13[%dma_wait3A_334, %dma_wait3A_335] : memref<16x64xi32, #tpu.memory_space<vmem>> -> memref<1x64xi32, #tpu.memory_space<vmem>>
        %dma_wait3A_337 = tpu.memref_squeeze %dma_wait3A_336 : memref<1x64xi32, #tpu.memory_space<vmem>> -> memref<64xi32, #tpu.memory_space<vmem>>
        %dma_wait3A_338 = arith.constant 0 : i32
        %dma_wait3A_339 = arith.constant 0 : i32
        %dma_wait3A_340 = tpu.memref_slice %arg19[%dma_wait3A_338, %dma_wait3A_339] : memref<10240x128xf32, #tpu.memory_space<vmem_shared>> -> memref<10240x128xf32, #tpu.memory_space<vmem_shared>>
        tpu.wait_indirect_dma semaphore(%arg27 : memref<!tpu.dma_semaphore, #tpu.memory_space<semaphore_mem>>) src(%arg17 : memref<64x128xf32, #tpu.memory_space<vmem>>) dst(%dma_wait3A_340 : memref<10240x128xf32, #tpu.memory_space<vmem_shared>>)
        %dma_start3A_341 = arith.constant 7 : i32
        %dma_start3A_342 = arith.constant 0 : i32
        %dma_start3A_343 = tpu.memref_slice %arg12[%dma_start3A_341, %dma_start3A_342] : memref<16x64xi32, #tpu.memory_space<vmem>> -> memref<1x64xi32, #tpu.memory_space<vmem>>
        %dma_start3A_344 = tpu.memref_squeeze %dma_start3A_343 : memref<1x64xi32, #tpu.memory_space<vmem>> -> memref<64xi32, #tpu.memory_space<vmem>>
        %dma_start3A_345 = arith.constant 0 : i32
        %dma_start3A_346 = arith.constant 0 : i32
        %dma_start3A_347 = tpu.memref_slice %arg6[%and3A_11, %dma_start3A_345, %dma_start3A_346] : memref<4x10000x128xf32, #tpu.memory_space<hbm>> -> memref<1x10000x128xf32, #tpu.memory_space<hbm>>
        %dma_start3A_348 = tpu.memref_squeeze %dma_start3A_347 : memref<1x10000x128xf32, #tpu.memory_space<hbm>> -> memref<10000x128xf32, #tpu.memory_space<hbm>>
        %dma_start3A_349 = arith.constant 0 : i32
        %dma_start3A_350 = arith.constant 0 : i32
        %dma_start3A_351 = tpu.memref_slice %dma_start3A_348[%dma_start3A_349, %dma_start3A_350] : memref<10000x128xf32, #tpu.memory_space<hbm>> -> memref<10000x128xf32, #tpu.memory_space<hbm>>
        tpu.enqueue_indirect_dma source(%dma_start3A_351 : memref<10000x128xf32, #tpu.memory_space<hbm>>) target(%arg17 : memref<64x128xf32, #tpu.memory_space<vmem>>) offsets(%dma_start3A_344 : memref<64xi32, #tpu.memory_space<vmem>>) semaphore(%arg23 : memref<!tpu.dma_semaphore, #tpu.memory_space<semaphore_mem>>)
        %dma_start3A_352 = arith.constant 4 : i32
        %dma_start3A_353 = arith.constant 0 : i32
        %dma_start3A_354 = tpu.memref_slice %arg13[%dma_start3A_352, %dma_start3A_353] : memref<16x64xi32, #tpu.memory_space<vmem>> -> memref<1x64xi32, #tpu.memory_space<vmem>>
        %dma_start3A_355 = tpu.memref_squeeze %dma_start3A_354 : memref<1x64xi32, #tpu.memory_space<vmem>> -> memref<64xi32, #tpu.memory_space<vmem>>
        %dma_start3A_356 = arith.constant 0 : i32
        %dma_start3A_357 = arith.constant 0 : i32
        %dma_start3A_358 = tpu.memref_slice %arg19[%dma_start3A_356, %dma_start3A_357] : memref<10240x128xf32, #tpu.memory_space<vmem_shared>> -> memref<10240x128xf32, #tpu.memory_space<vmem_shared>>
        tpu.enqueue_indirect_dma source(%arg14 : memref<64x128xf32, #tpu.memory_space<vmem>>) target(%dma_start3A_358 : memref<10240x128xf32, #tpu.memory_space<vmem_shared>>) offsets(%dma_start3A_355 : memref<64xi32, #tpu.memory_space<vmem>>) semaphore(%arg24 : memref<!tpu.dma_semaphore, #tpu.memory_space<semaphore_mem>>) {add = true}
        %get3A_359 = arith.constant 4 : i32
        %get3A_360 = arith.index_cast %get3A_359 : i32 to index
        %get3A_361 = arith.constant 0 : index
        %get3A_362 = tpu.vector_load %arg13[%get3A_360, %get3A_361] {strides = array<i32>} : memref<16x64xi32, #tpu.memory_space<vmem>>, vector<16xi32>,
        tpu.vector_store_idx %arg18[%get3A_362], %broadcast_in_dim3A_33 {add = true} : memref<10240xf32, #tpu.memory_space<vmem>>[vector<16xi32>], vector<16xf32>,
        %get3A_363 = arith.constant 4 : i32
        %get3A_364 = arith.index_cast %get3A_363 : i32 to index
        %get3A_365 = arith.constant 16 : index
        %get3A_366 = tpu.vector_load %arg13[%get3A_364, %get3A_365] {strides = array<i32>} : memref<16x64xi32, #tpu.memory_space<vmem>>, vector<16xi32>,
        tpu.vector_store_idx %arg18[%get3A_366], %broadcast_in_dim3A_33 {add = true} : memref<10240xf32, #tpu.memory_space<vmem>>[vector<16xi32>], vector<16xf32>,
        %get3A_367 = arith.constant 4 : i32
        %get3A_368 = arith.index_cast %get3A_367 : i32 to index
        %get3A_369 = arith.constant 32 : index
        %get3A_370 = tpu.vector_load %arg13[%get3A_368, %get3A_369] {strides = array<i32>} : memref<16x64xi32, #tpu.memory_space<vmem>>, vector<16xi32>,
        tpu.vector_store_idx %arg18[%get3A_370], %broadcast_in_dim3A_33 {add = true} : memref<10240xf32, #tpu.memory_space<vmem>>[vector<16xi32>], vector<16xf32>,
        %get3A_371 = arith.constant 4 : i32
        %get3A_372 = arith.index_cast %get3A_371 : i32 to index
        %get3A_373 = arith.constant 48 : index
        %get3A_374 = tpu.vector_load %arg13[%get3A_372, %get3A_373] {strides = array<i32>} : memref<16x64xi32, #tpu.memory_space<vmem>>, vector<16xi32>,
        tpu.vector_store_idx %arg18[%get3A_374], %broadcast_in_dim3A_33 {add = true} : memref<10240xf32, #tpu.memory_space<vmem>>[vector<16xi32>], vector<16xf32>,
        %dma_wait3A_375 = arith.constant 5 : i32
        %dma_wait3A_376 = arith.constant 0 : i32
        %dma_wait3A_377 = tpu.memref_slice %arg12[%dma_wait3A_375, %dma_wait3A_376] : memref<16x64xi32, #tpu.memory_space<vmem>> -> memref<1x64xi32, #tpu.memory_space<vmem>>
        %dma_wait3A_378 = tpu.memref_squeeze %dma_wait3A_377 : memref<1x64xi32, #tpu.memory_space<vmem>> -> memref<64xi32, #tpu.memory_space<vmem>>
        %dma_wait3A_379 = arith.constant 0 : i32
        %dma_wait3A_380 = arith.constant 0 : i32
        %dma_wait3A_381 = tpu.memref_slice %arg6[%and3A_11, %dma_wait3A_379, %dma_wait3A_380] : memref<4x10000x128xf32, #tpu.memory_space<hbm>> -> memref<1x10000x128xf32, #tpu.memory_space<hbm>>
        %dma_wait3A_382 = tpu.memref_squeeze %dma_wait3A_381 : memref<1x10000x128xf32, #tpu.memory_space<hbm>> -> memref<10000x128xf32, #tpu.memory_space<hbm>>
        %dma_wait3A_383 = arith.constant 0 : i32
        %dma_wait3A_384 = arith.constant 0 : i32
        %dma_wait3A_385 = tpu.memref_slice %dma_wait3A_382[%dma_wait3A_383, %dma_wait3A_384] : memref<10000x128xf32, #tpu.memory_space<hbm>> -> memref<10000x128xf32, #tpu.memory_space<hbm>>
        tpu.wait_indirect_dma semaphore(%arg21 : memref<!tpu.dma_semaphore, #tpu.memory_space<semaphore_mem>>) src(%dma_wait3A_385 : memref<10000x128xf32, #tpu.memory_space<hbm>>) dst(%arg15 : memref<64x128xf32, #tpu.memory_space<vmem>>)
        %dma_wait3A_386 = arith.constant 4 : i32
        %dma_wait3A_387 = arith.constant 0 : i32
        %dma_wait3A_388 = tpu.memref_slice %arg13[%dma_wait3A_386, %dma_wait3A_387] : memref<16x64xi32, #tpu.memory_space<vmem>> -> memref<1x64xi32, #tpu.memory_space<vmem>>
        %dma_wait3A_389 = tpu.memref_squeeze %dma_wait3A_388 : memref<1x64xi32, #tpu.memory_space<vmem>> -> memref<64xi32, #tpu.memory_space<vmem>>
        %dma_wait3A_390 = arith.constant 0 : i32
        %dma_wait3A_391 = arith.constant 0 : i32
        %dma_wait3A_392 = tpu.memref_slice %arg19[%dma_wait3A_390, %dma_wait3A_391] : memref<10240x128xf32, #tpu.memory_space<vmem_shared>> -> memref<10240x128xf32, #tpu.memory_space<vmem_shared>>
        tpu.wait_indirect_dma semaphore(%arg24 : memref<!tpu.dma_semaphore, #tpu.memory_space<semaphore_mem>>) src(%arg14 : memref<64x128xf32, #tpu.memory_space<vmem>>) dst(%dma_wait3A_392 : memref<10240x128xf32, #tpu.memory_space<vmem_shared>>)
        %dma_start3A_393 = arith.constant 8 : i32
        %dma_start3A_394 = arith.constant 0 : i32
        %dma_start3A_395 = tpu.memref_slice %arg12[%dma_start3A_393, %dma_start3A_394] : memref<16x64xi32, #tpu.memory_space<vmem>> -> memref<1x64xi32, #tpu.memory_space<vmem>>
        %dma_start3A_396 = tpu.memref_squeeze %dma_start3A_395 : memref<1x64xi32, #tpu.memory_space<vmem>> -> memref<64xi32, #tpu.memory_space<vmem>>
        %dma_start3A_397 = arith.constant 0 : i32
        %dma_start3A_398 = arith.constant 0 : i32
        %dma_start3A_399 = tpu.memref_slice %arg6[%and3A_11, %dma_start3A_397, %dma_start3A_398] : memref<4x10000x128xf32, #tpu.memory_space<hbm>> -> memref<1x10000x128xf32, #tpu.memory_space<hbm>>
        %dma_start3A_400 = tpu.memref_squeeze %dma_start3A_399 : memref<1x10000x128xf32, #tpu.memory_space<hbm>> -> memref<10000x128xf32, #tpu.memory_space<hbm>>
        %dma_start3A_401 = arith.constant 0 : i32
        %dma_start3A_402 = arith.constant 0 : i32
        %dma_start3A_403 = tpu.memref_slice %dma_start3A_400[%dma_start3A_401, %dma_start3A_402] : memref<10000x128xf32, #tpu.memory_space<hbm>> -> memref<10000x128xf32, #tpu.memory_space<hbm>>
        tpu.enqueue_indirect_dma source(%dma_start3A_403 : memref<10000x128xf32, #tpu.memory_space<hbm>>) target(%arg14 : memref<64x128xf32, #tpu.memory_space<vmem>>) offsets(%dma_start3A_396 : memref<64xi32, #tpu.memory_space<vmem>>) semaphore(%arg20 : memref<!tpu.dma_semaphore, #tpu.memory_space<semaphore_mem>>)
        %dma_start3A_404 = arith.constant 5 : i32
        %dma_start3A_405 = arith.constant 0 : i32
        %dma_start3A_406 = tpu.memref_slice %arg13[%dma_start3A_404, %dma_start3A_405] : memref<16x64xi32, #tpu.memory_space<vmem>> -> memref<1x64xi32, #tpu.memory_space<vmem>>
        %dma_start3A_407 = tpu.memref_squeeze %dma_start3A_406 : memref<1x64xi32, #tpu.memory_space<vmem>> -> memref<64xi32, #tpu.memory_space<vmem>>
        %dma_start3A_408 = arith.constant 0 : i32
        %dma_start3A_409 = arith.constant 0 : i32
        %dma_start3A_410 = tpu.memref_slice %arg19[%dma_start3A_408, %dma_start3A_409] : memref<10240x128xf32, #tpu.memory_space<vmem_shared>> -> memref<10240x128xf32, #tpu.memory_space<vmem_shared>>
        tpu.enqueue_indirect_dma source(%arg15 : memref<64x128xf32, #tpu.memory_space<vmem>>) target(%dma_start3A_410 : memref<10240x128xf32, #tpu.memory_space<vmem_shared>>) offsets(%dma_start3A_407 : memref<64xi32, #tpu.memory_space<vmem>>) semaphore(%arg25 : memref<!tpu.dma_semaphore, #tpu.memory_space<semaphore_mem>>) {add = true}
        %get3A_411 = arith.constant 5 : i32
        %get3A_412 = arith.index_cast %get3A_411 : i32 to index
        %get3A_413 = arith.constant 0 : index
        %get3A_414 = tpu.vector_load %arg13[%get3A_412, %get3A_413] {strides = array<i32>} : memref<16x64xi32, #tpu.memory_space<vmem>>, vector<16xi32>,
        tpu.vector_store_idx %arg18[%get3A_414], %broadcast_in_dim3A_33 {add = true} : memref<10240xf32, #tpu.memory_space<vmem>>[vector<16xi32>], vector<16xf32>,
        %get3A_415 = arith.constant 5 : i32
        %get3A_416 = arith.index_cast %get3A_415 : i32 to index
        %get3A_417 = arith.constant 16 : index
        %get3A_418 = tpu.vector_load %arg13[%get3A_416, %get3A_417] {strides = array<i32>} : memref<16x64xi32, #tpu.memory_space<vmem>>, vector<16xi32>,
        tpu.vector_store_idx %arg18[%get3A_418], %broadcast_in_dim3A_33 {add = true} : memref<10240xf32, #tpu.memory_space<vmem>>[vector<16xi32>], vector<16xf32>,
        %get3A_419 = arith.constant 5 : i32
        %get3A_420 = arith.index_cast %get3A_419 : i32 to index
        %get3A_421 = arith.constant 32 : index
        %get3A_422 = tpu.vector_load %arg13[%get3A_420, %get3A_421] {strides = array<i32>} : memref<16x64xi32, #tpu.memory_space<vmem>>, vector<16xi32>,
        tpu.vector_store_idx %arg18[%get3A_422], %broadcast_in_dim3A_33 {add = true} : memref<10240xf32, #tpu.memory_space<vmem>>[vector<16xi32>], vector<16xf32>,
        %get3A_423 = arith.constant 5 : i32
        %get3A_424 = arith.index_cast %get3A_423 : i32 to index
        %get3A_425 = arith.constant 48 : index
        %get3A_426 = tpu.vector_load %arg13[%get3A_424, %get3A_425] {strides = array<i32>} : memref<16x64xi32, #tpu.memory_space<vmem>>, vector<16xi32>,
        tpu.vector_store_idx %arg18[%get3A_426], %broadcast_in_dim3A_33 {add = true} : memref<10240xf32, #tpu.memory_space<vmem>>[vector<16xi32>], vector<16xf32>,
        %dma_wait3A_427 = arith.constant 6 : i32
        %dma_wait3A_428 = arith.constant 0 : i32
        %dma_wait3A_429 = tpu.memref_slice %arg12[%dma_wait3A_427, %dma_wait3A_428] : memref<16x64xi32, #tpu.memory_space<vmem>> -> memref<1x64xi32, #tpu.memory_space<vmem>>
        %dma_wait3A_430 = tpu.memref_squeeze %dma_wait3A_429 : memref<1x64xi32, #tpu.memory_space<vmem>> -> memref<64xi32, #tpu.memory_space<vmem>>
        %dma_wait3A_431 = arith.constant 0 : i32
        %dma_wait3A_432 = arith.constant 0 : i32
        %dma_wait3A_433 = tpu.memref_slice %arg6[%and3A_11, %dma_wait3A_431, %dma_wait3A_432] : memref<4x10000x128xf32, #tpu.memory_space<hbm>> -> memref<1x10000x128xf32, #tpu.memory_space<hbm>>
        %dma_wait3A_434 = tpu.memref_squeeze %dma_wait3A_433 : memref<1x10000x128xf32, #tpu.memory_space<hbm>> -> memref<10000x128xf32, #tpu.memory_space<hbm>>
        %dma_wait3A_435 = arith.constant 0 : i32
        %dma_wait3A_436 = arith.constant 0 : i32
        %dma_wait3A_437 = tpu.memref_slice %dma_wait3A_434[%dma_wait3A_435, %dma_wait3A_436] : memref<10000x128xf32, #tpu.memory_space<hbm>> -> memref<10000x128xf32, #tpu.memory_space<hbm>>
        tpu.wait_indirect_dma semaphore(%arg22 : memref<!tpu.dma_semaphore, #tpu.memory_space<semaphore_mem>>) src(%dma_wait3A_437 : memref<10000x128xf32, #tpu.memory_space<hbm>>) dst(%arg16 : memref<64x128xf32, #tpu.memory_space<vmem>>)
        %dma_wait3A_438 = arith.constant 5 : i32
        %dma_wait3A_439 = arith.constant 0 : i32
        %dma_wait3A_440 = tpu.memref_slice %arg13[%dma_wait3A_438, %dma_wait3A_439] : memref<16x64xi32, #tpu.memory_space<vmem>> -> memref<1x64xi32, #tpu.memory_space<vmem>>
        %dma_wait3A_441 = tpu.memref_squeeze %dma_wait3A_440 : memref<1x64xi32, #tpu.memory_space<vmem>> -> memref<64xi32, #tpu.memory_space<vmem>>
        %dma_wait3A_442 = arith.constant 0 : i32
        %dma_wait3A_443 = arith.constant 0 : i32
        %dma_wait3A_444 = tpu.memref_slice %arg19[%dma_wait3A_442, %dma_wait3A_443] : memref<10240x128xf32, #tpu.memory_space<vmem_shared>> -> memref<10240x128xf32, #tpu.memory_space<vmem_shared>>
        tpu.wait_indirect_dma semaphore(%arg25 : memref<!tpu.dma_semaphore, #tpu.memory_space<semaphore_mem>>) src(%arg15 : memref<64x128xf32, #tpu.memory_space<vmem>>) dst(%dma_wait3A_444 : memref<10240x128xf32, #tpu.memory_space<vmem_shared>>)
        %dma_start3A_445 = arith.constant 9 : i32
        %dma_start3A_446 = arith.constant 0 : i32
        %dma_start3A_447 = tpu.memref_slice %arg12[%dma_start3A_445, %dma_start3A_446] : memref<16x64xi32, #tpu.memory_space<vmem>> -> memref<1x64xi32, #tpu.memory_space<vmem>>
        %dma_start3A_448 = tpu.memref_squeeze %dma_start3A_447 : memref<1x64xi32, #tpu.memory_space<vmem>> -> memref<64xi32, #tpu.memory_space<vmem>>
        %dma_start3A_449 = arith.constant 0 : i32
        %dma_start3A_450 = arith.constant 0 : i32
        %dma_start3A_451 = tpu.memref_slice %arg6[%and3A_11, %dma_start3A_449, %dma_start3A_450] : memref<4x10000x128xf32, #tpu.memory_space<hbm>> -> memref<1x10000x128xf32, #tpu.memory_space<hbm>>
        %dma_start3A_452 = tpu.memref_squeeze %dma_start3A_451 : memref<1x10000x128xf32, #tpu.memory_space<hbm>> -> memref<10000x128xf32, #tpu.memory_space<hbm>>
        %dma_start3A_453 = arith.constant 0 : i32
        %dma_start3A_454 = arith.constant 0 : i32
        %dma_start3A_455 = tpu.memref_slice %dma_start3A_452[%dma_start3A_453, %dma_start3A_454] : memref<10000x128xf32, #tpu.memory_space<hbm>> -> memref<10000x128xf32, #tpu.memory_space<hbm>>
        tpu.enqueue_indirect_dma source(%dma_start3A_455 : memref<10000x128xf32, #tpu.memory_space<hbm>>) target(%arg15 : memref<64x128xf32, #tpu.memory_space<vmem>>) offsets(%dma_start3A_448 : memref<64xi32, #tpu.memory_space<vmem>>) semaphore(%arg21 : memref<!tpu.dma_semaphore, #tpu.memory_space<semaphore_mem>>)
        %dma_start3A_456 = arith.constant 6 : i32
        %dma_start3A_457 = arith.constant 0 : i32
        %dma_start3A_458 = tpu.memref_slice %arg13[%dma_start3A_456, %dma_start3A_457] : memref<16x64xi32, #tpu.memory_space<vmem>> -> memref<1x64xi32, #tpu.memory_space<vmem>>
        %dma_start3A_459 = tpu.memref_squeeze %dma_start3A_458 : memref<1x64xi32, #tpu.memory_space<vmem>> -> memref<64xi32, #tpu.memory_space<vmem>>
        %dma_start3A_460 = arith.constant 0 : i32
        %dma_start3A_461 = arith.constant 0 : i32
        %dma_start3A_462 = tpu.memref_slice %arg19[%dma_start3A_460, %dma_start3A_461] : memref<10240x128xf32, #tpu.memory_space<vmem_shared>> -> memref<10240x128xf32, #tpu.memory_space<vmem_shared>>
        tpu.enqueue_indirect_dma source(%arg16 : memref<64x128xf32, #tpu.memory_space<vmem>>) target(%dma_start3A_462 : memref<10240x128xf32, #tpu.memory_space<vmem_shared>>) offsets(%dma_start3A_459 : memref<64xi32, #tpu.memory_space<vmem>>) semaphore(%arg26 : memref<!tpu.dma_semaphore, #tpu.memory_space<semaphore_mem>>) {add = true}
        %get3A_463 = arith.constant 6 : i32
        %get3A_464 = arith.index_cast %get3A_463 : i32 to index
        %get3A_465 = arith.constant 0 : index
        %get3A_466 = tpu.vector_load %arg13[%get3A_464, %get3A_465] {strides = array<i32>} : memref<16x64xi32, #tpu.memory_space<vmem>>, vector<16xi32>,
        tpu.vector_store_idx %arg18[%get3A_466], %broadcast_in_dim3A_33 {add = true} : memref<10240xf32, #tpu.memory_space<vmem>>[vector<16xi32>], vector<16xf32>,
        %get3A_467 = arith.constant 6 : i32
        %get3A_468 = arith.index_cast %get3A_467 : i32 to index
        %get3A_469 = arith.constant 16 : index
        %get3A_470 = tpu.vector_load %arg13[%get3A_468, %get3A_469] {strides = array<i32>} : memref<16x64xi32, #tpu.memory_space<vmem>>, vector<16xi32>,
        tpu.vector_store_idx %arg18[%get3A_470], %broadcast_in_dim3A_33 {add = true} : memref<10240xf32, #tpu.memory_space<vmem>>[vector<16xi32>], vector<16xf32>,
        %get3A_471 = arith.constant 6 : i32
        %get3A_472 = arith.index_cast %get3A_471 : i32 to index
        %get3A_473 = arith.constant 32 : index
        %get3A_474 = tpu.vector_load %arg13[%get3A_472, %get3A_473] {strides = array<i32>} : memref<16x64xi32, #tpu.memory_space<vmem>>, vector<16xi32>,
        tpu.vector_store_idx %arg18[%get3A_474], %broadcast_in_dim3A_33 {add = true} : memref<10240xf32, #tpu.memory_space<vmem>>[vector<16xi32>], vector<16xf32>,
        %get3A_475 = arith.constant 6 : i32
        %get3A_476 = arith.index_cast %get3A_475 : i32 to index
        %get3A_477 = arith.constant 48 : index
        %get3A_478 = tpu.vector_load %arg13[%get3A_476, %get3A_477] {strides = array<i32>} : memref<16x64xi32, #tpu.memory_space<vmem>>, vector<16xi32>,
        tpu.vector_store_idx %arg18[%get3A_478], %broadcast_in_dim3A_33 {add = true} : memref<10240xf32, #tpu.memory_space<vmem>>[vector<16xi32>], vector<16xf32>,
        %dma_wait3A_479 = arith.constant 7 : i32
        %dma_wait3A_480 = arith.constant 0 : i32
        %dma_wait3A_481 = tpu.memref_slice %arg12[%dma_wait3A_479, %dma_wait3A_480] : memref<16x64xi32, #tpu.memory_space<vmem>> -> memref<1x64xi32, #tpu.memory_space<vmem>>
        %dma_wait3A_482 = tpu.memref_squeeze %dma_wait3A_481 : memref<1x64xi32, #tpu.memory_space<vmem>> -> memref<64xi32, #tpu.memory_space<vmem>>
        %dma_wait3A_483 = arith.constant 0 : i32
        %dma_wait3A_484 = arith.constant 0 : i32
        %dma_wait3A_485 = tpu.memref_slice %arg6[%and3A_11, %dma_wait3A_483, %dma_wait3A_484] : memref<4x10000x128xf32, #tpu.memory_space<hbm>> -> memref<1x10000x128xf32, #tpu.memory_space<hbm>>
        %dma_wait3A_486 = tpu.memref_squeeze %dma_wait3A_485 : memref<1x10000x128xf32, #tpu.memory_space<hbm>> -> memref<10000x128xf32, #tpu.memory_space<hbm>>
        %dma_wait3A_487 = arith.constant 0 : i32
        %dma_wait3A_488 = arith.constant 0 : i32
        %dma_wait3A_489 = tpu.memref_slice %dma_wait3A_486[%dma_wait3A_487, %dma_wait3A_488] : memref<10000x128xf32, #tpu.memory_space<hbm>> -> memref<10000x128xf32, #tpu.memory_space<hbm>>
        tpu.wait_indirect_dma semaphore(%arg23 : memref<!tpu.dma_semaphore, #tpu.memory_space<semaphore_mem>>) src(%dma_wait3A_489 : memref<10000x128xf32, #tpu.memory_space<hbm>>) dst(%arg17 : memref<64x128xf32, #tpu.memory_space<vmem>>)
        %dma_wait3A_490 = arith.constant 6 : i32
        %dma_wait3A_491 = arith.constant 0 : i32
        %dma_wait3A_492 = tpu.memref_slice %arg13[%dma_wait3A_490, %dma_wait3A_491] : memref<16x64xi32, #tpu.memory_space<vmem>> -> memref<1x64xi32, #tpu.memory_space<vmem>>
        %dma_wait3A_493 = tpu.memref_squeeze %dma_wait3A_492 : memref<1x64xi32, #tpu.memory_space<vmem>> -> memref<64xi32, #tpu.memory_space<vmem>>
        %dma_wait3A_494 = arith.constant 0 : i32
        %dma_wait3A_495 = arith.constant 0 : i32
        %dma_wait3A_496 = tpu.memref_slice %arg19[%dma_wait3A_494, %dma_wait3A_495] : memref<10240x128xf32, #tpu.memory_space<vmem_shared>> -> memref<10240x128xf32, #tpu.memory_space<vmem_shared>>
        tpu.wait_indirect_dma semaphore(%arg26 : memref<!tpu.dma_semaphore, #tpu.memory_space<semaphore_mem>>) src(%arg16 : memref<64x128xf32, #tpu.memory_space<vmem>>) dst(%dma_wait3A_496 : memref<10240x128xf32, #tpu.memory_space<vmem_shared>>)
        %dma_start3A_497 = arith.constant 10 : i32
        %dma_start3A_498 = arith.constant 0 : i32
        %dma_start3A_499 = tpu.memref_slice %arg12[%dma_start3A_497, %dma_start3A_498] : memref<16x64xi32, #tpu.memory_space<vmem>> -> memref<1x64xi32, #tpu.memory_space<vmem>>
        %dma_start3A_500 = tpu.memref_squeeze %dma_start3A_499 : memref<1x64xi32, #tpu.memory_space<vmem>> -> memref<64xi32, #tpu.memory_space<vmem>>
        %dma_start3A_501 = arith.constant 0 : i32
        %dma_start3A_502 = arith.constant 0 : i32
        %dma_start3A_503 = tpu.memref_slice %arg6[%and3A_11, %dma_start3A_501, %dma_start3A_502] : memref<4x10000x128xf32, #tpu.memory_space<hbm>> -> memref<1x10000x128xf32, #tpu.memory_space<hbm>>
        %dma_start3A_504 = tpu.memref_squeeze %dma_start3A_503 : memref<1x10000x128xf32, #tpu.memory_space<hbm>> -> memref<10000x128xf32, #tpu.memory_space<hbm>>
        %dma_start3A_505 = arith.constant 0 : i32
        %dma_start3A_506 = arith.constant 0 : i32
        %dma_start3A_507 = tpu.memref_slice %dma_start3A_504[%dma_start3A_505, %dma_start3A_506] : memref<10000x128xf32, #tpu.memory_space<hbm>> -> memref<10000x128xf32, #tpu.memory_space<hbm>>
        tpu.enqueue_indirect_dma source(%dma_start3A_507 : memref<10000x128xf32, #tpu.memory_space<hbm>>) target(%arg16 : memref<64x128xf32, #tpu.memory_space<vmem>>) offsets(%dma_start3A_500 : memref<64xi32, #tpu.memory_space<vmem>>) semaphore(%arg22 : memref<!tpu.dma_semaphore, #tpu.memory_space<semaphore_mem>>)
        %dma_start3A_508 = arith.constant 7 : i32
        %dma_start3A_509 = arith.constant 0 : i32
        %dma_start3A_510 = tpu.memref_slice %arg13[%dma_start3A_508, %dma_start3A_509] : memref<16x64xi32, #tpu.memory_space<vmem>> -> memref<1x64xi32, #tpu.memory_space<vmem>>
        %dma_start3A_511 = tpu.memref_squeeze %dma_start3A_510 : memref<1x64xi32, #tpu.memory_space<vmem>> -> memref<64xi32, #tpu.memory_space<vmem>>
        %dma_start3A_512 = arith.constant 0 : i32
        %dma_start3A_513 = arith.constant 0 : i32
        %dma_start3A_514 = tpu.memref_slice %arg19[%dma_start3A_512, %dma_start3A_513] : memref<10240x128xf32, #tpu.memory_space<vmem_shared>> -> memref<10240x128xf32, #tpu.memory_space<vmem_shared>>
        tpu.enqueue_indirect_dma source(%arg17 : memref<64x128xf32, #tpu.memory_space<vmem>>) target(%dma_start3A_514 : memref<10240x128xf32, #tpu.memory_space<vmem_shared>>) offsets(%dma_start3A_511 : memref<64xi32, #tpu.memory_space<vmem>>) semaphore(%arg27 : memref<!tpu.dma_semaphore, #tpu.memory_space<semaphore_mem>>) {add = true}
        %get3A_515 = arith.constant 7 : i32
        %get3A_516 = arith.index_cast %get3A_515 : i32 to index
        %get3A_517 = arith.constant 0 : index
        %get3A_518 = tpu.vector_load %arg13[%get3A_516, %get3A_517] {strides = array<i32>} : memref<16x64xi32, #tpu.memory_space<vmem>>, vector<16xi32>,
        tpu.vector_store_idx %arg18[%get3A_518], %broadcast_in_dim3A_33 {add = true} : memref<10240xf32, #tpu.memory_space<vmem>>[vector<16xi32>], vector<16xf32>,
        %get3A_519 = arith.constant 7 : i32
        %get3A_520 = arith.index_cast %get3A_519 : i32 to index
        %get3A_521 = arith.constant 16 : index
        %get3A_522 = tpu.vector_load %arg13[%get3A_520, %get3A_521] {strides = array<i32>} : memref<16x64xi32, #tpu.memory_space<vmem>>, vector<16xi32>,
        tpu.vector_store_idx %arg18[%get3A_522], %broadcast_in_dim3A_33 {add = true} : memref<10240xf32, #tpu.memory_space<vmem>>[vector<16xi32>], vector<16xf32>,
        %get3A_523 = arith.constant 7 : i32
        %get3A_524 = arith.index_cast %get3A_523 : i32 to index
        %get3A_525 = arith.constant 32 : index
        %get3A_526 = tpu.vector_load %arg13[%get3A_524, %get3A_525] {strides = array<i32>} : memref<16x64xi32, #tpu.memory_space<vmem>>, vector<16xi32>,
        tpu.vector_store_idx %arg18[%get3A_526], %broadcast_in_dim3A_33 {add = true} : memref<10240xf32, #tpu.memory_space<vmem>>[vector<16xi32>], vector<16xf32>,
        %get3A_527 = arith.constant 7 : i32
        %get3A_528 = arith.index_cast %get3A_527 : i32 to index
        %get3A_529 = arith.constant 48 : index
        %get3A_530 = tpu.vector_load %arg13[%get3A_528, %get3A_529] {strides = array<i32>} : memref<16x64xi32, #tpu.memory_space<vmem>>, vector<16xi32>,
        tpu.vector_store_idx %arg18[%get3A_530], %broadcast_in_dim3A_33 {add = true} : memref<10240xf32, #tpu.memory_space<vmem>>[vector<16xi32>], vector<16xf32>,
        %dma_wait3A_531 = arith.constant 8 : i32
        %dma_wait3A_532 = arith.constant 0 : i32
        %dma_wait3A_533 = tpu.memref_slice %arg12[%dma_wait3A_531, %dma_wait3A_532] : memref<16x64xi32, #tpu.memory_space<vmem>> -> memref<1x64xi32, #tpu.memory_space<vmem>>
        %dma_wait3A_534 = tpu.memref_squeeze %dma_wait3A_533 : memref<1x64xi32, #tpu.memory_space<vmem>> -> memref<64xi32, #tpu.memory_space<vmem>>
        %dma_wait3A_535 = arith.constant 0 : i32
        %dma_wait3A_536 = arith.constant 0 : i32
        %dma_wait3A_537 = tpu.memref_slice %arg6[%and3A_11, %dma_wait3A_535, %dma_wait3A_536] : memref<4x10000x128xf32, #tpu.memory_space<hbm>> -> memref<1x10000x128xf32, #tpu.memory_space<hbm>>
        %dma_wait3A_538 = tpu.memref_squeeze %dma_wait3A_537 : memref<1x10000x128xf32, #tpu.memory_space<hbm>> -> memref<10000x128xf32, #tpu.memory_space<hbm>>
        %dma_wait3A_539 = arith.constant 0 : i32
        %dma_wait3A_540 = arith.constant 0 : i32
        %dma_wait3A_541 = tpu.memref_slice %dma_wait3A_538[%dma_wait3A_539, %dma_wait3A_540] : memref<10000x128xf32, #tpu.memory_space<hbm>> -> memref<10000x128xf32, #tpu.memory_space<hbm>>
        tpu.wait_indirect_dma semaphore(%arg20 : memref<!tpu.dma_semaphore, #tpu.memory_space<semaphore_mem>>) src(%dma_wait3A_541 : memref<10000x128xf32, #tpu.memory_space<hbm>>) dst(%arg14 : memref<64x128xf32, #tpu.memory_space<vmem>>)
        %dma_wait3A_542 = arith.constant 7 : i32
        %dma_wait3A_543 = arith.constant 0 : i32
        %dma_wait3A_544 = tpu.memref_slice %arg13[%dma_wait3A_542, %dma_wait3A_543] : memref<16x64xi32, #tpu.memory_space<vmem>> -> memref<1x64xi32, #tpu.memory_space<vmem>>
        %dma_wait3A_545 = tpu.memref_squeeze %dma_wait3A_544 : memref<1x64xi32, #tpu.memory_space<vmem>> -> memref<64xi32, #tpu.memory_space<vmem>>
        %dma_wait3A_546 = arith.constant 0 : i32
        %dma_wait3A_547 = arith.constant 0 : i32
        %dma_wait3A_548 = tpu.memref_slice %arg19[%dma_wait3A_546, %dma_wait3A_547] : memref<10240x128xf32, #tpu.memory_space<vmem_shared>> -> memref<10240x128xf32, #tpu.memory_space<vmem_shared>>
        tpu.wait_indirect_dma semaphore(%arg27 : memref<!tpu.dma_semaphore, #tpu.memory_space<semaphore_mem>>) src(%arg17 : memref<64x128xf32, #tpu.memory_space<vmem>>) dst(%dma_wait3A_548 : memref<10240x128xf32, #tpu.memory_space<vmem_shared>>)
        %dma_start3A_549 = arith.constant 11 : i32
        %dma_start3A_550 = arith.constant 0 : i32
        %dma_start3A_551 = tpu.memref_slice %arg12[%dma_start3A_549, %dma_start3A_550] : memref<16x64xi32, #tpu.memory_space<vmem>> -> memref<1x64xi32, #tpu.memory_space<vmem>>
        %dma_start3A_552 = tpu.memref_squeeze %dma_start3A_551 : memref<1x64xi32, #tpu.memory_space<vmem>> -> memref<64xi32, #tpu.memory_space<vmem>>
        %dma_start3A_553 = arith.constant 0 : i32
        %dma_start3A_554 = arith.constant 0 : i32
        %dma_start3A_555 = tpu.memref_slice %arg6[%and3A_11, %dma_start3A_553, %dma_start3A_554] : memref<4x10000x128xf32, #tpu.memory_space<hbm>> -> memref<1x10000x128xf32, #tpu.memory_space<hbm>>
        %dma_start3A_556 = tpu.memref_squeeze %dma_start3A_555 : memref<1x10000x128xf32, #tpu.memory_space<hbm>> -> memref<10000x128xf32, #tpu.memory_space<hbm>>
        %dma_start3A_557 = arith.constant 0 : i32
        %dma_start3A_558 = arith.constant 0 : i32
        %dma_start3A_559 = tpu.memref_slice %dma_start3A_556[%dma_start3A_557, %dma_start3A_558] : memref<10000x128xf32, #tpu.memory_space<hbm>> -> memref<10000x128xf32, #tpu.memory_space<hbm>>
        tpu.enqueue_indirect_dma source(%dma_start3A_559 : memref<10000x128xf32, #tpu.memory_space<hbm>>) target(%arg17 : memref<64x128xf32, #tpu.memory_space<vmem>>) offsets(%dma_start3A_552 : memref<64xi32, #tpu.memory_space<vmem>>) semaphore(%arg23 : memref<!tpu.dma_semaphore, #tpu.memory_space<semaphore_mem>>)
        %dma_start3A_560 = arith.constant 8 : i32
        %dma_start3A_561 = arith.constant 0 : i32
        %dma_start3A_562 = tpu.memref_slice %arg13[%dma_start3A_560, %dma_start3A_561] : memref<16x64xi32, #tpu.memory_space<vmem>> -> memref<1x64xi32, #tpu.memory_space<vmem>>
        %dma_start3A_563 = tpu.memref_squeeze %dma_start3A_562 : memref<1x64xi32, #tpu.memory_space<vmem>> -> memref<64xi32, #tpu.memory_space<vmem>>
        %dma_start3A_564 = arith.constant 0 : i32
        %dma_start3A_565 = arith.constant 0 : i32
        %dma_start3A_566 = tpu.memref_slice %arg19[%dma_start3A_564, %dma_start3A_565] : memref<10240x128xf32, #tpu.memory_space<vmem_shared>> -> memref<10240x128xf32, #tpu.memory_space<vmem_shared>>
        tpu.enqueue_indirect_dma source(%arg14 : memref<64x128xf32, #tpu.memory_space<vmem>>) target(%dma_start3A_566 : memref<10240x128xf32, #tpu.memory_space<vmem_shared>>) offsets(%dma_start3A_563 : memref<64xi32, #tpu.memory_space<vmem>>) semaphore(%arg24 : memref<!tpu.dma_semaphore, #tpu.memory_space<semaphore_mem>>) {add = true}
        %get3A_567 = arith.constant 8 : i32
        %get3A_568 = arith.index_cast %get3A_567 : i32 to index
        %get3A_569 = arith.constant 0 : index
        %get3A_570 = tpu.vector_load %arg13[%get3A_568, %get3A_569] {strides = array<i32>} : memref<16x64xi32, #tpu.memory_space<vmem>>, vector<16xi32>,
        tpu.vector_store_idx %arg18[%get3A_570], %broadcast_in_dim3A_33 {add = true} : memref<10240xf32, #tpu.memory_space<vmem>>[vector<16xi32>], vector<16xf32>,
        %get3A_571 = arith.constant 8 : i32
        %get3A_572 = arith.index_cast %get3A_571 : i32 to index
        %get3A_573 = arith.constant 16 : index
        %get3A_574 = tpu.vector_load %arg13[%get3A_572, %get3A_573] {strides = array<i32>} : memref<16x64xi32, #tpu.memory_space<vmem>>, vector<16xi32>,
        tpu.vector_store_idx %arg18[%get3A_574], %broadcast_in_dim3A_33 {add = true} : memref<10240xf32, #tpu.memory_space<vmem>>[vector<16xi32>], vector<16xf32>,
        %get3A_575 = arith.constant 8 : i32
        %get3A_576 = arith.index_cast %get3A_575 : i32 to index
        %get3A_577 = arith.constant 32 : index
        %get3A_578 = tpu.vector_load %arg13[%get3A_576, %get3A_577] {strides = array<i32>} : memref<16x64xi32, #tpu.memory_space<vmem>>, vector<16xi32>,
        tpu.vector_store_idx %arg18[%get3A_578], %broadcast_in_dim3A_33 {add = true} : memref<10240xf32, #tpu.memory_space<vmem>>[vector<16xi32>], vector<16xf32>,
        %get3A_579 = arith.constant 8 : i32
        %get3A_580 = arith.index_cast %get3A_579 : i32 to index
        %get3A_581 = arith.constant 48 : index
        %get3A_582 = tpu.vector_load %arg13[%get3A_580, %get3A_581] {strides = array<i32>} : memref<16x64xi32, #tpu.memory_space<vmem>>, vector<16xi32>,
        tpu.vector_store_idx %arg18[%get3A_582], %broadcast_in_dim3A_33 {add = true} : memref<10240xf32, #tpu.memory_space<vmem>>[vector<16xi32>], vector<16xf32>,
        %dma_wait3A_583 = arith.constant 9 : i32
        %dma_wait3A_584 = arith.constant 0 : i32
        %dma_wait3A_585 = tpu.memref_slice %arg12[%dma_wait3A_583, %dma_wait3A_584] : memref<16x64xi32, #tpu.memory_space<vmem>> -> memref<1x64xi32, #tpu.memory_space<vmem>>
        %dma_wait3A_586 = tpu.memref_squeeze %dma_wait3A_585 : memref<1x64xi32, #tpu.memory_space<vmem>> -> memref<64xi32, #tpu.memory_space<vmem>>
        %dma_wait3A_587 = arith.constant 0 : i32
        %dma_wait3A_588 = arith.constant 0 : i32
        %dma_wait3A_589 = tpu.memref_slice %arg6[%and3A_11, %dma_wait3A_587, %dma_wait3A_588] : memref<4x10000x128xf32, #tpu.memory_space<hbm>> -> memref<1x10000x128xf32, #tpu.memory_space<hbm>>
        %dma_wait3A_590 = tpu.memref_squeeze %dma_wait3A_589 : memref<1x10000x128xf32, #tpu.memory_space<hbm>> -> memref<10000x128xf32, #tpu.memory_space<hbm>>
        %dma_wait3A_591 = arith.constant 0 : i32
        %dma_wait3A_592 = arith.constant 0 : i32
        %dma_wait3A_593 = tpu.memref_slice %dma_wait3A_590[%dma_wait3A_591, %dma_wait3A_592] : memref<10000x128xf32, #tpu.memory_space<hbm>> -> memref<10000x128xf32, #tpu.memory_space<hbm>>
        tpu.wait_indirect_dma semaphore(%arg21 : memref<!tpu.dma_semaphore, #tpu.memory_space<semaphore_mem>>) src(%dma_wait3A_593 : memref<10000x128xf32, #tpu.memory_space<hbm>>) dst(%arg15 : memref<64x128xf32, #tpu.memory_space<vmem>>)
        %dma_wait3A_594 = arith.constant 8 : i32
        %dma_wait3A_595 = arith.constant 0 : i32
        %dma_wait3A_596 = tpu.memref_slice %arg13[%dma_wait3A_594, %dma_wait3A_595] : memref<16x64xi32, #tpu.memory_space<vmem>> -> memref<1x64xi32, #tpu.memory_space<vmem>>
        %dma_wait3A_597 = tpu.memref_squeeze %dma_wait3A_596 : memref<1x64xi32, #tpu.memory_space<vmem>> -> memref<64xi32, #tpu.memory_space<vmem>>
        %dma_wait3A_598 = arith.constant 0 : i32
        %dma_wait3A_599 = arith.constant 0 : i32
        %dma_wait3A_600 = tpu.memref_slice %arg19[%dma_wait3A_598, %dma_wait3A_599] : memref<10240x128xf32, #tpu.memory_space<vmem_shared>> -> memref<10240x128xf32, #tpu.memory_space<vmem_shared>>
        tpu.wait_indirect_dma semaphore(%arg24 : memref<!tpu.dma_semaphore, #tpu.memory_space<semaphore_mem>>) src(%arg14 : memref<64x128xf32, #tpu.memory_space<vmem>>) dst(%dma_wait3A_600 : memref<10240x128xf32, #tpu.memory_space<vmem_shared>>)
        %dma_start3A_601 = arith.constant 12 : i32
        %dma_start3A_602 = arith.constant 0 : i32
        %dma_start3A_603 = tpu.memref_slice %arg12[%dma_start3A_601, %dma_start3A_602] : memref<16x64xi32, #tpu.memory_space<vmem>> -> memref<1x64xi32, #tpu.memory_space<vmem>>
        %dma_start3A_604 = tpu.memref_squeeze %dma_start3A_603 : memref<1x64xi32, #tpu.memory_space<vmem>> -> memref<64xi32, #tpu.memory_space<vmem>>
        %dma_start3A_605 = arith.constant 0 : i32
        %dma_start3A_606 = arith.constant 0 : i32
        %dma_start3A_607 = tpu.memref_slice %arg6[%and3A_11, %dma_start3A_605, %dma_start3A_606] : memref<4x10000x128xf32, #tpu.memory_space<hbm>> -> memref<1x10000x128xf32, #tpu.memory_space<hbm>>
        %dma_start3A_608 = tpu.memref_squeeze %dma_start3A_607 : memref<1x10000x128xf32, #tpu.memory_space<hbm>> -> memref<10000x128xf32, #tpu.memory_space<hbm>>
        %dma_start3A_609 = arith.constant 0 : i32
        %dma_start3A_610 = arith.constant 0 : i32
        %dma_start3A_611 = tpu.memref_slice %dma_start3A_608[%dma_start3A_609, %dma_start3A_610] : memref<10000x128xf32, #tpu.memory_space<hbm>> -> memref<10000x128xf32, #tpu.memory_space<hbm>>
        tpu.enqueue_indirect_dma source(%dma_start3A_611 : memref<10000x128xf32, #tpu.memory_space<hbm>>) target(%arg14 : memref<64x128xf32, #tpu.memory_space<vmem>>) offsets(%dma_start3A_604 : memref<64xi32, #tpu.memory_space<vmem>>) semaphore(%arg20 : memref<!tpu.dma_semaphore, #tpu.memory_space<semaphore_mem>>)
        %dma_start3A_612 = arith.constant 9 : i32
        %dma_start3A_613 = arith.constant 0 : i32
        %dma_start3A_614 = tpu.memref_slice %arg13[%dma_start3A_612, %dma_start3A_613] : memref<16x64xi32, #tpu.memory_space<vmem>> -> memref<1x64xi32, #tpu.memory_space<vmem>>
        %dma_start3A_615 = tpu.memref_squeeze %dma_start3A_614 : memref<1x64xi32, #tpu.memory_space<vmem>> -> memref<64xi32, #tpu.memory_space<vmem>>
        %dma_start3A_616 = arith.constant 0 : i32
        %dma_start3A_617 = arith.constant 0 : i32
        %dma_start3A_618 = tpu.memref_slice %arg19[%dma_start3A_616, %dma_start3A_617] : memref<10240x128xf32, #tpu.memory_space<vmem_shared>> -> memref<10240x128xf32, #tpu.memory_space<vmem_shared>>
        tpu.enqueue_indirect_dma source(%arg15 : memref<64x128xf32, #tpu.memory_space<vmem>>) target(%dma_start3A_618 : memref<10240x128xf32, #tpu.memory_space<vmem_shared>>) offsets(%dma_start3A_615 : memref<64xi32, #tpu.memory_space<vmem>>) semaphore(%arg25 : memref<!tpu.dma_semaphore, #tpu.memory_space<semaphore_mem>>) {add = true}
        %get3A_619 = arith.constant 9 : i32
        %get3A_620 = arith.index_cast %get3A_619 : i32 to index
        %get3A_621 = arith.constant 0 : index
        %get3A_622 = tpu.vector_load %arg13[%get3A_620, %get3A_621] {strides = array<i32>} : memref<16x64xi32, #tpu.memory_space<vmem>>, vector<16xi32>,
        tpu.vector_store_idx %arg18[%get3A_622], %broadcast_in_dim3A_33 {add = true} : memref<10240xf32, #tpu.memory_space<vmem>>[vector<16xi32>], vector<16xf32>,
        %get3A_623 = arith.constant 9 : i32
        %get3A_624 = arith.index_cast %get3A_623 : i32 to index
        %get3A_625 = arith.constant 16 : index
        %get3A_626 = tpu.vector_load %arg13[%get3A_624, %get3A_625] {strides = array<i32>} : memref<16x64xi32, #tpu.memory_space<vmem>>, vector<16xi32>,
        tpu.vector_store_idx %arg18[%get3A_626], %broadcast_in_dim3A_33 {add = true} : memref<10240xf32, #tpu.memory_space<vmem>>[vector<16xi32>], vector<16xf32>,
        %get3A_627 = arith.constant 9 : i32
        %get3A_628 = arith.index_cast %get3A_627 : i32 to index
        %get3A_629 = arith.constant 32 : index
        %get3A_630 = tpu.vector_load %arg13[%get3A_628, %get3A_629] {strides = array<i32>} : memref<16x64xi32, #tpu.memory_space<vmem>>, vector<16xi32>,
        tpu.vector_store_idx %arg18[%get3A_630], %broadcast_in_dim3A_33 {add = true} : memref<10240xf32, #tpu.memory_space<vmem>>[vector<16xi32>], vector<16xf32>,
        %get3A_631 = arith.constant 9 : i32
        %get3A_632 = arith.index_cast %get3A_631 : i32 to index
        %get3A_633 = arith.constant 48 : index
        %get3A_634 = tpu.vector_load %arg13[%get3A_632, %get3A_633] {strides = array<i32>} : memref<16x64xi32, #tpu.memory_space<vmem>>, vector<16xi32>,
        tpu.vector_store_idx %arg18[%get3A_634], %broadcast_in_dim3A_33 {add = true} : memref<10240xf32, #tpu.memory_space<vmem>>[vector<16xi32>], vector<16xf32>,
        %dma_wait3A_635 = arith.constant 10 : i32
        %dma_wait3A_636 = arith.constant 0 : i32
        %dma_wait3A_637 = tpu.memref_slice %arg12[%dma_wait3A_635, %dma_wait3A_636] : memref<16x64xi32, #tpu.memory_space<vmem>> -> memref<1x64xi32, #tpu.memory_space<vmem>>
        %dma_wait3A_638 = tpu.memref_squeeze %dma_wait3A_637 : memref<1x64xi32, #tpu.memory_space<vmem>> -> memref<64xi32, #tpu.memory_space<vmem>>
        %dma_wait3A_639 = arith.constant 0 : i32
        %dma_wait3A_640 = arith.constant 0 : i32
        %dma_wait3A_641 = tpu.memref_slice %arg6[%and3A_11, %dma_wait3A_639, %dma_wait3A_640] : memref<4x10000x128xf32, #tpu.memory_space<hbm>> -> memref<1x10000x128xf32, #tpu.memory_space<hbm>>
        %dma_wait3A_642 = tpu.memref_squeeze %dma_wait3A_641 : memref<1x10000x128xf32, #tpu.memory_space<hbm>> -> memref<10000x128xf32, #tpu.memory_space<hbm>>
        %dma_wait3A_643 = arith.constant 0 : i32
        %dma_wait3A_644 = arith.constant 0 : i32
        %dma_wait3A_645 = tpu.memref_slice %dma_wait3A_642[%dma_wait3A_643, %dma_wait3A_644] : memref<10000x128xf32, #tpu.memory_space<hbm>> -> memref<10000x128xf32, #tpu.memory_space<hbm>>
        tpu.wait_indirect_dma semaphore(%arg22 : memref<!tpu.dma_semaphore, #tpu.memory_space<semaphore_mem>>) src(%dma_wait3A_645 : memref<10000x128xf32, #tpu.memory_space<hbm>>) dst(%arg16 : memref<64x128xf32, #tpu.memory_space<vmem>>)
        %dma_wait3A_646 = arith.constant 9 : i32
        %dma_wait3A_647 = arith.constant 0 : i32
        %dma_wait3A_648 = tpu.memref_slice %arg13[%dma_wait3A_646, %dma_wait3A_647] : memref<16x64xi32, #tpu.memory_space<vmem>> -> memref<1x64xi32, #tpu.memory_space<vmem>>
        %dma_wait3A_649 = tpu.memref_squeeze %dma_wait3A_648 : memref<1x64xi32, #tpu.memory_space<vmem>> -> memref<64xi32, #tpu.memory_space<vmem>>
        %dma_wait3A_650 = arith.constant 0 : i32
        %dma_wait3A_651 = arith.constant 0 : i32
        %dma_wait3A_652 = tpu.memref_slice %arg19[%dma_wait3A_650, %dma_wait3A_651] : memref<10240x128xf32, #tpu.memory_space<vmem_shared>> -> memref<10240x128xf32, #tpu.memory_space<vmem_shared>>
        tpu.wait_indirect_dma semaphore(%arg25 : memref<!tpu.dma_semaphore, #tpu.memory_space<semaphore_mem>>) src(%arg15 : memref<64x128xf32, #tpu.memory_space<vmem>>) dst(%dma_wait3A_652 : memref<10240x128xf32, #tpu.memory_space<vmem_shared>>)
        %dma_start3A_653 = arith.constant 13 : i32
        %dma_start3A_654 = arith.constant 0 : i32
        %dma_start3A_655 = tpu.memref_slice %arg12[%dma_start3A_653, %dma_start3A_654] : memref<16x64xi32, #tpu.memory_space<vmem>> -> memref<1x64xi32, #tpu.memory_space<vmem>>
        %dma_start3A_656 = tpu.memref_squeeze %dma_start3A_655 : memref<1x64xi32, #tpu.memory_space<vmem>> -> memref<64xi32, #tpu.memory_space<vmem>>
        %dma_start3A_657 = arith.constant 0 : i32
        %dma_start3A_658 = arith.constant 0 : i32
        %dma_start3A_659 = tpu.memref_slice %arg6[%and3A_11, %dma_start3A_657, %dma_start3A_658] : memref<4x10000x128xf32, #tpu.memory_space<hbm>> -> memref<1x10000x128xf32, #tpu.memory_space<hbm>>
        %dma_start3A_660 = tpu.memref_squeeze %dma_start3A_659 : memref<1x10000x128xf32, #tpu.memory_space<hbm>> -> memref<10000x128xf32, #tpu.memory_space<hbm>>
        %dma_start3A_661 = arith.constant 0 : i32
        %dma_start3A_662 = arith.constant 0 : i32
        %dma_start3A_663 = tpu.memref_slice %dma_start3A_660[%dma_start3A_661, %dma_start3A_662] : memref<10000x128xf32, #tpu.memory_space<hbm>> -> memref<10000x128xf32, #tpu.memory_space<hbm>>
        tpu.enqueue_indirect_dma source(%dma_start3A_663 : memref<10000x128xf32, #tpu.memory_space<hbm>>) target(%arg15 : memref<64x128xf32, #tpu.memory_space<vmem>>) offsets(%dma_start3A_656 : memref<64xi32, #tpu.memory_space<vmem>>) semaphore(%arg21 : memref<!tpu.dma_semaphore, #tpu.memory_space<semaphore_mem>>)
        %dma_start3A_664 = arith.constant 10 : i32
        %dma_start3A_665 = arith.constant 0 : i32
        %dma_start3A_666 = tpu.memref_slice %arg13[%dma_start3A_664, %dma_start3A_665] : memref<16x64xi32, #tpu.memory_space<vmem>> -> memref<1x64xi32, #tpu.memory_space<vmem>>
        %dma_start3A_667 = tpu.memref_squeeze %dma_start3A_666 : memref<1x64xi32, #tpu.memory_space<vmem>> -> memref<64xi32, #tpu.memory_space<vmem>>
        %dma_start3A_668 = arith.constant 0 : i32
        %dma_start3A_669 = arith.constant 0 : i32
        %dma_start3A_670 = tpu.memref_slice %arg19[%dma_start3A_668, %dma_start3A_669] : memref<10240x128xf32, #tpu.memory_space<vmem_shared>> -> memref<10240x128xf32, #tpu.memory_space<vmem_shared>>
        tpu.enqueue_indirect_dma source(%arg16 : memref<64x128xf32, #tpu.memory_space<vmem>>) target(%dma_start3A_670 : memref<10240x128xf32, #tpu.memory_space<vmem_shared>>) offsets(%dma_start3A_667 : memref<64xi32, #tpu.memory_space<vmem>>) semaphore(%arg26 : memref<!tpu.dma_semaphore, #tpu.memory_space<semaphore_mem>>) {add = true}
        %get3A_671 = arith.constant 10 : i32
        %get3A_672 = arith.index_cast %get3A_671 : i32 to index
        %get3A_673 = arith.constant 0 : index
        %get3A_674 = tpu.vector_load %arg13[%get3A_672, %get3A_673] {strides = array<i32>} : memref<16x64xi32, #tpu.memory_space<vmem>>, vector<16xi32>,
        tpu.vector_store_idx %arg18[%get3A_674], %broadcast_in_dim3A_33 {add = true} : memref<10240xf32, #tpu.memory_space<vmem>>[vector<16xi32>], vector<16xf32>,
        %get3A_675 = arith.constant 10 : i32
        %get3A_676 = arith.index_cast %get3A_675 : i32 to index
        %get3A_677 = arith.constant 16 : index
        %get3A_678 = tpu.vector_load %arg13[%get3A_676, %get3A_677] {strides = array<i32>} : memref<16x64xi32, #tpu.memory_space<vmem>>, vector<16xi32>,
        tpu.vector_store_idx %arg18[%get3A_678], %broadcast_in_dim3A_33 {add = true} : memref<10240xf32, #tpu.memory_space<vmem>>[vector<16xi32>], vector<16xf32>,
        %get3A_679 = arith.constant 10 : i32
        %get3A_680 = arith.index_cast %get3A_679 : i32 to index
        %get3A_681 = arith.constant 32 : index
        %get3A_682 = tpu.vector_load %arg13[%get3A_680, %get3A_681] {strides = array<i32>} : memref<16x64xi32, #tpu.memory_space<vmem>>, vector<16xi32>,
        tpu.vector_store_idx %arg18[%get3A_682], %broadcast_in_dim3A_33 {add = true} : memref<10240xf32, #tpu.memory_space<vmem>>[vector<16xi32>], vector<16xf32>,
        %get3A_683 = arith.constant 10 : i32
        %get3A_684 = arith.index_cast %get3A_683 : i32 to index
        %get3A_685 = arith.constant 48 : index
        %get3A_686 = tpu.vector_load %arg13[%get3A_684, %get3A_685] {strides = array<i32>} : memref<16x64xi32, #tpu.memory_space<vmem>>, vector<16xi32>,
        tpu.vector_store_idx %arg18[%get3A_686], %broadcast_in_dim3A_33 {add = true} : memref<10240xf32, #tpu.memory_space<vmem>>[vector<16xi32>], vector<16xf32>,
        %dma_wait3A_687 = arith.constant 11 : i32
        %dma_wait3A_688 = arith.constant 0 : i32
        %dma_wait3A_689 = tpu.memref_slice %arg12[%dma_wait3A_687, %dma_wait3A_688] : memref<16x64xi32, #tpu.memory_space<vmem>> -> memref<1x64xi32, #tpu.memory_space<vmem>>
        %dma_wait3A_690 = tpu.memref_squeeze %dma_wait3A_689 : memref<1x64xi32, #tpu.memory_space<vmem>> -> memref<64xi32, #tpu.memory_space<vmem>>
        %dma_wait3A_691 = arith.constant 0 : i32
        %dma_wait3A_692 = arith.constant 0 : i32
        %dma_wait3A_693 = tpu.memref_slice %arg6[%and3A_11, %dma_wait3A_691, %dma_wait3A_692] : memref<4x10000x128xf32, #tpu.memory_space<hbm>> -> memref<1x10000x128xf32, #tpu.memory_space<hbm>>
        %dma_wait3A_694 = tpu.memref_squeeze %dma_wait3A_693 : memref<1x10000x128xf32, #tpu.memory_space<hbm>> -> memref<10000x128xf32, #tpu.memory_space<hbm>>
        %dma_wait3A_695 = arith.constant 0 : i32
        %dma_wait3A_696 = arith.constant 0 : i32
        %dma_wait3A_697 = tpu.memref_slice %dma_wait3A_694[%dma_wait3A_695, %dma_wait3A_696] : memref<10000x128xf32, #tpu.memory_space<hbm>> -> memref<10000x128xf32, #tpu.memory_space<hbm>>
        tpu.wait_indirect_dma semaphore(%arg23 : memref<!tpu.dma_semaphore, #tpu.memory_space<semaphore_mem>>) src(%dma_wait3A_697 : memref<10000x128xf32, #tpu.memory_space<hbm>>) dst(%arg17 : memref<64x128xf32, #tpu.memory_space<vmem>>)
        %dma_wait3A_698 = arith.constant 10 : i32
        %dma_wait3A_699 = arith.constant 0 : i32
        %dma_wait3A_700 = tpu.memref_slice %arg13[%dma_wait3A_698, %dma_wait3A_699] : memref<16x64xi32, #tpu.memory_space<vmem>> -> memref<1x64xi32, #tpu.memory_space<vmem>>
        %dma_wait3A_701 = tpu.memref_squeeze %dma_wait3A_700 : memref<1x64xi32, #tpu.memory_space<vmem>> -> memref<64xi32, #tpu.memory_space<vmem>>
        %dma_wait3A_702 = arith.constant 0 : i32
        %dma_wait3A_703 = arith.constant 0 : i32
        %dma_wait3A_704 = tpu.memref_slice %arg19[%dma_wait3A_702, %dma_wait3A_703] : memref<10240x128xf32, #tpu.memory_space<vmem_shared>> -> memref<10240x128xf32, #tpu.memory_space<vmem_shared>>
        tpu.wait_indirect_dma semaphore(%arg26 : memref<!tpu.dma_semaphore, #tpu.memory_space<semaphore_mem>>) src(%arg16 : memref<64x128xf32, #tpu.memory_space<vmem>>) dst(%dma_wait3A_704 : memref<10240x128xf32, #tpu.memory_space<vmem_shared>>)
        %dma_start3A_705 = arith.constant 14 : i32
        %dma_start3A_706 = arith.constant 0 : i32
        %dma_start3A_707 = tpu.memref_slice %arg12[%dma_start3A_705, %dma_start3A_706] : memref<16x64xi32, #tpu.memory_space<vmem>> -> memref<1x64xi32, #tpu.memory_space<vmem>>
        %dma_start3A_708 = tpu.memref_squeeze %dma_start3A_707 : memref<1x64xi32, #tpu.memory_space<vmem>> -> memref<64xi32, #tpu.memory_space<vmem>>
        %dma_start3A_709 = arith.constant 0 : i32
        %dma_start3A_710 = arith.constant 0 : i32
        %dma_start3A_711 = tpu.memref_slice %arg6[%and3A_11, %dma_start3A_709, %dma_start3A_710] : memref<4x10000x128xf32, #tpu.memory_space<hbm>> -> memref<1x10000x128xf32, #tpu.memory_space<hbm>>
        %dma_start3A_712 = tpu.memref_squeeze %dma_start3A_711 : memref<1x10000x128xf32, #tpu.memory_space<hbm>> -> memref<10000x128xf32, #tpu.memory_space<hbm>>
        %dma_start3A_713 = arith.constant 0 : i32
        %dma_start3A_714 = arith.constant 0 : i32
        %dma_start3A_715 = tpu.memref_slice %dma_start3A_712[%dma_start3A_713, %dma_start3A_714] : memref<10000x128xf32, #tpu.memory_space<hbm>> -> memref<10000x128xf32, #tpu.memory_space<hbm>>
        tpu.enqueue_indirect_dma source(%dma_start3A_715 : memref<10000x128xf32, #tpu.memory_space<hbm>>) target(%arg16 : memref<64x128xf32, #tpu.memory_space<vmem>>) offsets(%dma_start3A_708 : memref<64xi32, #tpu.memory_space<vmem>>) semaphore(%arg22 : memref<!tpu.dma_semaphore, #tpu.memory_space<semaphore_mem>>)
        %dma_start3A_716 = arith.constant 11 : i32
        %dma_start3A_717 = arith.constant 0 : i32
        %dma_start3A_718 = tpu.memref_slice %arg13[%dma_start3A_716, %dma_start3A_717] : memref<16x64xi32, #tpu.memory_space<vmem>> -> memref<1x64xi32, #tpu.memory_space<vmem>>
        %dma_start3A_719 = tpu.memref_squeeze %dma_start3A_718 : memref<1x64xi32, #tpu.memory_space<vmem>> -> memref<64xi32, #tpu.memory_space<vmem>>
        %dma_start3A_720 = arith.constant 0 : i32
        %dma_start3A_721 = arith.constant 0 : i32
        %dma_start3A_722 = tpu.memref_slice %arg19[%dma_start3A_720, %dma_start3A_721] : memref<10240x128xf32, #tpu.memory_space<vmem_shared>> -> memref<10240x128xf32, #tpu.memory_space<vmem_shared>>
        tpu.enqueue_indirect_dma source(%arg17 : memref<64x128xf32, #tpu.memory_space<vmem>>) target(%dma_start3A_722 : memref<10240x128xf32, #tpu.memory_space<vmem_shared>>) offsets(%dma_start3A_719 : memref<64xi32, #tpu.memory_space<vmem>>) semaphore(%arg27 : memref<!tpu.dma_semaphore, #tpu.memory_space<semaphore_mem>>) {add = true}
        %get3A_723 = arith.constant 11 : i32
        %get3A_724 = arith.index_cast %get3A_723 : i32 to index
        %get3A_725 = arith.constant 0 : index
        %get3A_726 = tpu.vector_load %arg13[%get3A_724, %get3A_725] {strides = array<i32>} : memref<16x64xi32, #tpu.memory_space<vmem>>, vector<16xi32>,
        tpu.vector_store_idx %arg18[%get3A_726], %broadcast_in_dim3A_33 {add = true} : memref<10240xf32, #tpu.memory_space<vmem>>[vector<16xi32>], vector<16xf32>,
        %get3A_727 = arith.constant 11 : i32
        %get3A_728 = arith.index_cast %get3A_727 : i32 to index
        %get3A_729 = arith.constant 16 : index
        %get3A_730 = tpu.vector_load %arg13[%get3A_728, %get3A_729] {strides = array<i32>} : memref<16x64xi32, #tpu.memory_space<vmem>>, vector<16xi32>,
        tpu.vector_store_idx %arg18[%get3A_730], %broadcast_in_dim3A_33 {add = true} : memref<10240xf32, #tpu.memory_space<vmem>>[vector<16xi32>], vector<16xf32>,
        %get3A_731 = arith.constant 11 : i32
        %get3A_732 = arith.index_cast %get3A_731 : i32 to index
        %get3A_733 = arith.constant 32 : index
        %get3A_734 = tpu.vector_load %arg13[%get3A_732, %get3A_733] {strides = array<i32>} : memref<16x64xi32, #tpu.memory_space<vmem>>, vector<16xi32>,
        tpu.vector_store_idx %arg18[%get3A_734], %broadcast_in_dim3A_33 {add = true} : memref<10240xf32, #tpu.memory_space<vmem>>[vector<16xi32>], vector<16xf32>,
        %get3A_735 = arith.constant 11 : i32
        %get3A_736 = arith.index_cast %get3A_735 : i32 to index
        %get3A_737 = arith.constant 48 : index
        %get3A_738 = tpu.vector_load %arg13[%get3A_736, %get3A_737] {strides = array<i32>} : memref<16x64xi32, #tpu.memory_space<vmem>>, vector<16xi32>,
        tpu.vector_store_idx %arg18[%get3A_738], %broadcast_in_dim3A_33 {add = true} : memref<10240xf32, #tpu.memory_space<vmem>>[vector<16xi32>], vector<16xf32>,
        %dma_wait3A_739 = arith.constant 12 : i32
        %dma_wait3A_740 = arith.constant 0 : i32
        %dma_wait3A_741 = tpu.memref_slice %arg12[%dma_wait3A_739, %dma_wait3A_740] : memref<16x64xi32, #tpu.memory_space<vmem>> -> memref<1x64xi32, #tpu.memory_space<vmem>>
        %dma_wait3A_742 = tpu.memref_squeeze %dma_wait3A_741 : memref<1x64xi32, #tpu.memory_space<vmem>> -> memref<64xi32, #tpu.memory_space<vmem>>
        %dma_wait3A_743 = arith.constant 0 : i32
        %dma_wait3A_744 = arith.constant 0 : i32
        %dma_wait3A_745 = tpu.memref_slice %arg6[%and3A_11, %dma_wait3A_743, %dma_wait3A_744] : memref<4x10000x128xf32, #tpu.memory_space<hbm>> -> memref<1x10000x128xf32, #tpu.memory_space<hbm>>
        %dma_wait3A_746 = tpu.memref_squeeze %dma_wait3A_745 : memref<1x10000x128xf32, #tpu.memory_space<hbm>> -> memref<10000x128xf32, #tpu.memory_space<hbm>>
        %dma_wait3A_747 = arith.constant 0 : i32
        %dma_wait3A_748 = arith.constant 0 : i32
        %dma_wait3A_749 = tpu.memref_slice %dma_wait3A_746[%dma_wait3A_747, %dma_wait3A_748] : memref<10000x128xf32, #tpu.memory_space<hbm>> -> memref<10000x128xf32, #tpu.memory_space<hbm>>
        tpu.wait_indirect_dma semaphore(%arg20 : memref<!tpu.dma_semaphore, #tpu.memory_space<semaphore_mem>>) src(%dma_wait3A_749 : memref<10000x128xf32, #tpu.memory_space<hbm>>) dst(%arg14 : memref<64x128xf32, #tpu.memory_space<vmem>>)
        %dma_wait3A_750 = arith.constant 11 : i32
        %dma_wait3A_751 = arith.constant 0 : i32
        %dma_wait3A_752 = tpu.memref_slice %arg13[%dma_wait3A_750, %dma_wait3A_751] : memref<16x64xi32, #tpu.memory_space<vmem>> -> memref<1x64xi32, #tpu.memory_space<vmem>>
        %dma_wait3A_753 = tpu.memref_squeeze %dma_wait3A_752 : memref<1x64xi32, #tpu.memory_space<vmem>> -> memref<64xi32, #tpu.memory_space<vmem>>
        %dma_wait3A_754 = arith.constant 0 : i32
        %dma_wait3A_755 = arith.constant 0 : i32
        %dma_wait3A_756 = tpu.memref_slice %arg19[%dma_wait3A_754, %dma_wait3A_755] : memref<10240x128xf32, #tpu.memory_space<vmem_shared>> -> memref<10240x128xf32, #tpu.memory_space<vmem_shared>>
        tpu.wait_indirect_dma semaphore(%arg27 : memref<!tpu.dma_semaphore, #tpu.memory_space<semaphore_mem>>) src(%arg17 : memref<64x128xf32, #tpu.memory_space<vmem>>) dst(%dma_wait3A_756 : memref<10240x128xf32, #tpu.memory_space<vmem_shared>>)
        %dma_start3A_757 = arith.constant 15 : i32
        %dma_start3A_758 = arith.constant 0 : i32
        %dma_start3A_759 = tpu.memref_slice %arg12[%dma_start3A_757, %dma_start3A_758] : memref<16x64xi32, #tpu.memory_space<vmem>> -> memref<1x64xi32, #tpu.memory_space<vmem>>
        %dma_start3A_760 = tpu.memref_squeeze %dma_start3A_759 : memref<1x64xi32, #tpu.memory_space<vmem>> -> memref<64xi32, #tpu.memory_space<vmem>>
        %dma_start3A_761 = arith.constant 0 : i32
        %dma_start3A_762 = arith.constant 0 : i32
        %dma_start3A_763 = tpu.memref_slice %arg6[%and3A_11, %dma_start3A_761, %dma_start3A_762] : memref<4x10000x128xf32, #tpu.memory_space<hbm>> -> memref<1x10000x128xf32, #tpu.memory_space<hbm>>
        %dma_start3A_764 = tpu.memref_squeeze %dma_start3A_763 : memref<1x10000x128xf32, #tpu.memory_space<hbm>> -> memref<10000x128xf32, #tpu.memory_space<hbm>>
        %dma_start3A_765 = arith.constant 0 : i32
        %dma_start3A_766 = arith.constant 0 : i32
        %dma_start3A_767 = tpu.memref_slice %dma_start3A_764[%dma_start3A_765, %dma_start3A_766] : memref<10000x128xf32, #tpu.memory_space<hbm>> -> memref<10000x128xf32, #tpu.memory_space<hbm>>
        tpu.enqueue_indirect_dma source(%dma_start3A_767 : memref<10000x128xf32, #tpu.memory_space<hbm>>) target(%arg17 : memref<64x128xf32, #tpu.memory_space<vmem>>) offsets(%dma_start3A_760 : memref<64xi32, #tpu.memory_space<vmem>>) semaphore(%arg23 : memref<!tpu.dma_semaphore, #tpu.memory_space<semaphore_mem>>)
        %dma_start3A_768 = arith.constant 12 : i32
        %dma_start3A_769 = arith.constant 0 : i32
        %dma_start3A_770 = tpu.memref_slice %arg13[%dma_start3A_768, %dma_start3A_769] : memref<16x64xi32, #tpu.memory_space<vmem>> -> memref<1x64xi32, #tpu.memory_space<vmem>>
        %dma_start3A_771 = tpu.memref_squeeze %dma_start3A_770 : memref<1x64xi32, #tpu.memory_space<vmem>> -> memref<64xi32, #tpu.memory_space<vmem>>
        %dma_start3A_772 = arith.constant 0 : i32
        %dma_start3A_773 = arith.constant 0 : i32
        %dma_start3A_774 = tpu.memref_slice %arg19[%dma_start3A_772, %dma_start3A_773] : memref<10240x128xf32, #tpu.memory_space<vmem_shared>> -> memref<10240x128xf32, #tpu.memory_space<vmem_shared>>
        tpu.enqueue_indirect_dma source(%arg14 : memref<64x128xf32, #tpu.memory_space<vmem>>) target(%dma_start3A_774 : memref<10240x128xf32, #tpu.memory_space<vmem_shared>>) offsets(%dma_start3A_771 : memref<64xi32, #tpu.memory_space<vmem>>) semaphore(%arg24 : memref<!tpu.dma_semaphore, #tpu.memory_space<semaphore_mem>>) {add = true}
        %get3A_775 = arith.constant 12 : i32
        %get3A_776 = arith.index_cast %get3A_775 : i32 to index
        %get3A_777 = arith.constant 0 : index
        %get3A_778 = tpu.vector_load %arg13[%get3A_776, %get3A_777] {strides = array<i32>} : memref<16x64xi32, #tpu.memory_space<vmem>>, vector<16xi32>,
        tpu.vector_store_idx %arg18[%get3A_778], %broadcast_in_dim3A_33 {add = true} : memref<10240xf32, #tpu.memory_space<vmem>>[vector<16xi32>], vector<16xf32>,
        %get3A_779 = arith.constant 12 : i32
        %get3A_780 = arith.index_cast %get3A_779 : i32 to index
        %get3A_781 = arith.constant 16 : index
        %get3A_782 = tpu.vector_load %arg13[%get3A_780, %get3A_781] {strides = array<i32>} : memref<16x64xi32, #tpu.memory_space<vmem>>, vector<16xi32>,
        tpu.vector_store_idx %arg18[%get3A_782], %broadcast_in_dim3A_33 {add = true} : memref<10240xf32, #tpu.memory_space<vmem>>[vector<16xi32>], vector<16xf32>,
        %get3A_783 = arith.constant 12 : i32
        %get3A_784 = arith.index_cast %get3A_783 : i32 to index
        %get3A_785 = arith.constant 32 : index
        %get3A_786 = tpu.vector_load %arg13[%get3A_784, %get3A_785] {strides = array<i32>} : memref<16x64xi32, #tpu.memory_space<vmem>>, vector<16xi32>,
        tpu.vector_store_idx %arg18[%get3A_786], %broadcast_in_dim3A_33 {add = true} : memref<10240xf32, #tpu.memory_space<vmem>>[vector<16xi32>], vector<16xf32>,
        %get3A_787 = arith.constant 12 : i32
        %get3A_788 = arith.index_cast %get3A_787 : i32 to index
        %get3A_789 = arith.constant 48 : index
        %get3A_790 = tpu.vector_load %arg13[%get3A_788, %get3A_789] {strides = array<i32>} : memref<16x64xi32, #tpu.memory_space<vmem>>, vector<16xi32>,
        tpu.vector_store_idx %arg18[%get3A_790], %broadcast_in_dim3A_33 {add = true} : memref<10240xf32, #tpu.memory_space<vmem>>[vector<16xi32>], vector<16xf32>,
        %dma_wait3A_791 = arith.constant 13 : i32
        %dma_wait3A_792 = arith.constant 0 : i32
        %dma_wait3A_793 = tpu.memref_slice %arg12[%dma_wait3A_791, %dma_wait3A_792] : memref<16x64xi32, #tpu.memory_space<vmem>> -> memref<1x64xi32, #tpu.memory_space<vmem>>
        %dma_wait3A_794 = tpu.memref_squeeze %dma_wait3A_793 : memref<1x64xi32, #tpu.memory_space<vmem>> -> memref<64xi32, #tpu.memory_space<vmem>>
        %dma_wait3A_795 = arith.constant 0 : i32
        %dma_wait3A_796 = arith.constant 0 : i32
        %dma_wait3A_797 = tpu.memref_slice %arg6[%and3A_11, %dma_wait3A_795, %dma_wait3A_796] : memref<4x10000x128xf32, #tpu.memory_space<hbm>> -> memref<1x10000x128xf32, #tpu.memory_space<hbm>>
        %dma_wait3A_798 = tpu.memref_squeeze %dma_wait3A_797 : memref<1x10000x128xf32, #tpu.memory_space<hbm>> -> memref<10000x128xf32, #tpu.memory_space<hbm>>
        %dma_wait3A_799 = arith.constant 0 : i32
        %dma_wait3A_800 = arith.constant 0 : i32
        %dma_wait3A_801 = tpu.memref_slice %dma_wait3A_798[%dma_wait3A_799, %dma_wait3A_800] : memref<10000x128xf32, #tpu.memory_space<hbm>> -> memref<10000x128xf32, #tpu.memory_space<hbm>>
        tpu.wait_indirect_dma semaphore(%arg21 : memref<!tpu.dma_semaphore, #tpu.memory_space<semaphore_mem>>) src(%dma_wait3A_801 : memref<10000x128xf32, #tpu.memory_space<hbm>>) dst(%arg15 : memref<64x128xf32, #tpu.memory_space<vmem>>)
        %dma_start3A_802 = arith.constant 13 : i32
        %dma_start3A_803 = arith.constant 0 : i32
        %dma_start3A_804 = tpu.memref_slice %arg13[%dma_start3A_802, %dma_start3A_803] : memref<16x64xi32, #tpu.memory_space<vmem>> -> memref<1x64xi32, #tpu.memory_space<vmem>>
        %dma_start3A_805 = tpu.memref_squeeze %dma_start3A_804 : memref<1x64xi32, #tpu.memory_space<vmem>> -> memref<64xi32, #tpu.memory_space<vmem>>
        %dma_start3A_806 = arith.constant 0 : i32
        %dma_start3A_807 = arith.constant 0 : i32
        %dma_start3A_808 = tpu.memref_slice %arg19[%dma_start3A_806, %dma_start3A_807] : memref<10240x128xf32, #tpu.memory_space<vmem_shared>> -> memref<10240x128xf32, #tpu.memory_space<vmem_shared>>
        tpu.enqueue_indirect_dma source(%arg15 : memref<64x128xf32, #tpu.memory_space<vmem>>) target(%dma_start3A_808 : memref<10240x128xf32, #tpu.memory_space<vmem_shared>>) offsets(%dma_start3A_805 : memref<64xi32, #tpu.memory_space<vmem>>) semaphore(%arg25 : memref<!tpu.dma_semaphore, #tpu.memory_space<semaphore_mem>>) {add = true}
        %get3A_809 = arith.constant 13 : i32
        %get3A_810 = arith.index_cast %get3A_809 : i32 to index
        %get3A_811 = arith.constant 0 : index
        %get3A_812 = tpu.vector_load %arg13[%get3A_810, %get3A_811] {strides = array<i32>} : memref<16x64xi32, #tpu.memory_space<vmem>>, vector<16xi32>,
        tpu.vector_store_idx %arg18[%get3A_812], %broadcast_in_dim3A_33 {add = true} : memref<10240xf32, #tpu.memory_space<vmem>>[vector<16xi32>], vector<16xf32>,
        %get3A_813 = arith.constant 13 : i32
        %get3A_814 = arith.index_cast %get3A_813 : i32 to index
        %get3A_815 = arith.constant 16 : index
        %get3A_816 = tpu.vector_load %arg13[%get3A_814, %get3A_815] {strides = array<i32>} : memref<16x64xi32, #tpu.memory_space<vmem>>, vector<16xi32>,
        tpu.vector_store_idx %arg18[%get3A_816], %broadcast_in_dim3A_33 {add = true} : memref<10240xf32, #tpu.memory_space<vmem>>[vector<16xi32>], vector<16xf32>,
        %get3A_817 = arith.constant 13 : i32
        %get3A_818 = arith.index_cast %get3A_817 : i32 to index
        %get3A_819 = arith.constant 32 : index
        %get3A_820 = tpu.vector_load %arg13[%get3A_818, %get3A_819] {strides = array<i32>} : memref<16x64xi32, #tpu.memory_space<vmem>>, vector<16xi32>,
        tpu.vector_store_idx %arg18[%get3A_820], %broadcast_in_dim3A_33 {add = true} : memref<10240xf32, #tpu.memory_space<vmem>>[vector<16xi32>], vector<16xf32>,
        %get3A_821 = arith.constant 13 : i32
        %get3A_822 = arith.index_cast %get3A_821 : i32 to index
        %get3A_823 = arith.constant 48 : index
        %get3A_824 = tpu.vector_load %arg13[%get3A_822, %get3A_823] {strides = array<i32>} : memref<16x64xi32, #tpu.memory_space<vmem>>, vector<16xi32>,
        tpu.vector_store_idx %arg18[%get3A_824], %broadcast_in_dim3A_33 {add = true} : memref<10240xf32, #tpu.memory_space<vmem>>[vector<16xi32>], vector<16xf32>,
        %dma_wait3A_825 = arith.constant 14 : i32
        %dma_wait3A_826 = arith.constant 0 : i32
        %dma_wait3A_827 = tpu.memref_slice %arg12[%dma_wait3A_825, %dma_wait3A_826] : memref<16x64xi32, #tpu.memory_space<vmem>> -> memref<1x64xi32, #tpu.memory_space<vmem>>
        %dma_wait3A_828 = tpu.memref_squeeze %dma_wait3A_827 : memref<1x64xi32, #tpu.memory_space<vmem>> -> memref<64xi32, #tpu.memory_space<vmem>>
        %dma_wait3A_829 = arith.constant 0 : i32
        %dma_wait3A_830 = arith.constant 0 : i32
        %dma_wait3A_831 = tpu.memref_slice %arg6[%and3A_11, %dma_wait3A_829, %dma_wait3A_830] : memref<4x10000x128xf32, #tpu.memory_space<hbm>> -> memref<1x10000x128xf32, #tpu.memory_space<hbm>>
        %dma_wait3A_832 = tpu.memref_squeeze %dma_wait3A_831 : memref<1x10000x128xf32, #tpu.memory_space<hbm>> -> memref<10000x128xf32, #tpu.memory_space<hbm>>
        %dma_wait3A_833 = arith.constant 0 : i32
        %dma_wait3A_834 = arith.constant 0 : i32
        %dma_wait3A_835 = tpu.memref_slice %dma_wait3A_832[%dma_wait3A_833, %dma_wait3A_834] : memref<10000x128xf32, #tpu.memory_space<hbm>> -> memref<10000x128xf32, #tpu.memory_space<hbm>>
        tpu.wait_indirect_dma semaphore(%arg22 : memref<!tpu.dma_semaphore, #tpu.memory_space<semaphore_mem>>) src(%dma_wait3A_835 : memref<10000x128xf32, #tpu.memory_space<hbm>>) dst(%arg16 : memref<64x128xf32, #tpu.memory_space<vmem>>)
        %dma_start3A_836 = arith.constant 14 : i32
        %dma_start3A_837 = arith.constant 0 : i32
        %dma_start3A_838 = tpu.memref_slice %arg13[%dma_start3A_836, %dma_start3A_837] : memref<16x64xi32, #tpu.memory_space<vmem>> -> memref<1x64xi32, #tpu.memory_space<vmem>>
        %dma_start3A_839 = tpu.memref_squeeze %dma_start3A_838 : memref<1x64xi32, #tpu.memory_space<vmem>> -> memref<64xi32, #tpu.memory_space<vmem>>
        %dma_start3A_840 = arith.constant 0 : i32
        %dma_start3A_841 = arith.constant 0 : i32
        %dma_start3A_842 = tpu.memref_slice %arg19[%dma_start3A_840, %dma_start3A_841] : memref<10240x128xf32, #tpu.memory_space<vmem_shared>> -> memref<10240x128xf32, #tpu.memory_space<vmem_shared>>
        tpu.enqueue_indirect_dma source(%arg16 : memref<64x128xf32, #tpu.memory_space<vmem>>) target(%dma_start3A_842 : memref<10240x128xf32, #tpu.memory_space<vmem_shared>>) offsets(%dma_start3A_839 : memref<64xi32, #tpu.memory_space<vmem>>) semaphore(%arg26 : memref<!tpu.dma_semaphore, #tpu.memory_space<semaphore_mem>>) {add = true}
        %get3A_843 = arith.constant 14 : i32
        %get3A_844 = arith.index_cast %get3A_843 : i32 to index
        %get3A_845 = arith.constant 0 : index
        %get3A_846 = tpu.vector_load %arg13[%get3A_844, %get3A_845] {strides = array<i32>} : memref<16x64xi32, #tpu.memory_space<vmem>>, vector<16xi32>,
        tpu.vector_store_idx %arg18[%get3A_846], %broadcast_in_dim3A_33 {add = true} : memref<10240xf32, #tpu.memory_space<vmem>>[vector<16xi32>], vector<16xf32>,
        %get3A_847 = arith.constant 14 : i32
        %get3A_848 = arith.index_cast %get3A_847 : i32 to index
        %get3A_849 = arith.constant 16 : index
        %get3A_850 = tpu.vector_load %arg13[%get3A_848, %get3A_849] {strides = array<i32>} : memref<16x64xi32, #tpu.memory_space<vmem>>, vector<16xi32>,
        tpu.vector_store_idx %arg18[%get3A_850], %broadcast_in_dim3A_33 {add = true} : memref<10240xf32, #tpu.memory_space<vmem>>[vector<16xi32>], vector<16xf32>,
        %get3A_851 = arith.constant 14 : i32
        %get3A_852 = arith.index_cast %get3A_851 : i32 to index
        %get3A_853 = arith.constant 32 : index
        %get3A_854 = tpu.vector_load %arg13[%get3A_852, %get3A_853] {strides = array<i32>} : memref<16x64xi32, #tpu.memory_space<vmem>>, vector<16xi32>,
        tpu.vector_store_idx %arg18[%get3A_854], %broadcast_in_dim3A_33 {add = true} : memref<10240xf32, #tpu.memory_space<vmem>>[vector<16xi32>], vector<16xf32>,
        %get3A_855 = arith.constant 14 : i32
        %get3A_856 = arith.index_cast %get3A_855 : i32 to index
        %get3A_857 = arith.constant 48 : index
        %get3A_858 = tpu.vector_load %arg13[%get3A_856, %get3A_857] {strides = array<i32>} : memref<16x64xi32, #tpu.memory_space<vmem>>, vector<16xi32>,
        tpu.vector_store_idx %arg18[%get3A_858], %broadcast_in_dim3A_33 {add = true} : memref<10240xf32, #tpu.memory_space<vmem>>[vector<16xi32>], vector<16xf32>,
        %dma_wait3A_859 = arith.constant 15 : i32
        %dma_wait3A_860 = arith.constant 0 : i32
        %dma_wait3A_861 = tpu.memref_slice %arg12[%dma_wait3A_859, %dma_wait3A_860] : memref<16x64xi32, #tpu.memory_space<vmem>> -> memref<1x64xi32, #tpu.memory_space<vmem>>
        %dma_wait3A_862 = tpu.memref_squeeze %dma_wait3A_861 : memref<1x64xi32, #tpu.memory_space<vmem>> -> memref<64xi32, #tpu.memory_space<vmem>>
        %dma_wait3A_863 = arith.constant 0 : i32
        %dma_wait3A_864 = arith.constant 0 : i32
        %dma_wait3A_865 = tpu.memref_slice %arg6[%and3A_11, %dma_wait3A_863, %dma_wait3A_864] : memref<4x10000x128xf32, #tpu.memory_space<hbm>> -> memref<1x10000x128xf32, #tpu.memory_space<hbm>>
        %dma_wait3A_866 = tpu.memref_squeeze %dma_wait3A_865 : memref<1x10000x128xf32, #tpu.memory_space<hbm>> -> memref<10000x128xf32, #tpu.memory_space<hbm>>
        %dma_wait3A_867 = arith.constant 0 : i32
        %dma_wait3A_868 = arith.constant 0 : i32
        %dma_wait3A_869 = tpu.memref_slice %dma_wait3A_866[%dma_wait3A_867, %dma_wait3A_868] : memref<10000x128xf32, #tpu.memory_space<hbm>> -> memref<10000x128xf32, #tpu.memory_space<hbm>>
        tpu.wait_indirect_dma semaphore(%arg23 : memref<!tpu.dma_semaphore, #tpu.memory_space<semaphore_mem>>) src(%dma_wait3A_869 : memref<10000x128xf32, #tpu.memory_space<hbm>>) dst(%arg17 : memref<64x128xf32, #tpu.memory_space<vmem>>)
        %dma_start3A_870 = arith.constant 15 : i32
        %dma_start3A_871 = arith.constant 0 : i32
        %dma_start3A_872 = tpu.memref_slice %arg13[%dma_start3A_870, %dma_start3A_871] : memref<16x64xi32, #tpu.memory_space<vmem>> -> memref<1x64xi32, #tpu.memory_space<vmem>>
        %dma_start3A_873 = tpu.memref_squeeze %dma_start3A_872 : memref<1x64xi32, #tpu.memory_space<vmem>> -> memref<64xi32, #tpu.memory_space<vmem>>
        %dma_start3A_874 = arith.constant 0 : i32
        %dma_start3A_875 = arith.constant 0 : i32
        %dma_start3A_876 = tpu.memref_slice %arg19[%dma_start3A_874, %dma_start3A_875] : memref<10240x128xf32, #tpu.memory_space<vmem_shared>> -> memref<10240x128xf32, #tpu.memory_space<vmem_shared>>
        tpu.enqueue_indirect_dma source(%arg17 : memref<64x128xf32, #tpu.memory_space<vmem>>) target(%dma_start3A_876 : memref<10240x128xf32, #tpu.memory_space<vmem_shared>>) offsets(%dma_start3A_873 : memref<64xi32, #tpu.memory_space<vmem>>) semaphore(%arg27 : memref<!tpu.dma_semaphore, #tpu.memory_space<semaphore_mem>>) {add = true}
        %get3A_877 = arith.constant 15 : i32
        %get3A_878 = arith.index_cast %get3A_877 : i32 to index
        %get3A_879 = arith.constant 0 : index
        %get3A_880 = tpu.vector_load %arg13[%get3A_878, %get3A_879] {strides = array<i32>} : memref<16x64xi32, #tpu.memory_space<vmem>>, vector<16xi32>,
        tpu.vector_store_idx %arg18[%get3A_880], %broadcast_in_dim3A_33 {add = true} : memref<10240xf32, #tpu.memory_space<vmem>>[vector<16xi32>], vector<16xf32>,
        %get3A_881 = arith.constant 15 : i32
        %get3A_882 = arith.index_cast %get3A_881 : i32 to index
        %get3A_883 = arith.constant 16 : index
        %get3A_884 = tpu.vector_load %arg13[%get3A_882, %get3A_883] {strides = array<i32>} : memref<16x64xi32, #tpu.memory_space<vmem>>, vector<16xi32>,
        tpu.vector_store_idx %arg18[%get3A_884], %broadcast_in_dim3A_33 {add = true} : memref<10240xf32, #tpu.memory_space<vmem>>[vector<16xi32>], vector<16xf32>,
        %get3A_885 = arith.constant 15 : i32
        %get3A_886 = arith.index_cast %get3A_885 : i32 to index
        %get3A_887 = arith.constant 32 : index
        %get3A_888 = tpu.vector_load %arg13[%get3A_886, %get3A_887] {strides = array<i32>} : memref<16x64xi32, #tpu.memory_space<vmem>>, vector<16xi32>,
        tpu.vector_store_idx %arg18[%get3A_888], %broadcast_in_dim3A_33 {add = true} : memref<10240xf32, #tpu.memory_space<vmem>>[vector<16xi32>], vector<16xf32>,
        %get3A_889 = arith.constant 15 : i32
        %get3A_890 = arith.index_cast %get3A_889 : i32 to index
        %get3A_891 = arith.constant 48 : index
        %get3A_892 = tpu.vector_load %arg13[%get3A_890, %get3A_891] {strides = array<i32>} : memref<16x64xi32, #tpu.memory_space<vmem>>, vector<16xi32>,
        tpu.vector_store_idx %arg18[%get3A_892], %broadcast_in_dim3A_33 {add = true} : memref<10240xf32, #tpu.memory_space<vmem>>[vector<16xi32>], vector<16xf32>,
      }
      %scan3A_39 = arith.constant 20 : i32
      %dma_wait3A = arith.constant 0 : i32
      %dma_wait3A_40 = arith.constant 0 : i32
      %dma_wait3A_41 = tpu.memref_slice %arg13[%dma_wait3A, %dma_wait3A_40] : memref<16x64xi32, #tpu.memory_space<vmem>> -> memref<1x64xi32, #tpu.memory_space<vmem>>
      %dma_wait3A_42 = tpu.memref_squeeze %dma_wait3A_41 : memref<1x64xi32, #tpu.memory_space<vmem>> -> memref<64xi32, #tpu.memory_space<vmem>>
      %dma_wait3A_43 = arith.constant 0 : i32
      %dma_wait3A_44 = arith.constant 0 : i32
      %dma_wait3A_45 = tpu.memref_slice %arg19[%dma_wait3A_43, %dma_wait3A_44] : memref<10240x128xf32, #tpu.memory_space<vmem_shared>> -> memref<10240x128xf32, #tpu.memory_space<vmem_shared>>
      tpu.wait_indirect_dma semaphore(%arg24 : memref<!tpu.dma_semaphore, #tpu.memory_space<semaphore_mem>>) src(%arg14 : memref<64x128xf32, #tpu.memory_space<vmem>>) dst(%dma_wait3A_45 : memref<10240x128xf32, #tpu.memory_space<vmem_shared>>)
      %dma_wait3A_46 = arith.constant 0 : i32
      %dma_wait3A_47 = arith.constant 0 : i32
      %dma_wait3A_48 = tpu.memref_slice %arg13[%dma_wait3A_46, %dma_wait3A_47] : memref<16x64xi32, #tpu.memory_space<vmem>> -> memref<1x64xi32, #tpu.memory_space<vmem>>
      %dma_wait3A_49 = tpu.memref_squeeze %dma_wait3A_48 : memref<1x64xi32, #tpu.memory_space<vmem>> -> memref<64xi32, #tpu.memory_space<vmem>>
      %dma_wait3A_50 = arith.constant 0 : i32
      %dma_wait3A_51 = arith.constant 0 : i32
      %dma_wait3A_52 = tpu.memref_slice %arg19[%dma_wait3A_50, %dma_wait3A_51] : memref<10240x128xf32, #tpu.memory_space<vmem_shared>> -> memref<10240x128xf32, #tpu.memory_space<vmem_shared>>
      tpu.wait_indirect_dma semaphore(%arg25 : memref<!tpu.dma_semaphore, #tpu.memory_space<semaphore_mem>>) src(%arg15 : memref<64x128xf32, #tpu.memory_space<vmem>>) dst(%dma_wait3A_52 : memref<10240x128xf32, #tpu.memory_space<vmem_shared>>)
      %dma_wait3A_53 = arith.constant 0 : i32
      %dma_wait3A_54 = arith.constant 0 : i32
      %dma_wait3A_55 = tpu.memref_slice %arg13[%dma_wait3A_53, %dma_wait3A_54] : memref<16x64xi32, #tpu.memory_space<vmem>> -> memref<1x64xi32, #tpu.memory_space<vmem>>
      %dma_wait3A_56 = tpu.memref_squeeze %dma_wait3A_55 : memref<1x64xi32, #tpu.memory_space<vmem>> -> memref<64xi32, #tpu.memory_space<vmem>>
      %dma_wait3A_57 = arith.constant 0 : i32
      %dma_wait3A_58 = arith.constant 0 : i32
      %dma_wait3A_59 = tpu.memref_slice %arg19[%dma_wait3A_57, %dma_wait3A_58] : memref<10240x128xf32, #tpu.memory_space<vmem_shared>> -> memref<10240x128xf32, #tpu.memory_space<vmem_shared>>
      tpu.wait_indirect_dma semaphore(%arg26 : memref<!tpu.dma_semaphore, #tpu.memory_space<semaphore_mem>>) src(%arg16 : memref<64x128xf32, #tpu.memory_space<vmem>>) dst(%dma_wait3A_59 : memref<10240x128xf32, #tpu.memory_space<vmem_shared>>)
      %dma_wait3A_60 = arith.constant 0 : i32
      %dma_wait3A_61 = arith.constant 0 : i32
      %dma_wait3A_62 = tpu.memref_slice %arg13[%dma_wait3A_60, %dma_wait3A_61] : memref<16x64xi32, #tpu.memory_space<vmem>> -> memref<1x64xi32, #tpu.memory_space<vmem>>
      %dma_wait3A_63 = tpu.memref_squeeze %dma_wait3A_62 : memref<1x64xi32, #tpu.memory_space<vmem>> -> memref<64xi32, #tpu.memory_space<vmem>>
      %dma_wait3A_64 = arith.constant 0 : i32
      %dma_wait3A_65 = arith.constant 0 : i32
      %dma_wait3A_66 = tpu.memref_slice %arg19[%dma_wait3A_64, %dma_wait3A_65] : memref<10240x128xf32, #tpu.memory_space<vmem_shared>> -> memref<10240x128xf32, #tpu.memory_space<vmem_shared>>
      tpu.wait_indirect_dma semaphore(%arg27 : memref<!tpu.dma_semaphore, #tpu.memory_space<semaphore_mem>>) src(%arg17 : memref<64x128xf32, #tpu.memory_space<vmem>>) dst(%dma_wait3A_66 : memref<10240x128xf32, #tpu.memory_space<vmem_shared>>)
    } else {
    }
    %eq3A_14 = arith.constant 1 : i32
    %eq3A_15 = arith.cmpi eq, %arg0, %eq3A_14 : i32
    %convert_element_type3A_16 = arith.extui %eq3A_15 : i1 to i32
    %cond3A_17 = arith.constant 0 : i32
    %cond3A_18 = arith.cmpi ne, %convert_element_type3A_16, %cond3A_17 : i32
    scf.if %cond3A_18 {
      %broadcast_in_dim3A_32 = arith.constant 1.000000e+00 : f32
      %broadcast_in_dim3A_33 = vector.broadcast %broadcast_in_dim3A_32 : f32 to vector<16xf32>
      %scan3A_34 = arith.constant 0 : i32
      %scan3A_35 = arith.constant 0 : i32
      %scan3A_36 = arith.constant 20 : i32
      %scan3A_37 = arith.addi %scan3A_35, %scan3A_36 : i32
      %scan3A_38 = arith.constant 1 : i32
      scf.for %scan3A_67 = %scan3A_35 to %scan3A_37 step %scan3A_38  : i32 {
        %mul3A_68 = arith.constant 16 : i32
        %mul3A_69 = arith.muli %scan3A_67, %mul3A_68 : i32
        "tpu.region"() ({
          %run_scoped3A = tpu.sem_alloc : memref<!tpu.dma_semaphore, #tpu.memory_space<semaphore_mem>>
          %dma_start3A_893 = arith.constant 0 : i32
          %dma_start3A_894 = tpu.memref_slice %arg4[%arg1, %mul3A_69, %dma_start3A_893] : memref<16x320x64xi32, #tpu.memory_space<hbm>> -> memref<1x16x64xi32, #tpu.memory_space<hbm>>
          %dma_start3A_895 = tpu.memref_squeeze %dma_start3A_894 : memref<1x16x64xi32, #tpu.memory_space<hbm>> -> memref<16x64xi32, #tpu.memory_space<hbm>>
          %dma_start3A_896 = arith.constant 0 : i32
          %dma_start3A_897 = tpu.memref_slice %arg4[%arg1, %mul3A_69, %dma_start3A_896] : memref<16x320x64xi32, #tpu.memory_space<hbm>> -> memref<1x16x64xi32, #tpu.memory_space<hbm>>
          %dma_start3A_898 = tpu.memref_squeeze %dma_start3A_897 : memref<1x16x64xi32, #tpu.memory_space<hbm>> -> memref<16x64xi32, #tpu.memory_space<hbm>>
          tpu.enqueue_dma source(%dma_start3A_898 : memref<16x64xi32, #tpu.memory_space<hbm>>) target(%arg12 : memref<16x64xi32, #tpu.memory_space<vmem>>) target_semaphore(%run_scoped3A : memref<!tpu.dma_semaphore, #tpu.memory_space<semaphore_mem>>)
          %dma_wait3A_899 = arith.constant 0 : i32
          %dma_wait3A_900 = tpu.memref_slice %arg4[%arg1, %mul3A_69, %dma_wait3A_899] : memref<16x320x64xi32, #tpu.memory_space<hbm>> -> memref<1x16x64xi32, #tpu.memory_space<hbm>>
          %dma_wait3A_901 = tpu.memref_squeeze %dma_wait3A_900 : memref<1x16x64xi32, #tpu.memory_space<hbm>> -> memref<16x64xi32, #tpu.memory_space<hbm>>
          %dma_wait3A_902 = arith.constant 0 : i32
          %dma_wait3A_903 = tpu.memref_slice %arg4[%arg1, %mul3A_69, %dma_wait3A_902] : memref<16x320x64xi32, #tpu.memory_space<hbm>> -> memref<1x16x64xi32, #tpu.memory_space<hbm>>
          %dma_wait3A_904 = tpu.memref_squeeze %dma_wait3A_903 : memref<1x16x64xi32, #tpu.memory_space<hbm>> -> memref<16x64xi32, #tpu.memory_space<hbm>>
          tpu.wait_dma2 semaphore(%run_scoped3A : memref<!tpu.dma_semaphore, #tpu.memory_space<semaphore_mem>>) src(%dma_wait3A_904 : memref<16x64xi32, #tpu.memory_space<hbm>>) dst(%arg12 : memref<16x64xi32, #tpu.memory_space<vmem>>)
          tpu.yield
        }) : () -> ()
        %mul3A_70 = arith.constant 16 : i32
        %mul3A_71 = arith.muli %scan3A_67, %mul3A_70 : i32
        "tpu.region"() ({
          %run_scoped3A = tpu.sem_alloc : memref<!tpu.dma_semaphore, #tpu.memory_space<semaphore_mem>>
          %dma_start3A_893 = arith.constant 0 : i32
          %dma_start3A_894 = tpu.memref_slice %arg5[%arg1, %mul3A_71, %dma_start3A_893] : memref<16x320x64xi32, #tpu.memory_space<hbm>> -> memref<1x16x64xi32, #tpu.memory_space<hbm>>
          %dma_start3A_895 = tpu.memref_squeeze %dma_start3A_894 : memref<1x16x64xi32, #tpu.memory_space<hbm>> -> memref<16x64xi32, #tpu.memory_space<hbm>>
          %dma_start3A_896 = arith.constant 0 : i32
          %dma_start3A_897 = tpu.memref_slice %arg5[%arg1, %mul3A_71, %dma_start3A_896] : memref<16x320x64xi32, #tpu.memory_space<hbm>> -> memref<1x16x64xi32, #tpu.memory_space<hbm>>
          %dma_start3A_898 = tpu.memref_squeeze %dma_start3A_897 : memref<1x16x64xi32, #tpu.memory_space<hbm>> -> memref<16x64xi32, #tpu.memory_space<hbm>>
          tpu.enqueue_dma source(%dma_start3A_898 : memref<16x64xi32, #tpu.memory_space<hbm>>) target(%arg13 : memref<16x64xi32, #tpu.memory_space<vmem>>) target_semaphore(%run_scoped3A : memref<!tpu.dma_semaphore, #tpu.memory_space<semaphore_mem>>)
          %dma_wait3A_899 = arith.constant 0 : i32
          %dma_wait3A_900 = tpu.memref_slice %arg5[%arg1, %mul3A_71, %dma_wait3A_899] : memref<16x320x64xi32, #tpu.memory_space<hbm>> -> memref<1x16x64xi32, #tpu.memory_space<hbm>>
          %dma_wait3A_901 = tpu.memref_squeeze %dma_wait3A_900 : memref<1x16x64xi32, #tpu.memory_space<hbm>> -> memref<16x64xi32, #tpu.memory_space<hbm>>
          %dma_wait3A_902 = arith.constant 0 : i32
          %dma_wait3A_903 = tpu.memref_slice %arg5[%arg1, %mul3A_71, %dma_wait3A_902] : memref<16x320x64xi32, #tpu.memory_space<hbm>> -> memref<1x16x64xi32, #tpu.memory_space<hbm>>
          %dma_wait3A_904 = tpu.memref_squeeze %dma_wait3A_903 : memref<1x16x64xi32, #tpu.memory_space<hbm>> -> memref<16x64xi32, #tpu.memory_space<hbm>>
          tpu.wait_dma2 semaphore(%run_scoped3A : memref<!tpu.dma_semaphore, #tpu.memory_space<semaphore_mem>>) src(%dma_wait3A_904 : memref<16x64xi32, #tpu.memory_space<hbm>>) dst(%arg13 : memref<16x64xi32, #tpu.memory_space<vmem>>)
          tpu.yield
        }) : () -> ()
        %gt3A = arith.constant 0 : i32
        %gt3A_72 = arith.cmpi sgt, %scan3A_67, %gt3A : i32
        %convert_element_type3A_73 = arith.extui %gt3A_72 : i1 to i32
        %cond3A_74 = arith.constant 0 : i32
        %cond3A_75 = arith.cmpi ne, %convert_element_type3A_73, %cond3A_74 : i32
        scf.if %cond3A_75 {
          %dma_wait3A_893 = arith.constant 0 : i32
          %dma_wait3A_894 = arith.constant 0 : i32
          %dma_wait3A_895 = tpu.memref_slice %arg13[%dma_wait3A_893, %dma_wait3A_894] : memref<16x64xi32, #tpu.memory_space<vmem>> -> memref<1x64xi32, #tpu.memory_space<vmem>>
          %dma_wait3A_896 = tpu.memref_squeeze %dma_wait3A_895 : memref<1x64xi32, #tpu.memory_space<vmem>> -> memref<64xi32, #tpu.memory_space<vmem>>
          %dma_wait3A_897 = arith.constant 0 : i32
          %dma_wait3A_898 = arith.constant 0 : i32
          %dma_wait3A_899 = tpu.memref_slice %arg19[%dma_wait3A_897, %dma_wait3A_898] : memref<10240x128xf32, #tpu.memory_space<vmem_shared>> -> memref<10240x128xf32, #tpu.memory_space<vmem_shared>>
          tpu.wait_indirect_dma semaphore(%arg24 : memref<!tpu.dma_semaphore, #tpu.memory_space<semaphore_mem>>) src(%arg14 : memref<64x128xf32, #tpu.memory_space<vmem>>) dst(%dma_wait3A_899 : memref<10240x128xf32, #tpu.memory_space<vmem_shared>>)
        } else {
        }
        %dma_start3A = arith.constant 0 : i32
        %dma_start3A_76 = arith.constant 0 : i32
        %dma_start3A_77 = tpu.memref_slice %arg12[%dma_start3A, %dma_start3A_76] : memref<16x64xi32, #tpu.memory_space<vmem>> -> memref<1x64xi32, #tpu.memory_space<vmem>>
        %dma_start3A_78 = tpu.memref_squeeze %dma_start3A_77 : memref<1x64xi32, #tpu.memory_space<vmem>> -> memref<64xi32, #tpu.memory_space<vmem>>
        %dma_start3A_79 = arith.constant 0 : i32
        %dma_start3A_80 = arith.constant 0 : i32
        %dma_start3A_81 = tpu.memref_slice %arg7[%and3A_11, %dma_start3A_79, %dma_start3A_80] : memref<4x10000x128xf32, #tpu.memory_space<hbm>> -> memref<1x10000x128xf32, #tpu.memory_space<hbm>>
        %dma_start3A_82 = tpu.memref_squeeze %dma_start3A_81 : memref<1x10000x128xf32, #tpu.memory_space<hbm>> -> memref<10000x128xf32, #tpu.memory_space<hbm>>
        %dma_start3A_83 = arith.constant 0 : i32
        %dma_start3A_84 = arith.constant 0 : i32
        %dma_start3A_85 = tpu.memref_slice %dma_start3A_82[%dma_start3A_83, %dma_start3A_84] : memref<10000x128xf32, #tpu.memory_space<hbm>> -> memref<10000x128xf32, #tpu.memory_space<hbm>>
        tpu.enqueue_indirect_dma source(%dma_start3A_85 : memref<10000x128xf32, #tpu.memory_space<hbm>>) target(%arg14 : memref<64x128xf32, #tpu.memory_space<vmem>>) offsets(%dma_start3A_78 : memref<64xi32, #tpu.memory_space<vmem>>) semaphore(%arg20 : memref<!tpu.dma_semaphore, #tpu.memory_space<semaphore_mem>>)
        %gt3A_86 = arith.constant 0 : i32
        %gt3A_87 = arith.cmpi sgt, %scan3A_67, %gt3A_86 : i32
        %convert_element_type3A_88 = arith.extui %gt3A_87 : i1 to i32
        %cond3A_89 = arith.constant 0 : i32
        %cond3A_90 = arith.cmpi ne, %convert_element_type3A_88, %cond3A_89 : i32
        scf.if %cond3A_90 {
          %dma_wait3A_893 = arith.constant 0 : i32
          %dma_wait3A_894 = arith.constant 0 : i32
          %dma_wait3A_895 = tpu.memref_slice %arg13[%dma_wait3A_893, %dma_wait3A_894] : memref<16x64xi32, #tpu.memory_space<vmem>> -> memref<1x64xi32, #tpu.memory_space<vmem>>
          %dma_wait3A_896 = tpu.memref_squeeze %dma_wait3A_895 : memref<1x64xi32, #tpu.memory_space<vmem>> -> memref<64xi32, #tpu.memory_space<vmem>>
          %dma_wait3A_897 = arith.constant 0 : i32
          %dma_wait3A_898 = arith.constant 0 : i32
          %dma_wait3A_899 = tpu.memref_slice %arg19[%dma_wait3A_897, %dma_wait3A_898] : memref<10240x128xf32, #tpu.memory_space<vmem_shared>> -> memref<10240x128xf32, #tpu.memory_space<vmem_shared>>
          tpu.wait_indirect_dma semaphore(%arg25 : memref<!tpu.dma_semaphore, #tpu.memory_space<semaphore_mem>>) src(%arg15 : memref<64x128xf32, #tpu.memory_space<vmem>>) dst(%dma_wait3A_899 : memref<10240x128xf32, #tpu.memory_space<vmem_shared>>)
        } else {
        }
        %dma_start3A_91 = arith.constant 1 : i32
        %dma_start3A_92 = arith.constant 0 : i32
        %dma_start3A_93 = tpu.memref_slice %arg12[%dma_start3A_91, %dma_start3A_92] : memref<16x64xi32, #tpu.memory_space<vmem>> -> memref<1x64xi32, #tpu.memory_space<vmem>>
        %dma_start3A_94 = tpu.memref_squeeze %dma_start3A_93 : memref<1x64xi32, #tpu.memory_space<vmem>> -> memref<64xi32, #tpu.memory_space<vmem>>
        %dma_start3A_95 = arith.constant 0 : i32
        %dma_start3A_96 = arith.constant 0 : i32
        %dma_start3A_97 = tpu.memref_slice %arg7[%and3A_11, %dma_start3A_95, %dma_start3A_96] : memref<4x10000x128xf32, #tpu.memory_space<hbm>> -> memref<1x10000x128xf32, #tpu.memory_space<hbm>>
        %dma_start3A_98 = tpu.memref_squeeze %dma_start3A_97 : memref<1x10000x128xf32, #tpu.memory_space<hbm>> -> memref<10000x128xf32, #tpu.memory_space<hbm>>
        %dma_start3A_99 = arith.constant 0 : i32
        %dma_start3A_100 = arith.constant 0 : i32
        %dma_start3A_101 = tpu.memref_slice %dma_start3A_98[%dma_start3A_99, %dma_start3A_100] : memref<10000x128xf32, #tpu.memory_space<hbm>> -> memref<10000x128xf32, #tpu.memory_space<hbm>>
        tpu.enqueue_indirect_dma source(%dma_start3A_101 : memref<10000x128xf32, #tpu.memory_space<hbm>>) target(%arg15 : memref<64x128xf32, #tpu.memory_space<vmem>>) offsets(%dma_start3A_94 : memref<64xi32, #tpu.memory_space<vmem>>) semaphore(%arg21 : memref<!tpu.dma_semaphore, #tpu.memory_space<semaphore_mem>>)
        %gt3A_102 = arith.constant 0 : i32
        %gt3A_103 = arith.cmpi sgt, %scan3A_67, %gt3A_102 : i32
        %convert_element_type3A_104 = arith.extui %gt3A_103 : i1 to i32
        %cond3A_105 = arith.constant 0 : i32
        %cond3A_106 = arith.cmpi ne, %convert_element_type3A_104, %cond3A_105 : i32
        scf.if %cond3A_106 {
          %dma_wait3A_893 = arith.constant 0 : i32
          %dma_wait3A_894 = arith.constant 0 : i32
          %dma_wait3A_895 = tpu.memref_slice %arg13[%dma_wait3A_893, %dma_wait3A_894] : memref<16x64xi32, #tpu.memory_space<vmem>> -> memref<1x64xi32, #tpu.memory_space<vmem>>
          %dma_wait3A_896 = tpu.memref_squeeze %dma_wait3A_895 : memref<1x64xi32, #tpu.memory_space<vmem>> -> memref<64xi32, #tpu.memory_space<vmem>>
          %dma_wait3A_897 = arith.constant 0 : i32
          %dma_wait3A_898 = arith.constant 0 : i32
          %dma_wait3A_899 = tpu.memref_slice %arg19[%dma_wait3A_897, %dma_wait3A_898] : memref<10240x128xf32, #tpu.memory_space<vmem_shared>> -> memref<10240x128xf32, #tpu.memory_space<vmem_shared>>
          tpu.wait_indirect_dma semaphore(%arg26 : memref<!tpu.dma_semaphore, #tpu.memory_space<semaphore_mem>>) src(%arg16 : memref<64x128xf32, #tpu.memory_space<vmem>>) dst(%dma_wait3A_899 : memref<10240x128xf32, #tpu.memory_space<vmem_shared>>)
        } else {
        }
        %dma_start3A_107 = arith.constant 2 : i32
        %dma_start3A_108 = arith.constant 0 : i32
        %dma_start3A_109 = tpu.memref_slice %arg12[%dma_start3A_107, %dma_start3A_108] : memref<16x64xi32, #tpu.memory_space<vmem>> -> memref<1x64xi32, #tpu.memory_space<vmem>>
        %dma_start3A_110 = tpu.memref_squeeze %dma_start3A_109 : memref<1x64xi32, #tpu.memory_space<vmem>> -> memref<64xi32, #tpu.memory_space<vmem>>
        %dma_start3A_111 = arith.constant 0 : i32
        %dma_start3A_112 = arith.constant 0 : i32
        %dma_start3A_113 = tpu.memref_slice %arg7[%and3A_11, %dma_start3A_111, %dma_start3A_112] : memref<4x10000x128xf32, #tpu.memory_space<hbm>> -> memref<1x10000x128xf32, #tpu.memory_space<hbm>>
        %dma_start3A_114 = tpu.memref_squeeze %dma_start3A_113 : memref<1x10000x128xf32, #tpu.memory_space<hbm>> -> memref<10000x128xf32, #tpu.memory_space<hbm>>
        %dma_start3A_115 = arith.constant 0 : i32
        %dma_start3A_116 = arith.constant 0 : i32
        %dma_start3A_117 = tpu.memref_slice %dma_start3A_114[%dma_start3A_115, %dma_start3A_116] : memref<10000x128xf32, #tpu.memory_space<hbm>> -> memref<10000x128xf32, #tpu.memory_space<hbm>>
        tpu.enqueue_indirect_dma source(%dma_start3A_117 : memref<10000x128xf32, #tpu.memory_space<hbm>>) target(%arg16 : memref<64x128xf32, #tpu.memory_space<vmem>>) offsets(%dma_start3A_110 : memref<64xi32, #tpu.memory_space<vmem>>) semaphore(%arg22 : memref<!tpu.dma_semaphore, #tpu.memory_space<semaphore_mem>>)
        %dma_wait3A_118 = arith.constant 0 : i32
        %dma_wait3A_119 = arith.constant 0 : i32
        %dma_wait3A_120 = tpu.memref_slice %arg12[%dma_wait3A_118, %dma_wait3A_119] : memref<16x64xi32, #tpu.memory_space<vmem>> -> memref<1x64xi32, #tpu.memory_space<vmem>>
        %dma_wait3A_121 = tpu.memref_squeeze %dma_wait3A_120 : memref<1x64xi32, #tpu.memory_space<vmem>> -> memref<64xi32, #tpu.memory_space<vmem>>
        %dma_wait3A_122 = arith.constant 0 : i32
        %dma_wait3A_123 = arith.constant 0 : i32
        %dma_wait3A_124 = tpu.memref_slice %arg7[%and3A_11, %dma_wait3A_122, %dma_wait3A_123] : memref<4x10000x128xf32, #tpu.memory_space<hbm>> -> memref<1x10000x128xf32, #tpu.memory_space<hbm>>
        %dma_wait3A_125 = tpu.memref_squeeze %dma_wait3A_124 : memref<1x10000x128xf32, #tpu.memory_space<hbm>> -> memref<10000x128xf32, #tpu.memory_space<hbm>>
        %dma_wait3A_126 = arith.constant 0 : i32
        %dma_wait3A_127 = arith.constant 0 : i32
        %dma_wait3A_128 = tpu.memref_slice %dma_wait3A_125[%dma_wait3A_126, %dma_wait3A_127] : memref<10000x128xf32, #tpu.memory_space<hbm>> -> memref<10000x128xf32, #tpu.memory_space<hbm>>
        tpu.wait_indirect_dma semaphore(%arg20 : memref<!tpu.dma_semaphore, #tpu.memory_space<semaphore_mem>>) src(%dma_wait3A_128 : memref<10000x128xf32, #tpu.memory_space<hbm>>) dst(%arg14 : memref<64x128xf32, #tpu.memory_space<vmem>>)
        %gt3A_129 = arith.constant 0 : i32
        %gt3A_130 = arith.cmpi sgt, %scan3A_67, %gt3A_129 : i32
        %convert_element_type3A_131 = arith.extui %gt3A_130 : i1 to i32
        %cond3A_132 = arith.constant 0 : i32
        %cond3A_133 = arith.cmpi ne, %convert_element_type3A_131, %cond3A_132 : i32
        scf.if %cond3A_133 {
          %dma_wait3A_893 = arith.constant 0 : i32
          %dma_wait3A_894 = arith.constant 0 : i32
          %dma_wait3A_895 = tpu.memref_slice %arg13[%dma_wait3A_893, %dma_wait3A_894] : memref<16x64xi32, #tpu.memory_space<vmem>> -> memref<1x64xi32, #tpu.memory_space<vmem>>
          %dma_wait3A_896 = tpu.memref_squeeze %dma_wait3A_895 : memref<1x64xi32, #tpu.memory_space<vmem>> -> memref<64xi32, #tpu.memory_space<vmem>>
          %dma_wait3A_897 = arith.constant 0 : i32
          %dma_wait3A_898 = arith.constant 0 : i32
          %dma_wait3A_899 = tpu.memref_slice %arg19[%dma_wait3A_897, %dma_wait3A_898] : memref<10240x128xf32, #tpu.memory_space<vmem_shared>> -> memref<10240x128xf32, #tpu.memory_space<vmem_shared>>
          tpu.wait_indirect_dma semaphore(%arg27 : memref<!tpu.dma_semaphore, #tpu.memory_space<semaphore_mem>>) src(%arg17 : memref<64x128xf32, #tpu.memory_space<vmem>>) dst(%dma_wait3A_899 : memref<10240x128xf32, #tpu.memory_space<vmem_shared>>)
        } else {
        }
        %dma_start3A_134 = arith.constant 3 : i32
        %dma_start3A_135 = arith.constant 0 : i32
        %dma_start3A_136 = tpu.memref_slice %arg12[%dma_start3A_134, %dma_start3A_135] : memref<16x64xi32, #tpu.memory_space<vmem>> -> memref<1x64xi32, #tpu.memory_space<vmem>>
        %dma_start3A_137 = tpu.memref_squeeze %dma_start3A_136 : memref<1x64xi32, #tpu.memory_space<vmem>> -> memref<64xi32, #tpu.memory_space<vmem>>
        %dma_start3A_138 = arith.constant 0 : i32
        %dma_start3A_139 = arith.constant 0 : i32
        %dma_start3A_140 = tpu.memref_slice %arg7[%and3A_11, %dma_start3A_138, %dma_start3A_139] : memref<4x10000x128xf32, #tpu.memory_space<hbm>> -> memref<1x10000x128xf32, #tpu.memory_space<hbm>>
        %dma_start3A_141 = tpu.memref_squeeze %dma_start3A_140 : memref<1x10000x128xf32, #tpu.memory_space<hbm>> -> memref<10000x128xf32, #tpu.memory_space<hbm>>
        %dma_start3A_142 = arith.constant 0 : i32
        %dma_start3A_143 = arith.constant 0 : i32
        %dma_start3A_144 = tpu.memref_slice %dma_start3A_141[%dma_start3A_142, %dma_start3A_143] : memref<10000x128xf32, #tpu.memory_space<hbm>> -> memref<10000x128xf32, #tpu.memory_space<hbm>>
        tpu.enqueue_indirect_dma source(%dma_start3A_144 : memref<10000x128xf32, #tpu.memory_space<hbm>>) target(%arg17 : memref<64x128xf32, #tpu.memory_space<vmem>>) offsets(%dma_start3A_137 : memref<64xi32, #tpu.memory_space<vmem>>) semaphore(%arg23 : memref<!tpu.dma_semaphore, #tpu.memory_space<semaphore_mem>>)
        %dma_start3A_145 = arith.constant 0 : i32
        %dma_start3A_146 = arith.constant 0 : i32
        %dma_start3A_147 = tpu.memref_slice %arg13[%dma_start3A_145, %dma_start3A_146] : memref<16x64xi32, #tpu.memory_space<vmem>> -> memref<1x64xi32, #tpu.memory_space<vmem>>
        %dma_start3A_148 = tpu.memref_squeeze %dma_start3A_147 : memref<1x64xi32, #tpu.memory_space<vmem>> -> memref<64xi32, #tpu.memory_space<vmem>>
        %dma_start3A_149 = arith.constant 0 : i32
        %dma_start3A_150 = arith.constant 0 : i32
        %dma_start3A_151 = tpu.memref_slice %arg19[%dma_start3A_149, %dma_start3A_150] : memref<10240x128xf32, #tpu.memory_space<vmem_shared>> -> memref<10240x128xf32, #tpu.memory_space<vmem_shared>>
        tpu.enqueue_indirect_dma source(%arg14 : memref<64x128xf32, #tpu.memory_space<vmem>>) target(%dma_start3A_151 : memref<10240x128xf32, #tpu.memory_space<vmem_shared>>) offsets(%dma_start3A_148 : memref<64xi32, #tpu.memory_space<vmem>>) semaphore(%arg24 : memref<!tpu.dma_semaphore, #tpu.memory_space<semaphore_mem>>) {add = true}
        %get3A = arith.constant 0 : i32
        %get3A_152 = arith.index_cast %get3A : i32 to index
        %get3A_153 = arith.constant 0 : index
        %get3A_154 = tpu.vector_load %arg13[%get3A_152, %get3A_153] {strides = array<i32>} : memref<16x64xi32, #tpu.memory_space<vmem>>, vector<16xi32>,
        tpu.vector_store_idx %arg18[%get3A_154], %broadcast_in_dim3A_33 {add = true} : memref<10240xf32, #tpu.memory_space<vmem>>[vector<16xi32>], vector<16xf32>,
        %get3A_155 = arith.constant 0 : i32
        %get3A_156 = arith.index_cast %get3A_155 : i32 to index
        %get3A_157 = arith.constant 16 : index
        %get3A_158 = tpu.vector_load %arg13[%get3A_156, %get3A_157] {strides = array<i32>} : memref<16x64xi32, #tpu.memory_space<vmem>>, vector<16xi32>,
        tpu.vector_store_idx %arg18[%get3A_158], %broadcast_in_dim3A_33 {add = true} : memref<10240xf32, #tpu.memory_space<vmem>>[vector<16xi32>], vector<16xf32>,
        %get3A_159 = arith.constant 0 : i32
        %get3A_160 = arith.index_cast %get3A_159 : i32 to index
        %get3A_161 = arith.constant 32 : index
        %get3A_162 = tpu.vector_load %arg13[%get3A_160, %get3A_161] {strides = array<i32>} : memref<16x64xi32, #tpu.memory_space<vmem>>, vector<16xi32>,
        tpu.vector_store_idx %arg18[%get3A_162], %broadcast_in_dim3A_33 {add = true} : memref<10240xf32, #tpu.memory_space<vmem>>[vector<16xi32>], vector<16xf32>,
        %get3A_163 = arith.constant 0 : i32
        %get3A_164 = arith.index_cast %get3A_163 : i32 to index
        %get3A_165 = arith.constant 48 : index
        %get3A_166 = tpu.vector_load %arg13[%get3A_164, %get3A_165] {strides = array<i32>} : memref<16x64xi32, #tpu.memory_space<vmem>>, vector<16xi32>,
        tpu.vector_store_idx %arg18[%get3A_166], %broadcast_in_dim3A_33 {add = true} : memref<10240xf32, #tpu.memory_space<vmem>>[vector<16xi32>], vector<16xf32>,
        %dma_wait3A_167 = arith.constant 1 : i32
        %dma_wait3A_168 = arith.constant 0 : i32
        %dma_wait3A_169 = tpu.memref_slice %arg12[%dma_wait3A_167, %dma_wait3A_168] : memref<16x64xi32, #tpu.memory_space<vmem>> -> memref<1x64xi32, #tpu.memory_space<vmem>>
        %dma_wait3A_170 = tpu.memref_squeeze %dma_wait3A_169 : memref<1x64xi32, #tpu.memory_space<vmem>> -> memref<64xi32, #tpu.memory_space<vmem>>
        %dma_wait3A_171 = arith.constant 0 : i32
        %dma_wait3A_172 = arith.constant 0 : i32
        %dma_wait3A_173 = tpu.memref_slice %arg7[%and3A_11, %dma_wait3A_171, %dma_wait3A_172] : memref<4x10000x128xf32, #tpu.memory_space<hbm>> -> memref<1x10000x128xf32, #tpu.memory_space<hbm>>
        %dma_wait3A_174 = tpu.memref_squeeze %dma_wait3A_173 : memref<1x10000x128xf32, #tpu.memory_space<hbm>> -> memref<10000x128xf32, #tpu.memory_space<hbm>>
        %dma_wait3A_175 = arith.constant 0 : i32
        %dma_wait3A_176 = arith.constant 0 : i32
        %dma_wait3A_177 = tpu.memref_slice %dma_wait3A_174[%dma_wait3A_175, %dma_wait3A_176] : memref<10000x128xf32, #tpu.memory_space<hbm>> -> memref<10000x128xf32, #tpu.memory_space<hbm>>
        tpu.wait_indirect_dma semaphore(%arg21 : memref<!tpu.dma_semaphore, #tpu.memory_space<semaphore_mem>>) src(%dma_wait3A_177 : memref<10000x128xf32, #tpu.memory_space<hbm>>) dst(%arg15 : memref<64x128xf32, #tpu.memory_space<vmem>>)
        %dma_wait3A_178 = arith.constant 0 : i32
        %dma_wait3A_179 = arith.constant 0 : i32
        %dma_wait3A_180 = tpu.memref_slice %arg13[%dma_wait3A_178, %dma_wait3A_179] : memref<16x64xi32, #tpu.memory_space<vmem>> -> memref<1x64xi32, #tpu.memory_space<vmem>>
        %dma_wait3A_181 = tpu.memref_squeeze %dma_wait3A_180 : memref<1x64xi32, #tpu.memory_space<vmem>> -> memref<64xi32, #tpu.memory_space<vmem>>
        %dma_wait3A_182 = arith.constant 0 : i32
        %dma_wait3A_183 = arith.constant 0 : i32
        %dma_wait3A_184 = tpu.memref_slice %arg19[%dma_wait3A_182, %dma_wait3A_183] : memref<10240x128xf32, #tpu.memory_space<vmem_shared>> -> memref<10240x128xf32, #tpu.memory_space<vmem_shared>>
        tpu.wait_indirect_dma semaphore(%arg24 : memref<!tpu.dma_semaphore, #tpu.memory_space<semaphore_mem>>) src(%arg14 : memref<64x128xf32, #tpu.memory_space<vmem>>) dst(%dma_wait3A_184 : memref<10240x128xf32, #tpu.memory_space<vmem_shared>>)
        %dma_start3A_185 = arith.constant 4 : i32
        %dma_start3A_186 = arith.constant 0 : i32
        %dma_start3A_187 = tpu.memref_slice %arg12[%dma_start3A_185, %dma_start3A_186] : memref<16x64xi32, #tpu.memory_space<vmem>> -> memref<1x64xi32, #tpu.memory_space<vmem>>
        %dma_start3A_188 = tpu.memref_squeeze %dma_start3A_187 : memref<1x64xi32, #tpu.memory_space<vmem>> -> memref<64xi32, #tpu.memory_space<vmem>>
        %dma_start3A_189 = arith.constant 0 : i32
        %dma_start3A_190 = arith.constant 0 : i32
        %dma_start3A_191 = tpu.memref_slice %arg7[%and3A_11, %dma_start3A_189, %dma_start3A_190] : memref<4x10000x128xf32, #tpu.memory_space<hbm>> -> memref<1x10000x128xf32, #tpu.memory_space<hbm>>
        %dma_start3A_192 = tpu.memref_squeeze %dma_start3A_191 : memref<1x10000x128xf32, #tpu.memory_space<hbm>> -> memref<10000x128xf32, #tpu.memory_space<hbm>>
        %dma_start3A_193 = arith.constant 0 : i32
        %dma_start3A_194 = arith.constant 0 : i32
        %dma_start3A_195 = tpu.memref_slice %dma_start3A_192[%dma_start3A_193, %dma_start3A_194] : memref<10000x128xf32, #tpu.memory_space<hbm>> -> memref<10000x128xf32, #tpu.memory_space<hbm>>
        tpu.enqueue_indirect_dma source(%dma_start3A_195 : memref<10000x128xf32, #tpu.memory_space<hbm>>) target(%arg14 : memref<64x128xf32, #tpu.memory_space<vmem>>) offsets(%dma_start3A_188 : memref<64xi32, #tpu.memory_space<vmem>>) semaphore(%arg20 : memref<!tpu.dma_semaphore, #tpu.memory_space<semaphore_mem>>)
        %dma_start3A_196 = arith.constant 1 : i32
        %dma_start3A_197 = arith.constant 0 : i32
        %dma_start3A_198 = tpu.memref_slice %arg13[%dma_start3A_196, %dma_start3A_197] : memref<16x64xi32, #tpu.memory_space<vmem>> -> memref<1x64xi32, #tpu.memory_space<vmem>>
        %dma_start3A_199 = tpu.memref_squeeze %dma_start3A_198 : memref<1x64xi32, #tpu.memory_space<vmem>> -> memref<64xi32, #tpu.memory_space<vmem>>
        %dma_start3A_200 = arith.constant 0 : i32
        %dma_start3A_201 = arith.constant 0 : i32
        %dma_start3A_202 = tpu.memref_slice %arg19[%dma_start3A_200, %dma_start3A_201] : memref<10240x128xf32, #tpu.memory_space<vmem_shared>> -> memref<10240x128xf32, #tpu.memory_space<vmem_shared>>
        tpu.enqueue_indirect_dma source(%arg15 : memref<64x128xf32, #tpu.memory_space<vmem>>) target(%dma_start3A_202 : memref<10240x128xf32, #tpu.memory_space<vmem_shared>>) offsets(%dma_start3A_199 : memref<64xi32, #tpu.memory_space<vmem>>) semaphore(%arg25 : memref<!tpu.dma_semaphore, #tpu.memory_space<semaphore_mem>>) {add = true}
        %get3A_203 = arith.constant 1 : i32
        %get3A_204 = arith.index_cast %get3A_203 : i32 to index
        %get3A_205 = arith.constant 0 : index
        %get3A_206 = tpu.vector_load %arg13[%get3A_204, %get3A_205] {strides = array<i32>} : memref<16x64xi32, #tpu.memory_space<vmem>>, vector<16xi32>,
        tpu.vector_store_idx %arg18[%get3A_206], %broadcast_in_dim3A_33 {add = true} : memref<10240xf32, #tpu.memory_space<vmem>>[vector<16xi32>], vector<16xf32>,
        %get3A_207 = arith.constant 1 : i32
        %get3A_208 = arith.index_cast %get3A_207 : i32 to index
        %get3A_209 = arith.constant 16 : index
        %get3A_210 = tpu.vector_load %arg13[%get3A_208, %get3A_209] {strides = array<i32>} : memref<16x64xi32, #tpu.memory_space<vmem>>, vector<16xi32>,
        tpu.vector_store_idx %arg18[%get3A_210], %broadcast_in_dim3A_33 {add = true} : memref<10240xf32, #tpu.memory_space<vmem>>[vector<16xi32>], vector<16xf32>,
        %get3A_211 = arith.constant 1 : i32
        %get3A_212 = arith.index_cast %get3A_211 : i32 to index
        %get3A_213 = arith.constant 32 : index
        %get3A_214 = tpu.vector_load %arg13[%get3A_212, %get3A_213] {strides = array<i32>} : memref<16x64xi32, #tpu.memory_space<vmem>>, vector<16xi32>,
        tpu.vector_store_idx %arg18[%get3A_214], %broadcast_in_dim3A_33 {add = true} : memref<10240xf32, #tpu.memory_space<vmem>>[vector<16xi32>], vector<16xf32>,
        %get3A_215 = arith.constant 1 : i32
        %get3A_216 = arith.index_cast %get3A_215 : i32 to index
        %get3A_217 = arith.constant 48 : index
        %get3A_218 = tpu.vector_load %arg13[%get3A_216, %get3A_217] {strides = array<i32>} : memref<16x64xi32, #tpu.memory_space<vmem>>, vector<16xi32>,
        tpu.vector_store_idx %arg18[%get3A_218], %broadcast_in_dim3A_33 {add = true} : memref<10240xf32, #tpu.memory_space<vmem>>[vector<16xi32>], vector<16xf32>,
        %dma_wait3A_219 = arith.constant 2 : i32
        %dma_wait3A_220 = arith.constant 0 : i32
        %dma_wait3A_221 = tpu.memref_slice %arg12[%dma_wait3A_219, %dma_wait3A_220] : memref<16x64xi32, #tpu.memory_space<vmem>> -> memref<1x64xi32, #tpu.memory_space<vmem>>
        %dma_wait3A_222 = tpu.memref_squeeze %dma_wait3A_221 : memref<1x64xi32, #tpu.memory_space<vmem>> -> memref<64xi32, #tpu.memory_space<vmem>>
        %dma_wait3A_223 = arith.constant 0 : i32
        %dma_wait3A_224 = arith.constant 0 : i32
        %dma_wait3A_225 = tpu.memref_slice %arg7[%and3A_11, %dma_wait3A_223, %dma_wait3A_224] : memref<4x10000x128xf32, #tpu.memory_space<hbm>> -> memref<1x10000x128xf32, #tpu.memory_space<hbm>>
        %dma_wait3A_226 = tpu.memref_squeeze %dma_wait3A_225 : memref<1x10000x128xf32, #tpu.memory_space<hbm>> -> memref<10000x128xf32, #tpu.memory_space<hbm>>
        %dma_wait3A_227 = arith.constant 0 : i32
        %dma_wait3A_228 = arith.constant 0 : i32
        %dma_wait3A_229 = tpu.memref_slice %dma_wait3A_226[%dma_wait3A_227, %dma_wait3A_228] : memref<10000x128xf32, #tpu.memory_space<hbm>> -> memref<10000x128xf32, #tpu.memory_space<hbm>>
        tpu.wait_indirect_dma semaphore(%arg22 : memref<!tpu.dma_semaphore, #tpu.memory_space<semaphore_mem>>) src(%dma_wait3A_229 : memref<10000x128xf32, #tpu.memory_space<hbm>>) dst(%arg16 : memref<64x128xf32, #tpu.memory_space<vmem>>)
        %dma_wait3A_230 = arith.constant 1 : i32
        %dma_wait3A_231 = arith.constant 0 : i32
        %dma_wait3A_232 = tpu.memref_slice %arg13[%dma_wait3A_230, %dma_wait3A_231] : memref<16x64xi32, #tpu.memory_space<vmem>> -> memref<1x64xi32, #tpu.memory_space<vmem>>
        %dma_wait3A_233 = tpu.memref_squeeze %dma_wait3A_232 : memref<1x64xi32, #tpu.memory_space<vmem>> -> memref<64xi32, #tpu.memory_space<vmem>>
        %dma_wait3A_234 = arith.constant 0 : i32
        %dma_wait3A_235 = arith.constant 0 : i32
        %dma_wait3A_236 = tpu.memref_slice %arg19[%dma_wait3A_234, %dma_wait3A_235] : memref<10240x128xf32, #tpu.memory_space<vmem_shared>> -> memref<10240x128xf32, #tpu.memory_space<vmem_shared>>
        tpu.wait_indirect_dma semaphore(%arg25 : memref<!tpu.dma_semaphore, #tpu.memory_space<semaphore_mem>>) src(%arg15 : memref<64x128xf32, #tpu.memory_space<vmem>>) dst(%dma_wait3A_236 : memref<10240x128xf32, #tpu.memory_space<vmem_shared>>)
        %dma_start3A_237 = arith.constant 5 : i32
        %dma_start3A_238 = arith.constant 0 : i32
        %dma_start3A_239 = tpu.memref_slice %arg12[%dma_start3A_237, %dma_start3A_238] : memref<16x64xi32, #tpu.memory_space<vmem>> -> memref<1x64xi32, #tpu.memory_space<vmem>>
        %dma_start3A_240 = tpu.memref_squeeze %dma_start3A_239 : memref<1x64xi32, #tpu.memory_space<vmem>> -> memref<64xi32, #tpu.memory_space<vmem>>
        %dma_start3A_241 = arith.constant 0 : i32
        %dma_start3A_242 = arith.constant 0 : i32
        %dma_start3A_243 = tpu.memref_slice %arg7[%and3A_11, %dma_start3A_241, %dma_start3A_242] : memref<4x10000x128xf32, #tpu.memory_space<hbm>> -> memref<1x10000x128xf32, #tpu.memory_space<hbm>>
        %dma_start3A_244 = tpu.memref_squeeze %dma_start3A_243 : memref<1x10000x128xf32, #tpu.memory_space<hbm>> -> memref<10000x128xf32, #tpu.memory_space<hbm>>
        %dma_start3A_245 = arith.constant 0 : i32
        %dma_start3A_246 = arith.constant 0 : i32
        %dma_start3A_247 = tpu.memref_slice %dma_start3A_244[%dma_start3A_245, %dma_start3A_246] : memref<10000x128xf32, #tpu.memory_space<hbm>> -> memref<10000x128xf32, #tpu.memory_space<hbm>>
        tpu.enqueue_indirect_dma source(%dma_start3A_247 : memref<10000x128xf32, #tpu.memory_space<hbm>>) target(%arg15 : memref<64x128xf32, #tpu.memory_space<vmem>>) offsets(%dma_start3A_240 : memref<64xi32, #tpu.memory_space<vmem>>) semaphore(%arg21 : memref<!tpu.dma_semaphore, #tpu.memory_space<semaphore_mem>>)
        %dma_start3A_248 = arith.constant 2 : i32
        %dma_start3A_249 = arith.constant 0 : i32
        %dma_start3A_250 = tpu.memref_slice %arg13[%dma_start3A_248, %dma_start3A_249] : memref<16x64xi32, #tpu.memory_space<vmem>> -> memref<1x64xi32, #tpu.memory_space<vmem>>
        %dma_start3A_251 = tpu.memref_squeeze %dma_start3A_250 : memref<1x64xi32, #tpu.memory_space<vmem>> -> memref<64xi32, #tpu.memory_space<vmem>>
        %dma_start3A_252 = arith.constant 0 : i32
        %dma_start3A_253 = arith.constant 0 : i32
        %dma_start3A_254 = tpu.memref_slice %arg19[%dma_start3A_252, %dma_start3A_253] : memref<10240x128xf32, #tpu.memory_space<vmem_shared>> -> memref<10240x128xf32, #tpu.memory_space<vmem_shared>>
        tpu.enqueue_indirect_dma source(%arg16 : memref<64x128xf32, #tpu.memory_space<vmem>>) target(%dma_start3A_254 : memref<10240x128xf32, #tpu.memory_space<vmem_shared>>) offsets(%dma_start3A_251 : memref<64xi32, #tpu.memory_space<vmem>>) semaphore(%arg26 : memref<!tpu.dma_semaphore, #tpu.memory_space<semaphore_mem>>) {add = true}
        %get3A_255 = arith.constant 2 : i32
        %get3A_256 = arith.index_cast %get3A_255 : i32 to index
        %get3A_257 = arith.constant 0 : index
        %get3A_258 = tpu.vector_load %arg13[%get3A_256, %get3A_257] {strides = array<i32>} : memref<16x64xi32, #tpu.memory_space<vmem>>, vector<16xi32>,
        tpu.vector_store_idx %arg18[%get3A_258], %broadcast_in_dim3A_33 {add = true} : memref<10240xf32, #tpu.memory_space<vmem>>[vector<16xi32>], vector<16xf32>,
        %get3A_259 = arith.constant 2 : i32
        %get3A_260 = arith.index_cast %get3A_259 : i32 to index
        %get3A_261 = arith.constant 16 : index
        %get3A_262 = tpu.vector_load %arg13[%get3A_260, %get3A_261] {strides = array<i32>} : memref<16x64xi32, #tpu.memory_space<vmem>>, vector<16xi32>,
        tpu.vector_store_idx %arg18[%get3A_262], %broadcast_in_dim3A_33 {add = true} : memref<10240xf32, #tpu.memory_space<vmem>>[vector<16xi32>], vector<16xf32>,
        %get3A_263 = arith.constant 2 : i32
        %get3A_264 = arith.index_cast %get3A_263 : i32 to index
        %get3A_265 = arith.constant 32 : index
        %get3A_266 = tpu.vector_load %arg13[%get3A_264, %get3A_265] {strides = array<i32>} : memref<16x64xi32, #tpu.memory_space<vmem>>, vector<16xi32>,
        tpu.vector_store_idx %arg18[%get3A_266], %broadcast_in_dim3A_33 {add = true} : memref<10240xf32, #tpu.memory_space<vmem>>[vector<16xi32>], vector<16xf32>,
        %get3A_267 = arith.constant 2 : i32
        %get3A_268 = arith.index_cast %get3A_267 : i32 to index
        %get3A_269 = arith.constant 48 : index
        %get3A_270 = tpu.vector_load %arg13[%get3A_268, %get3A_269] {strides = array<i32>} : memref<16x64xi32, #tpu.memory_space<vmem>>, vector<16xi32>,
        tpu.vector_store_idx %arg18[%get3A_270], %broadcast_in_dim3A_33 {add = true} : memref<10240xf32, #tpu.memory_space<vmem>>[vector<16xi32>], vector<16xf32>,
        %dma_wait3A_271 = arith.constant 3 : i32
        %dma_wait3A_272 = arith.constant 0 : i32
        %dma_wait3A_273 = tpu.memref_slice %arg12[%dma_wait3A_271, %dma_wait3A_272] : memref<16x64xi32, #tpu.memory_space<vmem>> -> memref<1x64xi32, #tpu.memory_space<vmem>>
        %dma_wait3A_274 = tpu.memref_squeeze %dma_wait3A_273 : memref<1x64xi32, #tpu.memory_space<vmem>> -> memref<64xi32, #tpu.memory_space<vmem>>
        %dma_wait3A_275 = arith.constant 0 : i32
        %dma_wait3A_276 = arith.constant 0 : i32
        %dma_wait3A_277 = tpu.memref_slice %arg7[%and3A_11, %dma_wait3A_275, %dma_wait3A_276] : memref<4x10000x128xf32, #tpu.memory_space<hbm>> -> memref<1x10000x128xf32, #tpu.memory_space<hbm>>
        %dma_wait3A_278 = tpu.memref_squeeze %dma_wait3A_277 : memref<1x10000x128xf32, #tpu.memory_space<hbm>> -> memref<10000x128xf32, #tpu.memory_space<hbm>>
        %dma_wait3A_279 = arith.constant 0 : i32
        %dma_wait3A_280 = arith.constant 0 : i32
        %dma_wait3A_281 = tpu.memref_slice %dma_wait3A_278[%dma_wait3A_279, %dma_wait3A_280] : memref<10000x128xf32, #tpu.memory_space<hbm>> -> memref<10000x128xf32, #tpu.memory_space<hbm>>
        tpu.wait_indirect_dma semaphore(%arg23 : memref<!tpu.dma_semaphore, #tpu.memory_space<semaphore_mem>>) src(%dma_wait3A_281 : memref<10000x128xf32, #tpu.memory_space<hbm>>) dst(%arg17 : memref<64x128xf32, #tpu.memory_space<vmem>>)
        %dma_wait3A_282 = arith.constant 2 : i32
        %dma_wait3A_283 = arith.constant 0 : i32
        %dma_wait3A_284 = tpu.memref_slice %arg13[%dma_wait3A_282, %dma_wait3A_283] : memref<16x64xi32, #tpu.memory_space<vmem>> -> memref<1x64xi32, #tpu.memory_space<vmem>>
        %dma_wait3A_285 = tpu.memref_squeeze %dma_wait3A_284 : memref<1x64xi32, #tpu.memory_space<vmem>> -> memref<64xi32, #tpu.memory_space<vmem>>
        %dma_wait3A_286 = arith.constant 0 : i32
        %dma_wait3A_287 = arith.constant 0 : i32
        %dma_wait3A_288 = tpu.memref_slice %arg19[%dma_wait3A_286, %dma_wait3A_287] : memref<10240x128xf32, #tpu.memory_space<vmem_shared>> -> memref<10240x128xf32, #tpu.memory_space<vmem_shared>>
        tpu.wait_indirect_dma semaphore(%arg26 : memref<!tpu.dma_semaphore, #tpu.memory_space<semaphore_mem>>) src(%arg16 : memref<64x128xf32, #tpu.memory_space<vmem>>) dst(%dma_wait3A_288 : memref<10240x128xf32, #tpu.memory_space<vmem_shared>>)
        %dma_start3A_289 = arith.constant 6 : i32
        %dma_start3A_290 = arith.constant 0 : i32
        %dma_start3A_291 = tpu.memref_slice %arg12[%dma_start3A_289, %dma_start3A_290] : memref<16x64xi32, #tpu.memory_space<vmem>> -> memref<1x64xi32, #tpu.memory_space<vmem>>
        %dma_start3A_292 = tpu.memref_squeeze %dma_start3A_291 : memref<1x64xi32, #tpu.memory_space<vmem>> -> memref<64xi32, #tpu.memory_space<vmem>>
        %dma_start3A_293 = arith.constant 0 : i32
        %dma_start3A_294 = arith.constant 0 : i32
        %dma_start3A_295 = tpu.memref_slice %arg7[%and3A_11, %dma_start3A_293, %dma_start3A_294] : memref<4x10000x128xf32, #tpu.memory_space<hbm>> -> memref<1x10000x128xf32, #tpu.memory_space<hbm>>
        %dma_start3A_296 = tpu.memref_squeeze %dma_start3A_295 : memref<1x10000x128xf32, #tpu.memory_space<hbm>> -> memref<10000x128xf32, #tpu.memory_space<hbm>>
        %dma_start3A_297 = arith.constant 0 : i32
        %dma_start3A_298 = arith.constant 0 : i32
        %dma_start3A_299 = tpu.memref_slice %dma_start3A_296[%dma_start3A_297, %dma_start3A_298] : memref<10000x128xf32, #tpu.memory_space<hbm>> -> memref<10000x128xf32, #tpu.memory_space<hbm>>
        tpu.enqueue_indirect_dma source(%dma_start3A_299 : memref<10000x128xf32, #tpu.memory_space<hbm>>) target(%arg16 : memref<64x128xf32, #tpu.memory_space<vmem>>) offsets(%dma_start3A_292 : memref<64xi32, #tpu.memory_space<vmem>>) semaphore(%arg22 : memref<!tpu.dma_semaphore, #tpu.memory_space<semaphore_mem>>)
        %dma_start3A_300 = arith.constant 3 : i32
        %dma_start3A_301 = arith.constant 0 : i32
        %dma_start3A_302 = tpu.memref_slice %arg13[%dma_start3A_300, %dma_start3A_301] : memref<16x64xi32, #tpu.memory_space<vmem>> -> memref<1x64xi32, #tpu.memory_space<vmem>>
        %dma_start3A_303 = tpu.memref_squeeze %dma_start3A_302 : memref<1x64xi32, #tpu.memory_space<vmem>> -> memref<64xi32, #tpu.memory_space<vmem>>
        %dma_start3A_304 = arith.constant 0 : i32
        %dma_start3A_305 = arith.constant 0 : i32
        %dma_start3A_306 = tpu.memref_slice %arg19[%dma_start3A_304, %dma_start3A_305] : memref<10240x128xf32, #tpu.memory_space<vmem_shared>> -> memref<10240x128xf32, #tpu.memory_space<vmem_shared>>
        tpu.enqueue_indirect_dma source(%arg17 : memref<64x128xf32, #tpu.memory_space<vmem>>) target(%dma_start3A_306 : memref<10240x128xf32, #tpu.memory_space<vmem_shared>>) offsets(%dma_start3A_303 : memref<64xi32, #tpu.memory_space<vmem>>) semaphore(%arg27 : memref<!tpu.dma_semaphore, #tpu.memory_space<semaphore_mem>>) {add = true}
        %get3A_307 = arith.constant 3 : i32
        %get3A_308 = arith.index_cast %get3A_307 : i32 to index
        %get3A_309 = arith.constant 0 : index
        %get3A_310 = tpu.vector_load %arg13[%get3A_308, %get3A_309] {strides = array<i32>} : memref<16x64xi32, #tpu.memory_space<vmem>>, vector<16xi32>,
        tpu.vector_store_idx %arg18[%get3A_310], %broadcast_in_dim3A_33 {add = true} : memref<10240xf32, #tpu.memory_space<vmem>>[vector<16xi32>], vector<16xf32>,
        %get3A_311 = arith.constant 3 : i32
        %get3A_312 = arith.index_cast %get3A_311 : i32 to index
        %get3A_313 = arith.constant 16 : index
        %get3A_314 = tpu.vector_load %arg13[%get3A_312, %get3A_313] {strides = array<i32>} : memref<16x64xi32, #tpu.memory_space<vmem>>, vector<16xi32>,
        tpu.vector_store_idx %arg18[%get3A_314], %broadcast_in_dim3A_33 {add = true} : memref<10240xf32, #tpu.memory_space<vmem>>[vector<16xi32>], vector<16xf32>,
        %get3A_315 = arith.constant 3 : i32
        %get3A_316 = arith.index_cast %get3A_315 : i32 to index
        %get3A_317 = arith.constant 32 : index
        %get3A_318 = tpu.vector_load %arg13[%get3A_316, %get3A_317] {strides = array<i32>} : memref<16x64xi32, #tpu.memory_space<vmem>>, vector<16xi32>,
        tpu.vector_store_idx %arg18[%get3A_318], %broadcast_in_dim3A_33 {add = true} : memref<10240xf32, #tpu.memory_space<vmem>>[vector<16xi32>], vector<16xf32>,
        %get3A_319 = arith.constant 3 : i32
        %get3A_320 = arith.index_cast %get3A_319 : i32 to index
        %get3A_321 = arith.constant 48 : index
        %get3A_322 = tpu.vector_load %arg13[%get3A_320, %get3A_321] {strides = array<i32>} : memref<16x64xi32, #tpu.memory_space<vmem>>, vector<16xi32>,
        tpu.vector_store_idx %arg18[%get3A_322], %broadcast_in_dim3A_33 {add = true} : memref<10240xf32, #tpu.memory_space<vmem>>[vector<16xi32>], vector<16xf32>,
        %dma_wait3A_323 = arith.constant 4 : i32
        %dma_wait3A_324 = arith.constant 0 : i32
        %dma_wait3A_325 = tpu.memref_slice %arg12[%dma_wait3A_323, %dma_wait3A_324] : memref<16x64xi32, #tpu.memory_space<vmem>> -> memref<1x64xi32, #tpu.memory_space<vmem>>
        %dma_wait3A_326 = tpu.memref_squeeze %dma_wait3A_325 : memref<1x64xi32, #tpu.memory_space<vmem>> -> memref<64xi32, #tpu.memory_space<vmem>>
        %dma_wait3A_327 = arith.constant 0 : i32
        %dma_wait3A_328 = arith.constant 0 : i32
        %dma_wait3A_329 = tpu.memref_slice %arg7[%and3A_11, %dma_wait3A_327, %dma_wait3A_328] : memref<4x10000x128xf32, #tpu.memory_space<hbm>> -> memref<1x10000x128xf32, #tpu.memory_space<hbm>>
        %dma_wait3A_330 = tpu.memref_squeeze %dma_wait3A_329 : memref<1x10000x128xf32, #tpu.memory_space<hbm>> -> memref<10000x128xf32, #tpu.memory_space<hbm>>
        %dma_wait3A_331 = arith.constant 0 : i32
        %dma_wait3A_332 = arith.constant 0 : i32
        %dma_wait3A_333 = tpu.memref_slice %dma_wait3A_330[%dma_wait3A_331, %dma_wait3A_332] : memref<10000x128xf32, #tpu.memory_space<hbm>> -> memref<10000x128xf32, #tpu.memory_space<hbm>>
        tpu.wait_indirect_dma semaphore(%arg20 : memref<!tpu.dma_semaphore, #tpu.memory_space<semaphore_mem>>) src(%dma_wait3A_333 : memref<10000x128xf32, #tpu.memory_space<hbm>>) dst(%arg14 : memref<64x128xf32, #tpu.memory_space<vmem>>)
        %dma_wait3A_334 = arith.constant 3 : i32
        %dma_wait3A_335 = arith.constant 0 : i32
        %dma_wait3A_336 = tpu.memref_slice %arg13[%dma_wait3A_334, %dma_wait3A_335] : memref<16x64xi32, #tpu.memory_space<vmem>> -> memref<1x64xi32, #tpu.memory_space<vmem>>
        %dma_wait3A_337 = tpu.memref_squeeze %dma_wait3A_336 : memref<1x64xi32, #tpu.memory_space<vmem>> -> memref<64xi32, #tpu.memory_space<vmem>>
        %dma_wait3A_338 = arith.constant 0 : i32
        %dma_wait3A_339 = arith.constant 0 : i32
        %dma_wait3A_340 = tpu.memref_slice %arg19[%dma_wait3A_338, %dma_wait3A_339] : memref<10240x128xf32, #tpu.memory_space<vmem_shared>> -> memref<10240x128xf32, #tpu.memory_space<vmem_shared>>
        tpu.wait_indirect_dma semaphore(%arg27 : memref<!tpu.dma_semaphore, #tpu.memory_space<semaphore_mem>>) src(%arg17 : memref<64x128xf32, #tpu.memory_space<vmem>>) dst(%dma_wait3A_340 : memref<10240x128xf32, #tpu.memory_space<vmem_shared>>)
        %dma_start3A_341 = arith.constant 7 : i32
        %dma_start3A_342 = arith.constant 0 : i32
        %dma_start3A_343 = tpu.memref_slice %arg12[%dma_start3A_341, %dma_start3A_342] : memref<16x64xi32, #tpu.memory_space<vmem>> -> memref<1x64xi32, #tpu.memory_space<vmem>>
        %dma_start3A_344 = tpu.memref_squeeze %dma_start3A_343 : memref<1x64xi32, #tpu.memory_space<vmem>> -> memref<64xi32, #tpu.memory_space<vmem>>
        %dma_start3A_345 = arith.constant 0 : i32
        %dma_start3A_346 = arith.constant 0 : i32
        %dma_start3A_347 = tpu.memref_slice %arg7[%and3A_11, %dma_start3A_345, %dma_start3A_346] : memref<4x10000x128xf32, #tpu.memory_space<hbm>> -> memref<1x10000x128xf32, #tpu.memory_space<hbm>>
        %dma_start3A_348 = tpu.memref_squeeze %dma_start3A_347 : memref<1x10000x128xf32, #tpu.memory_space<hbm>> -> memref<10000x128xf32, #tpu.memory_space<hbm>>
        %dma_start3A_349 = arith.constant 0 : i32
        %dma_start3A_350 = arith.constant 0 : i32
        %dma_start3A_351 = tpu.memref_slice %dma_start3A_348[%dma_start3A_349, %dma_start3A_350] : memref<10000x128xf32, #tpu.memory_space<hbm>> -> memref<10000x128xf32, #tpu.memory_space<hbm>>
        tpu.enqueue_indirect_dma source(%dma_start3A_351 : memref<10000x128xf32, #tpu.memory_space<hbm>>) target(%arg17 : memref<64x128xf32, #tpu.memory_space<vmem>>) offsets(%dma_start3A_344 : memref<64xi32, #tpu.memory_space<vmem>>) semaphore(%arg23 : memref<!tpu.dma_semaphore, #tpu.memory_space<semaphore_mem>>)
        %dma_start3A_352 = arith.constant 4 : i32
        %dma_start3A_353 = arith.constant 0 : i32
        %dma_start3A_354 = tpu.memref_slice %arg13[%dma_start3A_352, %dma_start3A_353] : memref<16x64xi32, #tpu.memory_space<vmem>> -> memref<1x64xi32, #tpu.memory_space<vmem>>
        %dma_start3A_355 = tpu.memref_squeeze %dma_start3A_354 : memref<1x64xi32, #tpu.memory_space<vmem>> -> memref<64xi32, #tpu.memory_space<vmem>>
        %dma_start3A_356 = arith.constant 0 : i32
        %dma_start3A_357 = arith.constant 0 : i32
        %dma_start3A_358 = tpu.memref_slice %arg19[%dma_start3A_356, %dma_start3A_357] : memref<10240x128xf32, #tpu.memory_space<vmem_shared>> -> memref<10240x128xf32, #tpu.memory_space<vmem_shared>>
        tpu.enqueue_indirect_dma source(%arg14 : memref<64x128xf32, #tpu.memory_space<vmem>>) target(%dma_start3A_358 : memref<10240x128xf32, #tpu.memory_space<vmem_shared>>) offsets(%dma_start3A_355 : memref<64xi32, #tpu.memory_space<vmem>>) semaphore(%arg24 : memref<!tpu.dma_semaphore, #tpu.memory_space<semaphore_mem>>) {add = true}
        %get3A_359 = arith.constant 4 : i32
        %get3A_360 = arith.index_cast %get3A_359 : i32 to index
        %get3A_361 = arith.constant 0 : index
        %get3A_362 = tpu.vector_load %arg13[%get3A_360, %get3A_361] {strides = array<i32>} : memref<16x64xi32, #tpu.memory_space<vmem>>, vector<16xi32>,
        tpu.vector_store_idx %arg18[%get3A_362], %broadcast_in_dim3A_33 {add = true} : memref<10240xf32, #tpu.memory_space<vmem>>[vector<16xi32>], vector<16xf32>,
        %get3A_363 = arith.constant 4 : i32
        %get3A_364 = arith.index_cast %get3A_363 : i32 to index
        %get3A_365 = arith.constant 16 : index
        %get3A_366 = tpu.vector_load %arg13[%get3A_364, %get3A_365] {strides = array<i32>} : memref<16x64xi32, #tpu.memory_space<vmem>>, vector<16xi32>,
        tpu.vector_store_idx %arg18[%get3A_366], %broadcast_in_dim3A_33 {add = true} : memref<10240xf32, #tpu.memory_space<vmem>>[vector<16xi32>], vector<16xf32>,
        %get3A_367 = arith.constant 4 : i32
        %get3A_368 = arith.index_cast %get3A_367 : i32 to index
        %get3A_369 = arith.constant 32 : index
        %get3A_370 = tpu.vector_load %arg13[%get3A_368, %get3A_369] {strides = array<i32>} : memref<16x64xi32, #tpu.memory_space<vmem>>, vector<16xi32>,
        tpu.vector_store_idx %arg18[%get3A_370], %broadcast_in_dim3A_33 {add = true} : memref<10240xf32, #tpu.memory_space<vmem>>[vector<16xi32>], vector<16xf32>,
        %get3A_371 = arith.constant 4 : i32
        %get3A_372 = arith.index_cast %get3A_371 : i32 to index
        %get3A_373 = arith.constant 48 : index
        %get3A_374 = tpu.vector_load %arg13[%get3A_372, %get3A_373] {strides = array<i32>} : memref<16x64xi32, #tpu.memory_space<vmem>>, vector<16xi32>,
        tpu.vector_store_idx %arg18[%get3A_374], %broadcast_in_dim3A_33 {add = true} : memref<10240xf32, #tpu.memory_space<vmem>>[vector<16xi32>], vector<16xf32>,
        %dma_wait3A_375 = arith.constant 5 : i32
        %dma_wait3A_376 = arith.constant 0 : i32
        %dma_wait3A_377 = tpu.memref_slice %arg12[%dma_wait3A_375, %dma_wait3A_376] : memref<16x64xi32, #tpu.memory_space<vmem>> -> memref<1x64xi32, #tpu.memory_space<vmem>>
        %dma_wait3A_378 = tpu.memref_squeeze %dma_wait3A_377 : memref<1x64xi32, #tpu.memory_space<vmem>> -> memref<64xi32, #tpu.memory_space<vmem>>
        %dma_wait3A_379 = arith.constant 0 : i32
        %dma_wait3A_380 = arith.constant 0 : i32
        %dma_wait3A_381 = tpu.memref_slice %arg7[%and3A_11, %dma_wait3A_379, %dma_wait3A_380] : memref<4x10000x128xf32, #tpu.memory_space<hbm>> -> memref<1x10000x128xf32, #tpu.memory_space<hbm>>
        %dma_wait3A_382 = tpu.memref_squeeze %dma_wait3A_381 : memref<1x10000x128xf32, #tpu.memory_space<hbm>> -> memref<10000x128xf32, #tpu.memory_space<hbm>>
        %dma_wait3A_383 = arith.constant 0 : i32
        %dma_wait3A_384 = arith.constant 0 : i32
        %dma_wait3A_385 = tpu.memref_slice %dma_wait3A_382[%dma_wait3A_383, %dma_wait3A_384] : memref<10000x128xf32, #tpu.memory_space<hbm>> -> memref<10000x128xf32, #tpu.memory_space<hbm>>
        tpu.wait_indirect_dma semaphore(%arg21 : memref<!tpu.dma_semaphore, #tpu.memory_space<semaphore_mem>>) src(%dma_wait3A_385 : memref<10000x128xf32, #tpu.memory_space<hbm>>) dst(%arg15 : memref<64x128xf32, #tpu.memory_space<vmem>>)
        %dma_wait3A_386 = arith.constant 4 : i32
        %dma_wait3A_387 = arith.constant 0 : i32
        %dma_wait3A_388 = tpu.memref_slice %arg13[%dma_wait3A_386, %dma_wait3A_387] : memref<16x64xi32, #tpu.memory_space<vmem>> -> memref<1x64xi32, #tpu.memory_space<vmem>>
        %dma_wait3A_389 = tpu.memref_squeeze %dma_wait3A_388 : memref<1x64xi32, #tpu.memory_space<vmem>> -> memref<64xi32, #tpu.memory_space<vmem>>
        %dma_wait3A_390 = arith.constant 0 : i32
        %dma_wait3A_391 = arith.constant 0 : i32
        %dma_wait3A_392 = tpu.memref_slice %arg19[%dma_wait3A_390, %dma_wait3A_391] : memref<10240x128xf32, #tpu.memory_space<vmem_shared>> -> memref<10240x128xf32, #tpu.memory_space<vmem_shared>>
        tpu.wait_indirect_dma semaphore(%arg24 : memref<!tpu.dma_semaphore, #tpu.memory_space<semaphore_mem>>) src(%arg14 : memref<64x128xf32, #tpu.memory_space<vmem>>) dst(%dma_wait3A_392 : memref<10240x128xf32, #tpu.memory_space<vmem_shared>>)
        %dma_start3A_393 = arith.constant 8 : i32
        %dma_start3A_394 = arith.constant 0 : i32
        %dma_start3A_395 = tpu.memref_slice %arg12[%dma_start3A_393, %dma_start3A_394] : memref<16x64xi32, #tpu.memory_space<vmem>> -> memref<1x64xi32, #tpu.memory_space<vmem>>
        %dma_start3A_396 = tpu.memref_squeeze %dma_start3A_395 : memref<1x64xi32, #tpu.memory_space<vmem>> -> memref<64xi32, #tpu.memory_space<vmem>>
        %dma_start3A_397 = arith.constant 0 : i32
        %dma_start3A_398 = arith.constant 0 : i32
        %dma_start3A_399 = tpu.memref_slice %arg7[%and3A_11, %dma_start3A_397, %dma_start3A_398] : memref<4x10000x128xf32, #tpu.memory_space<hbm>> -> memref<1x10000x128xf32, #tpu.memory_space<hbm>>
        %dma_start3A_400 = tpu.memref_squeeze %dma_start3A_399 : memref<1x10000x128xf32, #tpu.memory_space<hbm>> -> memref<10000x128xf32, #tpu.memory_space<hbm>>
        %dma_start3A_401 = arith.constant 0 : i32
        %dma_start3A_402 = arith.constant 0 : i32
        %dma_start3A_403 = tpu.memref_slice %dma_start3A_400[%dma_start3A_401, %dma_start3A_402] : memref<10000x128xf32, #tpu.memory_space<hbm>> -> memref<10000x128xf32, #tpu.memory_space<hbm>>
        tpu.enqueue_indirect_dma source(%dma_start3A_403 : memref<10000x128xf32, #tpu.memory_space<hbm>>) target(%arg14 : memref<64x128xf32, #tpu.memory_space<vmem>>) offsets(%dma_start3A_396 : memref<64xi32, #tpu.memory_space<vmem>>) semaphore(%arg20 : memref<!tpu.dma_semaphore, #tpu.memory_space<semaphore_mem>>)
        %dma_start3A_404 = arith.constant 5 : i32
        %dma_start3A_405 = arith.constant 0 : i32
        %dma_start3A_406 = tpu.memref_slice %arg13[%dma_start3A_404, %dma_start3A_405] : memref<16x64xi32, #tpu.memory_space<vmem>> -> memref<1x64xi32, #tpu.memory_space<vmem>>
        %dma_start3A_407 = tpu.memref_squeeze %dma_start3A_406 : memref<1x64xi32, #tpu.memory_space<vmem>> -> memref<64xi32, #tpu.memory_space<vmem>>
        %dma_start3A_408 = arith.constant 0 : i32
        %dma_start3A_409 = arith.constant 0 : i32
        %dma_start3A_410 = tpu.memref_slice %arg19[%dma_start3A_408, %dma_start3A_409] : memref<10240x128xf32, #tpu.memory_space<vmem_shared>> -> memref<10240x128xf32, #tpu.memory_space<vmem_shared>>
        tpu.enqueue_indirect_dma source(%arg15 : memref<64x128xf32, #tpu.memory_space<vmem>>) target(%dma_start3A_410 : memref<10240x128xf32, #tpu.memory_space<vmem_shared>>) offsets(%dma_start3A_407 : memref<64xi32, #tpu.memory_space<vmem>>) semaphore(%arg25 : memref<!tpu.dma_semaphore, #tpu.memory_space<semaphore_mem>>) {add = true}
        %get3A_411 = arith.constant 5 : i32
        %get3A_412 = arith.index_cast %get3A_411 : i32 to index
        %get3A_413 = arith.constant 0 : index
        %get3A_414 = tpu.vector_load %arg13[%get3A_412, %get3A_413] {strides = array<i32>} : memref<16x64xi32, #tpu.memory_space<vmem>>, vector<16xi32>,
        tpu.vector_store_idx %arg18[%get3A_414], %broadcast_in_dim3A_33 {add = true} : memref<10240xf32, #tpu.memory_space<vmem>>[vector<16xi32>], vector<16xf32>,
        %get3A_415 = arith.constant 5 : i32
        %get3A_416 = arith.index_cast %get3A_415 : i32 to index
        %get3A_417 = arith.constant 16 : index
        %get3A_418 = tpu.vector_load %arg13[%get3A_416, %get3A_417] {strides = array<i32>} : memref<16x64xi32, #tpu.memory_space<vmem>>, vector<16xi32>,
        tpu.vector_store_idx %arg18[%get3A_418], %broadcast_in_dim3A_33 {add = true} : memref<10240xf32, #tpu.memory_space<vmem>>[vector<16xi32>], vector<16xf32>,
        %get3A_419 = arith.constant 5 : i32
        %get3A_420 = arith.index_cast %get3A_419 : i32 to index
        %get3A_421 = arith.constant 32 : index
        %get3A_422 = tpu.vector_load %arg13[%get3A_420, %get3A_421] {strides = array<i32>} : memref<16x64xi32, #tpu.memory_space<vmem>>, vector<16xi32>,
        tpu.vector_store_idx %arg18[%get3A_422], %broadcast_in_dim3A_33 {add = true} : memref<10240xf32, #tpu.memory_space<vmem>>[vector<16xi32>], vector<16xf32>,
        %get3A_423 = arith.constant 5 : i32
        %get3A_424 = arith.index_cast %get3A_423 : i32 to index
        %get3A_425 = arith.constant 48 : index
        %get3A_426 = tpu.vector_load %arg13[%get3A_424, %get3A_425] {strides = array<i32>} : memref<16x64xi32, #tpu.memory_space<vmem>>, vector<16xi32>,
        tpu.vector_store_idx %arg18[%get3A_426], %broadcast_in_dim3A_33 {add = true} : memref<10240xf32, #tpu.memory_space<vmem>>[vector<16xi32>], vector<16xf32>,
        %dma_wait3A_427 = arith.constant 6 : i32
        %dma_wait3A_428 = arith.constant 0 : i32
        %dma_wait3A_429 = tpu.memref_slice %arg12[%dma_wait3A_427, %dma_wait3A_428] : memref<16x64xi32, #tpu.memory_space<vmem>> -> memref<1x64xi32, #tpu.memory_space<vmem>>
        %dma_wait3A_430 = tpu.memref_squeeze %dma_wait3A_429 : memref<1x64xi32, #tpu.memory_space<vmem>> -> memref<64xi32, #tpu.memory_space<vmem>>
        %dma_wait3A_431 = arith.constant 0 : i32
        %dma_wait3A_432 = arith.constant 0 : i32
        %dma_wait3A_433 = tpu.memref_slice %arg7[%and3A_11, %dma_wait3A_431, %dma_wait3A_432] : memref<4x10000x128xf32, #tpu.memory_space<hbm>> -> memref<1x10000x128xf32, #tpu.memory_space<hbm>>
        %dma_wait3A_434 = tpu.memref_squeeze %dma_wait3A_433 : memref<1x10000x128xf32, #tpu.memory_space<hbm>> -> memref<10000x128xf32, #tpu.memory_space<hbm>>
        %dma_wait3A_435 = arith.constant 0 : i32
        %dma_wait3A_436 = arith.constant 0 : i32
        %dma_wait3A_437 = tpu.memref_slice %dma_wait3A_434[%dma_wait3A_435, %dma_wait3A_436] : memref<10000x128xf32, #tpu.memory_space<hbm>> -> memref<10000x128xf32, #tpu.memory_space<hbm>>
        tpu.wait_indirect_dma semaphore(%arg22 : memref<!tpu.dma_semaphore, #tpu.memory_space<semaphore_mem>>) src(%dma_wait3A_437 : memref<10000x128xf32, #tpu.memory_space<hbm>>) dst(%arg16 : memref<64x128xf32, #tpu.memory_space<vmem>>)
        %dma_wait3A_438 = arith.constant 5 : i32
        %dma_wait3A_439 = arith.constant 0 : i32
        %dma_wait3A_440 = tpu.memref_slice %arg13[%dma_wait3A_438, %dma_wait3A_439] : memref<16x64xi32, #tpu.memory_space<vmem>> -> memref<1x64xi32, #tpu.memory_space<vmem>>
        %dma_wait3A_441 = tpu.memref_squeeze %dma_wait3A_440 : memref<1x64xi32, #tpu.memory_space<vmem>> -> memref<64xi32, #tpu.memory_space<vmem>>
        %dma_wait3A_442 = arith.constant 0 : i32
        %dma_wait3A_443 = arith.constant 0 : i32
        %dma_wait3A_444 = tpu.memref_slice %arg19[%dma_wait3A_442, %dma_wait3A_443] : memref<10240x128xf32, #tpu.memory_space<vmem_shared>> -> memref<10240x128xf32, #tpu.memory_space<vmem_shared>>
        tpu.wait_indirect_dma semaphore(%arg25 : memref<!tpu.dma_semaphore, #tpu.memory_space<semaphore_mem>>) src(%arg15 : memref<64x128xf32, #tpu.memory_space<vmem>>) dst(%dma_wait3A_444 : memref<10240x128xf32, #tpu.memory_space<vmem_shared>>)
        %dma_start3A_445 = arith.constant 9 : i32
        %dma_start3A_446 = arith.constant 0 : i32
        %dma_start3A_447 = tpu.memref_slice %arg12[%dma_start3A_445, %dma_start3A_446] : memref<16x64xi32, #tpu.memory_space<vmem>> -> memref<1x64xi32, #tpu.memory_space<vmem>>
        %dma_start3A_448 = tpu.memref_squeeze %dma_start3A_447 : memref<1x64xi32, #tpu.memory_space<vmem>> -> memref<64xi32, #tpu.memory_space<vmem>>
        %dma_start3A_449 = arith.constant 0 : i32
        %dma_start3A_450 = arith.constant 0 : i32
        %dma_start3A_451 = tpu.memref_slice %arg7[%and3A_11, %dma_start3A_449, %dma_start3A_450] : memref<4x10000x128xf32, #tpu.memory_space<hbm>> -> memref<1x10000x128xf32, #tpu.memory_space<hbm>>
        %dma_start3A_452 = tpu.memref_squeeze %dma_start3A_451 : memref<1x10000x128xf32, #tpu.memory_space<hbm>> -> memref<10000x128xf32, #tpu.memory_space<hbm>>
        %dma_start3A_453 = arith.constant 0 : i32
        %dma_start3A_454 = arith.constant 0 : i32
        %dma_start3A_455 = tpu.memref_slice %dma_start3A_452[%dma_start3A_453, %dma_start3A_454] : memref<10000x128xf32, #tpu.memory_space<hbm>> -> memref<10000x128xf32, #tpu.memory_space<hbm>>
        tpu.enqueue_indirect_dma source(%dma_start3A_455 : memref<10000x128xf32, #tpu.memory_space<hbm>>) target(%arg15 : memref<64x128xf32, #tpu.memory_space<vmem>>) offsets(%dma_start3A_448 : memref<64xi32, #tpu.memory_space<vmem>>) semaphore(%arg21 : memref<!tpu.dma_semaphore, #tpu.memory_space<semaphore_mem>>)
        %dma_start3A_456 = arith.constant 6 : i32
        %dma_start3A_457 = arith.constant 0 : i32
        %dma_start3A_458 = tpu.memref_slice %arg13[%dma_start3A_456, %dma_start3A_457] : memref<16x64xi32, #tpu.memory_space<vmem>> -> memref<1x64xi32, #tpu.memory_space<vmem>>
        %dma_start3A_459 = tpu.memref_squeeze %dma_start3A_458 : memref<1x64xi32, #tpu.memory_space<vmem>> -> memref<64xi32, #tpu.memory_space<vmem>>
        %dma_start3A_460 = arith.constant 0 : i32
        %dma_start3A_461 = arith.constant 0 : i32
        %dma_start3A_462 = tpu.memref_slice %arg19[%dma_start3A_460, %dma_start3A_461] : memref<10240x128xf32, #tpu.memory_space<vmem_shared>> -> memref<10240x128xf32, #tpu.memory_space<vmem_shared>>
        tpu.enqueue_indirect_dma source(%arg16 : memref<64x128xf32, #tpu.memory_space<vmem>>) target(%dma_start3A_462 : memref<10240x128xf32, #tpu.memory_space<vmem_shared>>) offsets(%dma_start3A_459 : memref<64xi32, #tpu.memory_space<vmem>>) semaphore(%arg26 : memref<!tpu.dma_semaphore, #tpu.memory_space<semaphore_mem>>) {add = true}
        %get3A_463 = arith.constant 6 : i32
        %get3A_464 = arith.index_cast %get3A_463 : i32 to index
        %get3A_465 = arith.constant 0 : index
        %get3A_466 = tpu.vector_load %arg13[%get3A_464, %get3A_465] {strides = array<i32>} : memref<16x64xi32, #tpu.memory_space<vmem>>, vector<16xi32>,
        tpu.vector_store_idx %arg18[%get3A_466], %broadcast_in_dim3A_33 {add = true} : memref<10240xf32, #tpu.memory_space<vmem>>[vector<16xi32>], vector<16xf32>,
        %get3A_467 = arith.constant 6 : i32
        %get3A_468 = arith.index_cast %get3A_467 : i32 to index
        %get3A_469 = arith.constant 16 : index
        %get3A_470 = tpu.vector_load %arg13[%get3A_468, %get3A_469] {strides = array<i32>} : memref<16x64xi32, #tpu.memory_space<vmem>>, vector<16xi32>,
        tpu.vector_store_idx %arg18[%get3A_470], %broadcast_in_dim3A_33 {add = true} : memref<10240xf32, #tpu.memory_space<vmem>>[vector<16xi32>], vector<16xf32>,
        %get3A_471 = arith.constant 6 : i32
        %get3A_472 = arith.index_cast %get3A_471 : i32 to index
        %get3A_473 = arith.constant 32 : index
        %get3A_474 = tpu.vector_load %arg13[%get3A_472, %get3A_473] {strides = array<i32>} : memref<16x64xi32, #tpu.memory_space<vmem>>, vector<16xi32>,
        tpu.vector_store_idx %arg18[%get3A_474], %broadcast_in_dim3A_33 {add = true} : memref<10240xf32, #tpu.memory_space<vmem>>[vector<16xi32>], vector<16xf32>,
        %get3A_475 = arith.constant 6 : i32
        %get3A_476 = arith.index_cast %get3A_475 : i32 to index
        %get3A_477 = arith.constant 48 : index
        %get3A_478 = tpu.vector_load %arg13[%get3A_476, %get3A_477] {strides = array<i32>} : memref<16x64xi32, #tpu.memory_space<vmem>>, vector<16xi32>,
        tpu.vector_store_idx %arg18[%get3A_478], %broadcast_in_dim3A_33 {add = true} : memref<10240xf32, #tpu.memory_space<vmem>>[vector<16xi32>], vector<16xf32>,
        %dma_wait3A_479 = arith.constant 7 : i32
        %dma_wait3A_480 = arith.constant 0 : i32
        %dma_wait3A_481 = tpu.memref_slice %arg12[%dma_wait3A_479, %dma_wait3A_480] : memref<16x64xi32, #tpu.memory_space<vmem>> -> memref<1x64xi32, #tpu.memory_space<vmem>>
        %dma_wait3A_482 = tpu.memref_squeeze %dma_wait3A_481 : memref<1x64xi32, #tpu.memory_space<vmem>> -> memref<64xi32, #tpu.memory_space<vmem>>
        %dma_wait3A_483 = arith.constant 0 : i32
        %dma_wait3A_484 = arith.constant 0 : i32
        %dma_wait3A_485 = tpu.memref_slice %arg7[%and3A_11, %dma_wait3A_483, %dma_wait3A_484] : memref<4x10000x128xf32, #tpu.memory_space<hbm>> -> memref<1x10000x128xf32, #tpu.memory_space<hbm>>
        %dma_wait3A_486 = tpu.memref_squeeze %dma_wait3A_485 : memref<1x10000x128xf32, #tpu.memory_space<hbm>> -> memref<10000x128xf32, #tpu.memory_space<hbm>>
        %dma_wait3A_487 = arith.constant 0 : i32
        %dma_wait3A_488 = arith.constant 0 : i32
        %dma_wait3A_489 = tpu.memref_slice %dma_wait3A_486[%dma_wait3A_487, %dma_wait3A_488] : memref<10000x128xf32, #tpu.memory_space<hbm>> -> memref<10000x128xf32, #tpu.memory_space<hbm>>
        tpu.wait_indirect_dma semaphore(%arg23 : memref<!tpu.dma_semaphore, #tpu.memory_space<semaphore_mem>>) src(%dma_wait3A_489 : memref<10000x128xf32, #tpu.memory_space<hbm>>) dst(%arg17 : memref<64x128xf32, #tpu.memory_space<vmem>>)
        %dma_wait3A_490 = arith.constant 6 : i32
        %dma_wait3A_491 = arith.constant 0 : i32
        %dma_wait3A_492 = tpu.memref_slice %arg13[%dma_wait3A_490, %dma_wait3A_491] : memref<16x64xi32, #tpu.memory_space<vmem>> -> memref<1x64xi32, #tpu.memory_space<vmem>>
        %dma_wait3A_493 = tpu.memref_squeeze %dma_wait3A_492 : memref<1x64xi32, #tpu.memory_space<vmem>> -> memref<64xi32, #tpu.memory_space<vmem>>
        %dma_wait3A_494 = arith.constant 0 : i32
        %dma_wait3A_495 = arith.constant 0 : i32
        %dma_wait3A_496 = tpu.memref_slice %arg19[%dma_wait3A_494, %dma_wait3A_495] : memref<10240x128xf32, #tpu.memory_space<vmem_shared>> -> memref<10240x128xf32, #tpu.memory_space<vmem_shared>>
        tpu.wait_indirect_dma semaphore(%arg26 : memref<!tpu.dma_semaphore, #tpu.memory_space<semaphore_mem>>) src(%arg16 : memref<64x128xf32, #tpu.memory_space<vmem>>) dst(%dma_wait3A_496 : memref<10240x128xf32, #tpu.memory_space<vmem_shared>>)
        %dma_start3A_497 = arith.constant 10 : i32
        %dma_start3A_498 = arith.constant 0 : i32
        %dma_start3A_499 = tpu.memref_slice %arg12[%dma_start3A_497, %dma_start3A_498] : memref<16x64xi32, #tpu.memory_space<vmem>> -> memref<1x64xi32, #tpu.memory_space<vmem>>
        %dma_start3A_500 = tpu.memref_squeeze %dma_start3A_499 : memref<1x64xi32, #tpu.memory_space<vmem>> -> memref<64xi32, #tpu.memory_space<vmem>>
        %dma_start3A_501 = arith.constant 0 : i32
        %dma_start3A_502 = arith.constant 0 : i32
        %dma_start3A_503 = tpu.memref_slice %arg7[%and3A_11, %dma_start3A_501, %dma_start3A_502] : memref<4x10000x128xf32, #tpu.memory_space<hbm>> -> memref<1x10000x128xf32, #tpu.memory_space<hbm>>
        %dma_start3A_504 = tpu.memref_squeeze %dma_start3A_503 : memref<1x10000x128xf32, #tpu.memory_space<hbm>> -> memref<10000x128xf32, #tpu.memory_space<hbm>>
        %dma_start3A_505 = arith.constant 0 : i32
        %dma_start3A_506 = arith.constant 0 : i32
        %dma_start3A_507 = tpu.memref_slice %dma_start3A_504[%dma_start3A_505, %dma_start3A_506] : memref<10000x128xf32, #tpu.memory_space<hbm>> -> memref<10000x128xf32, #tpu.memory_space<hbm>>
        tpu.enqueue_indirect_dma source(%dma_start3A_507 : memref<10000x128xf32, #tpu.memory_space<hbm>>) target(%arg16 : memref<64x128xf32, #tpu.memory_space<vmem>>) offsets(%dma_start3A_500 : memref<64xi32, #tpu.memory_space<vmem>>) semaphore(%arg22 : memref<!tpu.dma_semaphore, #tpu.memory_space<semaphore_mem>>)
        %dma_start3A_508 = arith.constant 7 : i32
        %dma_start3A_509 = arith.constant 0 : i32
        %dma_start3A_510 = tpu.memref_slice %arg13[%dma_start3A_508, %dma_start3A_509] : memref<16x64xi32, #tpu.memory_space<vmem>> -> memref<1x64xi32, #tpu.memory_space<vmem>>
        %dma_start3A_511 = tpu.memref_squeeze %dma_start3A_510 : memref<1x64xi32, #tpu.memory_space<vmem>> -> memref<64xi32, #tpu.memory_space<vmem>>
        %dma_start3A_512 = arith.constant 0 : i32
        %dma_start3A_513 = arith.constant 0 : i32
        %dma_start3A_514 = tpu.memref_slice %arg19[%dma_start3A_512, %dma_start3A_513] : memref<10240x128xf32, #tpu.memory_space<vmem_shared>> -> memref<10240x128xf32, #tpu.memory_space<vmem_shared>>
        tpu.enqueue_indirect_dma source(%arg17 : memref<64x128xf32, #tpu.memory_space<vmem>>) target(%dma_start3A_514 : memref<10240x128xf32, #tpu.memory_space<vmem_shared>>) offsets(%dma_start3A_511 : memref<64xi32, #tpu.memory_space<vmem>>) semaphore(%arg27 : memref<!tpu.dma_semaphore, #tpu.memory_space<semaphore_mem>>) {add = true}
        %get3A_515 = arith.constant 7 : i32
        %get3A_516 = arith.index_cast %get3A_515 : i32 to index
        %get3A_517 = arith.constant 0 : index
        %get3A_518 = tpu.vector_load %arg13[%get3A_516, %get3A_517] {strides = array<i32>} : memref<16x64xi32, #tpu.memory_space<vmem>>, vector<16xi32>,
        tpu.vector_store_idx %arg18[%get3A_518], %broadcast_in_dim3A_33 {add = true} : memref<10240xf32, #tpu.memory_space<vmem>>[vector<16xi32>], vector<16xf32>,
        %get3A_519 = arith.constant 7 : i32
        %get3A_520 = arith.index_cast %get3A_519 : i32 to index
        %get3A_521 = arith.constant 16 : index
        %get3A_522 = tpu.vector_load %arg13[%get3A_520, %get3A_521] {strides = array<i32>} : memref<16x64xi32, #tpu.memory_space<vmem>>, vector<16xi32>,
        tpu.vector_store_idx %arg18[%get3A_522], %broadcast_in_dim3A_33 {add = true} : memref<10240xf32, #tpu.memory_space<vmem>>[vector<16xi32>], vector<16xf32>,
        %get3A_523 = arith.constant 7 : i32
        %get3A_524 = arith.index_cast %get3A_523 : i32 to index
        %get3A_525 = arith.constant 32 : index
        %get3A_526 = tpu.vector_load %arg13[%get3A_524, %get3A_525] {strides = array<i32>} : memref<16x64xi32, #tpu.memory_space<vmem>>, vector<16xi32>,
        tpu.vector_store_idx %arg18[%get3A_526], %broadcast_in_dim3A_33 {add = true} : memref<10240xf32, #tpu.memory_space<vmem>>[vector<16xi32>], vector<16xf32>,
        %get3A_527 = arith.constant 7 : i32
        %get3A_528 = arith.index_cast %get3A_527 : i32 to index
        %get3A_529 = arith.constant 48 : index
        %get3A_530 = tpu.vector_load %arg13[%get3A_528, %get3A_529] {strides = array<i32>} : memref<16x64xi32, #tpu.memory_space<vmem>>, vector<16xi32>,
        tpu.vector_store_idx %arg18[%get3A_530], %broadcast_in_dim3A_33 {add = true} : memref<10240xf32, #tpu.memory_space<vmem>>[vector<16xi32>], vector<16xf32>,
        %dma_wait3A_531 = arith.constant 8 : i32
        %dma_wait3A_532 = arith.constant 0 : i32
        %dma_wait3A_533 = tpu.memref_slice %arg12[%dma_wait3A_531, %dma_wait3A_532] : memref<16x64xi32, #tpu.memory_space<vmem>> -> memref<1x64xi32, #tpu.memory_space<vmem>>
        %dma_wait3A_534 = tpu.memref_squeeze %dma_wait3A_533 : memref<1x64xi32, #tpu.memory_space<vmem>> -> memref<64xi32, #tpu.memory_space<vmem>>
        %dma_wait3A_535 = arith.constant 0 : i32
        %dma_wait3A_536 = arith.constant 0 : i32
        %dma_wait3A_537 = tpu.memref_slice %arg7[%and3A_11, %dma_wait3A_535, %dma_wait3A_536] : memref<4x10000x128xf32, #tpu.memory_space<hbm>> -> memref<1x10000x128xf32, #tpu.memory_space<hbm>>
        %dma_wait3A_538 = tpu.memref_squeeze %dma_wait3A_537 : memref<1x10000x128xf32, #tpu.memory_space<hbm>> -> memref<10000x128xf32, #tpu.memory_space<hbm>>
        %dma_wait3A_539 = arith.constant 0 : i32
        %dma_wait3A_540 = arith.constant 0 : i32
        %dma_wait3A_541 = tpu.memref_slice %dma_wait3A_538[%dma_wait3A_539, %dma_wait3A_540] : memref<10000x128xf32, #tpu.memory_space<hbm>> -> memref<10000x128xf32, #tpu.memory_space<hbm>>
        tpu.wait_indirect_dma semaphore(%arg20 : memref<!tpu.dma_semaphore, #tpu.memory_space<semaphore_mem>>) src(%dma_wait3A_541 : memref<10000x128xf32, #tpu.memory_space<hbm>>) dst(%arg14 : memref<64x128xf32, #tpu.memory_space<vmem>>)
        %dma_wait3A_542 = arith.constant 7 : i32
        %dma_wait3A_543 = arith.constant 0 : i32
        %dma_wait3A_544 = tpu.memref_slice %arg13[%dma_wait3A_542, %dma_wait3A_543] : memref<16x64xi32, #tpu.memory_space<vmem>> -> memref<1x64xi32, #tpu.memory_space<vmem>>
        %dma_wait3A_545 = tpu.memref_squeeze %dma_wait3A_544 : memref<1x64xi32, #tpu.memory_space<vmem>> -> memref<64xi32, #tpu.memory_space<vmem>>
        %dma_wait3A_546 = arith.constant 0 : i32
        %dma_wait3A_547 = arith.constant 0 : i32
        %dma_wait3A_548 = tpu.memref_slice %arg19[%dma_wait3A_546, %dma_wait3A_547] : memref<10240x128xf32, #tpu.memory_space<vmem_shared>> -> memref<10240x128xf32, #tpu.memory_space<vmem_shared>>
        tpu.wait_indirect_dma semaphore(%arg27 : memref<!tpu.dma_semaphore, #tpu.memory_space<semaphore_mem>>) src(%arg17 : memref<64x128xf32, #tpu.memory_space<vmem>>) dst(%dma_wait3A_548 : memref<10240x128xf32, #tpu.memory_space<vmem_shared>>)
        %dma_start3A_549 = arith.constant 11 : i32
        %dma_start3A_550 = arith.constant 0 : i32
        %dma_start3A_551 = tpu.memref_slice %arg12[%dma_start3A_549, %dma_start3A_550] : memref<16x64xi32, #tpu.memory_space<vmem>> -> memref<1x64xi32, #tpu.memory_space<vmem>>
        %dma_start3A_552 = tpu.memref_squeeze %dma_start3A_551 : memref<1x64xi32, #tpu.memory_space<vmem>> -> memref<64xi32, #tpu.memory_space<vmem>>
        %dma_start3A_553 = arith.constant 0 : i32
        %dma_start3A_554 = arith.constant 0 : i32
        %dma_start3A_555 = tpu.memref_slice %arg7[%and3A_11, %dma_start3A_553, %dma_start3A_554] : memref<4x10000x128xf32, #tpu.memory_space<hbm>> -> memref<1x10000x128xf32, #tpu.memory_space<hbm>>
        %dma_start3A_556 = tpu.memref_squeeze %dma_start3A_555 : memref<1x10000x128xf32, #tpu.memory_space<hbm>> -> memref<10000x128xf32, #tpu.memory_space<hbm>>
        %dma_start3A_557 = arith.constant 0 : i32
        %dma_start3A_558 = arith.constant 0 : i32
        %dma_start3A_559 = tpu.memref_slice %dma_start3A_556[%dma_start3A_557, %dma_start3A_558] : memref<10000x128xf32, #tpu.memory_space<hbm>> -> memref<10000x128xf32, #tpu.memory_space<hbm>>
        tpu.enqueue_indirect_dma source(%dma_start3A_559 : memref<10000x128xf32, #tpu.memory_space<hbm>>) target(%arg17 : memref<64x128xf32, #tpu.memory_space<vmem>>) offsets(%dma_start3A_552 : memref<64xi32, #tpu.memory_space<vmem>>) semaphore(%arg23 : memref<!tpu.dma_semaphore, #tpu.memory_space<semaphore_mem>>)
        %dma_start3A_560 = arith.constant 8 : i32
        %dma_start3A_561 = arith.constant 0 : i32
        %dma_start3A_562 = tpu.memref_slice %arg13[%dma_start3A_560, %dma_start3A_561] : memref<16x64xi32, #tpu.memory_space<vmem>> -> memref<1x64xi32, #tpu.memory_space<vmem>>
        %dma_start3A_563 = tpu.memref_squeeze %dma_start3A_562 : memref<1x64xi32, #tpu.memory_space<vmem>> -> memref<64xi32, #tpu.memory_space<vmem>>
        %dma_start3A_564 = arith.constant 0 : i32
        %dma_start3A_565 = arith.constant 0 : i32
        %dma_start3A_566 = tpu.memref_slice %arg19[%dma_start3A_564, %dma_start3A_565] : memref<10240x128xf32, #tpu.memory_space<vmem_shared>> -> memref<10240x128xf32, #tpu.memory_space<vmem_shared>>
        tpu.enqueue_indirect_dma source(%arg14 : memref<64x128xf32, #tpu.memory_space<vmem>>) target(%dma_start3A_566 : memref<10240x128xf32, #tpu.memory_space<vmem_shared>>) offsets(%dma_start3A_563 : memref<64xi32, #tpu.memory_space<vmem>>) semaphore(%arg24 : memref<!tpu.dma_semaphore, #tpu.memory_space<semaphore_mem>>) {add = true}
        %get3A_567 = arith.constant 8 : i32
        %get3A_568 = arith.index_cast %get3A_567 : i32 to index
        %get3A_569 = arith.constant 0 : index
        %get3A_570 = tpu.vector_load %arg13[%get3A_568, %get3A_569] {strides = array<i32>} : memref<16x64xi32, #tpu.memory_space<vmem>>, vector<16xi32>,
        tpu.vector_store_idx %arg18[%get3A_570], %broadcast_in_dim3A_33 {add = true} : memref<10240xf32, #tpu.memory_space<vmem>>[vector<16xi32>], vector<16xf32>,
        %get3A_571 = arith.constant 8 : i32
        %get3A_572 = arith.index_cast %get3A_571 : i32 to index
        %get3A_573 = arith.constant 16 : index
        %get3A_574 = tpu.vector_load %arg13[%get3A_572, %get3A_573] {strides = array<i32>} : memref<16x64xi32, #tpu.memory_space<vmem>>, vector<16xi32>,
        tpu.vector_store_idx %arg18[%get3A_574], %broadcast_in_dim3A_33 {add = true} : memref<10240xf32, #tpu.memory_space<vmem>>[vector<16xi32>], vector<16xf32>,
        %get3A_575 = arith.constant 8 : i32
        %get3A_576 = arith.index_cast %get3A_575 : i32 to index
        %get3A_577 = arith.constant 32 : index
        %get3A_578 = tpu.vector_load %arg13[%get3A_576, %get3A_577] {strides = array<i32>} : memref<16x64xi32, #tpu.memory_space<vmem>>, vector<16xi32>,
        tpu.vector_store_idx %arg18[%get3A_578], %broadcast_in_dim3A_33 {add = true} : memref<10240xf32, #tpu.memory_space<vmem>>[vector<16xi32>], vector<16xf32>,
        %get3A_579 = arith.constant 8 : i32
        %get3A_580 = arith.index_cast %get3A_579 : i32 to index
        %get3A_581 = arith.constant 48 : index
        %get3A_582 = tpu.vector_load %arg13[%get3A_580, %get3A_581] {strides = array<i32>} : memref<16x64xi32, #tpu.memory_space<vmem>>, vector<16xi32>,
        tpu.vector_store_idx %arg18[%get3A_582], %broadcast_in_dim3A_33 {add = true} : memref<10240xf32, #tpu.memory_space<vmem>>[vector<16xi32>], vector<16xf32>,
        %dma_wait3A_583 = arith.constant 9 : i32
        %dma_wait3A_584 = arith.constant 0 : i32
        %dma_wait3A_585 = tpu.memref_slice %arg12[%dma_wait3A_583, %dma_wait3A_584] : memref<16x64xi32, #tpu.memory_space<vmem>> -> memref<1x64xi32, #tpu.memory_space<vmem>>
        %dma_wait3A_586 = tpu.memref_squeeze %dma_wait3A_585 : memref<1x64xi32, #tpu.memory_space<vmem>> -> memref<64xi32, #tpu.memory_space<vmem>>
        %dma_wait3A_587 = arith.constant 0 : i32
        %dma_wait3A_588 = arith.constant 0 : i32
        %dma_wait3A_589 = tpu.memref_slice %arg7[%and3A_11, %dma_wait3A_587, %dma_wait3A_588] : memref<4x10000x128xf32, #tpu.memory_space<hbm>> -> memref<1x10000x128xf32, #tpu.memory_space<hbm>>
        %dma_wait3A_590 = tpu.memref_squeeze %dma_wait3A_589 : memref<1x10000x128xf32, #tpu.memory_space<hbm>> -> memref<10000x128xf32, #tpu.memory_space<hbm>>
        %dma_wait3A_591 = arith.constant 0 : i32
        %dma_wait3A_592 = arith.constant 0 : i32
        %dma_wait3A_593 = tpu.memref_slice %dma_wait3A_590[%dma_wait3A_591, %dma_wait3A_592] : memref<10000x128xf32, #tpu.memory_space<hbm>> -> memref<10000x128xf32, #tpu.memory_space<hbm>>
        tpu.wait_indirect_dma semaphore(%arg21 : memref<!tpu.dma_semaphore, #tpu.memory_space<semaphore_mem>>) src(%dma_wait3A_593 : memref<10000x128xf32, #tpu.memory_space<hbm>>) dst(%arg15 : memref<64x128xf32, #tpu.memory_space<vmem>>)
        %dma_wait3A_594 = arith.constant 8 : i32
        %dma_wait3A_595 = arith.constant 0 : i32
        %dma_wait3A_596 = tpu.memref_slice %arg13[%dma_wait3A_594, %dma_wait3A_595] : memref<16x64xi32, #tpu.memory_space<vmem>> -> memref<1x64xi32, #tpu.memory_space<vmem>>
        %dma_wait3A_597 = tpu.memref_squeeze %dma_wait3A_596 : memref<1x64xi32, #tpu.memory_space<vmem>> -> memref<64xi32, #tpu.memory_space<vmem>>
        %dma_wait3A_598 = arith.constant 0 : i32
        %dma_wait3A_599 = arith.constant 0 : i32
        %dma_wait3A_600 = tpu.memref_slice %arg19[%dma_wait3A_598, %dma_wait3A_599] : memref<10240x128xf32, #tpu.memory_space<vmem_shared>> -> memref<10240x128xf32, #tpu.memory_space<vmem_shared>>
        tpu.wait_indirect_dma semaphore(%arg24 : memref<!tpu.dma_semaphore, #tpu.memory_space<semaphore_mem>>) src(%arg14 : memref<64x128xf32, #tpu.memory_space<vmem>>) dst(%dma_wait3A_600 : memref<10240x128xf32, #tpu.memory_space<vmem_shared>>)
        %dma_start3A_601 = arith.constant 12 : i32
        %dma_start3A_602 = arith.constant 0 : i32
        %dma_start3A_603 = tpu.memref_slice %arg12[%dma_start3A_601, %dma_start3A_602] : memref<16x64xi32, #tpu.memory_space<vmem>> -> memref<1x64xi32, #tpu.memory_space<vmem>>
        %dma_start3A_604 = tpu.memref_squeeze %dma_start3A_603 : memref<1x64xi32, #tpu.memory_space<vmem>> -> memref<64xi32, #tpu.memory_space<vmem>>
        %dma_start3A_605 = arith.constant 0 : i32
        %dma_start3A_606 = arith.constant 0 : i32
        %dma_start3A_607 = tpu.memref_slice %arg7[%and3A_11, %dma_start3A_605, %dma_start3A_606] : memref<4x10000x128xf32, #tpu.memory_space<hbm>> -> memref<1x10000x128xf32, #tpu.memory_space<hbm>>
        %dma_start3A_608 = tpu.memref_squeeze %dma_start3A_607 : memref<1x10000x128xf32, #tpu.memory_space<hbm>> -> memref<10000x128xf32, #tpu.memory_space<hbm>>
        %dma_start3A_609 = arith.constant 0 : i32
        %dma_start3A_610 = arith.constant 0 : i32
        %dma_start3A_611 = tpu.memref_slice %dma_start3A_608[%dma_start3A_609, %dma_start3A_610] : memref<10000x128xf32, #tpu.memory_space<hbm>> -> memref<10000x128xf32, #tpu.memory_space<hbm>>
        tpu.enqueue_indirect_dma source(%dma_start3A_611 : memref<10000x128xf32, #tpu.memory_space<hbm>>) target(%arg14 : memref<64x128xf32, #tpu.memory_space<vmem>>) offsets(%dma_start3A_604 : memref<64xi32, #tpu.memory_space<vmem>>) semaphore(%arg20 : memref<!tpu.dma_semaphore, #tpu.memory_space<semaphore_mem>>)
        %dma_start3A_612 = arith.constant 9 : i32
        %dma_start3A_613 = arith.constant 0 : i32
        %dma_start3A_614 = tpu.memref_slice %arg13[%dma_start3A_612, %dma_start3A_613] : memref<16x64xi32, #tpu.memory_space<vmem>> -> memref<1x64xi32, #tpu.memory_space<vmem>>
        %dma_start3A_615 = tpu.memref_squeeze %dma_start3A_614 : memref<1x64xi32, #tpu.memory_space<vmem>> -> memref<64xi32, #tpu.memory_space<vmem>>
        %dma_start3A_616 = arith.constant 0 : i32
        %dma_start3A_617 = arith.constant 0 : i32
        %dma_start3A_618 = tpu.memref_slice %arg19[%dma_start3A_616, %dma_start3A_617] : memref<10240x128xf32, #tpu.memory_space<vmem_shared>> -> memref<10240x128xf32, #tpu.memory_space<vmem_shared>>
        tpu.enqueue_indirect_dma source(%arg15 : memref<64x128xf32, #tpu.memory_space<vmem>>) target(%dma_start3A_618 : memref<10240x128xf32, #tpu.memory_space<vmem_shared>>) offsets(%dma_start3A_615 : memref<64xi32, #tpu.memory_space<vmem>>) semaphore(%arg25 : memref<!tpu.dma_semaphore, #tpu.memory_space<semaphore_mem>>) {add = true}
        %get3A_619 = arith.constant 9 : i32
        %get3A_620 = arith.index_cast %get3A_619 : i32 to index
        %get3A_621 = arith.constant 0 : index
        %get3A_622 = tpu.vector_load %arg13[%get3A_620, %get3A_621] {strides = array<i32>} : memref<16x64xi32, #tpu.memory_space<vmem>>, vector<16xi32>,
        tpu.vector_store_idx %arg18[%get3A_622], %broadcast_in_dim3A_33 {add = true} : memref<10240xf32, #tpu.memory_space<vmem>>[vector<16xi32>], vector<16xf32>,
        %get3A_623 = arith.constant 9 : i32
        %get3A_624 = arith.index_cast %get3A_623 : i32 to index
        %get3A_625 = arith.constant 16 : index
        %get3A_626 = tpu.vector_load %arg13[%get3A_624, %get3A_625] {strides = array<i32>} : memref<16x64xi32, #tpu.memory_space<vmem>>, vector<16xi32>,
        tpu.vector_store_idx %arg18[%get3A_626], %broadcast_in_dim3A_33 {add = true} : memref<10240xf32, #tpu.memory_space<vmem>>[vector<16xi32>], vector<16xf32>,
        %get3A_627 = arith.constant 9 : i32
        %get3A_628 = arith.index_cast %get3A_627 : i32 to index
        %get3A_629 = arith.constant 32 : index
        %get3A_630 = tpu.vector_load %arg13[%get3A_628, %get3A_629] {strides = array<i32>} : memref<16x64xi32, #tpu.memory_space<vmem>>, vector<16xi32>,
        tpu.vector_store_idx %arg18[%get3A_630], %broadcast_in_dim3A_33 {add = true} : memref<10240xf32, #tpu.memory_space<vmem>>[vector<16xi32>], vector<16xf32>,
        %get3A_631 = arith.constant 9 : i32
        %get3A_632 = arith.index_cast %get3A_631 : i32 to index
        %get3A_633 = arith.constant 48 : index
        %get3A_634 = tpu.vector_load %arg13[%get3A_632, %get3A_633] {strides = array<i32>} : memref<16x64xi32, #tpu.memory_space<vmem>>, vector<16xi32>,
        tpu.vector_store_idx %arg18[%get3A_634], %broadcast_in_dim3A_33 {add = true} : memref<10240xf32, #tpu.memory_space<vmem>>[vector<16xi32>], vector<16xf32>,
        %dma_wait3A_635 = arith.constant 10 : i32
        %dma_wait3A_636 = arith.constant 0 : i32
        %dma_wait3A_637 = tpu.memref_slice %arg12[%dma_wait3A_635, %dma_wait3A_636] : memref<16x64xi32, #tpu.memory_space<vmem>> -> memref<1x64xi32, #tpu.memory_space<vmem>>
        %dma_wait3A_638 = tpu.memref_squeeze %dma_wait3A_637 : memref<1x64xi32, #tpu.memory_space<vmem>> -> memref<64xi32, #tpu.memory_space<vmem>>
        %dma_wait3A_639 = arith.constant 0 : i32
        %dma_wait3A_640 = arith.constant 0 : i32
        %dma_wait3A_641 = tpu.memref_slice %arg7[%and3A_11, %dma_wait3A_639, %dma_wait3A_640] : memref<4x10000x128xf32, #tpu.memory_space<hbm>> -> memref<1x10000x128xf32, #tpu.memory_space<hbm>>
        %dma_wait3A_642 = tpu.memref_squeeze %dma_wait3A_641 : memref<1x10000x128xf32, #tpu.memory_space<hbm>> -> memref<10000x128xf32, #tpu.memory_space<hbm>>
        %dma_wait3A_643 = arith.constant 0 : i32
        %dma_wait3A_644 = arith.constant 0 : i32
        %dma_wait3A_645 = tpu.memref_slice %dma_wait3A_642[%dma_wait3A_643, %dma_wait3A_644] : memref<10000x128xf32, #tpu.memory_space<hbm>> -> memref<10000x128xf32, #tpu.memory_space<hbm>>
        tpu.wait_indirect_dma semaphore(%arg22 : memref<!tpu.dma_semaphore, #tpu.memory_space<semaphore_mem>>) src(%dma_wait3A_645 : memref<10000x128xf32, #tpu.memory_space<hbm>>) dst(%arg16 : memref<64x128xf32, #tpu.memory_space<vmem>>)
        %dma_wait3A_646 = arith.constant 9 : i32
        %dma_wait3A_647 = arith.constant 0 : i32
        %dma_wait3A_648 = tpu.memref_slice %arg13[%dma_wait3A_646, %dma_wait3A_647] : memref<16x64xi32, #tpu.memory_space<vmem>> -> memref<1x64xi32, #tpu.memory_space<vmem>>
        %dma_wait3A_649 = tpu.memref_squeeze %dma_wait3A_648 : memref<1x64xi32, #tpu.memory_space<vmem>> -> memref<64xi32, #tpu.memory_space<vmem>>
        %dma_wait3A_650 = arith.constant 0 : i32
        %dma_wait3A_651 = arith.constant 0 : i32
        %dma_wait3A_652 = tpu.memref_slice %arg19[%dma_wait3A_650, %dma_wait3A_651] : memref<10240x128xf32, #tpu.memory_space<vmem_shared>> -> memref<10240x128xf32, #tpu.memory_space<vmem_shared>>
        tpu.wait_indirect_dma semaphore(%arg25 : memref<!tpu.dma_semaphore, #tpu.memory_space<semaphore_mem>>) src(%arg15 : memref<64x128xf32, #tpu.memory_space<vmem>>) dst(%dma_wait3A_652 : memref<10240x128xf32, #tpu.memory_space<vmem_shared>>)
        %dma_start3A_653 = arith.constant 13 : i32
        %dma_start3A_654 = arith.constant 0 : i32
        %dma_start3A_655 = tpu.memref_slice %arg12[%dma_start3A_653, %dma_start3A_654] : memref<16x64xi32, #tpu.memory_space<vmem>> -> memref<1x64xi32, #tpu.memory_space<vmem>>
        %dma_start3A_656 = tpu.memref_squeeze %dma_start3A_655 : memref<1x64xi32, #tpu.memory_space<vmem>> -> memref<64xi32, #tpu.memory_space<vmem>>
        %dma_start3A_657 = arith.constant 0 : i32
        %dma_start3A_658 = arith.constant 0 : i32
        %dma_start3A_659 = tpu.memref_slice %arg7[%and3A_11, %dma_start3A_657, %dma_start3A_658] : memref<4x10000x128xf32, #tpu.memory_space<hbm>> -> memref<1x10000x128xf32, #tpu.memory_space<hbm>>
        %dma_start3A_660 = tpu.memref_squeeze %dma_start3A_659 : memref<1x10000x128xf32, #tpu.memory_space<hbm>> -> memref<10000x128xf32, #tpu.memory_space<hbm>>
        %dma_start3A_661 = arith.constant 0 : i32
        %dma_start3A_662 = arith.constant 0 : i32
        %dma_start3A_663 = tpu.memref_slice %dma_start3A_660[%dma_start3A_661, %dma_start3A_662] : memref<10000x128xf32, #tpu.memory_space<hbm>> -> memref<10000x128xf32, #tpu.memory_space<hbm>>
        tpu.enqueue_indirect_dma source(%dma_start3A_663 : memref<10000x128xf32, #tpu.memory_space<hbm>>) target(%arg15 : memref<64x128xf32, #tpu.memory_space<vmem>>) offsets(%dma_start3A_656 : memref<64xi32, #tpu.memory_space<vmem>>) semaphore(%arg21 : memref<!tpu.dma_semaphore, #tpu.memory_space<semaphore_mem>>)
        %dma_start3A_664 = arith.constant 10 : i32
        %dma_start3A_665 = arith.constant 0 : i32
        %dma_start3A_666 = tpu.memref_slice %arg13[%dma_start3A_664, %dma_start3A_665] : memref<16x64xi32, #tpu.memory_space<vmem>> -> memref<1x64xi32, #tpu.memory_space<vmem>>
        %dma_start3A_667 = tpu.memref_squeeze %dma_start3A_666 : memref<1x64xi32, #tpu.memory_space<vmem>> -> memref<64xi32, #tpu.memory_space<vmem>>
        %dma_start3A_668 = arith.constant 0 : i32
        %dma_start3A_669 = arith.constant 0 : i32
        %dma_start3A_670 = tpu.memref_slice %arg19[%dma_start3A_668, %dma_start3A_669] : memref<10240x128xf32, #tpu.memory_space<vmem_shared>> -> memref<10240x128xf32, #tpu.memory_space<vmem_shared>>
        tpu.enqueue_indirect_dma source(%arg16 : memref<64x128xf32, #tpu.memory_space<vmem>>) target(%dma_start3A_670 : memref<10240x128xf32, #tpu.memory_space<vmem_shared>>) offsets(%dma_start3A_667 : memref<64xi32, #tpu.memory_space<vmem>>) semaphore(%arg26 : memref<!tpu.dma_semaphore, #tpu.memory_space<semaphore_mem>>) {add = true}
        %get3A_671 = arith.constant 10 : i32
        %get3A_672 = arith.index_cast %get3A_671 : i32 to index
        %get3A_673 = arith.constant 0 : index
        %get3A_674 = tpu.vector_load %arg13[%get3A_672, %get3A_673] {strides = array<i32>} : memref<16x64xi32, #tpu.memory_space<vmem>>, vector<16xi32>,
        tpu.vector_store_idx %arg18[%get3A_674], %broadcast_in_dim3A_33 {add = true} : memref<10240xf32, #tpu.memory_space<vmem>>[vector<16xi32>], vector<16xf32>,
        %get3A_675 = arith.constant 10 : i32
        %get3A_676 = arith.index_cast %get3A_675 : i32 to index
        %get3A_677 = arith.constant 16 : index
        %get3A_678 = tpu.vector_load %arg13[%get3A_676, %get3A_677] {strides = array<i32>} : memref<16x64xi32, #tpu.memory_space<vmem>>, vector<16xi32>,
        tpu.vector_store_idx %arg18[%get3A_678], %broadcast_in_dim3A_33 {add = true} : memref<10240xf32, #tpu.memory_space<vmem>>[vector<16xi32>], vector<16xf32>,
        %get3A_679 = arith.constant 10 : i32
        %get3A_680 = arith.index_cast %get3A_679 : i32 to index
        %get3A_681 = arith.constant 32 : index
        %get3A_682 = tpu.vector_load %arg13[%get3A_680, %get3A_681] {strides = array<i32>} : memref<16x64xi32, #tpu.memory_space<vmem>>, vector<16xi32>,
        tpu.vector_store_idx %arg18[%get3A_682], %broadcast_in_dim3A_33 {add = true} : memref<10240xf32, #tpu.memory_space<vmem>>[vector<16xi32>], vector<16xf32>,
        %get3A_683 = arith.constant 10 : i32
        %get3A_684 = arith.index_cast %get3A_683 : i32 to index
        %get3A_685 = arith.constant 48 : index
        %get3A_686 = tpu.vector_load %arg13[%get3A_684, %get3A_685] {strides = array<i32>} : memref<16x64xi32, #tpu.memory_space<vmem>>, vector<16xi32>,
        tpu.vector_store_idx %arg18[%get3A_686], %broadcast_in_dim3A_33 {add = true} : memref<10240xf32, #tpu.memory_space<vmem>>[vector<16xi32>], vector<16xf32>,
        %dma_wait3A_687 = arith.constant 11 : i32
        %dma_wait3A_688 = arith.constant 0 : i32
        %dma_wait3A_689 = tpu.memref_slice %arg12[%dma_wait3A_687, %dma_wait3A_688] : memref<16x64xi32, #tpu.memory_space<vmem>> -> memref<1x64xi32, #tpu.memory_space<vmem>>
        %dma_wait3A_690 = tpu.memref_squeeze %dma_wait3A_689 : memref<1x64xi32, #tpu.memory_space<vmem>> -> memref<64xi32, #tpu.memory_space<vmem>>
        %dma_wait3A_691 = arith.constant 0 : i32
        %dma_wait3A_692 = arith.constant 0 : i32
        %dma_wait3A_693 = tpu.memref_slice %arg7[%and3A_11, %dma_wait3A_691, %dma_wait3A_692] : memref<4x10000x128xf32, #tpu.memory_space<hbm>> -> memref<1x10000x128xf32, #tpu.memory_space<hbm>>
        %dma_wait3A_694 = tpu.memref_squeeze %dma_wait3A_693 : memref<1x10000x128xf32, #tpu.memory_space<hbm>> -> memref<10000x128xf32, #tpu.memory_space<hbm>>
        %dma_wait3A_695 = arith.constant 0 : i32
        %dma_wait3A_696 = arith.constant 0 : i32
        %dma_wait3A_697 = tpu.memref_slice %dma_wait3A_694[%dma_wait3A_695, %dma_wait3A_696] : memref<10000x128xf32, #tpu.memory_space<hbm>> -> memref<10000x128xf32, #tpu.memory_space<hbm>>
        tpu.wait_indirect_dma semaphore(%arg23 : memref<!tpu.dma_semaphore, #tpu.memory_space<semaphore_mem>>) src(%dma_wait3A_697 : memref<10000x128xf32, #tpu.memory_space<hbm>>) dst(%arg17 : memref<64x128xf32, #tpu.memory_space<vmem>>)
        %dma_wait3A_698 = arith.constant 10 : i32
        %dma_wait3A_699 = arith.constant 0 : i32
        %dma_wait3A_700 = tpu.memref_slice %arg13[%dma_wait3A_698, %dma_wait3A_699] : memref<16x64xi32, #tpu.memory_space<vmem>> -> memref<1x64xi32, #tpu.memory_space<vmem>>
        %dma_wait3A_701 = tpu.memref_squeeze %dma_wait3A_700 : memref<1x64xi32, #tpu.memory_space<vmem>> -> memref<64xi32, #tpu.memory_space<vmem>>
        %dma_wait3A_702 = arith.constant 0 : i32
        %dma_wait3A_703 = arith.constant 0 : i32
        %dma_wait3A_704 = tpu.memref_slice %arg19[%dma_wait3A_702, %dma_wait3A_703] : memref<10240x128xf32, #tpu.memory_space<vmem_shared>> -> memref<10240x128xf32, #tpu.memory_space<vmem_shared>>
        tpu.wait_indirect_dma semaphore(%arg26 : memref<!tpu.dma_semaphore, #tpu.memory_space<semaphore_mem>>) src(%arg16 : memref<64x128xf32, #tpu.memory_space<vmem>>) dst(%dma_wait3A_704 : memref<10240x128xf32, #tpu.memory_space<vmem_shared>>)
        %dma_start3A_705 = arith.constant 14 : i32
        %dma_start3A_706 = arith.constant 0 : i32
        %dma_start3A_707 = tpu.memref_slice %arg12[%dma_start3A_705, %dma_start3A_706] : memref<16x64xi32, #tpu.memory_space<vmem>> -> memref<1x64xi32, #tpu.memory_space<vmem>>
        %dma_start3A_708 = tpu.memref_squeeze %dma_start3A_707 : memref<1x64xi32, #tpu.memory_space<vmem>> -> memref<64xi32, #tpu.memory_space<vmem>>
        %dma_start3A_709 = arith.constant 0 : i32
        %dma_start3A_710 = arith.constant 0 : i32
        %dma_start3A_711 = tpu.memref_slice %arg7[%and3A_11, %dma_start3A_709, %dma_start3A_710] : memref<4x10000x128xf32, #tpu.memory_space<hbm>> -> memref<1x10000x128xf32, #tpu.memory_space<hbm>>
        %dma_start3A_712 = tpu.memref_squeeze %dma_start3A_711 : memref<1x10000x128xf32, #tpu.memory_space<hbm>> -> memref<10000x128xf32, #tpu.memory_space<hbm>>
        %dma_start3A_713 = arith.constant 0 : i32
        %dma_start3A_714 = arith.constant 0 : i32
        %dma_start3A_715 = tpu.memref_slice %dma_start3A_712[%dma_start3A_713, %dma_start3A_714] : memref<10000x128xf32, #tpu.memory_space<hbm>> -> memref<10000x128xf32, #tpu.memory_space<hbm>>
        tpu.enqueue_indirect_dma source(%dma_start3A_715 : memref<10000x128xf32, #tpu.memory_space<hbm>>) target(%arg16 : memref<64x128xf32, #tpu.memory_space<vmem>>) offsets(%dma_start3A_708 : memref<64xi32, #tpu.memory_space<vmem>>) semaphore(%arg22 : memref<!tpu.dma_semaphore, #tpu.memory_space<semaphore_mem>>)
        %dma_start3A_716 = arith.constant 11 : i32
        %dma_start3A_717 = arith.constant 0 : i32
        %dma_start3A_718 = tpu.memref_slice %arg13[%dma_start3A_716, %dma_start3A_717] : memref<16x64xi32, #tpu.memory_space<vmem>> -> memref<1x64xi32, #tpu.memory_space<vmem>>
        %dma_start3A_719 = tpu.memref_squeeze %dma_start3A_718 : memref<1x64xi32, #tpu.memory_space<vmem>> -> memref<64xi32, #tpu.memory_space<vmem>>
        %dma_start3A_720 = arith.constant 0 : i32
        %dma_start3A_721 = arith.constant 0 : i32
        %dma_start3A_722 = tpu.memref_slice %arg19[%dma_start3A_720, %dma_start3A_721] : memref<10240x128xf32, #tpu.memory_space<vmem_shared>> -> memref<10240x128xf32, #tpu.memory_space<vmem_shared>>
        tpu.enqueue_indirect_dma source(%arg17 : memref<64x128xf32, #tpu.memory_space<vmem>>) target(%dma_start3A_722 : memref<10240x128xf32, #tpu.memory_space<vmem_shared>>) offsets(%dma_start3A_719 : memref<64xi32, #tpu.memory_space<vmem>>) semaphore(%arg27 : memref<!tpu.dma_semaphore, #tpu.memory_space<semaphore_mem>>) {add = true}
        %get3A_723 = arith.constant 11 : i32
        %get3A_724 = arith.index_cast %get3A_723 : i32 to index
        %get3A_725 = arith.constant 0 : index
        %get3A_726 = tpu.vector_load %arg13[%get3A_724, %get3A_725] {strides = array<i32>} : memref<16x64xi32, #tpu.memory_space<vmem>>, vector<16xi32>,
        tpu.vector_store_idx %arg18[%get3A_726], %broadcast_in_dim3A_33 {add = true} : memref<10240xf32, #tpu.memory_space<vmem>>[vector<16xi32>], vector<16xf32>,
        %get3A_727 = arith.constant 11 : i32
        %get3A_728 = arith.index_cast %get3A_727 : i32 to index
        %get3A_729 = arith.constant 16 : index
        %get3A_730 = tpu.vector_load %arg13[%get3A_728, %get3A_729] {strides = array<i32>} : memref<16x64xi32, #tpu.memory_space<vmem>>, vector<16xi32>,
        tpu.vector_store_idx %arg18[%get3A_730], %broadcast_in_dim3A_33 {add = true} : memref<10240xf32, #tpu.memory_space<vmem>>[vector<16xi32>], vector<16xf32>,
        %get3A_731 = arith.constant 11 : i32
        %get3A_732 = arith.index_cast %get3A_731 : i32 to index
        %get3A_733 = arith.constant 32 : index
        %get3A_734 = tpu.vector_load %arg13[%get3A_732, %get3A_733] {strides = array<i32>} : memref<16x64xi32, #tpu.memory_space<vmem>>, vector<16xi32>,
        tpu.vector_store_idx %arg18[%get3A_734], %broadcast_in_dim3A_33 {add = true} : memref<10240xf32, #tpu.memory_space<vmem>>[vector<16xi32>], vector<16xf32>,
        %get3A_735 = arith.constant 11 : i32
        %get3A_736 = arith.index_cast %get3A_735 : i32 to index
        %get3A_737 = arith.constant 48 : index
        %get3A_738 = tpu.vector_load %arg13[%get3A_736, %get3A_737] {strides = array<i32>} : memref<16x64xi32, #tpu.memory_space<vmem>>, vector<16xi32>,
        tpu.vector_store_idx %arg18[%get3A_738], %broadcast_in_dim3A_33 {add = true} : memref<10240xf32, #tpu.memory_space<vmem>>[vector<16xi32>], vector<16xf32>,
        %dma_wait3A_739 = arith.constant 12 : i32
        %dma_wait3A_740 = arith.constant 0 : i32
        %dma_wait3A_741 = tpu.memref_slice %arg12[%dma_wait3A_739, %dma_wait3A_740] : memref<16x64xi32, #tpu.memory_space<vmem>> -> memref<1x64xi32, #tpu.memory_space<vmem>>
        %dma_wait3A_742 = tpu.memref_squeeze %dma_wait3A_741 : memref<1x64xi32, #tpu.memory_space<vmem>> -> memref<64xi32, #tpu.memory_space<vmem>>
        %dma_wait3A_743 = arith.constant 0 : i32
        %dma_wait3A_744 = arith.constant 0 : i32
        %dma_wait3A_745 = tpu.memref_slice %arg7[%and3A_11, %dma_wait3A_743, %dma_wait3A_744] : memref<4x10000x128xf32, #tpu.memory_space<hbm>> -> memref<1x10000x128xf32, #tpu.memory_space<hbm>>
        %dma_wait3A_746 = tpu.memref_squeeze %dma_wait3A_745 : memref<1x10000x128xf32, #tpu.memory_space<hbm>> -> memref<10000x128xf32, #tpu.memory_space<hbm>>
        %dma_wait3A_747 = arith.constant 0 : i32
        %dma_wait3A_748 = arith.constant 0 : i32
        %dma_wait3A_749 = tpu.memref_slice %dma_wait3A_746[%dma_wait3A_747, %dma_wait3A_748] : memref<10000x128xf32, #tpu.memory_space<hbm>> -> memref<10000x128xf32, #tpu.memory_space<hbm>>
        tpu.wait_indirect_dma semaphore(%arg20 : memref<!tpu.dma_semaphore, #tpu.memory_space<semaphore_mem>>) src(%dma_wait3A_749 : memref<10000x128xf32, #tpu.memory_space<hbm>>) dst(%arg14 : memref<64x128xf32, #tpu.memory_space<vmem>>)
        %dma_wait3A_750 = arith.constant 11 : i32
        %dma_wait3A_751 = arith.constant 0 : i32
        %dma_wait3A_752 = tpu.memref_slice %arg13[%dma_wait3A_750, %dma_wait3A_751] : memref<16x64xi32, #tpu.memory_space<vmem>> -> memref<1x64xi32, #tpu.memory_space<vmem>>
        %dma_wait3A_753 = tpu.memref_squeeze %dma_wait3A_752 : memref<1x64xi32, #tpu.memory_space<vmem>> -> memref<64xi32, #tpu.memory_space<vmem>>
        %dma_wait3A_754 = arith.constant 0 : i32
        %dma_wait3A_755 = arith.constant 0 : i32
        %dma_wait3A_756 = tpu.memref_slice %arg19[%dma_wait3A_754, %dma_wait3A_755] : memref<10240x128xf32, #tpu.memory_space<vmem_shared>> -> memref<10240x128xf32, #tpu.memory_space<vmem_shared>>
        tpu.wait_indirect_dma semaphore(%arg27 : memref<!tpu.dma_semaphore, #tpu.memory_space<semaphore_mem>>) src(%arg17 : memref<64x128xf32, #tpu.memory_space<vmem>>) dst(%dma_wait3A_756 : memref<10240x128xf32, #tpu.memory_space<vmem_shared>>)
        %dma_start3A_757 = arith.constant 15 : i32
        %dma_start3A_758 = arith.constant 0 : i32
        %dma_start3A_759 = tpu.memref_slice %arg12[%dma_start3A_757, %dma_start3A_758] : memref<16x64xi32, #tpu.memory_space<vmem>> -> memref<1x64xi32, #tpu.memory_space<vmem>>
        %dma_start3A_760 = tpu.memref_squeeze %dma_start3A_759 : memref<1x64xi32, #tpu.memory_space<vmem>> -> memref<64xi32, #tpu.memory_space<vmem>>
        %dma_start3A_761 = arith.constant 0 : i32
        %dma_start3A_762 = arith.constant 0 : i32
        %dma_start3A_763 = tpu.memref_slice %arg7[%and3A_11, %dma_start3A_761, %dma_start3A_762] : memref<4x10000x128xf32, #tpu.memory_space<hbm>> -> memref<1x10000x128xf32, #tpu.memory_space<hbm>>
        %dma_start3A_764 = tpu.memref_squeeze %dma_start3A_763 : memref<1x10000x128xf32, #tpu.memory_space<hbm>> -> memref<10000x128xf32, #tpu.memory_space<hbm>>
        %dma_start3A_765 = arith.constant 0 : i32
        %dma_start3A_766 = arith.constant 0 : i32
        %dma_start3A_767 = tpu.memref_slice %dma_start3A_764[%dma_start3A_765, %dma_start3A_766] : memref<10000x128xf32, #tpu.memory_space<hbm>> -> memref<10000x128xf32, #tpu.memory_space<hbm>>
        tpu.enqueue_indirect_dma source(%dma_start3A_767 : memref<10000x128xf32, #tpu.memory_space<hbm>>) target(%arg17 : memref<64x128xf32, #tpu.memory_space<vmem>>) offsets(%dma_start3A_760 : memref<64xi32, #tpu.memory_space<vmem>>) semaphore(%arg23 : memref<!tpu.dma_semaphore, #tpu.memory_space<semaphore_mem>>)
        %dma_start3A_768 = arith.constant 12 : i32
        %dma_start3A_769 = arith.constant 0 : i32
        %dma_start3A_770 = tpu.memref_slice %arg13[%dma_start3A_768, %dma_start3A_769] : memref<16x64xi32, #tpu.memory_space<vmem>> -> memref<1x64xi32, #tpu.memory_space<vmem>>
        %dma_start3A_771 = tpu.memref_squeeze %dma_start3A_770 : memref<1x64xi32, #tpu.memory_space<vmem>> -> memref<64xi32, #tpu.memory_space<vmem>>
        %dma_start3A_772 = arith.constant 0 : i32
        %dma_start3A_773 = arith.constant 0 : i32
        %dma_start3A_774 = tpu.memref_slice %arg19[%dma_start3A_772, %dma_start3A_773] : memref<10240x128xf32, #tpu.memory_space<vmem_shared>> -> memref<10240x128xf32, #tpu.memory_space<vmem_shared>>
        tpu.enqueue_indirect_dma source(%arg14 : memref<64x128xf32, #tpu.memory_space<vmem>>) target(%dma_start3A_774 : memref<10240x128xf32, #tpu.memory_space<vmem_shared>>) offsets(%dma_start3A_771 : memref<64xi32, #tpu.memory_space<vmem>>) semaphore(%arg24 : memref<!tpu.dma_semaphore, #tpu.memory_space<semaphore_mem>>) {add = true}
        %get3A_775 = arith.constant 12 : i32
        %get3A_776 = arith.index_cast %get3A_775 : i32 to index
        %get3A_777 = arith.constant 0 : index
        %get3A_778 = tpu.vector_load %arg13[%get3A_776, %get3A_777] {strides = array<i32>} : memref<16x64xi32, #tpu.memory_space<vmem>>, vector<16xi32>,
        tpu.vector_store_idx %arg18[%get3A_778], %broadcast_in_dim3A_33 {add = true} : memref<10240xf32, #tpu.memory_space<vmem>>[vector<16xi32>], vector<16xf32>,
        %get3A_779 = arith.constant 12 : i32
        %get3A_780 = arith.index_cast %get3A_779 : i32 to index
        %get3A_781 = arith.constant 16 : index
        %get3A_782 = tpu.vector_load %arg13[%get3A_780, %get3A_781] {strides = array<i32>} : memref<16x64xi32, #tpu.memory_space<vmem>>, vector<16xi32>,
        tpu.vector_store_idx %arg18[%get3A_782], %broadcast_in_dim3A_33 {add = true} : memref<10240xf32, #tpu.memory_space<vmem>>[vector<16xi32>], vector<16xf32>,
        %get3A_783 = arith.constant 12 : i32
        %get3A_784 = arith.index_cast %get3A_783 : i32 to index
        %get3A_785 = arith.constant 32 : index
        %get3A_786 = tpu.vector_load %arg13[%get3A_784, %get3A_785] {strides = array<i32>} : memref<16x64xi32, #tpu.memory_space<vmem>>, vector<16xi32>,
        tpu.vector_store_idx %arg18[%get3A_786], %broadcast_in_dim3A_33 {add = true} : memref<10240xf32, #tpu.memory_space<vmem>>[vector<16xi32>], vector<16xf32>,
        %get3A_787 = arith.constant 12 : i32
        %get3A_788 = arith.index_cast %get3A_787 : i32 to index
        %get3A_789 = arith.constant 48 : index
        %get3A_790 = tpu.vector_load %arg13[%get3A_788, %get3A_789] {strides = array<i32>} : memref<16x64xi32, #tpu.memory_space<vmem>>, vector<16xi32>,
        tpu.vector_store_idx %arg18[%get3A_790], %broadcast_in_dim3A_33 {add = true} : memref<10240xf32, #tpu.memory_space<vmem>>[vector<16xi32>], vector<16xf32>,
        %dma_wait3A_791 = arith.constant 13 : i32
        %dma_wait3A_792 = arith.constant 0 : i32
        %dma_wait3A_793 = tpu.memref_slice %arg12[%dma_wait3A_791, %dma_wait3A_792] : memref<16x64xi32, #tpu.memory_space<vmem>> -> memref<1x64xi32, #tpu.memory_space<vmem>>
        %dma_wait3A_794 = tpu.memref_squeeze %dma_wait3A_793 : memref<1x64xi32, #tpu.memory_space<vmem>> -> memref<64xi32, #tpu.memory_space<vmem>>
        %dma_wait3A_795 = arith.constant 0 : i32
        %dma_wait3A_796 = arith.constant 0 : i32
        %dma_wait3A_797 = tpu.memref_slice %arg7[%and3A_11, %dma_wait3A_795, %dma_wait3A_796] : memref<4x10000x128xf32, #tpu.memory_space<hbm>> -> memref<1x10000x128xf32, #tpu.memory_space<hbm>>
        %dma_wait3A_798 = tpu.memref_squeeze %dma_wait3A_797 : memref<1x10000x128xf32, #tpu.memory_space<hbm>> -> memref<10000x128xf32, #tpu.memory_space<hbm>>
        %dma_wait3A_799 = arith.constant 0 : i32
        %dma_wait3A_800 = arith.constant 0 : i32
        %dma_wait3A_801 = tpu.memref_slice %dma_wait3A_798[%dma_wait3A_799, %dma_wait3A_800] : memref<10000x128xf32, #tpu.memory_space<hbm>> -> memref<10000x128xf32, #tpu.memory_space<hbm>>
        tpu.wait_indirect_dma semaphore(%arg21 : memref<!tpu.dma_semaphore, #tpu.memory_space<semaphore_mem>>) src(%dma_wait3A_801 : memref<10000x128xf32, #tpu.memory_space<hbm>>) dst(%arg15 : memref<64x128xf32, #tpu.memory_space<vmem>>)
        %dma_start3A_802 = arith.constant 13 : i32
        %dma_start3A_803 = arith.constant 0 : i32
        %dma_start3A_804 = tpu.memref_slice %arg13[%dma_start3A_802, %dma_start3A_803] : memref<16x64xi32, #tpu.memory_space<vmem>> -> memref<1x64xi32, #tpu.memory_space<vmem>>
        %dma_start3A_805 = tpu.memref_squeeze %dma_start3A_804 : memref<1x64xi32, #tpu.memory_space<vmem>> -> memref<64xi32, #tpu.memory_space<vmem>>
        %dma_start3A_806 = arith.constant 0 : i32
        %dma_start3A_807 = arith.constant 0 : i32
        %dma_start3A_808 = tpu.memref_slice %arg19[%dma_start3A_806, %dma_start3A_807] : memref<10240x128xf32, #tpu.memory_space<vmem_shared>> -> memref<10240x128xf32, #tpu.memory_space<vmem_shared>>
        tpu.enqueue_indirect_dma source(%arg15 : memref<64x128xf32, #tpu.memory_space<vmem>>) target(%dma_start3A_808 : memref<10240x128xf32, #tpu.memory_space<vmem_shared>>) offsets(%dma_start3A_805 : memref<64xi32, #tpu.memory_space<vmem>>) semaphore(%arg25 : memref<!tpu.dma_semaphore, #tpu.memory_space<semaphore_mem>>) {add = true}
        %get3A_809 = arith.constant 13 : i32
        %get3A_810 = arith.index_cast %get3A_809 : i32 to index
        %get3A_811 = arith.constant 0 : index
        %get3A_812 = tpu.vector_load %arg13[%get3A_810, %get3A_811] {strides = array<i32>} : memref<16x64xi32, #tpu.memory_space<vmem>>, vector<16xi32>,
        tpu.vector_store_idx %arg18[%get3A_812], %broadcast_in_dim3A_33 {add = true} : memref<10240xf32, #tpu.memory_space<vmem>>[vector<16xi32>], vector<16xf32>,
        %get3A_813 = arith.constant 13 : i32
        %get3A_814 = arith.index_cast %get3A_813 : i32 to index
        %get3A_815 = arith.constant 16 : index
        %get3A_816 = tpu.vector_load %arg13[%get3A_814, %get3A_815] {strides = array<i32>} : memref<16x64xi32, #tpu.memory_space<vmem>>, vector<16xi32>,
        tpu.vector_store_idx %arg18[%get3A_816], %broadcast_in_dim3A_33 {add = true} : memref<10240xf32, #tpu.memory_space<vmem>>[vector<16xi32>], vector<16xf32>,
        %get3A_817 = arith.constant 13 : i32
        %get3A_818 = arith.index_cast %get3A_817 : i32 to index
        %get3A_819 = arith.constant 32 : index
        %get3A_820 = tpu.vector_load %arg13[%get3A_818, %get3A_819] {strides = array<i32>} : memref<16x64xi32, #tpu.memory_space<vmem>>, vector<16xi32>,
        tpu.vector_store_idx %arg18[%get3A_820], %broadcast_in_dim3A_33 {add = true} : memref<10240xf32, #tpu.memory_space<vmem>>[vector<16xi32>], vector<16xf32>,
        %get3A_821 = arith.constant 13 : i32
        %get3A_822 = arith.index_cast %get3A_821 : i32 to index
        %get3A_823 = arith.constant 48 : index
        %get3A_824 = tpu.vector_load %arg13[%get3A_822, %get3A_823] {strides = array<i32>} : memref<16x64xi32, #tpu.memory_space<vmem>>, vector<16xi32>,
        tpu.vector_store_idx %arg18[%get3A_824], %broadcast_in_dim3A_33 {add = true} : memref<10240xf32, #tpu.memory_space<vmem>>[vector<16xi32>], vector<16xf32>,
        %dma_wait3A_825 = arith.constant 14 : i32
        %dma_wait3A_826 = arith.constant 0 : i32
        %dma_wait3A_827 = tpu.memref_slice %arg12[%dma_wait3A_825, %dma_wait3A_826] : memref<16x64xi32, #tpu.memory_space<vmem>> -> memref<1x64xi32, #tpu.memory_space<vmem>>
        %dma_wait3A_828 = tpu.memref_squeeze %dma_wait3A_827 : memref<1x64xi32, #tpu.memory_space<vmem>> -> memref<64xi32, #tpu.memory_space<vmem>>
        %dma_wait3A_829 = arith.constant 0 : i32
        %dma_wait3A_830 = arith.constant 0 : i32
        %dma_wait3A_831 = tpu.memref_slice %arg7[%and3A_11, %dma_wait3A_829, %dma_wait3A_830] : memref<4x10000x128xf32, #tpu.memory_space<hbm>> -> memref<1x10000x128xf32, #tpu.memory_space<hbm>>
        %dma_wait3A_832 = tpu.memref_squeeze %dma_wait3A_831 : memref<1x10000x128xf32, #tpu.memory_space<hbm>> -> memref<10000x128xf32, #tpu.memory_space<hbm>>
        %dma_wait3A_833 = arith.constant 0 : i32
        %dma_wait3A_834 = arith.constant 0 : i32
        %dma_wait3A_835 = tpu.memref_slice %dma_wait3A_832[%dma_wait3A_833, %dma_wait3A_834] : memref<10000x128xf32, #tpu.memory_space<hbm>> -> memref<10000x128xf32, #tpu.memory_space<hbm>>
        tpu.wait_indirect_dma semaphore(%arg22 : memref<!tpu.dma_semaphore, #tpu.memory_space<semaphore_mem>>) src(%dma_wait3A_835 : memref<10000x128xf32, #tpu.memory_space<hbm>>) dst(%arg16 : memref<64x128xf32, #tpu.memory_space<vmem>>)
        %dma_start3A_836 = arith.constant 14 : i32
        %dma_start3A_837 = arith.constant 0 : i32
        %dma_start3A_838 = tpu.memref_slice %arg13[%dma_start3A_836, %dma_start3A_837] : memref<16x64xi32, #tpu.memory_space<vmem>> -> memref<1x64xi32, #tpu.memory_space<vmem>>
        %dma_start3A_839 = tpu.memref_squeeze %dma_start3A_838 : memref<1x64xi32, #tpu.memory_space<vmem>> -> memref<64xi32, #tpu.memory_space<vmem>>
        %dma_start3A_840 = arith.constant 0 : i32
        %dma_start3A_841 = arith.constant 0 : i32
        %dma_start3A_842 = tpu.memref_slice %arg19[%dma_start3A_840, %dma_start3A_841] : memref<10240x128xf32, #tpu.memory_space<vmem_shared>> -> memref<10240x128xf32, #tpu.memory_space<vmem_shared>>
        tpu.enqueue_indirect_dma source(%arg16 : memref<64x128xf32, #tpu.memory_space<vmem>>) target(%dma_start3A_842 : memref<10240x128xf32, #tpu.memory_space<vmem_shared>>) offsets(%dma_start3A_839 : memref<64xi32, #tpu.memory_space<vmem>>) semaphore(%arg26 : memref<!tpu.dma_semaphore, #tpu.memory_space<semaphore_mem>>) {add = true}
        %get3A_843 = arith.constant 14 : i32
        %get3A_844 = arith.index_cast %get3A_843 : i32 to index
        %get3A_845 = arith.constant 0 : index
        %get3A_846 = tpu.vector_load %arg13[%get3A_844, %get3A_845] {strides = array<i32>} : memref<16x64xi32, #tpu.memory_space<vmem>>, vector<16xi32>,
        tpu.vector_store_idx %arg18[%get3A_846], %broadcast_in_dim3A_33 {add = true} : memref<10240xf32, #tpu.memory_space<vmem>>[vector<16xi32>], vector<16xf32>,
        %get3A_847 = arith.constant 14 : i32
        %get3A_848 = arith.index_cast %get3A_847 : i32 to index
        %get3A_849 = arith.constant 16 : index
        %get3A_850 = tpu.vector_load %arg13[%get3A_848, %get3A_849] {strides = array<i32>} : memref<16x64xi32, #tpu.memory_space<vmem>>, vector<16xi32>,
        tpu.vector_store_idx %arg18[%get3A_850], %broadcast_in_dim3A_33 {add = true} : memref<10240xf32, #tpu.memory_space<vmem>>[vector<16xi32>], vector<16xf32>,
        %get3A_851 = arith.constant 14 : i32
        %get3A_852 = arith.index_cast %get3A_851 : i32 to index
        %get3A_853 = arith.constant 32 : index
        %get3A_854 = tpu.vector_load %arg13[%get3A_852, %get3A_853] {strides = array<i32>} : memref<16x64xi32, #tpu.memory_space<vmem>>, vector<16xi32>,
        tpu.vector_store_idx %arg18[%get3A_854], %broadcast_in_dim3A_33 {add = true} : memref<10240xf32, #tpu.memory_space<vmem>>[vector<16xi32>], vector<16xf32>,
        %get3A_855 = arith.constant 14 : i32
        %get3A_856 = arith.index_cast %get3A_855 : i32 to index
        %get3A_857 = arith.constant 48 : index
        %get3A_858 = tpu.vector_load %arg13[%get3A_856, %get3A_857] {strides = array<i32>} : memref<16x64xi32, #tpu.memory_space<vmem>>, vector<16xi32>,
        tpu.vector_store_idx %arg18[%get3A_858], %broadcast_in_dim3A_33 {add = true} : memref<10240xf32, #tpu.memory_space<vmem>>[vector<16xi32>], vector<16xf32>,
        %dma_wait3A_859 = arith.constant 15 : i32
        %dma_wait3A_860 = arith.constant 0 : i32
        %dma_wait3A_861 = tpu.memref_slice %arg12[%dma_wait3A_859, %dma_wait3A_860] : memref<16x64xi32, #tpu.memory_space<vmem>> -> memref<1x64xi32, #tpu.memory_space<vmem>>
        %dma_wait3A_862 = tpu.memref_squeeze %dma_wait3A_861 : memref<1x64xi32, #tpu.memory_space<vmem>> -> memref<64xi32, #tpu.memory_space<vmem>>
        %dma_wait3A_863 = arith.constant 0 : i32
        %dma_wait3A_864 = arith.constant 0 : i32
        %dma_wait3A_865 = tpu.memref_slice %arg7[%and3A_11, %dma_wait3A_863, %dma_wait3A_864] : memref<4x10000x128xf32, #tpu.memory_space<hbm>> -> memref<1x10000x128xf32, #tpu.memory_space<hbm>>
        %dma_wait3A_866 = tpu.memref_squeeze %dma_wait3A_865 : memref<1x10000x128xf32, #tpu.memory_space<hbm>> -> memref<10000x128xf32, #tpu.memory_space<hbm>>
        %dma_wait3A_867 = arith.constant 0 : i32
        %dma_wait3A_868 = arith.constant 0 : i32
        %dma_wait3A_869 = tpu.memref_slice %dma_wait3A_866[%dma_wait3A_867, %dma_wait3A_868] : memref<10000x128xf32, #tpu.memory_space<hbm>> -> memref<10000x128xf32, #tpu.memory_space<hbm>>
        tpu.wait_indirect_dma semaphore(%arg23 : memref<!tpu.dma_semaphore, #tpu.memory_space<semaphore_mem>>) src(%dma_wait3A_869 : memref<10000x128xf32, #tpu.memory_space<hbm>>) dst(%arg17 : memref<64x128xf32, #tpu.memory_space<vmem>>)
        %dma_start3A_870 = arith.constant 15 : i32
        %dma_start3A_871 = arith.constant 0 : i32
        %dma_start3A_872 = tpu.memref_slice %arg13[%dma_start3A_870, %dma_start3A_871] : memref<16x64xi32, #tpu.memory_space<vmem>> -> memref<1x64xi32, #tpu.memory_space<vmem>>
        %dma_start3A_873 = tpu.memref_squeeze %dma_start3A_872 : memref<1x64xi32, #tpu.memory_space<vmem>> -> memref<64xi32, #tpu.memory_space<vmem>>
        %dma_start3A_874 = arith.constant 0 : i32
        %dma_start3A_875 = arith.constant 0 : i32
        %dma_start3A_876 = tpu.memref_slice %arg19[%dma_start3A_874, %dma_start3A_875] : memref<10240x128xf32, #tpu.memory_space<vmem_shared>> -> memref<10240x128xf32, #tpu.memory_space<vmem_shared>>
        tpu.enqueue_indirect_dma source(%arg17 : memref<64x128xf32, #tpu.memory_space<vmem>>) target(%dma_start3A_876 : memref<10240x128xf32, #tpu.memory_space<vmem_shared>>) offsets(%dma_start3A_873 : memref<64xi32, #tpu.memory_space<vmem>>) semaphore(%arg27 : memref<!tpu.dma_semaphore, #tpu.memory_space<semaphore_mem>>) {add = true}
        %get3A_877 = arith.constant 15 : i32
        %get3A_878 = arith.index_cast %get3A_877 : i32 to index
        %get3A_879 = arith.constant 0 : index
        %get3A_880 = tpu.vector_load %arg13[%get3A_878, %get3A_879] {strides = array<i32>} : memref<16x64xi32, #tpu.memory_space<vmem>>, vector<16xi32>,
        tpu.vector_store_idx %arg18[%get3A_880], %broadcast_in_dim3A_33 {add = true} : memref<10240xf32, #tpu.memory_space<vmem>>[vector<16xi32>], vector<16xf32>,
        %get3A_881 = arith.constant 15 : i32
        %get3A_882 = arith.index_cast %get3A_881 : i32 to index
        %get3A_883 = arith.constant 16 : index
        %get3A_884 = tpu.vector_load %arg13[%get3A_882, %get3A_883] {strides = array<i32>} : memref<16x64xi32, #tpu.memory_space<vmem>>, vector<16xi32>,
        tpu.vector_store_idx %arg18[%get3A_884], %broadcast_in_dim3A_33 {add = true} : memref<10240xf32, #tpu.memory_space<vmem>>[vector<16xi32>], vector<16xf32>,
        %get3A_885 = arith.constant 15 : i32
        %get3A_886 = arith.index_cast %get3A_885 : i32 to index
        %get3A_887 = arith.constant 32 : index
        %get3A_888 = tpu.vector_load %arg13[%get3A_886, %get3A_887] {strides = array<i32>} : memref<16x64xi32, #tpu.memory_space<vmem>>, vector<16xi32>,
        tpu.vector_store_idx %arg18[%get3A_888], %broadcast_in_dim3A_33 {add = true} : memref<10240xf32, #tpu.memory_space<vmem>>[vector<16xi32>], vector<16xf32>,
        %get3A_889 = arith.constant 15 : i32
        %get3A_890 = arith.index_cast %get3A_889 : i32 to index
        %get3A_891 = arith.constant 48 : index
        %get3A_892 = tpu.vector_load %arg13[%get3A_890, %get3A_891] {strides = array<i32>} : memref<16x64xi32, #tpu.memory_space<vmem>>, vector<16xi32>,
        tpu.vector_store_idx %arg18[%get3A_892], %broadcast_in_dim3A_33 {add = true} : memref<10240xf32, #tpu.memory_space<vmem>>[vector<16xi32>], vector<16xf32>,
      }
      %scan3A_39 = arith.constant 20 : i32
      %dma_wait3A = arith.constant 0 : i32
      %dma_wait3A_40 = arith.constant 0 : i32
      %dma_wait3A_41 = tpu.memref_slice %arg13[%dma_wait3A, %dma_wait3A_40] : memref<16x64xi32, #tpu.memory_space<vmem>> -> memref<1x64xi32, #tpu.memory_space<vmem>>
      %dma_wait3A_42 = tpu.memref_squeeze %dma_wait3A_41 : memref<1x64xi32, #tpu.memory_space<vmem>> -> memref<64xi32, #tpu.memory_space<vmem>>
      %dma_wait3A_43 = arith.constant 0 : i32
      %dma_wait3A_44 = arith.constant 0 : i32
      %dma_wait3A_45 = tpu.memref_slice %arg19[%dma_wait3A_43, %dma_wait3A_44] : memref<10240x128xf32, #tpu.memory_space<vmem_shared>> -> memref<10240x128xf32, #tpu.memory_space<vmem_shared>>
      tpu.wait_indirect_dma semaphore(%arg24 : memref<!tpu.dma_semaphore, #tpu.memory_space<semaphore_mem>>) src(%arg14 : memref<64x128xf32, #tpu.memory_space<vmem>>) dst(%dma_wait3A_45 : memref<10240x128xf32, #tpu.memory_space<vmem_shared>>)
      %dma_wait3A_46 = arith.constant 0 : i32
      %dma_wait3A_47 = arith.constant 0 : i32
      %dma_wait3A_48 = tpu.memref_slice %arg13[%dma_wait3A_46, %dma_wait3A_47] : memref<16x64xi32, #tpu.memory_space<vmem>> -> memref<1x64xi32, #tpu.memory_space<vmem>>
      %dma_wait3A_49 = tpu.memref_squeeze %dma_wait3A_48 : memref<1x64xi32, #tpu.memory_space<vmem>> -> memref<64xi32, #tpu.memory_space<vmem>>
      %dma_wait3A_50 = arith.constant 0 : i32
      %dma_wait3A_51 = arith.constant 0 : i32
      %dma_wait3A_52 = tpu.memref_slice %arg19[%dma_wait3A_50, %dma_wait3A_51] : memref<10240x128xf32, #tpu.memory_space<vmem_shared>> -> memref<10240x128xf32, #tpu.memory_space<vmem_shared>>
      tpu.wait_indirect_dma semaphore(%arg25 : memref<!tpu.dma_semaphore, #tpu.memory_space<semaphore_mem>>) src(%arg15 : memref<64x128xf32, #tpu.memory_space<vmem>>) dst(%dma_wait3A_52 : memref<10240x128xf32, #tpu.memory_space<vmem_shared>>)
      %dma_wait3A_53 = arith.constant 0 : i32
      %dma_wait3A_54 = arith.constant 0 : i32
      %dma_wait3A_55 = tpu.memref_slice %arg13[%dma_wait3A_53, %dma_wait3A_54] : memref<16x64xi32, #tpu.memory_space<vmem>> -> memref<1x64xi32, #tpu.memory_space<vmem>>
      %dma_wait3A_56 = tpu.memref_squeeze %dma_wait3A_55 : memref<1x64xi32, #tpu.memory_space<vmem>> -> memref<64xi32, #tpu.memory_space<vmem>>
      %dma_wait3A_57 = arith.constant 0 : i32
      %dma_wait3A_58 = arith.constant 0 : i32
      %dma_wait3A_59 = tpu.memref_slice %arg19[%dma_wait3A_57, %dma_wait3A_58] : memref<10240x128xf32, #tpu.memory_space<vmem_shared>> -> memref<10240x128xf32, #tpu.memory_space<vmem_shared>>
      tpu.wait_indirect_dma semaphore(%arg26 : memref<!tpu.dma_semaphore, #tpu.memory_space<semaphore_mem>>) src(%arg16 : memref<64x128xf32, #tpu.memory_space<vmem>>) dst(%dma_wait3A_59 : memref<10240x128xf32, #tpu.memory_space<vmem_shared>>)
      %dma_wait3A_60 = arith.constant 0 : i32
      %dma_wait3A_61 = arith.constant 0 : i32
      %dma_wait3A_62 = tpu.memref_slice %arg13[%dma_wait3A_60, %dma_wait3A_61] : memref<16x64xi32, #tpu.memory_space<vmem>> -> memref<1x64xi32, #tpu.memory_space<vmem>>
      %dma_wait3A_63 = tpu.memref_squeeze %dma_wait3A_62 : memref<1x64xi32, #tpu.memory_space<vmem>> -> memref<64xi32, #tpu.memory_space<vmem>>
      %dma_wait3A_64 = arith.constant 0 : i32
      %dma_wait3A_65 = arith.constant 0 : i32
      %dma_wait3A_66 = tpu.memref_slice %arg19[%dma_wait3A_64, %dma_wait3A_65] : memref<10240x128xf32, #tpu.memory_space<vmem_shared>> -> memref<10240x128xf32, #tpu.memory_space<vmem_shared>>
      tpu.wait_indirect_dma semaphore(%arg27 : memref<!tpu.dma_semaphore, #tpu.memory_space<semaphore_mem>>) src(%arg17 : memref<64x128xf32, #tpu.memory_space<vmem>>) dst(%dma_wait3A_66 : memref<10240x128xf32, #tpu.memory_space<vmem_shared>>)
    } else {
    }
    %mul3A_19 = arith.constant 10240 : i32
    %mul3A_20 = arith.muli %add3A, %mul3A_19 : i32
    "tpu.region"() ({
      %run_scoped3A = tpu.sem_alloc : memref<!tpu.dma_semaphore, #tpu.memory_space<semaphore_mem>>
      %dma_start3A = tpu.memref_slice %arg11[%mul3A_20] : memref<327680xf32, #tpu.memory_space<hbm>> -> memref<10240xf32, #tpu.memory_space<hbm>>
      %dma_start3A_32 = tpu.memref_slice %arg11[%mul3A_20] : memref<327680xf32, #tpu.memory_space<hbm>> -> memref<10240xf32, #tpu.memory_space<hbm>>
      tpu.enqueue_dma source(%arg18 : memref<10240xf32, #tpu.memory_space<vmem>>) target(%dma_start3A_32 : memref<10240xf32, #tpu.memory_space<hbm>>) target_semaphore(%run_scoped3A : memref<!tpu.dma_semaphore, #tpu.memory_space<semaphore_mem>>)
      %dma_wait3A = tpu.memref_slice %arg11[%mul3A_20] : memref<327680xf32, #tpu.memory_space<hbm>> -> memref<10240xf32, #tpu.memory_space<hbm>>
      %dma_wait3A_33 = tpu.memref_slice %arg11[%mul3A_20] : memref<327680xf32, #tpu.memory_space<hbm>> -> memref<10240xf32, #tpu.memory_space<hbm>>
      tpu.wait_dma2 semaphore(%run_scoped3A : memref<!tpu.dma_semaphore, #tpu.memory_space<semaphore_mem>>) src(%arg18 : memref<10240xf32, #tpu.memory_space<vmem>>) dst(%dma_wait3A_33 : memref<10240xf32, #tpu.memory_space<hbm>>)
      tpu.yield
    }) : () -> ()
    %barrier3A_21 = arith.constant 0 : index
    tpu.barrier barrier_id(%barrier3A_21)
    %eq3A_22 = arith.constant 0 : i32
    %eq3A_23 = arith.cmpi eq, %arg0, %eq3A_22 : i32
    %convert_element_type3A_24 = arith.extui %eq3A_23 : i1 to i32
    %cond3A_25 = arith.constant 0 : i32
    %cond3A_26 = arith.cmpi ne, %convert_element_type3A_24, %cond3A_25 : i32
    scf.if %cond3A_26 {
      %mul3A_32 = arith.constant 640 : i32
      %mul3A_33 = arith.muli %arg1, %mul3A_32 : i32
      %mul3A_34 = arith.constant 640 : i32
      %mul3A_35 = arith.muli %arg1, %mul3A_34 : i32
      "tpu.region"() ({
        %run_scoped3A = tpu.sem_alloc : memref<!tpu.dma_semaphore, #tpu.memory_space<semaphore_mem>>
        %dma_start3A = arith.constant 0 : i32
        %dma_start3A_36 = tpu.memref_slice %arg9[%mul3A_35, %dma_start3A] : memref<10240x128xf32, #tpu.memory_space<hbm>> -> memref<640x128xf32, #tpu.memory_space<hbm>>
        %dma_start3A_37 = arith.constant 0 : i32
        %dma_start3A_38 = tpu.memref_slice %arg19[%mul3A_33, %dma_start3A_37] : memref<10240x128xf32, #tpu.memory_space<vmem_shared>> -> memref<640x128xf32, #tpu.memory_space<vmem_shared>>
        tpu.enqueue_dma source(%dma_start3A_38 : memref<640x128xf32, #tpu.memory_space<vmem_shared>>) target(%dma_start3A_36 : memref<640x128xf32, #tpu.memory_space<hbm>>) target_semaphore(%run_scoped3A : memref<!tpu.dma_semaphore, #tpu.memory_space<semaphore_mem>>)
        %dma_wait3A = arith.constant 0 : i32
        %dma_wait3A_39 = tpu.memref_slice %arg9[%mul3A_35, %dma_wait3A] : memref<10240x128xf32, #tpu.memory_space<hbm>> -> memref<640x128xf32, #tpu.memory_space<hbm>>
        %dma_wait3A_40 = arith.constant 0 : i32
        %dma_wait3A_41 = tpu.memref_slice %arg19[%mul3A_33, %dma_wait3A_40] : memref<10240x128xf32, #tpu.memory_space<vmem_shared>> -> memref<640x128xf32, #tpu.memory_space<vmem_shared>>
        tpu.wait_dma2 semaphore(%run_scoped3A : memref<!tpu.dma_semaphore, #tpu.memory_space<semaphore_mem>>) src(%dma_wait3A_41 : memref<640x128xf32, #tpu.memory_space<vmem_shared>>) dst(%dma_wait3A_39 : memref<640x128xf32, #tpu.memory_space<hbm>>)
        tpu.yield
      }) : () -> ()
    } else {
    }
    %eq3A_27 = arith.constant 1 : i32
    %eq3A_28 = arith.cmpi eq, %arg0, %eq3A_27 : i32
    %convert_element_type3A_29 = arith.extui %eq3A_28 : i1 to i32
    %cond3A_30 = arith.constant 0 : i32
    %cond3A_31 = arith.cmpi ne, %convert_element_type3A_29, %cond3A_30 : i32
    scf.if %cond3A_31 {
      %mul3A_32 = arith.constant 640 : i32
      %mul3A_33 = arith.muli %arg1, %mul3A_32 : i32
      %mul3A_34 = arith.constant 640 : i32
      %mul3A_35 = arith.muli %arg1, %mul3A_34 : i32
      "tpu.region"() ({
        %run_scoped3A = tpu.sem_alloc : memref<!tpu.dma_semaphore, #tpu.memory_space<semaphore_mem>>
        %dma_start3A = arith.constant 0 : i32
        %dma_start3A_36 = tpu.memref_slice %arg10[%mul3A_35, %dma_start3A] : memref<10240x128xf32, #tpu.memory_space<hbm>> -> memref<640x128xf32, #tpu.memory_space<hbm>>
        %dma_start3A_37 = arith.constant 0 : i32
        %dma_start3A_38 = tpu.memref_slice %arg19[%mul3A_33, %dma_start3A_37] : memref<10240x128xf32, #tpu.memory_space<vmem_shared>> -> memref<640x128xf32, #tpu.memory_space<vmem_shared>>
        tpu.enqueue_dma source(%dma_start3A_38 : memref<640x128xf32, #tpu.memory_space<vmem_shared>>) target(%dma_start3A_36 : memref<640x128xf32, #tpu.memory_space<hbm>>) target_semaphore(%run_scoped3A : memref<!tpu.dma_semaphore, #tpu.memory_space<semaphore_mem>>)
        %dma_wait3A = arith.constant 0 : i32
        %dma_wait3A_39 = tpu.memref_slice %arg10[%mul3A_35, %dma_wait3A] : memref<10240x128xf32, #tpu.memory_space<hbm>> -> memref<640x128xf32, #tpu.memory_space<hbm>>
        %dma_wait3A_40 = arith.constant 0 : i32
        %dma_wait3A_41 = tpu.memref_slice %arg19[%mul3A_33, %dma_wait3A_40] : memref<10240x128xf32, #tpu.memory_space<vmem_shared>> -> memref<640x128xf32, #tpu.memory_space<vmem_shared>>
        tpu.wait_dma2 semaphore(%run_scoped3A : memref<!tpu.dma_semaphore, #tpu.memory_space<semaphore_mem>>) src(%dma_wait3A_41 : memref<640x128xf32, #tpu.memory_space<vmem_shared>>) dst(%dma_wait3A_39 : memref<640x128xf32, #tpu.memory_space<hbm>>)
        tpu.yield
      }) : () -> ()
    } else {
    }
    return
  }
}

#map = affine_map<(d0, d1) -> (0, 0, 0)>
#map1 = affine_map<(d0, d1) -> (0, 0)>
module attributes {stable_mosaic.version = 14 : i64} {
  func.func @_sc_layer1(%arg0: i32, %arg1: i32, %arg2: memref<32x160x64xi32, #tpu.memory_space<hbm>>, %arg3: memref<32x160x64xi32, #tpu.memory_space<hbm>>, %arg4: memref<8x10000x128xf32, #tpu.memory_space<hbm>>, %arg5: memref<10240x128xf32, #tpu.memory_space<hbm>>, %arg6: memref<2x10240x128xf32, #tpu.memory_space<hbm>>, %arg7: memref<16x64xi32, #tpu.memory_space<vmem>>, %arg8: memref<16x64xi32, #tpu.memory_space<vmem>>, %arg9: memref<64x128xf32, #tpu.memory_space<vmem>>, %arg10: memref<64x128xf32, #tpu.memory_space<vmem>>, %arg11: memref<64x128xf32, #tpu.memory_space<vmem>>, %arg12: memref<64x128xf32, #tpu.memory_space<vmem>>, %arg13: memref<10240x128xf32, #tpu.memory_space<vmem_shared>>, %arg14: memref<!tpu.dma_semaphore, #tpu.memory_space<semaphore_mem>>, %arg15: memref<!tpu.dma_semaphore, #tpu.memory_space<semaphore_mem>>, %arg16: memref<!tpu.dma_semaphore, #tpu.memory_space<semaphore_mem>>, %arg17: memref<!tpu.dma_semaphore, #tpu.memory_space<semaphore_mem>>, %arg18: memref<!tpu.dma_semaphore, #tpu.memory_space<semaphore_mem>>, %arg19: memref<!tpu.dma_semaphore, #tpu.memory_space<semaphore_mem>>, %arg20: memref<!tpu.dma_semaphore, #tpu.memory_space<semaphore_mem>>, %arg21: memref<!tpu.dma_semaphore, #tpu.memory_space<semaphore_mem>>) attributes {dimension_semantics = [#tpu.dimension_semantics<core_parallel>, #tpu.dimension_semantics<subcore_parallel>], iteration_bounds = array<i64: 2, 16>, scalar_prefetch = 0 : i64, scratch_operands = 15 : i64, tpu.core_type = #tpu.core_type<sc_vector_subcore>, window_params = [{transform_indices = #map}, {transform_indices = #map}, {transform_indices = #map}, {transform_indices = #map1}, {transform_indices = #map}]} {
    %mul3A = arith.constant 16 : i32
    %mul3A_0 = arith.muli %arg0, %mul3A : i32
    %add3A = arith.addi %mul3A_0, %arg1 : i32
    %mul3A_1 = arith.constant 640 : i32
    %mul3A_2 = arith.muli %arg1, %mul3A_1 : i32
    %mul3A_3 = arith.constant 640 : i32
    %mul3A_4 = arith.muli %arg1, %mul3A_3 : i32
    "tpu.region"() ({
      %run_scoped3A = tpu.sem_alloc : memref<!tpu.dma_semaphore, #tpu.memory_space<semaphore_mem>>
      %dma_start3A = arith.constant 0 : i32
      %dma_start3A_47 = tpu.memref_slice %arg13[%mul3A_4, %dma_start3A] : memref<10240x128xf32, #tpu.memory_space<vmem_shared>> -> memref<640x128xf32, #tpu.memory_space<vmem_shared>>
      %dma_start3A_48 = arith.constant 0 : i32
      %dma_start3A_49 = tpu.memref_slice %arg5[%mul3A_2, %dma_start3A_48] : memref<10240x128xf32, #tpu.memory_space<hbm>> -> memref<640x128xf32, #tpu.memory_space<hbm>>
      tpu.enqueue_dma source(%dma_start3A_49 : memref<640x128xf32, #tpu.memory_space<hbm>>) target(%dma_start3A_47 : memref<640x128xf32, #tpu.memory_space<vmem_shared>>) target_semaphore(%run_scoped3A : memref<!tpu.dma_semaphore, #tpu.memory_space<semaphore_mem>>)
      %dma_wait3A_50 = arith.constant 0 : i32
      %dma_wait3A_51 = tpu.memref_slice %arg13[%mul3A_4, %dma_wait3A_50] : memref<10240x128xf32, #tpu.memory_space<vmem_shared>> -> memref<640x128xf32, #tpu.memory_space<vmem_shared>>
      %dma_wait3A_52 = arith.constant 0 : i32
      %dma_wait3A_53 = tpu.memref_slice %arg5[%mul3A_2, %dma_wait3A_52] : memref<10240x128xf32, #tpu.memory_space<hbm>> -> memref<640x128xf32, #tpu.memory_space<hbm>>
      tpu.wait_dma2 semaphore(%run_scoped3A : memref<!tpu.dma_semaphore, #tpu.memory_space<semaphore_mem>>) src(%dma_wait3A_53 : memref<640x128xf32, #tpu.memory_space<hbm>>) dst(%dma_wait3A_51 : memref<640x128xf32, #tpu.memory_space<vmem_shared>>)
      tpu.yield
    }) : () -> ()
    %barrier3A = arith.constant 0 : index
    tpu.barrier barrier_id(%barrier3A)
    %mul3A_5 = arith.constant 4 : i32
    %mul3A_6 = arith.muli %arg0, %mul3A_5 : i32
    %and3A = arith.constant 3 : i32
    %and3A_7 = arith.andi %arg1, %and3A : i32
    %add3A_8 = arith.addi %mul3A_6, %and3A_7 : i32
    %broadcast_in_dim3A = arith.constant 1.000000e+00 : f32
    %broadcast_in_dim3A_9 = vector.broadcast %broadcast_in_dim3A : f32 to vector<16xf32>
    %scan3A = arith.constant 0 : i32
    %scan3A_10 = arith.constant 0 : i32
    %scan3A_11 = arith.constant 10 : i32
    %scan3A_12 = arith.addi %scan3A_10, %scan3A_11 : i32
    %scan3A_13 = arith.constant 1 : i32
    scf.for %scan3A_47 = %scan3A_10 to %scan3A_12 step %scan3A_13  : i32 {
      %mul3A_48 = arith.constant 16 : i32
      %mul3A_49 = arith.muli %scan3A_47, %mul3A_48 : i32
      "tpu.region"() ({
        %run_scoped3A = tpu.sem_alloc : memref<!tpu.dma_semaphore, #tpu.memory_space<semaphore_mem>>
        %dma_start3A_616 = arith.constant 0 : i32
        %dma_start3A_617 = tpu.memref_slice %arg2[%add3A, %mul3A_49, %dma_start3A_616] : memref<32x160x64xi32, #tpu.memory_space<hbm>> -> memref<1x16x64xi32, #tpu.memory_space<hbm>>
        %dma_start3A_618 = tpu.memref_squeeze %dma_start3A_617 : memref<1x16x64xi32, #tpu.memory_space<hbm>> -> memref<16x64xi32, #tpu.memory_space<hbm>>
        %dma_start3A_619 = arith.constant 0 : i32
        %dma_start3A_620 = tpu.memref_slice %arg2[%add3A, %mul3A_49, %dma_start3A_619] : memref<32x160x64xi32, #tpu.memory_space<hbm>> -> memref<1x16x64xi32, #tpu.memory_space<hbm>>
        %dma_start3A_621 = tpu.memref_squeeze %dma_start3A_620 : memref<1x16x64xi32, #tpu.memory_space<hbm>> -> memref<16x64xi32, #tpu.memory_space<hbm>>
        tpu.enqueue_dma source(%dma_start3A_621 : memref<16x64xi32, #tpu.memory_space<hbm>>) target(%arg7 : memref<16x64xi32, #tpu.memory_space<vmem>>) target_semaphore(%run_scoped3A : memref<!tpu.dma_semaphore, #tpu.memory_space<semaphore_mem>>)
        %dma_wait3A_622 = arith.constant 0 : i32
        %dma_wait3A_623 = tpu.memref_slice %arg2[%add3A, %mul3A_49, %dma_wait3A_622] : memref<32x160x64xi32, #tpu.memory_space<hbm>> -> memref<1x16x64xi32, #tpu.memory_space<hbm>>
        %dma_wait3A_624 = tpu.memref_squeeze %dma_wait3A_623 : memref<1x16x64xi32, #tpu.memory_space<hbm>> -> memref<16x64xi32, #tpu.memory_space<hbm>>
        %dma_wait3A_625 = arith.constant 0 : i32
        %dma_wait3A_626 = tpu.memref_slice %arg2[%add3A, %mul3A_49, %dma_wait3A_625] : memref<32x160x64xi32, #tpu.memory_space<hbm>> -> memref<1x16x64xi32, #tpu.memory_space<hbm>>
        %dma_wait3A_627 = tpu.memref_squeeze %dma_wait3A_626 : memref<1x16x64xi32, #tpu.memory_space<hbm>> -> memref<16x64xi32, #tpu.memory_space<hbm>>
        tpu.wait_dma2 semaphore(%run_scoped3A : memref<!tpu.dma_semaphore, #tpu.memory_space<semaphore_mem>>) src(%dma_wait3A_627 : memref<16x64xi32, #tpu.memory_space<hbm>>) dst(%arg7 : memref<16x64xi32, #tpu.memory_space<vmem>>)
        tpu.yield
      }) : () -> ()
      %mul3A_50 = arith.constant 16 : i32
      %mul3A_51 = arith.muli %scan3A_47, %mul3A_50 : i32
      "tpu.region"() ({
        %run_scoped3A = tpu.sem_alloc : memref<!tpu.dma_semaphore, #tpu.memory_space<semaphore_mem>>
        %dma_start3A_616 = arith.constant 0 : i32
        %dma_start3A_617 = tpu.memref_slice %arg3[%add3A, %mul3A_51, %dma_start3A_616] : memref<32x160x64xi32, #tpu.memory_space<hbm>> -> memref<1x16x64xi32, #tpu.memory_space<hbm>>
        %dma_start3A_618 = tpu.memref_squeeze %dma_start3A_617 : memref<1x16x64xi32, #tpu.memory_space<hbm>> -> memref<16x64xi32, #tpu.memory_space<hbm>>
        %dma_start3A_619 = arith.constant 0 : i32
        %dma_start3A_620 = tpu.memref_slice %arg3[%add3A, %mul3A_51, %dma_start3A_619] : memref<32x160x64xi32, #tpu.memory_space<hbm>> -> memref<1x16x64xi32, #tpu.memory_space<hbm>>
        %dma_start3A_621 = tpu.memref_squeeze %dma_start3A_620 : memref<1x16x64xi32, #tpu.memory_space<hbm>> -> memref<16x64xi32, #tpu.memory_space<hbm>>
        tpu.enqueue_dma source(%dma_start3A_621 : memref<16x64xi32, #tpu.memory_space<hbm>>) target(%arg8 : memref<16x64xi32, #tpu.memory_space<vmem>>) target_semaphore(%run_scoped3A : memref<!tpu.dma_semaphore, #tpu.memory_space<semaphore_mem>>)
        %dma_wait3A_622 = arith.constant 0 : i32
        %dma_wait3A_623 = tpu.memref_slice %arg3[%add3A, %mul3A_51, %dma_wait3A_622] : memref<32x160x64xi32, #tpu.memory_space<hbm>> -> memref<1x16x64xi32, #tpu.memory_space<hbm>>
        %dma_wait3A_624 = tpu.memref_squeeze %dma_wait3A_623 : memref<1x16x64xi32, #tpu.memory_space<hbm>> -> memref<16x64xi32, #tpu.memory_space<hbm>>
        %dma_wait3A_625 = arith.constant 0 : i32
        %dma_wait3A_626 = tpu.memref_slice %arg3[%add3A, %mul3A_51, %dma_wait3A_625] : memref<32x160x64xi32, #tpu.memory_space<hbm>> -> memref<1x16x64xi32, #tpu.memory_space<hbm>>
        %dma_wait3A_627 = tpu.memref_squeeze %dma_wait3A_626 : memref<1x16x64xi32, #tpu.memory_space<hbm>> -> memref<16x64xi32, #tpu.memory_space<hbm>>
        tpu.wait_dma2 semaphore(%run_scoped3A : memref<!tpu.dma_semaphore, #tpu.memory_space<semaphore_mem>>) src(%dma_wait3A_627 : memref<16x64xi32, #tpu.memory_space<hbm>>) dst(%arg8 : memref<16x64xi32, #tpu.memory_space<vmem>>)
        tpu.yield
      }) : () -> ()
      %gt3A = arith.constant 0 : i32
      %gt3A_52 = arith.cmpi sgt, %scan3A_47, %gt3A : i32
      %convert_element_type3A = arith.extui %gt3A_52 : i1 to i32
      %cond3A = arith.constant 0 : i32
      %cond3A_53 = arith.cmpi ne, %convert_element_type3A, %cond3A : i32
      scf.if %cond3A_53 {
        %dma_wait3A_616 = arith.constant 0 : i32
        %dma_wait3A_617 = arith.constant 0 : i32
        %dma_wait3A_618 = tpu.memref_slice %arg8[%dma_wait3A_616, %dma_wait3A_617] : memref<16x64xi32, #tpu.memory_space<vmem>> -> memref<1x64xi32, #tpu.memory_space<vmem>>
        %dma_wait3A_619 = tpu.memref_squeeze %dma_wait3A_618 : memref<1x64xi32, #tpu.memory_space<vmem>> -> memref<64xi32, #tpu.memory_space<vmem>>
        %dma_wait3A_620 = arith.constant 0 : i32
        %dma_wait3A_621 = arith.constant 0 : i32
        %dma_wait3A_622 = tpu.memref_slice %arg13[%dma_wait3A_620, %dma_wait3A_621] : memref<10240x128xf32, #tpu.memory_space<vmem_shared>> -> memref<10240x128xf32, #tpu.memory_space<vmem_shared>>
        tpu.wait_indirect_dma semaphore(%arg18 : memref<!tpu.dma_semaphore, #tpu.memory_space<semaphore_mem>>) src(%arg9 : memref<64x128xf32, #tpu.memory_space<vmem>>) dst(%dma_wait3A_622 : memref<10240x128xf32, #tpu.memory_space<vmem_shared>>)
      } else {
      }
      %dma_start3A = arith.constant 0 : i32
      %dma_start3A_54 = arith.constant 0 : i32
      %dma_start3A_55 = tpu.memref_slice %arg7[%dma_start3A, %dma_start3A_54] : memref<16x64xi32, #tpu.memory_space<vmem>> -> memref<1x64xi32, #tpu.memory_space<vmem>>
      %dma_start3A_56 = tpu.memref_squeeze %dma_start3A_55 : memref<1x64xi32, #tpu.memory_space<vmem>> -> memref<64xi32, #tpu.memory_space<vmem>>
      %dma_start3A_57 = arith.constant 0 : i32
      %dma_start3A_58 = arith.constant 0 : i32
      %dma_start3A_59 = tpu.memref_slice %arg4[%add3A_8, %dma_start3A_57, %dma_start3A_58] : memref<8x10000x128xf32, #tpu.memory_space<hbm>> -> memref<1x10000x128xf32, #tpu.memory_space<hbm>>
      %dma_start3A_60 = tpu.memref_squeeze %dma_start3A_59 : memref<1x10000x128xf32, #tpu.memory_space<hbm>> -> memref<10000x128xf32, #tpu.memory_space<hbm>>
      %dma_start3A_61 = arith.constant 0 : i32
      %dma_start3A_62 = arith.constant 0 : i32
      %dma_start3A_63 = tpu.memref_slice %dma_start3A_60[%dma_start3A_61, %dma_start3A_62] : memref<10000x128xf32, #tpu.memory_space<hbm>> -> memref<10000x128xf32, #tpu.memory_space<hbm>>
      tpu.enqueue_indirect_dma source(%dma_start3A_63 : memref<10000x128xf32, #tpu.memory_space<hbm>>) target(%arg9 : memref<64x128xf32, #tpu.memory_space<vmem>>) offsets(%dma_start3A_56 : memref<64xi32, #tpu.memory_space<vmem>>) semaphore(%arg14 : memref<!tpu.dma_semaphore, #tpu.memory_space<semaphore_mem>>)
      %gt3A_64 = arith.constant 0 : i32
      %gt3A_65 = arith.cmpi sgt, %scan3A_47, %gt3A_64 : i32
      %convert_element_type3A_66 = arith.extui %gt3A_65 : i1 to i32
      %cond3A_67 = arith.constant 0 : i32
      %cond3A_68 = arith.cmpi ne, %convert_element_type3A_66, %cond3A_67 : i32
      scf.if %cond3A_68 {
        %dma_wait3A_616 = arith.constant 0 : i32
        %dma_wait3A_617 = arith.constant 0 : i32
        %dma_wait3A_618 = tpu.memref_slice %arg8[%dma_wait3A_616, %dma_wait3A_617] : memref<16x64xi32, #tpu.memory_space<vmem>> -> memref<1x64xi32, #tpu.memory_space<vmem>>
        %dma_wait3A_619 = tpu.memref_squeeze %dma_wait3A_618 : memref<1x64xi32, #tpu.memory_space<vmem>> -> memref<64xi32, #tpu.memory_space<vmem>>
        %dma_wait3A_620 = arith.constant 0 : i32
        %dma_wait3A_621 = arith.constant 0 : i32
        %dma_wait3A_622 = tpu.memref_slice %arg13[%dma_wait3A_620, %dma_wait3A_621] : memref<10240x128xf32, #tpu.memory_space<vmem_shared>> -> memref<10240x128xf32, #tpu.memory_space<vmem_shared>>
        tpu.wait_indirect_dma semaphore(%arg19 : memref<!tpu.dma_semaphore, #tpu.memory_space<semaphore_mem>>) src(%arg10 : memref<64x128xf32, #tpu.memory_space<vmem>>) dst(%dma_wait3A_622 : memref<10240x128xf32, #tpu.memory_space<vmem_shared>>)
      } else {
      }
      %dma_start3A_69 = arith.constant 1 : i32
      %dma_start3A_70 = arith.constant 0 : i32
      %dma_start3A_71 = tpu.memref_slice %arg7[%dma_start3A_69, %dma_start3A_70] : memref<16x64xi32, #tpu.memory_space<vmem>> -> memref<1x64xi32, #tpu.memory_space<vmem>>
      %dma_start3A_72 = tpu.memref_squeeze %dma_start3A_71 : memref<1x64xi32, #tpu.memory_space<vmem>> -> memref<64xi32, #tpu.memory_space<vmem>>
      %dma_start3A_73 = arith.constant 0 : i32
      %dma_start3A_74 = arith.constant 0 : i32
      %dma_start3A_75 = tpu.memref_slice %arg4[%add3A_8, %dma_start3A_73, %dma_start3A_74] : memref<8x10000x128xf32, #tpu.memory_space<hbm>> -> memref<1x10000x128xf32, #tpu.memory_space<hbm>>
      %dma_start3A_76 = tpu.memref_squeeze %dma_start3A_75 : memref<1x10000x128xf32, #tpu.memory_space<hbm>> -> memref<10000x128xf32, #tpu.memory_space<hbm>>
      %dma_start3A_77 = arith.constant 0 : i32
      %dma_start3A_78 = arith.constant 0 : i32
      %dma_start3A_79 = tpu.memref_slice %dma_start3A_76[%dma_start3A_77, %dma_start3A_78] : memref<10000x128xf32, #tpu.memory_space<hbm>> -> memref<10000x128xf32, #tpu.memory_space<hbm>>
      tpu.enqueue_indirect_dma source(%dma_start3A_79 : memref<10000x128xf32, #tpu.memory_space<hbm>>) target(%arg10 : memref<64x128xf32, #tpu.memory_space<vmem>>) offsets(%dma_start3A_72 : memref<64xi32, #tpu.memory_space<vmem>>) semaphore(%arg15 : memref<!tpu.dma_semaphore, #tpu.memory_space<semaphore_mem>>)
      %gt3A_80 = arith.constant 0 : i32
      %gt3A_81 = arith.cmpi sgt, %scan3A_47, %gt3A_80 : i32
      %convert_element_type3A_82 = arith.extui %gt3A_81 : i1 to i32
      %cond3A_83 = arith.constant 0 : i32
      %cond3A_84 = arith.cmpi ne, %convert_element_type3A_82, %cond3A_83 : i32
      scf.if %cond3A_84 {
        %dma_wait3A_616 = arith.constant 0 : i32
        %dma_wait3A_617 = arith.constant 0 : i32
        %dma_wait3A_618 = tpu.memref_slice %arg8[%dma_wait3A_616, %dma_wait3A_617] : memref<16x64xi32, #tpu.memory_space<vmem>> -> memref<1x64xi32, #tpu.memory_space<vmem>>
        %dma_wait3A_619 = tpu.memref_squeeze %dma_wait3A_618 : memref<1x64xi32, #tpu.memory_space<vmem>> -> memref<64xi32, #tpu.memory_space<vmem>>
        %dma_wait3A_620 = arith.constant 0 : i32
        %dma_wait3A_621 = arith.constant 0 : i32
        %dma_wait3A_622 = tpu.memref_slice %arg13[%dma_wait3A_620, %dma_wait3A_621] : memref<10240x128xf32, #tpu.memory_space<vmem_shared>> -> memref<10240x128xf32, #tpu.memory_space<vmem_shared>>
        tpu.wait_indirect_dma semaphore(%arg20 : memref<!tpu.dma_semaphore, #tpu.memory_space<semaphore_mem>>) src(%arg11 : memref<64x128xf32, #tpu.memory_space<vmem>>) dst(%dma_wait3A_622 : memref<10240x128xf32, #tpu.memory_space<vmem_shared>>)
      } else {
      }
      %dma_start3A_85 = arith.constant 2 : i32
      %dma_start3A_86 = arith.constant 0 : i32
      %dma_start3A_87 = tpu.memref_slice %arg7[%dma_start3A_85, %dma_start3A_86] : memref<16x64xi32, #tpu.memory_space<vmem>> -> memref<1x64xi32, #tpu.memory_space<vmem>>
      %dma_start3A_88 = tpu.memref_squeeze %dma_start3A_87 : memref<1x64xi32, #tpu.memory_space<vmem>> -> memref<64xi32, #tpu.memory_space<vmem>>
      %dma_start3A_89 = arith.constant 0 : i32
      %dma_start3A_90 = arith.constant 0 : i32
      %dma_start3A_91 = tpu.memref_slice %arg4[%add3A_8, %dma_start3A_89, %dma_start3A_90] : memref<8x10000x128xf32, #tpu.memory_space<hbm>> -> memref<1x10000x128xf32, #tpu.memory_space<hbm>>
      %dma_start3A_92 = tpu.memref_squeeze %dma_start3A_91 : memref<1x10000x128xf32, #tpu.memory_space<hbm>> -> memref<10000x128xf32, #tpu.memory_space<hbm>>
      %dma_start3A_93 = arith.constant 0 : i32
      %dma_start3A_94 = arith.constant 0 : i32
      %dma_start3A_95 = tpu.memref_slice %dma_start3A_92[%dma_start3A_93, %dma_start3A_94] : memref<10000x128xf32, #tpu.memory_space<hbm>> -> memref<10000x128xf32, #tpu.memory_space<hbm>>
      tpu.enqueue_indirect_dma source(%dma_start3A_95 : memref<10000x128xf32, #tpu.memory_space<hbm>>) target(%arg11 : memref<64x128xf32, #tpu.memory_space<vmem>>) offsets(%dma_start3A_88 : memref<64xi32, #tpu.memory_space<vmem>>) semaphore(%arg16 : memref<!tpu.dma_semaphore, #tpu.memory_space<semaphore_mem>>)
      %dma_wait3A_96 = arith.constant 0 : i32
      %dma_wait3A_97 = arith.constant 0 : i32
      %dma_wait3A_98 = tpu.memref_slice %arg7[%dma_wait3A_96, %dma_wait3A_97] : memref<16x64xi32, #tpu.memory_space<vmem>> -> memref<1x64xi32, #tpu.memory_space<vmem>>
      %dma_wait3A_99 = tpu.memref_squeeze %dma_wait3A_98 : memref<1x64xi32, #tpu.memory_space<vmem>> -> memref<64xi32, #tpu.memory_space<vmem>>
      %dma_wait3A_100 = arith.constant 0 : i32
      %dma_wait3A_101 = arith.constant 0 : i32
      %dma_wait3A_102 = tpu.memref_slice %arg4[%add3A_8, %dma_wait3A_100, %dma_wait3A_101] : memref<8x10000x128xf32, #tpu.memory_space<hbm>> -> memref<1x10000x128xf32, #tpu.memory_space<hbm>>
      %dma_wait3A_103 = tpu.memref_squeeze %dma_wait3A_102 : memref<1x10000x128xf32, #tpu.memory_space<hbm>> -> memref<10000x128xf32, #tpu.memory_space<hbm>>
      %dma_wait3A_104 = arith.constant 0 : i32
      %dma_wait3A_105 = arith.constant 0 : i32
      %dma_wait3A_106 = tpu.memref_slice %dma_wait3A_103[%dma_wait3A_104, %dma_wait3A_105] : memref<10000x128xf32, #tpu.memory_space<hbm>> -> memref<10000x128xf32, #tpu.memory_space<hbm>>
      tpu.wait_indirect_dma semaphore(%arg14 : memref<!tpu.dma_semaphore, #tpu.memory_space<semaphore_mem>>) src(%dma_wait3A_106 : memref<10000x128xf32, #tpu.memory_space<hbm>>) dst(%arg9 : memref<64x128xf32, #tpu.memory_space<vmem>>)
      %gt3A_107 = arith.constant 0 : i32
      %gt3A_108 = arith.cmpi sgt, %scan3A_47, %gt3A_107 : i32
      %convert_element_type3A_109 = arith.extui %gt3A_108 : i1 to i32
      %cond3A_110 = arith.constant 0 : i32
      %cond3A_111 = arith.cmpi ne, %convert_element_type3A_109, %cond3A_110 : i32
      scf.if %cond3A_111 {
        %dma_wait3A_616 = arith.constant 0 : i32
        %dma_wait3A_617 = arith.constant 0 : i32
        %dma_wait3A_618 = tpu.memref_slice %arg8[%dma_wait3A_616, %dma_wait3A_617] : memref<16x64xi32, #tpu.memory_space<vmem>> -> memref<1x64xi32, #tpu.memory_space<vmem>>
        %dma_wait3A_619 = tpu.memref_squeeze %dma_wait3A_618 : memref<1x64xi32, #tpu.memory_space<vmem>> -> memref<64xi32, #tpu.memory_space<vmem>>
        %dma_wait3A_620 = arith.constant 0 : i32
        %dma_wait3A_621 = arith.constant 0 : i32
        %dma_wait3A_622 = tpu.memref_slice %arg13[%dma_wait3A_620, %dma_wait3A_621] : memref<10240x128xf32, #tpu.memory_space<vmem_shared>> -> memref<10240x128xf32, #tpu.memory_space<vmem_shared>>
        tpu.wait_indirect_dma semaphore(%arg21 : memref<!tpu.dma_semaphore, #tpu.memory_space<semaphore_mem>>) src(%arg12 : memref<64x128xf32, #tpu.memory_space<vmem>>) dst(%dma_wait3A_622 : memref<10240x128xf32, #tpu.memory_space<vmem_shared>>)
      } else {
      }
      %dma_start3A_112 = arith.constant 3 : i32
      %dma_start3A_113 = arith.constant 0 : i32
      %dma_start3A_114 = tpu.memref_slice %arg7[%dma_start3A_112, %dma_start3A_113] : memref<16x64xi32, #tpu.memory_space<vmem>> -> memref<1x64xi32, #tpu.memory_space<vmem>>
      %dma_start3A_115 = tpu.memref_squeeze %dma_start3A_114 : memref<1x64xi32, #tpu.memory_space<vmem>> -> memref<64xi32, #tpu.memory_space<vmem>>
      %dma_start3A_116 = arith.constant 0 : i32
      %dma_start3A_117 = arith.constant 0 : i32
      %dma_start3A_118 = tpu.memref_slice %arg4[%add3A_8, %dma_start3A_116, %dma_start3A_117] : memref<8x10000x128xf32, #tpu.memory_space<hbm>> -> memref<1x10000x128xf32, #tpu.memory_space<hbm>>
      %dma_start3A_119 = tpu.memref_squeeze %dma_start3A_118 : memref<1x10000x128xf32, #tpu.memory_space<hbm>> -> memref<10000x128xf32, #tpu.memory_space<hbm>>
      %dma_start3A_120 = arith.constant 0 : i32
      %dma_start3A_121 = arith.constant 0 : i32
      %dma_start3A_122 = tpu.memref_slice %dma_start3A_119[%dma_start3A_120, %dma_start3A_121] : memref<10000x128xf32, #tpu.memory_space<hbm>> -> memref<10000x128xf32, #tpu.memory_space<hbm>>
      tpu.enqueue_indirect_dma source(%dma_start3A_122 : memref<10000x128xf32, #tpu.memory_space<hbm>>) target(%arg12 : memref<64x128xf32, #tpu.memory_space<vmem>>) offsets(%dma_start3A_115 : memref<64xi32, #tpu.memory_space<vmem>>) semaphore(%arg17 : memref<!tpu.dma_semaphore, #tpu.memory_space<semaphore_mem>>)
      %dma_start3A_123 = arith.constant 0 : i32
      %dma_start3A_124 = arith.constant 0 : i32
      %dma_start3A_125 = tpu.memref_slice %arg8[%dma_start3A_123, %dma_start3A_124] : memref<16x64xi32, #tpu.memory_space<vmem>> -> memref<1x64xi32, #tpu.memory_space<vmem>>
      %dma_start3A_126 = tpu.memref_squeeze %dma_start3A_125 : memref<1x64xi32, #tpu.memory_space<vmem>> -> memref<64xi32, #tpu.memory_space<vmem>>
      %dma_start3A_127 = arith.constant 0 : i32
      %dma_start3A_128 = arith.constant 0 : i32
      %dma_start3A_129 = tpu.memref_slice %arg13[%dma_start3A_127, %dma_start3A_128] : memref<10240x128xf32, #tpu.memory_space<vmem_shared>> -> memref<10240x128xf32, #tpu.memory_space<vmem_shared>>
      tpu.enqueue_indirect_dma source(%arg9 : memref<64x128xf32, #tpu.memory_space<vmem>>) target(%dma_start3A_129 : memref<10240x128xf32, #tpu.memory_space<vmem_shared>>) offsets(%dma_start3A_126 : memref<64xi32, #tpu.memory_space<vmem>>) semaphore(%arg18 : memref<!tpu.dma_semaphore, #tpu.memory_space<semaphore_mem>>) {add = true}
      %dma_wait3A_130 = arith.constant 1 : i32
      %dma_wait3A_131 = arith.constant 0 : i32
      %dma_wait3A_132 = tpu.memref_slice %arg7[%dma_wait3A_130, %dma_wait3A_131] : memref<16x64xi32, #tpu.memory_space<vmem>> -> memref<1x64xi32, #tpu.memory_space<vmem>>
      %dma_wait3A_133 = tpu.memref_squeeze %dma_wait3A_132 : memref<1x64xi32, #tpu.memory_space<vmem>> -> memref<64xi32, #tpu.memory_space<vmem>>
      %dma_wait3A_134 = arith.constant 0 : i32
      %dma_wait3A_135 = arith.constant 0 : i32
      %dma_wait3A_136 = tpu.memref_slice %arg4[%add3A_8, %dma_wait3A_134, %dma_wait3A_135] : memref<8x10000x128xf32, #tpu.memory_space<hbm>> -> memref<1x10000x128xf32, #tpu.memory_space<hbm>>
      %dma_wait3A_137 = tpu.memref_squeeze %dma_wait3A_136 : memref<1x10000x128xf32, #tpu.memory_space<hbm>> -> memref<10000x128xf32, #tpu.memory_space<hbm>>
      %dma_wait3A_138 = arith.constant 0 : i32
      %dma_wait3A_139 = arith.constant 0 : i32
      %dma_wait3A_140 = tpu.memref_slice %dma_wait3A_137[%dma_wait3A_138, %dma_wait3A_139] : memref<10000x128xf32, #tpu.memory_space<hbm>> -> memref<10000x128xf32, #tpu.memory_space<hbm>>
      tpu.wait_indirect_dma semaphore(%arg15 : memref<!tpu.dma_semaphore, #tpu.memory_space<semaphore_mem>>) src(%dma_wait3A_140 : memref<10000x128xf32, #tpu.memory_space<hbm>>) dst(%arg10 : memref<64x128xf32, #tpu.memory_space<vmem>>)
      %dma_wait3A_141 = arith.constant 0 : i32
      %dma_wait3A_142 = arith.constant 0 : i32
      %dma_wait3A_143 = tpu.memref_slice %arg8[%dma_wait3A_141, %dma_wait3A_142] : memref<16x64xi32, #tpu.memory_space<vmem>> -> memref<1x64xi32, #tpu.memory_space<vmem>>
      %dma_wait3A_144 = tpu.memref_squeeze %dma_wait3A_143 : memref<1x64xi32, #tpu.memory_space<vmem>> -> memref<64xi32, #tpu.memory_space<vmem>>
      %dma_wait3A_145 = arith.constant 0 : i32
      %dma_wait3A_146 = arith.constant 0 : i32
      %dma_wait3A_147 = tpu.memref_slice %arg13[%dma_wait3A_145, %dma_wait3A_146] : memref<10240x128xf32, #tpu.memory_space<vmem_shared>> -> memref<10240x128xf32, #tpu.memory_space<vmem_shared>>
      tpu.wait_indirect_dma semaphore(%arg18 : memref<!tpu.dma_semaphore, #tpu.memory_space<semaphore_mem>>) src(%arg9 : memref<64x128xf32, #tpu.memory_space<vmem>>) dst(%dma_wait3A_147 : memref<10240x128xf32, #tpu.memory_space<vmem_shared>>)
      %dma_start3A_148 = arith.constant 4 : i32
      %dma_start3A_149 = arith.constant 0 : i32
      %dma_start3A_150 = tpu.memref_slice %arg7[%dma_start3A_148, %dma_start3A_149] : memref<16x64xi32, #tpu.memory_space<vmem>> -> memref<1x64xi32, #tpu.memory_space<vmem>>
      %dma_start3A_151 = tpu.memref_squeeze %dma_start3A_150 : memref<1x64xi32, #tpu.memory_space<vmem>> -> memref<64xi32, #tpu.memory_space<vmem>>
      %dma_start3A_152 = arith.constant 0 : i32
      %dma_start3A_153 = arith.constant 0 : i32
      %dma_start3A_154 = tpu.memref_slice %arg4[%add3A_8, %dma_start3A_152, %dma_start3A_153] : memref<8x10000x128xf32, #tpu.memory_space<hbm>> -> memref<1x10000x128xf32, #tpu.memory_space<hbm>>
      %dma_start3A_155 = tpu.memref_squeeze %dma_start3A_154 : memref<1x10000x128xf32, #tpu.memory_space<hbm>> -> memref<10000x128xf32, #tpu.memory_space<hbm>>
      %dma_start3A_156 = arith.constant 0 : i32
      %dma_start3A_157 = arith.constant 0 : i32
      %dma_start3A_158 = tpu.memref_slice %dma_start3A_155[%dma_start3A_156, %dma_start3A_157] : memref<10000x128xf32, #tpu.memory_space<hbm>> -> memref<10000x128xf32, #tpu.memory_space<hbm>>
      tpu.enqueue_indirect_dma source(%dma_start3A_158 : memref<10000x128xf32, #tpu.memory_space<hbm>>) target(%arg9 : memref<64x128xf32, #tpu.memory_space<vmem>>) offsets(%dma_start3A_151 : memref<64xi32, #tpu.memory_space<vmem>>) semaphore(%arg14 : memref<!tpu.dma_semaphore, #tpu.memory_space<semaphore_mem>>)
      %dma_start3A_159 = arith.constant 1 : i32
      %dma_start3A_160 = arith.constant 0 : i32
      %dma_start3A_161 = tpu.memref_slice %arg8[%dma_start3A_159, %dma_start3A_160] : memref<16x64xi32, #tpu.memory_space<vmem>> -> memref<1x64xi32, #tpu.memory_space<vmem>>
      %dma_start3A_162 = tpu.memref_squeeze %dma_start3A_161 : memref<1x64xi32, #tpu.memory_space<vmem>> -> memref<64xi32, #tpu.memory_space<vmem>>
      %dma_start3A_163 = arith.constant 0 : i32
      %dma_start3A_164 = arith.constant 0 : i32
      %dma_start3A_165 = tpu.memref_slice %arg13[%dma_start3A_163, %dma_start3A_164] : memref<10240x128xf32, #tpu.memory_space<vmem_shared>> -> memref<10240x128xf32, #tpu.memory_space<vmem_shared>>
      tpu.enqueue_indirect_dma source(%arg10 : memref<64x128xf32, #tpu.memory_space<vmem>>) target(%dma_start3A_165 : memref<10240x128xf32, #tpu.memory_space<vmem_shared>>) offsets(%dma_start3A_162 : memref<64xi32, #tpu.memory_space<vmem>>) semaphore(%arg19 : memref<!tpu.dma_semaphore, #tpu.memory_space<semaphore_mem>>) {add = true}
      %dma_wait3A_166 = arith.constant 2 : i32
      %dma_wait3A_167 = arith.constant 0 : i32
      %dma_wait3A_168 = tpu.memref_slice %arg7[%dma_wait3A_166, %dma_wait3A_167] : memref<16x64xi32, #tpu.memory_space<vmem>> -> memref<1x64xi32, #tpu.memory_space<vmem>>
      %dma_wait3A_169 = tpu.memref_squeeze %dma_wait3A_168 : memref<1x64xi32, #tpu.memory_space<vmem>> -> memref<64xi32, #tpu.memory_space<vmem>>
      %dma_wait3A_170 = arith.constant 0 : i32
      %dma_wait3A_171 = arith.constant 0 : i32
      %dma_wait3A_172 = tpu.memref_slice %arg4[%add3A_8, %dma_wait3A_170, %dma_wait3A_171] : memref<8x10000x128xf32, #tpu.memory_space<hbm>> -> memref<1x10000x128xf32, #tpu.memory_space<hbm>>
      %dma_wait3A_173 = tpu.memref_squeeze %dma_wait3A_172 : memref<1x10000x128xf32, #tpu.memory_space<hbm>> -> memref<10000x128xf32, #tpu.memory_space<hbm>>
      %dma_wait3A_174 = arith.constant 0 : i32
      %dma_wait3A_175 = arith.constant 0 : i32
      %dma_wait3A_176 = tpu.memref_slice %dma_wait3A_173[%dma_wait3A_174, %dma_wait3A_175] : memref<10000x128xf32, #tpu.memory_space<hbm>> -> memref<10000x128xf32, #tpu.memory_space<hbm>>
      tpu.wait_indirect_dma semaphore(%arg16 : memref<!tpu.dma_semaphore, #tpu.memory_space<semaphore_mem>>) src(%dma_wait3A_176 : memref<10000x128xf32, #tpu.memory_space<hbm>>) dst(%arg11 : memref<64x128xf32, #tpu.memory_space<vmem>>)
      %dma_wait3A_177 = arith.constant 1 : i32
      %dma_wait3A_178 = arith.constant 0 : i32
      %dma_wait3A_179 = tpu.memref_slice %arg8[%dma_wait3A_177, %dma_wait3A_178] : memref<16x64xi32, #tpu.memory_space<vmem>> -> memref<1x64xi32, #tpu.memory_space<vmem>>
      %dma_wait3A_180 = tpu.memref_squeeze %dma_wait3A_179 : memref<1x64xi32, #tpu.memory_space<vmem>> -> memref<64xi32, #tpu.memory_space<vmem>>
      %dma_wait3A_181 = arith.constant 0 : i32
      %dma_wait3A_182 = arith.constant 0 : i32
      %dma_wait3A_183 = tpu.memref_slice %arg13[%dma_wait3A_181, %dma_wait3A_182] : memref<10240x128xf32, #tpu.memory_space<vmem_shared>> -> memref<10240x128xf32, #tpu.memory_space<vmem_shared>>
      tpu.wait_indirect_dma semaphore(%arg19 : memref<!tpu.dma_semaphore, #tpu.memory_space<semaphore_mem>>) src(%arg10 : memref<64x128xf32, #tpu.memory_space<vmem>>) dst(%dma_wait3A_183 : memref<10240x128xf32, #tpu.memory_space<vmem_shared>>)
      %dma_start3A_184 = arith.constant 5 : i32
      %dma_start3A_185 = arith.constant 0 : i32
      %dma_start3A_186 = tpu.memref_slice %arg7[%dma_start3A_184, %dma_start3A_185] : memref<16x64xi32, #tpu.memory_space<vmem>> -> memref<1x64xi32, #tpu.memory_space<vmem>>
      %dma_start3A_187 = tpu.memref_squeeze %dma_start3A_186 : memref<1x64xi32, #tpu.memory_space<vmem>> -> memref<64xi32, #tpu.memory_space<vmem>>
      %dma_start3A_188 = arith.constant 0 : i32
      %dma_start3A_189 = arith.constant 0 : i32
      %dma_start3A_190 = tpu.memref_slice %arg4[%add3A_8, %dma_start3A_188, %dma_start3A_189] : memref<8x10000x128xf32, #tpu.memory_space<hbm>> -> memref<1x10000x128xf32, #tpu.memory_space<hbm>>
      %dma_start3A_191 = tpu.memref_squeeze %dma_start3A_190 : memref<1x10000x128xf32, #tpu.memory_space<hbm>> -> memref<10000x128xf32, #tpu.memory_space<hbm>>
      %dma_start3A_192 = arith.constant 0 : i32
      %dma_start3A_193 = arith.constant 0 : i32
      %dma_start3A_194 = tpu.memref_slice %dma_start3A_191[%dma_start3A_192, %dma_start3A_193] : memref<10000x128xf32, #tpu.memory_space<hbm>> -> memref<10000x128xf32, #tpu.memory_space<hbm>>
      tpu.enqueue_indirect_dma source(%dma_start3A_194 : memref<10000x128xf32, #tpu.memory_space<hbm>>) target(%arg10 : memref<64x128xf32, #tpu.memory_space<vmem>>) offsets(%dma_start3A_187 : memref<64xi32, #tpu.memory_space<vmem>>) semaphore(%arg15 : memref<!tpu.dma_semaphore, #tpu.memory_space<semaphore_mem>>)
      %dma_start3A_195 = arith.constant 2 : i32
      %dma_start3A_196 = arith.constant 0 : i32
      %dma_start3A_197 = tpu.memref_slice %arg8[%dma_start3A_195, %dma_start3A_196] : memref<16x64xi32, #tpu.memory_space<vmem>> -> memref<1x64xi32, #tpu.memory_space<vmem>>
      %dma_start3A_198 = tpu.memref_squeeze %dma_start3A_197 : memref<1x64xi32, #tpu.memory_space<vmem>> -> memref<64xi32, #tpu.memory_space<vmem>>
      %dma_start3A_199 = arith.constant 0 : i32
      %dma_start3A_200 = arith.constant 0 : i32
      %dma_start3A_201 = tpu.memref_slice %arg13[%dma_start3A_199, %dma_start3A_200] : memref<10240x128xf32, #tpu.memory_space<vmem_shared>> -> memref<10240x128xf32, #tpu.memory_space<vmem_shared>>
      tpu.enqueue_indirect_dma source(%arg11 : memref<64x128xf32, #tpu.memory_space<vmem>>) target(%dma_start3A_201 : memref<10240x128xf32, #tpu.memory_space<vmem_shared>>) offsets(%dma_start3A_198 : memref<64xi32, #tpu.memory_space<vmem>>) semaphore(%arg20 : memref<!tpu.dma_semaphore, #tpu.memory_space<semaphore_mem>>) {add = true}
      %dma_wait3A_202 = arith.constant 3 : i32
      %dma_wait3A_203 = arith.constant 0 : i32
      %dma_wait3A_204 = tpu.memref_slice %arg7[%dma_wait3A_202, %dma_wait3A_203] : memref<16x64xi32, #tpu.memory_space<vmem>> -> memref<1x64xi32, #tpu.memory_space<vmem>>
      %dma_wait3A_205 = tpu.memref_squeeze %dma_wait3A_204 : memref<1x64xi32, #tpu.memory_space<vmem>> -> memref<64xi32, #tpu.memory_space<vmem>>
      %dma_wait3A_206 = arith.constant 0 : i32
      %dma_wait3A_207 = arith.constant 0 : i32
      %dma_wait3A_208 = tpu.memref_slice %arg4[%add3A_8, %dma_wait3A_206, %dma_wait3A_207] : memref<8x10000x128xf32, #tpu.memory_space<hbm>> -> memref<1x10000x128xf32, #tpu.memory_space<hbm>>
      %dma_wait3A_209 = tpu.memref_squeeze %dma_wait3A_208 : memref<1x10000x128xf32, #tpu.memory_space<hbm>> -> memref<10000x128xf32, #tpu.memory_space<hbm>>
      %dma_wait3A_210 = arith.constant 0 : i32
      %dma_wait3A_211 = arith.constant 0 : i32
      %dma_wait3A_212 = tpu.memref_slice %dma_wait3A_209[%dma_wait3A_210, %dma_wait3A_211] : memref<10000x128xf32, #tpu.memory_space<hbm>> -> memref<10000x128xf32, #tpu.memory_space<hbm>>
      tpu.wait_indirect_dma semaphore(%arg17 : memref<!tpu.dma_semaphore, #tpu.memory_space<semaphore_mem>>) src(%dma_wait3A_212 : memref<10000x128xf32, #tpu.memory_space<hbm>>) dst(%arg12 : memref<64x128xf32, #tpu.memory_space<vmem>>)
      %dma_wait3A_213 = arith.constant 2 : i32
      %dma_wait3A_214 = arith.constant 0 : i32
      %dma_wait3A_215 = tpu.memref_slice %arg8[%dma_wait3A_213, %dma_wait3A_214] : memref<16x64xi32, #tpu.memory_space<vmem>> -> memref<1x64xi32, #tpu.memory_space<vmem>>
      %dma_wait3A_216 = tpu.memref_squeeze %dma_wait3A_215 : memref<1x64xi32, #tpu.memory_space<vmem>> -> memref<64xi32, #tpu.memory_space<vmem>>
      %dma_wait3A_217 = arith.constant 0 : i32
      %dma_wait3A_218 = arith.constant 0 : i32
      %dma_wait3A_219 = tpu.memref_slice %arg13[%dma_wait3A_217, %dma_wait3A_218] : memref<10240x128xf32, #tpu.memory_space<vmem_shared>> -> memref<10240x128xf32, #tpu.memory_space<vmem_shared>>
      tpu.wait_indirect_dma semaphore(%arg20 : memref<!tpu.dma_semaphore, #tpu.memory_space<semaphore_mem>>) src(%arg11 : memref<64x128xf32, #tpu.memory_space<vmem>>) dst(%dma_wait3A_219 : memref<10240x128xf32, #tpu.memory_space<vmem_shared>>)
      %dma_start3A_220 = arith.constant 6 : i32
      %dma_start3A_221 = arith.constant 0 : i32
      %dma_start3A_222 = tpu.memref_slice %arg7[%dma_start3A_220, %dma_start3A_221] : memref<16x64xi32, #tpu.memory_space<vmem>> -> memref<1x64xi32, #tpu.memory_space<vmem>>
      %dma_start3A_223 = tpu.memref_squeeze %dma_start3A_222 : memref<1x64xi32, #tpu.memory_space<vmem>> -> memref<64xi32, #tpu.memory_space<vmem>>
      %dma_start3A_224 = arith.constant 0 : i32
      %dma_start3A_225 = arith.constant 0 : i32
      %dma_start3A_226 = tpu.memref_slice %arg4[%add3A_8, %dma_start3A_224, %dma_start3A_225] : memref<8x10000x128xf32, #tpu.memory_space<hbm>> -> memref<1x10000x128xf32, #tpu.memory_space<hbm>>
      %dma_start3A_227 = tpu.memref_squeeze %dma_start3A_226 : memref<1x10000x128xf32, #tpu.memory_space<hbm>> -> memref<10000x128xf32, #tpu.memory_space<hbm>>
      %dma_start3A_228 = arith.constant 0 : i32
      %dma_start3A_229 = arith.constant 0 : i32
      %dma_start3A_230 = tpu.memref_slice %dma_start3A_227[%dma_start3A_228, %dma_start3A_229] : memref<10000x128xf32, #tpu.memory_space<hbm>> -> memref<10000x128xf32, #tpu.memory_space<hbm>>
      tpu.enqueue_indirect_dma source(%dma_start3A_230 : memref<10000x128xf32, #tpu.memory_space<hbm>>) target(%arg11 : memref<64x128xf32, #tpu.memory_space<vmem>>) offsets(%dma_start3A_223 : memref<64xi32, #tpu.memory_space<vmem>>) semaphore(%arg16 : memref<!tpu.dma_semaphore, #tpu.memory_space<semaphore_mem>>)
      %dma_start3A_231 = arith.constant 3 : i32
      %dma_start3A_232 = arith.constant 0 : i32
      %dma_start3A_233 = tpu.memref_slice %arg8[%dma_start3A_231, %dma_start3A_232] : memref<16x64xi32, #tpu.memory_space<vmem>> -> memref<1x64xi32, #tpu.memory_space<vmem>>
      %dma_start3A_234 = tpu.memref_squeeze %dma_start3A_233 : memref<1x64xi32, #tpu.memory_space<vmem>> -> memref<64xi32, #tpu.memory_space<vmem>>
      %dma_start3A_235 = arith.constant 0 : i32
      %dma_start3A_236 = arith.constant 0 : i32
      %dma_start3A_237 = tpu.memref_slice %arg13[%dma_start3A_235, %dma_start3A_236] : memref<10240x128xf32, #tpu.memory_space<vmem_shared>> -> memref<10240x128xf32, #tpu.memory_space<vmem_shared>>
      tpu.enqueue_indirect_dma source(%arg12 : memref<64x128xf32, #tpu.memory_space<vmem>>) target(%dma_start3A_237 : memref<10240x128xf32, #tpu.memory_space<vmem_shared>>) offsets(%dma_start3A_234 : memref<64xi32, #tpu.memory_space<vmem>>) semaphore(%arg21 : memref<!tpu.dma_semaphore, #tpu.memory_space<semaphore_mem>>) {add = true}
      %dma_wait3A_238 = arith.constant 4 : i32
      %dma_wait3A_239 = arith.constant 0 : i32
      %dma_wait3A_240 = tpu.memref_slice %arg7[%dma_wait3A_238, %dma_wait3A_239] : memref<16x64xi32, #tpu.memory_space<vmem>> -> memref<1x64xi32, #tpu.memory_space<vmem>>
      %dma_wait3A_241 = tpu.memref_squeeze %dma_wait3A_240 : memref<1x64xi32, #tpu.memory_space<vmem>> -> memref<64xi32, #tpu.memory_space<vmem>>
      %dma_wait3A_242 = arith.constant 0 : i32
      %dma_wait3A_243 = arith.constant 0 : i32
      %dma_wait3A_244 = tpu.memref_slice %arg4[%add3A_8, %dma_wait3A_242, %dma_wait3A_243] : memref<8x10000x128xf32, #tpu.memory_space<hbm>> -> memref<1x10000x128xf32, #tpu.memory_space<hbm>>
      %dma_wait3A_245 = tpu.memref_squeeze %dma_wait3A_244 : memref<1x10000x128xf32, #tpu.memory_space<hbm>> -> memref<10000x128xf32, #tpu.memory_space<hbm>>
      %dma_wait3A_246 = arith.constant 0 : i32
      %dma_wait3A_247 = arith.constant 0 : i32
      %dma_wait3A_248 = tpu.memref_slice %dma_wait3A_245[%dma_wait3A_246, %dma_wait3A_247] : memref<10000x128xf32, #tpu.memory_space<hbm>> -> memref<10000x128xf32, #tpu.memory_space<hbm>>
      tpu.wait_indirect_dma semaphore(%arg14 : memref<!tpu.dma_semaphore, #tpu.memory_space<semaphore_mem>>) src(%dma_wait3A_248 : memref<10000x128xf32, #tpu.memory_space<hbm>>) dst(%arg9 : memref<64x128xf32, #tpu.memory_space<vmem>>)
      %dma_wait3A_249 = arith.constant 3 : i32
      %dma_wait3A_250 = arith.constant 0 : i32
      %dma_wait3A_251 = tpu.memref_slice %arg8[%dma_wait3A_249, %dma_wait3A_250] : memref<16x64xi32, #tpu.memory_space<vmem>> -> memref<1x64xi32, #tpu.memory_space<vmem>>
      %dma_wait3A_252 = tpu.memref_squeeze %dma_wait3A_251 : memref<1x64xi32, #tpu.memory_space<vmem>> -> memref<64xi32, #tpu.memory_space<vmem>>
      %dma_wait3A_253 = arith.constant 0 : i32
      %dma_wait3A_254 = arith.constant 0 : i32
      %dma_wait3A_255 = tpu.memref_slice %arg13[%dma_wait3A_253, %dma_wait3A_254] : memref<10240x128xf32, #tpu.memory_space<vmem_shared>> -> memref<10240x128xf32, #tpu.memory_space<vmem_shared>>
      tpu.wait_indirect_dma semaphore(%arg21 : memref<!tpu.dma_semaphore, #tpu.memory_space<semaphore_mem>>) src(%arg12 : memref<64x128xf32, #tpu.memory_space<vmem>>) dst(%dma_wait3A_255 : memref<10240x128xf32, #tpu.memory_space<vmem_shared>>)
      %dma_start3A_256 = arith.constant 7 : i32
      %dma_start3A_257 = arith.constant 0 : i32
      %dma_start3A_258 = tpu.memref_slice %arg7[%dma_start3A_256, %dma_start3A_257] : memref<16x64xi32, #tpu.memory_space<vmem>> -> memref<1x64xi32, #tpu.memory_space<vmem>>
      %dma_start3A_259 = tpu.memref_squeeze %dma_start3A_258 : memref<1x64xi32, #tpu.memory_space<vmem>> -> memref<64xi32, #tpu.memory_space<vmem>>
      %dma_start3A_260 = arith.constant 0 : i32
      %dma_start3A_261 = arith.constant 0 : i32
      %dma_start3A_262 = tpu.memref_slice %arg4[%add3A_8, %dma_start3A_260, %dma_start3A_261] : memref<8x10000x128xf32, #tpu.memory_space<hbm>> -> memref<1x10000x128xf32, #tpu.memory_space<hbm>>
      %dma_start3A_263 = tpu.memref_squeeze %dma_start3A_262 : memref<1x10000x128xf32, #tpu.memory_space<hbm>> -> memref<10000x128xf32, #tpu.memory_space<hbm>>
      %dma_start3A_264 = arith.constant 0 : i32
      %dma_start3A_265 = arith.constant 0 : i32
      %dma_start3A_266 = tpu.memref_slice %dma_start3A_263[%dma_start3A_264, %dma_start3A_265] : memref<10000x128xf32, #tpu.memory_space<hbm>> -> memref<10000x128xf32, #tpu.memory_space<hbm>>
      tpu.enqueue_indirect_dma source(%dma_start3A_266 : memref<10000x128xf32, #tpu.memory_space<hbm>>) target(%arg12 : memref<64x128xf32, #tpu.memory_space<vmem>>) offsets(%dma_start3A_259 : memref<64xi32, #tpu.memory_space<vmem>>) semaphore(%arg17 : memref<!tpu.dma_semaphore, #tpu.memory_space<semaphore_mem>>)
      %dma_start3A_267 = arith.constant 4 : i32
      %dma_start3A_268 = arith.constant 0 : i32
      %dma_start3A_269 = tpu.memref_slice %arg8[%dma_start3A_267, %dma_start3A_268] : memref<16x64xi32, #tpu.memory_space<vmem>> -> memref<1x64xi32, #tpu.memory_space<vmem>>
      %dma_start3A_270 = tpu.memref_squeeze %dma_start3A_269 : memref<1x64xi32, #tpu.memory_space<vmem>> -> memref<64xi32, #tpu.memory_space<vmem>>
      %dma_start3A_271 = arith.constant 0 : i32
      %dma_start3A_272 = arith.constant 0 : i32
      %dma_start3A_273 = tpu.memref_slice %arg13[%dma_start3A_271, %dma_start3A_272] : memref<10240x128xf32, #tpu.memory_space<vmem_shared>> -> memref<10240x128xf32, #tpu.memory_space<vmem_shared>>
      tpu.enqueue_indirect_dma source(%arg9 : memref<64x128xf32, #tpu.memory_space<vmem>>) target(%dma_start3A_273 : memref<10240x128xf32, #tpu.memory_space<vmem_shared>>) offsets(%dma_start3A_270 : memref<64xi32, #tpu.memory_space<vmem>>) semaphore(%arg18 : memref<!tpu.dma_semaphore, #tpu.memory_space<semaphore_mem>>) {add = true}
      %dma_wait3A_274 = arith.constant 5 : i32
      %dma_wait3A_275 = arith.constant 0 : i32
      %dma_wait3A_276 = tpu.memref_slice %arg7[%dma_wait3A_274, %dma_wait3A_275] : memref<16x64xi32, #tpu.memory_space<vmem>> -> memref<1x64xi32, #tpu.memory_space<vmem>>
      %dma_wait3A_277 = tpu.memref_squeeze %dma_wait3A_276 : memref<1x64xi32, #tpu.memory_space<vmem>> -> memref<64xi32, #tpu.memory_space<vmem>>
      %dma_wait3A_278 = arith.constant 0 : i32
      %dma_wait3A_279 = arith.constant 0 : i32
      %dma_wait3A_280 = tpu.memref_slice %arg4[%add3A_8, %dma_wait3A_278, %dma_wait3A_279] : memref<8x10000x128xf32, #tpu.memory_space<hbm>> -> memref<1x10000x128xf32, #tpu.memory_space<hbm>>
      %dma_wait3A_281 = tpu.memref_squeeze %dma_wait3A_280 : memref<1x10000x128xf32, #tpu.memory_space<hbm>> -> memref<10000x128xf32, #tpu.memory_space<hbm>>
      %dma_wait3A_282 = arith.constant 0 : i32
      %dma_wait3A_283 = arith.constant 0 : i32
      %dma_wait3A_284 = tpu.memref_slice %dma_wait3A_281[%dma_wait3A_282, %dma_wait3A_283] : memref<10000x128xf32, #tpu.memory_space<hbm>> -> memref<10000x128xf32, #tpu.memory_space<hbm>>
      tpu.wait_indirect_dma semaphore(%arg15 : memref<!tpu.dma_semaphore, #tpu.memory_space<semaphore_mem>>) src(%dma_wait3A_284 : memref<10000x128xf32, #tpu.memory_space<hbm>>) dst(%arg10 : memref<64x128xf32, #tpu.memory_space<vmem>>)
      %dma_wait3A_285 = arith.constant 4 : i32
      %dma_wait3A_286 = arith.constant 0 : i32
      %dma_wait3A_287 = tpu.memref_slice %arg8[%dma_wait3A_285, %dma_wait3A_286] : memref<16x64xi32, #tpu.memory_space<vmem>> -> memref<1x64xi32, #tpu.memory_space<vmem>>
      %dma_wait3A_288 = tpu.memref_squeeze %dma_wait3A_287 : memref<1x64xi32, #tpu.memory_space<vmem>> -> memref<64xi32, #tpu.memory_space<vmem>>
      %dma_wait3A_289 = arith.constant 0 : i32
      %dma_wait3A_290 = arith.constant 0 : i32
      %dma_wait3A_291 = tpu.memref_slice %arg13[%dma_wait3A_289, %dma_wait3A_290] : memref<10240x128xf32, #tpu.memory_space<vmem_shared>> -> memref<10240x128xf32, #tpu.memory_space<vmem_shared>>
      tpu.wait_indirect_dma semaphore(%arg18 : memref<!tpu.dma_semaphore, #tpu.memory_space<semaphore_mem>>) src(%arg9 : memref<64x128xf32, #tpu.memory_space<vmem>>) dst(%dma_wait3A_291 : memref<10240x128xf32, #tpu.memory_space<vmem_shared>>)
      %dma_start3A_292 = arith.constant 8 : i32
      %dma_start3A_293 = arith.constant 0 : i32
      %dma_start3A_294 = tpu.memref_slice %arg7[%dma_start3A_292, %dma_start3A_293] : memref<16x64xi32, #tpu.memory_space<vmem>> -> memref<1x64xi32, #tpu.memory_space<vmem>>
      %dma_start3A_295 = tpu.memref_squeeze %dma_start3A_294 : memref<1x64xi32, #tpu.memory_space<vmem>> -> memref<64xi32, #tpu.memory_space<vmem>>
      %dma_start3A_296 = arith.constant 0 : i32
      %dma_start3A_297 = arith.constant 0 : i32
      %dma_start3A_298 = tpu.memref_slice %arg4[%add3A_8, %dma_start3A_296, %dma_start3A_297] : memref<8x10000x128xf32, #tpu.memory_space<hbm>> -> memref<1x10000x128xf32, #tpu.memory_space<hbm>>
      %dma_start3A_299 = tpu.memref_squeeze %dma_start3A_298 : memref<1x10000x128xf32, #tpu.memory_space<hbm>> -> memref<10000x128xf32, #tpu.memory_space<hbm>>
      %dma_start3A_300 = arith.constant 0 : i32
      %dma_start3A_301 = arith.constant 0 : i32
      %dma_start3A_302 = tpu.memref_slice %dma_start3A_299[%dma_start3A_300, %dma_start3A_301] : memref<10000x128xf32, #tpu.memory_space<hbm>> -> memref<10000x128xf32, #tpu.memory_space<hbm>>
      tpu.enqueue_indirect_dma source(%dma_start3A_302 : memref<10000x128xf32, #tpu.memory_space<hbm>>) target(%arg9 : memref<64x128xf32, #tpu.memory_space<vmem>>) offsets(%dma_start3A_295 : memref<64xi32, #tpu.memory_space<vmem>>) semaphore(%arg14 : memref<!tpu.dma_semaphore, #tpu.memory_space<semaphore_mem>>)
      %dma_start3A_303 = arith.constant 5 : i32
      %dma_start3A_304 = arith.constant 0 : i32
      %dma_start3A_305 = tpu.memref_slice %arg8[%dma_start3A_303, %dma_start3A_304] : memref<16x64xi32, #tpu.memory_space<vmem>> -> memref<1x64xi32, #tpu.memory_space<vmem>>
      %dma_start3A_306 = tpu.memref_squeeze %dma_start3A_305 : memref<1x64xi32, #tpu.memory_space<vmem>> -> memref<64xi32, #tpu.memory_space<vmem>>
      %dma_start3A_307 = arith.constant 0 : i32
      %dma_start3A_308 = arith.constant 0 : i32
      %dma_start3A_309 = tpu.memref_slice %arg13[%dma_start3A_307, %dma_start3A_308] : memref<10240x128xf32, #tpu.memory_space<vmem_shared>> -> memref<10240x128xf32, #tpu.memory_space<vmem_shared>>
      tpu.enqueue_indirect_dma source(%arg10 : memref<64x128xf32, #tpu.memory_space<vmem>>) target(%dma_start3A_309 : memref<10240x128xf32, #tpu.memory_space<vmem_shared>>) offsets(%dma_start3A_306 : memref<64xi32, #tpu.memory_space<vmem>>) semaphore(%arg19 : memref<!tpu.dma_semaphore, #tpu.memory_space<semaphore_mem>>) {add = true}
      %dma_wait3A_310 = arith.constant 6 : i32
      %dma_wait3A_311 = arith.constant 0 : i32
      %dma_wait3A_312 = tpu.memref_slice %arg7[%dma_wait3A_310, %dma_wait3A_311] : memref<16x64xi32, #tpu.memory_space<vmem>> -> memref<1x64xi32, #tpu.memory_space<vmem>>
      %dma_wait3A_313 = tpu.memref_squeeze %dma_wait3A_312 : memref<1x64xi32, #tpu.memory_space<vmem>> -> memref<64xi32, #tpu.memory_space<vmem>>
      %dma_wait3A_314 = arith.constant 0 : i32
      %dma_wait3A_315 = arith.constant 0 : i32
      %dma_wait3A_316 = tpu.memref_slice %arg4[%add3A_8, %dma_wait3A_314, %dma_wait3A_315] : memref<8x10000x128xf32, #tpu.memory_space<hbm>> -> memref<1x10000x128xf32, #tpu.memory_space<hbm>>
      %dma_wait3A_317 = tpu.memref_squeeze %dma_wait3A_316 : memref<1x10000x128xf32, #tpu.memory_space<hbm>> -> memref<10000x128xf32, #tpu.memory_space<hbm>>
      %dma_wait3A_318 = arith.constant 0 : i32
      %dma_wait3A_319 = arith.constant 0 : i32
      %dma_wait3A_320 = tpu.memref_slice %dma_wait3A_317[%dma_wait3A_318, %dma_wait3A_319] : memref<10000x128xf32, #tpu.memory_space<hbm>> -> memref<10000x128xf32, #tpu.memory_space<hbm>>
      tpu.wait_indirect_dma semaphore(%arg16 : memref<!tpu.dma_semaphore, #tpu.memory_space<semaphore_mem>>) src(%dma_wait3A_320 : memref<10000x128xf32, #tpu.memory_space<hbm>>) dst(%arg11 : memref<64x128xf32, #tpu.memory_space<vmem>>)
      %dma_wait3A_321 = arith.constant 5 : i32
      %dma_wait3A_322 = arith.constant 0 : i32
      %dma_wait3A_323 = tpu.memref_slice %arg8[%dma_wait3A_321, %dma_wait3A_322] : memref<16x64xi32, #tpu.memory_space<vmem>> -> memref<1x64xi32, #tpu.memory_space<vmem>>
      %dma_wait3A_324 = tpu.memref_squeeze %dma_wait3A_323 : memref<1x64xi32, #tpu.memory_space<vmem>> -> memref<64xi32, #tpu.memory_space<vmem>>
      %dma_wait3A_325 = arith.constant 0 : i32
      %dma_wait3A_326 = arith.constant 0 : i32
      %dma_wait3A_327 = tpu.memref_slice %arg13[%dma_wait3A_325, %dma_wait3A_326] : memref<10240x128xf32, #tpu.memory_space<vmem_shared>> -> memref<10240x128xf32, #tpu.memory_space<vmem_shared>>
      tpu.wait_indirect_dma semaphore(%arg19 : memref<!tpu.dma_semaphore, #tpu.memory_space<semaphore_mem>>) src(%arg10 : memref<64x128xf32, #tpu.memory_space<vmem>>) dst(%dma_wait3A_327 : memref<10240x128xf32, #tpu.memory_space<vmem_shared>>)
      %dma_start3A_328 = arith.constant 9 : i32
      %dma_start3A_329 = arith.constant 0 : i32
      %dma_start3A_330 = tpu.memref_slice %arg7[%dma_start3A_328, %dma_start3A_329] : memref<16x64xi32, #tpu.memory_space<vmem>> -> memref<1x64xi32, #tpu.memory_space<vmem>>
      %dma_start3A_331 = tpu.memref_squeeze %dma_start3A_330 : memref<1x64xi32, #tpu.memory_space<vmem>> -> memref<64xi32, #tpu.memory_space<vmem>>
      %dma_start3A_332 = arith.constant 0 : i32
      %dma_start3A_333 = arith.constant 0 : i32
      %dma_start3A_334 = tpu.memref_slice %arg4[%add3A_8, %dma_start3A_332, %dma_start3A_333] : memref<8x10000x128xf32, #tpu.memory_space<hbm>> -> memref<1x10000x128xf32, #tpu.memory_space<hbm>>
      %dma_start3A_335 = tpu.memref_squeeze %dma_start3A_334 : memref<1x10000x128xf32, #tpu.memory_space<hbm>> -> memref<10000x128xf32, #tpu.memory_space<hbm>>
      %dma_start3A_336 = arith.constant 0 : i32
      %dma_start3A_337 = arith.constant 0 : i32
      %dma_start3A_338 = tpu.memref_slice %dma_start3A_335[%dma_start3A_336, %dma_start3A_337] : memref<10000x128xf32, #tpu.memory_space<hbm>> -> memref<10000x128xf32, #tpu.memory_space<hbm>>
      tpu.enqueue_indirect_dma source(%dma_start3A_338 : memref<10000x128xf32, #tpu.memory_space<hbm>>) target(%arg10 : memref<64x128xf32, #tpu.memory_space<vmem>>) offsets(%dma_start3A_331 : memref<64xi32, #tpu.memory_space<vmem>>) semaphore(%arg15 : memref<!tpu.dma_semaphore, #tpu.memory_space<semaphore_mem>>)
      %dma_start3A_339 = arith.constant 6 : i32
      %dma_start3A_340 = arith.constant 0 : i32
      %dma_start3A_341 = tpu.memref_slice %arg8[%dma_start3A_339, %dma_start3A_340] : memref<16x64xi32, #tpu.memory_space<vmem>> -> memref<1x64xi32, #tpu.memory_space<vmem>>
      %dma_start3A_342 = tpu.memref_squeeze %dma_start3A_341 : memref<1x64xi32, #tpu.memory_space<vmem>> -> memref<64xi32, #tpu.memory_space<vmem>>
      %dma_start3A_343 = arith.constant 0 : i32
      %dma_start3A_344 = arith.constant 0 : i32
      %dma_start3A_345 = tpu.memref_slice %arg13[%dma_start3A_343, %dma_start3A_344] : memref<10240x128xf32, #tpu.memory_space<vmem_shared>> -> memref<10240x128xf32, #tpu.memory_space<vmem_shared>>
      tpu.enqueue_indirect_dma source(%arg11 : memref<64x128xf32, #tpu.memory_space<vmem>>) target(%dma_start3A_345 : memref<10240x128xf32, #tpu.memory_space<vmem_shared>>) offsets(%dma_start3A_342 : memref<64xi32, #tpu.memory_space<vmem>>) semaphore(%arg20 : memref<!tpu.dma_semaphore, #tpu.memory_space<semaphore_mem>>) {add = true}
      %dma_wait3A_346 = arith.constant 7 : i32
      %dma_wait3A_347 = arith.constant 0 : i32
      %dma_wait3A_348 = tpu.memref_slice %arg7[%dma_wait3A_346, %dma_wait3A_347] : memref<16x64xi32, #tpu.memory_space<vmem>> -> memref<1x64xi32, #tpu.memory_space<vmem>>
      %dma_wait3A_349 = tpu.memref_squeeze %dma_wait3A_348 : memref<1x64xi32, #tpu.memory_space<vmem>> -> memref<64xi32, #tpu.memory_space<vmem>>
      %dma_wait3A_350 = arith.constant 0 : i32
      %dma_wait3A_351 = arith.constant 0 : i32
      %dma_wait3A_352 = tpu.memref_slice %arg4[%add3A_8, %dma_wait3A_350, %dma_wait3A_351] : memref<8x10000x128xf32, #tpu.memory_space<hbm>> -> memref<1x10000x128xf32, #tpu.memory_space<hbm>>
      %dma_wait3A_353 = tpu.memref_squeeze %dma_wait3A_352 : memref<1x10000x128xf32, #tpu.memory_space<hbm>> -> memref<10000x128xf32, #tpu.memory_space<hbm>>
      %dma_wait3A_354 = arith.constant 0 : i32
      %dma_wait3A_355 = arith.constant 0 : i32
      %dma_wait3A_356 = tpu.memref_slice %dma_wait3A_353[%dma_wait3A_354, %dma_wait3A_355] : memref<10000x128xf32, #tpu.memory_space<hbm>> -> memref<10000x128xf32, #tpu.memory_space<hbm>>
      tpu.wait_indirect_dma semaphore(%arg17 : memref<!tpu.dma_semaphore, #tpu.memory_space<semaphore_mem>>) src(%dma_wait3A_356 : memref<10000x128xf32, #tpu.memory_space<hbm>>) dst(%arg12 : memref<64x128xf32, #tpu.memory_space<vmem>>)
      %dma_wait3A_357 = arith.constant 6 : i32
      %dma_wait3A_358 = arith.constant 0 : i32
      %dma_wait3A_359 = tpu.memref_slice %arg8[%dma_wait3A_357, %dma_wait3A_358] : memref<16x64xi32, #tpu.memory_space<vmem>> -> memref<1x64xi32, #tpu.memory_space<vmem>>
      %dma_wait3A_360 = tpu.memref_squeeze %dma_wait3A_359 : memref<1x64xi32, #tpu.memory_space<vmem>> -> memref<64xi32, #tpu.memory_space<vmem>>
      %dma_wait3A_361 = arith.constant 0 : i32
      %dma_wait3A_362 = arith.constant 0 : i32
      %dma_wait3A_363 = tpu.memref_slice %arg13[%dma_wait3A_361, %dma_wait3A_362] : memref<10240x128xf32, #tpu.memory_space<vmem_shared>> -> memref<10240x128xf32, #tpu.memory_space<vmem_shared>>
      tpu.wait_indirect_dma semaphore(%arg20 : memref<!tpu.dma_semaphore, #tpu.memory_space<semaphore_mem>>) src(%arg11 : memref<64x128xf32, #tpu.memory_space<vmem>>) dst(%dma_wait3A_363 : memref<10240x128xf32, #tpu.memory_space<vmem_shared>>)
      %dma_start3A_364 = arith.constant 10 : i32
      %dma_start3A_365 = arith.constant 0 : i32
      %dma_start3A_366 = tpu.memref_slice %arg7[%dma_start3A_364, %dma_start3A_365] : memref<16x64xi32, #tpu.memory_space<vmem>> -> memref<1x64xi32, #tpu.memory_space<vmem>>
      %dma_start3A_367 = tpu.memref_squeeze %dma_start3A_366 : memref<1x64xi32, #tpu.memory_space<vmem>> -> memref<64xi32, #tpu.memory_space<vmem>>
      %dma_start3A_368 = arith.constant 0 : i32
      %dma_start3A_369 = arith.constant 0 : i32
      %dma_start3A_370 = tpu.memref_slice %arg4[%add3A_8, %dma_start3A_368, %dma_start3A_369] : memref<8x10000x128xf32, #tpu.memory_space<hbm>> -> memref<1x10000x128xf32, #tpu.memory_space<hbm>>
      %dma_start3A_371 = tpu.memref_squeeze %dma_start3A_370 : memref<1x10000x128xf32, #tpu.memory_space<hbm>> -> memref<10000x128xf32, #tpu.memory_space<hbm>>
      %dma_start3A_372 = arith.constant 0 : i32
      %dma_start3A_373 = arith.constant 0 : i32
      %dma_start3A_374 = tpu.memref_slice %dma_start3A_371[%dma_start3A_372, %dma_start3A_373] : memref<10000x128xf32, #tpu.memory_space<hbm>> -> memref<10000x128xf32, #tpu.memory_space<hbm>>
      tpu.enqueue_indirect_dma source(%dma_start3A_374 : memref<10000x128xf32, #tpu.memory_space<hbm>>) target(%arg11 : memref<64x128xf32, #tpu.memory_space<vmem>>) offsets(%dma_start3A_367 : memref<64xi32, #tpu.memory_space<vmem>>) semaphore(%arg16 : memref<!tpu.dma_semaphore, #tpu.memory_space<semaphore_mem>>)
      %dma_start3A_375 = arith.constant 7 : i32
      %dma_start3A_376 = arith.constant 0 : i32
      %dma_start3A_377 = tpu.memref_slice %arg8[%dma_start3A_375, %dma_start3A_376] : memref<16x64xi32, #tpu.memory_space<vmem>> -> memref<1x64xi32, #tpu.memory_space<vmem>>
      %dma_start3A_378 = tpu.memref_squeeze %dma_start3A_377 : memref<1x64xi32, #tpu.memory_space<vmem>> -> memref<64xi32, #tpu.memory_space<vmem>>
      %dma_start3A_379 = arith.constant 0 : i32
      %dma_start3A_380 = arith.constant 0 : i32
      %dma_start3A_381 = tpu.memref_slice %arg13[%dma_start3A_379, %dma_start3A_380] : memref<10240x128xf32, #tpu.memory_space<vmem_shared>> -> memref<10240x128xf32, #tpu.memory_space<vmem_shared>>
      tpu.enqueue_indirect_dma source(%arg12 : memref<64x128xf32, #tpu.memory_space<vmem>>) target(%dma_start3A_381 : memref<10240x128xf32, #tpu.memory_space<vmem_shared>>) offsets(%dma_start3A_378 : memref<64xi32, #tpu.memory_space<vmem>>) semaphore(%arg21 : memref<!tpu.dma_semaphore, #tpu.memory_space<semaphore_mem>>) {add = true}
      %dma_wait3A_382 = arith.constant 8 : i32
      %dma_wait3A_383 = arith.constant 0 : i32
      %dma_wait3A_384 = tpu.memref_slice %arg7[%dma_wait3A_382, %dma_wait3A_383] : memref<16x64xi32, #tpu.memory_space<vmem>> -> memref<1x64xi32, #tpu.memory_space<vmem>>
      %dma_wait3A_385 = tpu.memref_squeeze %dma_wait3A_384 : memref<1x64xi32, #tpu.memory_space<vmem>> -> memref<64xi32, #tpu.memory_space<vmem>>
      %dma_wait3A_386 = arith.constant 0 : i32
      %dma_wait3A_387 = arith.constant 0 : i32
      %dma_wait3A_388 = tpu.memref_slice %arg4[%add3A_8, %dma_wait3A_386, %dma_wait3A_387] : memref<8x10000x128xf32, #tpu.memory_space<hbm>> -> memref<1x10000x128xf32, #tpu.memory_space<hbm>>
      %dma_wait3A_389 = tpu.memref_squeeze %dma_wait3A_388 : memref<1x10000x128xf32, #tpu.memory_space<hbm>> -> memref<10000x128xf32, #tpu.memory_space<hbm>>
      %dma_wait3A_390 = arith.constant 0 : i32
      %dma_wait3A_391 = arith.constant 0 : i32
      %dma_wait3A_392 = tpu.memref_slice %dma_wait3A_389[%dma_wait3A_390, %dma_wait3A_391] : memref<10000x128xf32, #tpu.memory_space<hbm>> -> memref<10000x128xf32, #tpu.memory_space<hbm>>
      tpu.wait_indirect_dma semaphore(%arg14 : memref<!tpu.dma_semaphore, #tpu.memory_space<semaphore_mem>>) src(%dma_wait3A_392 : memref<10000x128xf32, #tpu.memory_space<hbm>>) dst(%arg9 : memref<64x128xf32, #tpu.memory_space<vmem>>)
      %dma_wait3A_393 = arith.constant 7 : i32
      %dma_wait3A_394 = arith.constant 0 : i32
      %dma_wait3A_395 = tpu.memref_slice %arg8[%dma_wait3A_393, %dma_wait3A_394] : memref<16x64xi32, #tpu.memory_space<vmem>> -> memref<1x64xi32, #tpu.memory_space<vmem>>
      %dma_wait3A_396 = tpu.memref_squeeze %dma_wait3A_395 : memref<1x64xi32, #tpu.memory_space<vmem>> -> memref<64xi32, #tpu.memory_space<vmem>>
      %dma_wait3A_397 = arith.constant 0 : i32
      %dma_wait3A_398 = arith.constant 0 : i32
      %dma_wait3A_399 = tpu.memref_slice %arg13[%dma_wait3A_397, %dma_wait3A_398] : memref<10240x128xf32, #tpu.memory_space<vmem_shared>> -> memref<10240x128xf32, #tpu.memory_space<vmem_shared>>
      tpu.wait_indirect_dma semaphore(%arg21 : memref<!tpu.dma_semaphore, #tpu.memory_space<semaphore_mem>>) src(%arg12 : memref<64x128xf32, #tpu.memory_space<vmem>>) dst(%dma_wait3A_399 : memref<10240x128xf32, #tpu.memory_space<vmem_shared>>)
      %dma_start3A_400 = arith.constant 11 : i32
      %dma_start3A_401 = arith.constant 0 : i32
      %dma_start3A_402 = tpu.memref_slice %arg7[%dma_start3A_400, %dma_start3A_401] : memref<16x64xi32, #tpu.memory_space<vmem>> -> memref<1x64xi32, #tpu.memory_space<vmem>>
      %dma_start3A_403 = tpu.memref_squeeze %dma_start3A_402 : memref<1x64xi32, #tpu.memory_space<vmem>> -> memref<64xi32, #tpu.memory_space<vmem>>
      %dma_start3A_404 = arith.constant 0 : i32
      %dma_start3A_405 = arith.constant 0 : i32
      %dma_start3A_406 = tpu.memref_slice %arg4[%add3A_8, %dma_start3A_404, %dma_start3A_405] : memref<8x10000x128xf32, #tpu.memory_space<hbm>> -> memref<1x10000x128xf32, #tpu.memory_space<hbm>>
      %dma_start3A_407 = tpu.memref_squeeze %dma_start3A_406 : memref<1x10000x128xf32, #tpu.memory_space<hbm>> -> memref<10000x128xf32, #tpu.memory_space<hbm>>
      %dma_start3A_408 = arith.constant 0 : i32
      %dma_start3A_409 = arith.constant 0 : i32
      %dma_start3A_410 = tpu.memref_slice %dma_start3A_407[%dma_start3A_408, %dma_start3A_409] : memref<10000x128xf32, #tpu.memory_space<hbm>> -> memref<10000x128xf32, #tpu.memory_space<hbm>>
      tpu.enqueue_indirect_dma source(%dma_start3A_410 : memref<10000x128xf32, #tpu.memory_space<hbm>>) target(%arg12 : memref<64x128xf32, #tpu.memory_space<vmem>>) offsets(%dma_start3A_403 : memref<64xi32, #tpu.memory_space<vmem>>) semaphore(%arg17 : memref<!tpu.dma_semaphore, #tpu.memory_space<semaphore_mem>>)
      %dma_start3A_411 = arith.constant 8 : i32
      %dma_start3A_412 = arith.constant 0 : i32
      %dma_start3A_413 = tpu.memref_slice %arg8[%dma_start3A_411, %dma_start3A_412] : memref<16x64xi32, #tpu.memory_space<vmem>> -> memref<1x64xi32, #tpu.memory_space<vmem>>
      %dma_start3A_414 = tpu.memref_squeeze %dma_start3A_413 : memref<1x64xi32, #tpu.memory_space<vmem>> -> memref<64xi32, #tpu.memory_space<vmem>>
      %dma_start3A_415 = arith.constant 0 : i32
      %dma_start3A_416 = arith.constant 0 : i32
      %dma_start3A_417 = tpu.memref_slice %arg13[%dma_start3A_415, %dma_start3A_416] : memref<10240x128xf32, #tpu.memory_space<vmem_shared>> -> memref<10240x128xf32, #tpu.memory_space<vmem_shared>>
      tpu.enqueue_indirect_dma source(%arg9 : memref<64x128xf32, #tpu.memory_space<vmem>>) target(%dma_start3A_417 : memref<10240x128xf32, #tpu.memory_space<vmem_shared>>) offsets(%dma_start3A_414 : memref<64xi32, #tpu.memory_space<vmem>>) semaphore(%arg18 : memref<!tpu.dma_semaphore, #tpu.memory_space<semaphore_mem>>) {add = true}
      %dma_wait3A_418 = arith.constant 9 : i32
      %dma_wait3A_419 = arith.constant 0 : i32
      %dma_wait3A_420 = tpu.memref_slice %arg7[%dma_wait3A_418, %dma_wait3A_419] : memref<16x64xi32, #tpu.memory_space<vmem>> -> memref<1x64xi32, #tpu.memory_space<vmem>>
      %dma_wait3A_421 = tpu.memref_squeeze %dma_wait3A_420 : memref<1x64xi32, #tpu.memory_space<vmem>> -> memref<64xi32, #tpu.memory_space<vmem>>
      %dma_wait3A_422 = arith.constant 0 : i32
      %dma_wait3A_423 = arith.constant 0 : i32
      %dma_wait3A_424 = tpu.memref_slice %arg4[%add3A_8, %dma_wait3A_422, %dma_wait3A_423] : memref<8x10000x128xf32, #tpu.memory_space<hbm>> -> memref<1x10000x128xf32, #tpu.memory_space<hbm>>
      %dma_wait3A_425 = tpu.memref_squeeze %dma_wait3A_424 : memref<1x10000x128xf32, #tpu.memory_space<hbm>> -> memref<10000x128xf32, #tpu.memory_space<hbm>>
      %dma_wait3A_426 = arith.constant 0 : i32
      %dma_wait3A_427 = arith.constant 0 : i32
      %dma_wait3A_428 = tpu.memref_slice %dma_wait3A_425[%dma_wait3A_426, %dma_wait3A_427] : memref<10000x128xf32, #tpu.memory_space<hbm>> -> memref<10000x128xf32, #tpu.memory_space<hbm>>
      tpu.wait_indirect_dma semaphore(%arg15 : memref<!tpu.dma_semaphore, #tpu.memory_space<semaphore_mem>>) src(%dma_wait3A_428 : memref<10000x128xf32, #tpu.memory_space<hbm>>) dst(%arg10 : memref<64x128xf32, #tpu.memory_space<vmem>>)
      %dma_wait3A_429 = arith.constant 8 : i32
      %dma_wait3A_430 = arith.constant 0 : i32
      %dma_wait3A_431 = tpu.memref_slice %arg8[%dma_wait3A_429, %dma_wait3A_430] : memref<16x64xi32, #tpu.memory_space<vmem>> -> memref<1x64xi32, #tpu.memory_space<vmem>>
      %dma_wait3A_432 = tpu.memref_squeeze %dma_wait3A_431 : memref<1x64xi32, #tpu.memory_space<vmem>> -> memref<64xi32, #tpu.memory_space<vmem>>
      %dma_wait3A_433 = arith.constant 0 : i32
      %dma_wait3A_434 = arith.constant 0 : i32
      %dma_wait3A_435 = tpu.memref_slice %arg13[%dma_wait3A_433, %dma_wait3A_434] : memref<10240x128xf32, #tpu.memory_space<vmem_shared>> -> memref<10240x128xf32, #tpu.memory_space<vmem_shared>>
      tpu.wait_indirect_dma semaphore(%arg18 : memref<!tpu.dma_semaphore, #tpu.memory_space<semaphore_mem>>) src(%arg9 : memref<64x128xf32, #tpu.memory_space<vmem>>) dst(%dma_wait3A_435 : memref<10240x128xf32, #tpu.memory_space<vmem_shared>>)
      %dma_start3A_436 = arith.constant 12 : i32
      %dma_start3A_437 = arith.constant 0 : i32
      %dma_start3A_438 = tpu.memref_slice %arg7[%dma_start3A_436, %dma_start3A_437] : memref<16x64xi32, #tpu.memory_space<vmem>> -> memref<1x64xi32, #tpu.memory_space<vmem>>
      %dma_start3A_439 = tpu.memref_squeeze %dma_start3A_438 : memref<1x64xi32, #tpu.memory_space<vmem>> -> memref<64xi32, #tpu.memory_space<vmem>>
      %dma_start3A_440 = arith.constant 0 : i32
      %dma_start3A_441 = arith.constant 0 : i32
      %dma_start3A_442 = tpu.memref_slice %arg4[%add3A_8, %dma_start3A_440, %dma_start3A_441] : memref<8x10000x128xf32, #tpu.memory_space<hbm>> -> memref<1x10000x128xf32, #tpu.memory_space<hbm>>
      %dma_start3A_443 = tpu.memref_squeeze %dma_start3A_442 : memref<1x10000x128xf32, #tpu.memory_space<hbm>> -> memref<10000x128xf32, #tpu.memory_space<hbm>>
      %dma_start3A_444 = arith.constant 0 : i32
      %dma_start3A_445 = arith.constant 0 : i32
      %dma_start3A_446 = tpu.memref_slice %dma_start3A_443[%dma_start3A_444, %dma_start3A_445] : memref<10000x128xf32, #tpu.memory_space<hbm>> -> memref<10000x128xf32, #tpu.memory_space<hbm>>
      tpu.enqueue_indirect_dma source(%dma_start3A_446 : memref<10000x128xf32, #tpu.memory_space<hbm>>) target(%arg9 : memref<64x128xf32, #tpu.memory_space<vmem>>) offsets(%dma_start3A_439 : memref<64xi32, #tpu.memory_space<vmem>>) semaphore(%arg14 : memref<!tpu.dma_semaphore, #tpu.memory_space<semaphore_mem>>)
      %dma_start3A_447 = arith.constant 9 : i32
      %dma_start3A_448 = arith.constant 0 : i32
      %dma_start3A_449 = tpu.memref_slice %arg8[%dma_start3A_447, %dma_start3A_448] : memref<16x64xi32, #tpu.memory_space<vmem>> -> memref<1x64xi32, #tpu.memory_space<vmem>>
      %dma_start3A_450 = tpu.memref_squeeze %dma_start3A_449 : memref<1x64xi32, #tpu.memory_space<vmem>> -> memref<64xi32, #tpu.memory_space<vmem>>
      %dma_start3A_451 = arith.constant 0 : i32
      %dma_start3A_452 = arith.constant 0 : i32
      %dma_start3A_453 = tpu.memref_slice %arg13[%dma_start3A_451, %dma_start3A_452] : memref<10240x128xf32, #tpu.memory_space<vmem_shared>> -> memref<10240x128xf32, #tpu.memory_space<vmem_shared>>
      tpu.enqueue_indirect_dma source(%arg10 : memref<64x128xf32, #tpu.memory_space<vmem>>) target(%dma_start3A_453 : memref<10240x128xf32, #tpu.memory_space<vmem_shared>>) offsets(%dma_start3A_450 : memref<64xi32, #tpu.memory_space<vmem>>) semaphore(%arg19 : memref<!tpu.dma_semaphore, #tpu.memory_space<semaphore_mem>>) {add = true}
      %dma_wait3A_454 = arith.constant 10 : i32
      %dma_wait3A_455 = arith.constant 0 : i32
      %dma_wait3A_456 = tpu.memref_slice %arg7[%dma_wait3A_454, %dma_wait3A_455] : memref<16x64xi32, #tpu.memory_space<vmem>> -> memref<1x64xi32, #tpu.memory_space<vmem>>
      %dma_wait3A_457 = tpu.memref_squeeze %dma_wait3A_456 : memref<1x64xi32, #tpu.memory_space<vmem>> -> memref<64xi32, #tpu.memory_space<vmem>>
      %dma_wait3A_458 = arith.constant 0 : i32
      %dma_wait3A_459 = arith.constant 0 : i32
      %dma_wait3A_460 = tpu.memref_slice %arg4[%add3A_8, %dma_wait3A_458, %dma_wait3A_459] : memref<8x10000x128xf32, #tpu.memory_space<hbm>> -> memref<1x10000x128xf32, #tpu.memory_space<hbm>>
      %dma_wait3A_461 = tpu.memref_squeeze %dma_wait3A_460 : memref<1x10000x128xf32, #tpu.memory_space<hbm>> -> memref<10000x128xf32, #tpu.memory_space<hbm>>
      %dma_wait3A_462 = arith.constant 0 : i32
      %dma_wait3A_463 = arith.constant 0 : i32
      %dma_wait3A_464 = tpu.memref_slice %dma_wait3A_461[%dma_wait3A_462, %dma_wait3A_463] : memref<10000x128xf32, #tpu.memory_space<hbm>> -> memref<10000x128xf32, #tpu.memory_space<hbm>>
      tpu.wait_indirect_dma semaphore(%arg16 : memref<!tpu.dma_semaphore, #tpu.memory_space<semaphore_mem>>) src(%dma_wait3A_464 : memref<10000x128xf32, #tpu.memory_space<hbm>>) dst(%arg11 : memref<64x128xf32, #tpu.memory_space<vmem>>)
      %dma_wait3A_465 = arith.constant 9 : i32
      %dma_wait3A_466 = arith.constant 0 : i32
      %dma_wait3A_467 = tpu.memref_slice %arg8[%dma_wait3A_465, %dma_wait3A_466] : memref<16x64xi32, #tpu.memory_space<vmem>> -> memref<1x64xi32, #tpu.memory_space<vmem>>
      %dma_wait3A_468 = tpu.memref_squeeze %dma_wait3A_467 : memref<1x64xi32, #tpu.memory_space<vmem>> -> memref<64xi32, #tpu.memory_space<vmem>>
      %dma_wait3A_469 = arith.constant 0 : i32
      %dma_wait3A_470 = arith.constant 0 : i32
      %dma_wait3A_471 = tpu.memref_slice %arg13[%dma_wait3A_469, %dma_wait3A_470] : memref<10240x128xf32, #tpu.memory_space<vmem_shared>> -> memref<10240x128xf32, #tpu.memory_space<vmem_shared>>
      tpu.wait_indirect_dma semaphore(%arg19 : memref<!tpu.dma_semaphore, #tpu.memory_space<semaphore_mem>>) src(%arg10 : memref<64x128xf32, #tpu.memory_space<vmem>>) dst(%dma_wait3A_471 : memref<10240x128xf32, #tpu.memory_space<vmem_shared>>)
      %dma_start3A_472 = arith.constant 13 : i32
      %dma_start3A_473 = arith.constant 0 : i32
      %dma_start3A_474 = tpu.memref_slice %arg7[%dma_start3A_472, %dma_start3A_473] : memref<16x64xi32, #tpu.memory_space<vmem>> -> memref<1x64xi32, #tpu.memory_space<vmem>>
      %dma_start3A_475 = tpu.memref_squeeze %dma_start3A_474 : memref<1x64xi32, #tpu.memory_space<vmem>> -> memref<64xi32, #tpu.memory_space<vmem>>
      %dma_start3A_476 = arith.constant 0 : i32
      %dma_start3A_477 = arith.constant 0 : i32
      %dma_start3A_478 = tpu.memref_slice %arg4[%add3A_8, %dma_start3A_476, %dma_start3A_477] : memref<8x10000x128xf32, #tpu.memory_space<hbm>> -> memref<1x10000x128xf32, #tpu.memory_space<hbm>>
      %dma_start3A_479 = tpu.memref_squeeze %dma_start3A_478 : memref<1x10000x128xf32, #tpu.memory_space<hbm>> -> memref<10000x128xf32, #tpu.memory_space<hbm>>
      %dma_start3A_480 = arith.constant 0 : i32
      %dma_start3A_481 = arith.constant 0 : i32
      %dma_start3A_482 = tpu.memref_slice %dma_start3A_479[%dma_start3A_480, %dma_start3A_481] : memref<10000x128xf32, #tpu.memory_space<hbm>> -> memref<10000x128xf32, #tpu.memory_space<hbm>>
      tpu.enqueue_indirect_dma source(%dma_start3A_482 : memref<10000x128xf32, #tpu.memory_space<hbm>>) target(%arg10 : memref<64x128xf32, #tpu.memory_space<vmem>>) offsets(%dma_start3A_475 : memref<64xi32, #tpu.memory_space<vmem>>) semaphore(%arg15 : memref<!tpu.dma_semaphore, #tpu.memory_space<semaphore_mem>>)
      %dma_start3A_483 = arith.constant 10 : i32
      %dma_start3A_484 = arith.constant 0 : i32
      %dma_start3A_485 = tpu.memref_slice %arg8[%dma_start3A_483, %dma_start3A_484] : memref<16x64xi32, #tpu.memory_space<vmem>> -> memref<1x64xi32, #tpu.memory_space<vmem>>
      %dma_start3A_486 = tpu.memref_squeeze %dma_start3A_485 : memref<1x64xi32, #tpu.memory_space<vmem>> -> memref<64xi32, #tpu.memory_space<vmem>>
      %dma_start3A_487 = arith.constant 0 : i32
      %dma_start3A_488 = arith.constant 0 : i32
      %dma_start3A_489 = tpu.memref_slice %arg13[%dma_start3A_487, %dma_start3A_488] : memref<10240x128xf32, #tpu.memory_space<vmem_shared>> -> memref<10240x128xf32, #tpu.memory_space<vmem_shared>>
      tpu.enqueue_indirect_dma source(%arg11 : memref<64x128xf32, #tpu.memory_space<vmem>>) target(%dma_start3A_489 : memref<10240x128xf32, #tpu.memory_space<vmem_shared>>) offsets(%dma_start3A_486 : memref<64xi32, #tpu.memory_space<vmem>>) semaphore(%arg20 : memref<!tpu.dma_semaphore, #tpu.memory_space<semaphore_mem>>) {add = true}
      %dma_wait3A_490 = arith.constant 11 : i32
      %dma_wait3A_491 = arith.constant 0 : i32
      %dma_wait3A_492 = tpu.memref_slice %arg7[%dma_wait3A_490, %dma_wait3A_491] : memref<16x64xi32, #tpu.memory_space<vmem>> -> memref<1x64xi32, #tpu.memory_space<vmem>>
      %dma_wait3A_493 = tpu.memref_squeeze %dma_wait3A_492 : memref<1x64xi32, #tpu.memory_space<vmem>> -> memref<64xi32, #tpu.memory_space<vmem>>
      %dma_wait3A_494 = arith.constant 0 : i32
      %dma_wait3A_495 = arith.constant 0 : i32
      %dma_wait3A_496 = tpu.memref_slice %arg4[%add3A_8, %dma_wait3A_494, %dma_wait3A_495] : memref<8x10000x128xf32, #tpu.memory_space<hbm>> -> memref<1x10000x128xf32, #tpu.memory_space<hbm>>
      %dma_wait3A_497 = tpu.memref_squeeze %dma_wait3A_496 : memref<1x10000x128xf32, #tpu.memory_space<hbm>> -> memref<10000x128xf32, #tpu.memory_space<hbm>>
      %dma_wait3A_498 = arith.constant 0 : i32
      %dma_wait3A_499 = arith.constant 0 : i32
      %dma_wait3A_500 = tpu.memref_slice %dma_wait3A_497[%dma_wait3A_498, %dma_wait3A_499] : memref<10000x128xf32, #tpu.memory_space<hbm>> -> memref<10000x128xf32, #tpu.memory_space<hbm>>
      tpu.wait_indirect_dma semaphore(%arg17 : memref<!tpu.dma_semaphore, #tpu.memory_space<semaphore_mem>>) src(%dma_wait3A_500 : memref<10000x128xf32, #tpu.memory_space<hbm>>) dst(%arg12 : memref<64x128xf32, #tpu.memory_space<vmem>>)
      %dma_wait3A_501 = arith.constant 10 : i32
      %dma_wait3A_502 = arith.constant 0 : i32
      %dma_wait3A_503 = tpu.memref_slice %arg8[%dma_wait3A_501, %dma_wait3A_502] : memref<16x64xi32, #tpu.memory_space<vmem>> -> memref<1x64xi32, #tpu.memory_space<vmem>>
      %dma_wait3A_504 = tpu.memref_squeeze %dma_wait3A_503 : memref<1x64xi32, #tpu.memory_space<vmem>> -> memref<64xi32, #tpu.memory_space<vmem>>
      %dma_wait3A_505 = arith.constant 0 : i32
      %dma_wait3A_506 = arith.constant 0 : i32
      %dma_wait3A_507 = tpu.memref_slice %arg13[%dma_wait3A_505, %dma_wait3A_506] : memref<10240x128xf32, #tpu.memory_space<vmem_shared>> -> memref<10240x128xf32, #tpu.memory_space<vmem_shared>>
      tpu.wait_indirect_dma semaphore(%arg20 : memref<!tpu.dma_semaphore, #tpu.memory_space<semaphore_mem>>) src(%arg11 : memref<64x128xf32, #tpu.memory_space<vmem>>) dst(%dma_wait3A_507 : memref<10240x128xf32, #tpu.memory_space<vmem_shared>>)
      %dma_start3A_508 = arith.constant 14 : i32
      %dma_start3A_509 = arith.constant 0 : i32
      %dma_start3A_510 = tpu.memref_slice %arg7[%dma_start3A_508, %dma_start3A_509] : memref<16x64xi32, #tpu.memory_space<vmem>> -> memref<1x64xi32, #tpu.memory_space<vmem>>
      %dma_start3A_511 = tpu.memref_squeeze %dma_start3A_510 : memref<1x64xi32, #tpu.memory_space<vmem>> -> memref<64xi32, #tpu.memory_space<vmem>>
      %dma_start3A_512 = arith.constant 0 : i32
      %dma_start3A_513 = arith.constant 0 : i32
      %dma_start3A_514 = tpu.memref_slice %arg4[%add3A_8, %dma_start3A_512, %dma_start3A_513] : memref<8x10000x128xf32, #tpu.memory_space<hbm>> -> memref<1x10000x128xf32, #tpu.memory_space<hbm>>
      %dma_start3A_515 = tpu.memref_squeeze %dma_start3A_514 : memref<1x10000x128xf32, #tpu.memory_space<hbm>> -> memref<10000x128xf32, #tpu.memory_space<hbm>>
      %dma_start3A_516 = arith.constant 0 : i32
      %dma_start3A_517 = arith.constant 0 : i32
      %dma_start3A_518 = tpu.memref_slice %dma_start3A_515[%dma_start3A_516, %dma_start3A_517] : memref<10000x128xf32, #tpu.memory_space<hbm>> -> memref<10000x128xf32, #tpu.memory_space<hbm>>
      tpu.enqueue_indirect_dma source(%dma_start3A_518 : memref<10000x128xf32, #tpu.memory_space<hbm>>) target(%arg11 : memref<64x128xf32, #tpu.memory_space<vmem>>) offsets(%dma_start3A_511 : memref<64xi32, #tpu.memory_space<vmem>>) semaphore(%arg16 : memref<!tpu.dma_semaphore, #tpu.memory_space<semaphore_mem>>)
      %dma_start3A_519 = arith.constant 11 : i32
      %dma_start3A_520 = arith.constant 0 : i32
      %dma_start3A_521 = tpu.memref_slice %arg8[%dma_start3A_519, %dma_start3A_520] : memref<16x64xi32, #tpu.memory_space<vmem>> -> memref<1x64xi32, #tpu.memory_space<vmem>>
      %dma_start3A_522 = tpu.memref_squeeze %dma_start3A_521 : memref<1x64xi32, #tpu.memory_space<vmem>> -> memref<64xi32, #tpu.memory_space<vmem>>
      %dma_start3A_523 = arith.constant 0 : i32
      %dma_start3A_524 = arith.constant 0 : i32
      %dma_start3A_525 = tpu.memref_slice %arg13[%dma_start3A_523, %dma_start3A_524] : memref<10240x128xf32, #tpu.memory_space<vmem_shared>> -> memref<10240x128xf32, #tpu.memory_space<vmem_shared>>
      tpu.enqueue_indirect_dma source(%arg12 : memref<64x128xf32, #tpu.memory_space<vmem>>) target(%dma_start3A_525 : memref<10240x128xf32, #tpu.memory_space<vmem_shared>>) offsets(%dma_start3A_522 : memref<64xi32, #tpu.memory_space<vmem>>) semaphore(%arg21 : memref<!tpu.dma_semaphore, #tpu.memory_space<semaphore_mem>>) {add = true}
      %dma_wait3A_526 = arith.constant 12 : i32
      %dma_wait3A_527 = arith.constant 0 : i32
      %dma_wait3A_528 = tpu.memref_slice %arg7[%dma_wait3A_526, %dma_wait3A_527] : memref<16x64xi32, #tpu.memory_space<vmem>> -> memref<1x64xi32, #tpu.memory_space<vmem>>
      %dma_wait3A_529 = tpu.memref_squeeze %dma_wait3A_528 : memref<1x64xi32, #tpu.memory_space<vmem>> -> memref<64xi32, #tpu.memory_space<vmem>>
      %dma_wait3A_530 = arith.constant 0 : i32
      %dma_wait3A_531 = arith.constant 0 : i32
      %dma_wait3A_532 = tpu.memref_slice %arg4[%add3A_8, %dma_wait3A_530, %dma_wait3A_531] : memref<8x10000x128xf32, #tpu.memory_space<hbm>> -> memref<1x10000x128xf32, #tpu.memory_space<hbm>>
      %dma_wait3A_533 = tpu.memref_squeeze %dma_wait3A_532 : memref<1x10000x128xf32, #tpu.memory_space<hbm>> -> memref<10000x128xf32, #tpu.memory_space<hbm>>
      %dma_wait3A_534 = arith.constant 0 : i32
      %dma_wait3A_535 = arith.constant 0 : i32
      %dma_wait3A_536 = tpu.memref_slice %dma_wait3A_533[%dma_wait3A_534, %dma_wait3A_535] : memref<10000x128xf32, #tpu.memory_space<hbm>> -> memref<10000x128xf32, #tpu.memory_space<hbm>>
      tpu.wait_indirect_dma semaphore(%arg14 : memref<!tpu.dma_semaphore, #tpu.memory_space<semaphore_mem>>) src(%dma_wait3A_536 : memref<10000x128xf32, #tpu.memory_space<hbm>>) dst(%arg9 : memref<64x128xf32, #tpu.memory_space<vmem>>)
      %dma_wait3A_537 = arith.constant 11 : i32
      %dma_wait3A_538 = arith.constant 0 : i32
      %dma_wait3A_539 = tpu.memref_slice %arg8[%dma_wait3A_537, %dma_wait3A_538] : memref<16x64xi32, #tpu.memory_space<vmem>> -> memref<1x64xi32, #tpu.memory_space<vmem>>
      %dma_wait3A_540 = tpu.memref_squeeze %dma_wait3A_539 : memref<1x64xi32, #tpu.memory_space<vmem>> -> memref<64xi32, #tpu.memory_space<vmem>>
      %dma_wait3A_541 = arith.constant 0 : i32
      %dma_wait3A_542 = arith.constant 0 : i32
      %dma_wait3A_543 = tpu.memref_slice %arg13[%dma_wait3A_541, %dma_wait3A_542] : memref<10240x128xf32, #tpu.memory_space<vmem_shared>> -> memref<10240x128xf32, #tpu.memory_space<vmem_shared>>
      tpu.wait_indirect_dma semaphore(%arg21 : memref<!tpu.dma_semaphore, #tpu.memory_space<semaphore_mem>>) src(%arg12 : memref<64x128xf32, #tpu.memory_space<vmem>>) dst(%dma_wait3A_543 : memref<10240x128xf32, #tpu.memory_space<vmem_shared>>)
      %dma_start3A_544 = arith.constant 15 : i32
      %dma_start3A_545 = arith.constant 0 : i32
      %dma_start3A_546 = tpu.memref_slice %arg7[%dma_start3A_544, %dma_start3A_545] : memref<16x64xi32, #tpu.memory_space<vmem>> -> memref<1x64xi32, #tpu.memory_space<vmem>>
      %dma_start3A_547 = tpu.memref_squeeze %dma_start3A_546 : memref<1x64xi32, #tpu.memory_space<vmem>> -> memref<64xi32, #tpu.memory_space<vmem>>
      %dma_start3A_548 = arith.constant 0 : i32
      %dma_start3A_549 = arith.constant 0 : i32
      %dma_start3A_550 = tpu.memref_slice %arg4[%add3A_8, %dma_start3A_548, %dma_start3A_549] : memref<8x10000x128xf32, #tpu.memory_space<hbm>> -> memref<1x10000x128xf32, #tpu.memory_space<hbm>>
      %dma_start3A_551 = tpu.memref_squeeze %dma_start3A_550 : memref<1x10000x128xf32, #tpu.memory_space<hbm>> -> memref<10000x128xf32, #tpu.memory_space<hbm>>
      %dma_start3A_552 = arith.constant 0 : i32
      %dma_start3A_553 = arith.constant 0 : i32
      %dma_start3A_554 = tpu.memref_slice %dma_start3A_551[%dma_start3A_552, %dma_start3A_553] : memref<10000x128xf32, #tpu.memory_space<hbm>> -> memref<10000x128xf32, #tpu.memory_space<hbm>>
      tpu.enqueue_indirect_dma source(%dma_start3A_554 : memref<10000x128xf32, #tpu.memory_space<hbm>>) target(%arg12 : memref<64x128xf32, #tpu.memory_space<vmem>>) offsets(%dma_start3A_547 : memref<64xi32, #tpu.memory_space<vmem>>) semaphore(%arg17 : memref<!tpu.dma_semaphore, #tpu.memory_space<semaphore_mem>>)
      %dma_start3A_555 = arith.constant 12 : i32
      %dma_start3A_556 = arith.constant 0 : i32
      %dma_start3A_557 = tpu.memref_slice %arg8[%dma_start3A_555, %dma_start3A_556] : memref<16x64xi32, #tpu.memory_space<vmem>> -> memref<1x64xi32, #tpu.memory_space<vmem>>
      %dma_start3A_558 = tpu.memref_squeeze %dma_start3A_557 : memref<1x64xi32, #tpu.memory_space<vmem>> -> memref<64xi32, #tpu.memory_space<vmem>>
      %dma_start3A_559 = arith.constant 0 : i32
      %dma_start3A_560 = arith.constant 0 : i32
      %dma_start3A_561 = tpu.memref_slice %arg13[%dma_start3A_559, %dma_start3A_560] : memref<10240x128xf32, #tpu.memory_space<vmem_shared>> -> memref<10240x128xf32, #tpu.memory_space<vmem_shared>>
      tpu.enqueue_indirect_dma source(%arg9 : memref<64x128xf32, #tpu.memory_space<vmem>>) target(%dma_start3A_561 : memref<10240x128xf32, #tpu.memory_space<vmem_shared>>) offsets(%dma_start3A_558 : memref<64xi32, #tpu.memory_space<vmem>>) semaphore(%arg18 : memref<!tpu.dma_semaphore, #tpu.memory_space<semaphore_mem>>) {add = true}
      %dma_wait3A_562 = arith.constant 13 : i32
      %dma_wait3A_563 = arith.constant 0 : i32
      %dma_wait3A_564 = tpu.memref_slice %arg7[%dma_wait3A_562, %dma_wait3A_563] : memref<16x64xi32, #tpu.memory_space<vmem>> -> memref<1x64xi32, #tpu.memory_space<vmem>>
      %dma_wait3A_565 = tpu.memref_squeeze %dma_wait3A_564 : memref<1x64xi32, #tpu.memory_space<vmem>> -> memref<64xi32, #tpu.memory_space<vmem>>
      %dma_wait3A_566 = arith.constant 0 : i32
      %dma_wait3A_567 = arith.constant 0 : i32
      %dma_wait3A_568 = tpu.memref_slice %arg4[%add3A_8, %dma_wait3A_566, %dma_wait3A_567] : memref<8x10000x128xf32, #tpu.memory_space<hbm>> -> memref<1x10000x128xf32, #tpu.memory_space<hbm>>
      %dma_wait3A_569 = tpu.memref_squeeze %dma_wait3A_568 : memref<1x10000x128xf32, #tpu.memory_space<hbm>> -> memref<10000x128xf32, #tpu.memory_space<hbm>>
      %dma_wait3A_570 = arith.constant 0 : i32
      %dma_wait3A_571 = arith.constant 0 : i32
      %dma_wait3A_572 = tpu.memref_slice %dma_wait3A_569[%dma_wait3A_570, %dma_wait3A_571] : memref<10000x128xf32, #tpu.memory_space<hbm>> -> memref<10000x128xf32, #tpu.memory_space<hbm>>
      tpu.wait_indirect_dma semaphore(%arg15 : memref<!tpu.dma_semaphore, #tpu.memory_space<semaphore_mem>>) src(%dma_wait3A_572 : memref<10000x128xf32, #tpu.memory_space<hbm>>) dst(%arg10 : memref<64x128xf32, #tpu.memory_space<vmem>>)
      %dma_start3A_573 = arith.constant 13 : i32
      %dma_start3A_574 = arith.constant 0 : i32
      %dma_start3A_575 = tpu.memref_slice %arg8[%dma_start3A_573, %dma_start3A_574] : memref<16x64xi32, #tpu.memory_space<vmem>> -> memref<1x64xi32, #tpu.memory_space<vmem>>
      %dma_start3A_576 = tpu.memref_squeeze %dma_start3A_575 : memref<1x64xi32, #tpu.memory_space<vmem>> -> memref<64xi32, #tpu.memory_space<vmem>>
      %dma_start3A_577 = arith.constant 0 : i32
      %dma_start3A_578 = arith.constant 0 : i32
      %dma_start3A_579 = tpu.memref_slice %arg13[%dma_start3A_577, %dma_start3A_578] : memref<10240x128xf32, #tpu.memory_space<vmem_shared>> -> memref<10240x128xf32, #tpu.memory_space<vmem_shared>>
      tpu.enqueue_indirect_dma source(%arg10 : memref<64x128xf32, #tpu.memory_space<vmem>>) target(%dma_start3A_579 : memref<10240x128xf32, #tpu.memory_space<vmem_shared>>) offsets(%dma_start3A_576 : memref<64xi32, #tpu.memory_space<vmem>>) semaphore(%arg19 : memref<!tpu.dma_semaphore, #tpu.memory_space<semaphore_mem>>) {add = true}
      %dma_wait3A_580 = arith.constant 14 : i32
      %dma_wait3A_581 = arith.constant 0 : i32
      %dma_wait3A_582 = tpu.memref_slice %arg7[%dma_wait3A_580, %dma_wait3A_581] : memref<16x64xi32, #tpu.memory_space<vmem>> -> memref<1x64xi32, #tpu.memory_space<vmem>>
      %dma_wait3A_583 = tpu.memref_squeeze %dma_wait3A_582 : memref<1x64xi32, #tpu.memory_space<vmem>> -> memref<64xi32, #tpu.memory_space<vmem>>
      %dma_wait3A_584 = arith.constant 0 : i32
      %dma_wait3A_585 = arith.constant 0 : i32
      %dma_wait3A_586 = tpu.memref_slice %arg4[%add3A_8, %dma_wait3A_584, %dma_wait3A_585] : memref<8x10000x128xf32, #tpu.memory_space<hbm>> -> memref<1x10000x128xf32, #tpu.memory_space<hbm>>
      %dma_wait3A_587 = tpu.memref_squeeze %dma_wait3A_586 : memref<1x10000x128xf32, #tpu.memory_space<hbm>> -> memref<10000x128xf32, #tpu.memory_space<hbm>>
      %dma_wait3A_588 = arith.constant 0 : i32
      %dma_wait3A_589 = arith.constant 0 : i32
      %dma_wait3A_590 = tpu.memref_slice %dma_wait3A_587[%dma_wait3A_588, %dma_wait3A_589] : memref<10000x128xf32, #tpu.memory_space<hbm>> -> memref<10000x128xf32, #tpu.memory_space<hbm>>
      tpu.wait_indirect_dma semaphore(%arg16 : memref<!tpu.dma_semaphore, #tpu.memory_space<semaphore_mem>>) src(%dma_wait3A_590 : memref<10000x128xf32, #tpu.memory_space<hbm>>) dst(%arg11 : memref<64x128xf32, #tpu.memory_space<vmem>>)
      %dma_start3A_591 = arith.constant 14 : i32
      %dma_start3A_592 = arith.constant 0 : i32
      %dma_start3A_593 = tpu.memref_slice %arg8[%dma_start3A_591, %dma_start3A_592] : memref<16x64xi32, #tpu.memory_space<vmem>> -> memref<1x64xi32, #tpu.memory_space<vmem>>
      %dma_start3A_594 = tpu.memref_squeeze %dma_start3A_593 : memref<1x64xi32, #tpu.memory_space<vmem>> -> memref<64xi32, #tpu.memory_space<vmem>>
      %dma_start3A_595 = arith.constant 0 : i32
      %dma_start3A_596 = arith.constant 0 : i32
      %dma_start3A_597 = tpu.memref_slice %arg13[%dma_start3A_595, %dma_start3A_596] : memref<10240x128xf32, #tpu.memory_space<vmem_shared>> -> memref<10240x128xf32, #tpu.memory_space<vmem_shared>>
      tpu.enqueue_indirect_dma source(%arg11 : memref<64x128xf32, #tpu.memory_space<vmem>>) target(%dma_start3A_597 : memref<10240x128xf32, #tpu.memory_space<vmem_shared>>) offsets(%dma_start3A_594 : memref<64xi32, #tpu.memory_space<vmem>>) semaphore(%arg20 : memref<!tpu.dma_semaphore, #tpu.memory_space<semaphore_mem>>) {add = true}
      %dma_wait3A_598 = arith.constant 15 : i32
      %dma_wait3A_599 = arith.constant 0 : i32
      %dma_wait3A_600 = tpu.memref_slice %arg7[%dma_wait3A_598, %dma_wait3A_599] : memref<16x64xi32, #tpu.memory_space<vmem>> -> memref<1x64xi32, #tpu.memory_space<vmem>>
      %dma_wait3A_601 = tpu.memref_squeeze %dma_wait3A_600 : memref<1x64xi32, #tpu.memory_space<vmem>> -> memref<64xi32, #tpu.memory_space<vmem>>
      %dma_wait3A_602 = arith.constant 0 : i32
      %dma_wait3A_603 = arith.constant 0 : i32
      %dma_wait3A_604 = tpu.memref_slice %arg4[%add3A_8, %dma_wait3A_602, %dma_wait3A_603] : memref<8x10000x128xf32, #tpu.memory_space<hbm>> -> memref<1x10000x128xf32, #tpu.memory_space<hbm>>
      %dma_wait3A_605 = tpu.memref_squeeze %dma_wait3A_604 : memref<1x10000x128xf32, #tpu.memory_space<hbm>> -> memref<10000x128xf32, #tpu.memory_space<hbm>>
      %dma_wait3A_606 = arith.constant 0 : i32
      %dma_wait3A_607 = arith.constant 0 : i32
      %dma_wait3A_608 = tpu.memref_slice %dma_wait3A_605[%dma_wait3A_606, %dma_wait3A_607] : memref<10000x128xf32, #tpu.memory_space<hbm>> -> memref<10000x128xf32, #tpu.memory_space<hbm>>
      tpu.wait_indirect_dma semaphore(%arg17 : memref<!tpu.dma_semaphore, #tpu.memory_space<semaphore_mem>>) src(%dma_wait3A_608 : memref<10000x128xf32, #tpu.memory_space<hbm>>) dst(%arg12 : memref<64x128xf32, #tpu.memory_space<vmem>>)
      %dma_start3A_609 = arith.constant 15 : i32
      %dma_start3A_610 = arith.constant 0 : i32
      %dma_start3A_611 = tpu.memref_slice %arg8[%dma_start3A_609, %dma_start3A_610] : memref<16x64xi32, #tpu.memory_space<vmem>> -> memref<1x64xi32, #tpu.memory_space<vmem>>
      %dma_start3A_612 = tpu.memref_squeeze %dma_start3A_611 : memref<1x64xi32, #tpu.memory_space<vmem>> -> memref<64xi32, #tpu.memory_space<vmem>>
      %dma_start3A_613 = arith.constant 0 : i32
      %dma_start3A_614 = arith.constant 0 : i32
      %dma_start3A_615 = tpu.memref_slice %arg13[%dma_start3A_613, %dma_start3A_614] : memref<10240x128xf32, #tpu.memory_space<vmem_shared>> -> memref<10240x128xf32, #tpu.memory_space<vmem_shared>>
      tpu.enqueue_indirect_dma source(%arg12 : memref<64x128xf32, #tpu.memory_space<vmem>>) target(%dma_start3A_615 : memref<10240x128xf32, #tpu.memory_space<vmem_shared>>) offsets(%dma_start3A_612 : memref<64xi32, #tpu.memory_space<vmem>>) semaphore(%arg21 : memref<!tpu.dma_semaphore, #tpu.memory_space<semaphore_mem>>) {add = true}
    }
    %scan3A_14 = arith.constant 10 : i32
    %dma_wait3A = arith.constant 0 : i32
    %dma_wait3A_15 = arith.constant 0 : i32
    %dma_wait3A_16 = tpu.memref_slice %arg8[%dma_wait3A, %dma_wait3A_15] : memref<16x64xi32, #tpu.memory_space<vmem>> -> memref<1x64xi32, #tpu.memory_space<vmem>>
    %dma_wait3A_17 = tpu.memref_squeeze %dma_wait3A_16 : memref<1x64xi32, #tpu.memory_space<vmem>> -> memref<64xi32, #tpu.memory_space<vmem>>
    %dma_wait3A_18 = arith.constant 0 : i32
    %dma_wait3A_19 = arith.constant 0 : i32
    %dma_wait3A_20 = tpu.memref_slice %arg13[%dma_wait3A_18, %dma_wait3A_19] : memref<10240x128xf32, #tpu.memory_space<vmem_shared>> -> memref<10240x128xf32, #tpu.memory_space<vmem_shared>>
    tpu.wait_indirect_dma semaphore(%arg18 : memref<!tpu.dma_semaphore, #tpu.memory_space<semaphore_mem>>) src(%arg9 : memref<64x128xf32, #tpu.memory_space<vmem>>) dst(%dma_wait3A_20 : memref<10240x128xf32, #tpu.memory_space<vmem_shared>>)
    %dma_wait3A_21 = arith.constant 0 : i32
    %dma_wait3A_22 = arith.constant 0 : i32
    %dma_wait3A_23 = tpu.memref_slice %arg8[%dma_wait3A_21, %dma_wait3A_22] : memref<16x64xi32, #tpu.memory_space<vmem>> -> memref<1x64xi32, #tpu.memory_space<vmem>>
    %dma_wait3A_24 = tpu.memref_squeeze %dma_wait3A_23 : memref<1x64xi32, #tpu.memory_space<vmem>> -> memref<64xi32, #tpu.memory_space<vmem>>
    %dma_wait3A_25 = arith.constant 0 : i32
    %dma_wait3A_26 = arith.constant 0 : i32
    %dma_wait3A_27 = tpu.memref_slice %arg13[%dma_wait3A_25, %dma_wait3A_26] : memref<10240x128xf32, #tpu.memory_space<vmem_shared>> -> memref<10240x128xf32, #tpu.memory_space<vmem_shared>>
    tpu.wait_indirect_dma semaphore(%arg19 : memref<!tpu.dma_semaphore, #tpu.memory_space<semaphore_mem>>) src(%arg10 : memref<64x128xf32, #tpu.memory_space<vmem>>) dst(%dma_wait3A_27 : memref<10240x128xf32, #tpu.memory_space<vmem_shared>>)
    %dma_wait3A_28 = arith.constant 0 : i32
    %dma_wait3A_29 = arith.constant 0 : i32
    %dma_wait3A_30 = tpu.memref_slice %arg8[%dma_wait3A_28, %dma_wait3A_29] : memref<16x64xi32, #tpu.memory_space<vmem>> -> memref<1x64xi32, #tpu.memory_space<vmem>>
    %dma_wait3A_31 = tpu.memref_squeeze %dma_wait3A_30 : memref<1x64xi32, #tpu.memory_space<vmem>> -> memref<64xi32, #tpu.memory_space<vmem>>
    %dma_wait3A_32 = arith.constant 0 : i32
    %dma_wait3A_33 = arith.constant 0 : i32
    %dma_wait3A_34 = tpu.memref_slice %arg13[%dma_wait3A_32, %dma_wait3A_33] : memref<10240x128xf32, #tpu.memory_space<vmem_shared>> -> memref<10240x128xf32, #tpu.memory_space<vmem_shared>>
    tpu.wait_indirect_dma semaphore(%arg20 : memref<!tpu.dma_semaphore, #tpu.memory_space<semaphore_mem>>) src(%arg11 : memref<64x128xf32, #tpu.memory_space<vmem>>) dst(%dma_wait3A_34 : memref<10240x128xf32, #tpu.memory_space<vmem_shared>>)
    %dma_wait3A_35 = arith.constant 0 : i32
    %dma_wait3A_36 = arith.constant 0 : i32
    %dma_wait3A_37 = tpu.memref_slice %arg8[%dma_wait3A_35, %dma_wait3A_36] : memref<16x64xi32, #tpu.memory_space<vmem>> -> memref<1x64xi32, #tpu.memory_space<vmem>>
    %dma_wait3A_38 = tpu.memref_squeeze %dma_wait3A_37 : memref<1x64xi32, #tpu.memory_space<vmem>> -> memref<64xi32, #tpu.memory_space<vmem>>
    %dma_wait3A_39 = arith.constant 0 : i32
    %dma_wait3A_40 = arith.constant 0 : i32
    %dma_wait3A_41 = tpu.memref_slice %arg13[%dma_wait3A_39, %dma_wait3A_40] : memref<10240x128xf32, #tpu.memory_space<vmem_shared>> -> memref<10240x128xf32, #tpu.memory_space<vmem_shared>>
    tpu.wait_indirect_dma semaphore(%arg21 : memref<!tpu.dma_semaphore, #tpu.memory_space<semaphore_mem>>) src(%arg12 : memref<64x128xf32, #tpu.memory_space<vmem>>) dst(%dma_wait3A_41 : memref<10240x128xf32, #tpu.memory_space<vmem_shared>>)
    %barrier3A_42 = arith.constant 0 : index
    tpu.barrier barrier_id(%barrier3A_42)
    %mul3A_43 = arith.constant 640 : i32
    %mul3A_44 = arith.muli %arg1, %mul3A_43 : i32
    %mul3A_45 = arith.constant 640 : i32
    %mul3A_46 = arith.muli %arg1, %mul3A_45 : i32
    "tpu.region"() ({
      %run_scoped3A = tpu.sem_alloc : memref<!tpu.dma_semaphore, #tpu.memory_space<semaphore_mem>>
      %dma_start3A = arith.constant 0 : i32
      %dma_start3A_47 = tpu.memref_slice %arg6[%arg0, %mul3A_46, %dma_start3A] : memref<2x10240x128xf32, #tpu.memory_space<hbm>> -> memref<1x640x128xf32, #tpu.memory_space<hbm>>
      %dma_start3A_48 = tpu.memref_squeeze %dma_start3A_47 : memref<1x640x128xf32, #tpu.memory_space<hbm>> -> memref<640x128xf32, #tpu.memory_space<hbm>>
      %dma_start3A_49 = arith.constant 0 : i32
      %dma_start3A_50 = tpu.memref_slice %arg13[%mul3A_44, %dma_start3A_49] : memref<10240x128xf32, #tpu.memory_space<vmem_shared>> -> memref<640x128xf32, #tpu.memory_space<vmem_shared>>
      tpu.enqueue_dma source(%dma_start3A_50 : memref<640x128xf32, #tpu.memory_space<vmem_shared>>) target(%dma_start3A_48 : memref<640x128xf32, #tpu.memory_space<hbm>>) target_semaphore(%run_scoped3A : memref<!tpu.dma_semaphore, #tpu.memory_space<semaphore_mem>>)
      %dma_wait3A_51 = arith.constant 0 : i32
      %dma_wait3A_52 = tpu.memref_slice %arg6[%arg0, %mul3A_46, %dma_wait3A_51] : memref<2x10240x128xf32, #tpu.memory_space<hbm>> -> memref<1x640x128xf32, #tpu.memory_space<hbm>>
      %dma_wait3A_53 = tpu.memref_squeeze %dma_wait3A_52 : memref<1x640x128xf32, #tpu.memory_space<hbm>> -> memref<640x128xf32, #tpu.memory_space<hbm>>
      %dma_wait3A_54 = arith.constant 0 : i32
      %dma_wait3A_55 = tpu.memref_slice %arg13[%mul3A_44, %dma_wait3A_54] : memref<10240x128xf32, #tpu.memory_space<vmem_shared>> -> memref<640x128xf32, #tpu.memory_space<vmem_shared>>
      tpu.wait_dma2 semaphore(%run_scoped3A : memref<!tpu.dma_semaphore, #tpu.memory_space<semaphore_mem>>) src(%dma_wait3A_55 : memref<640x128xf32, #tpu.memory_space<vmem_shared>>) dst(%dma_wait3A_53 : memref<640x128xf32, #tpu.memory_space<hbm>>)
      tpu.yield
    }) : () -> ()
    return
  }
}

module attributes {stable_mosaic.version = 14 : i64} {
  func.func @_lambda_(%arg0: i32, %arg1: memref<2000x128xf32, #tpu.memory_space<vmem>>, %arg2: memref<2000x16xf32, #tpu.memory_space<vmem>>, %arg3: memref<2000x128xf32, #tpu.memory_space<vmem>>, %arg4: memref<128x128xf32, #tpu.memory_space<vmem>>, %arg5: memref<1x128xf32, #tpu.memory_space<vmem>>, %arg6: memref<128x128xf32, #tpu.memory_space<vmem>>, %arg7: memref<1x128xf32, #tpu.memory_space<vmem>>, %arg8: memref<1x128xf32, #tpu.memory_space<vmem>>, %arg9: memref<8x2000x128xf32, #tpu.memory_space<vmem>>) attributes {dimension_semantics = [#tpu.dimension_semantics<arbitrary>], iteration_bounds = array<i64: 5>, scalar_prefetch = 0 : i64, scratch_operands = 0 : i64, tpu.core_type = #tpu.core_type<tc>, window_params = [{transform_indices = @transform_0, window_bounds = array<i64: 2000, 128>}, {transform_indices = @transform_1, window_bounds = array<i64: 2000, 16>}, {transform_indices = @transform_2, window_bounds = array<i64: 2000, 128>}, {pipeline_mode = #tpu.pipeline_mode<synchronous>, transform_indices = @transform_3, window_bounds = array<i64: 128, 128>}, {pipeline_mode = #tpu.pipeline_mode<synchronous>, transform_indices = @transform_4, window_bounds = array<i64: 1, 128>}, {pipeline_mode = #tpu.pipeline_mode<synchronous>, transform_indices = @transform_5, window_bounds = array<i64: 128, 128>}, {pipeline_mode = #tpu.pipeline_mode<synchronous>, transform_indices = @transform_6, window_bounds = array<i64: 1, 128>}, {pipeline_mode = #tpu.pipeline_mode<synchronous>, transform_indices = @transform_7, window_bounds = array<i64: 1, 128>}, {transform_indices = @transform_8, window_bounds = array<i64: 8, 2000, 128>}]} {
    %get3A = arith.constant 0 : index
    %get3A_0 = arith.constant 0 : index
    %get3A_1 = vector.load %arg1[%get3A, %get3A_0] : memref<2000x128xf32, #tpu.memory_space<vmem>>, vector<2000x128xf32>
    %get3A_2 = arith.constant 0 : index
    %get3A_3 = arith.constant 0 : index
    %get3A_4 = vector.load %arg2[%get3A_2, %get3A_3] : memref<2000x16xf32, #tpu.memory_space<vmem>>, vector<2000x16xf32>
    %reduce_sum3A = arith.constant dense<0.000000e+00> : vector<2000xf32>
    %reduce_sum3A_5 = vector.multi_reduction <add>, %get3A_4, %reduce_sum3A [1] : vector<2000x16xf32> to vector<2000xf32>
    %broadcast_in_dim3A = vector.shape_cast %reduce_sum3A_5 : vector<2000xf32> to vector<2000x1xf32>
    %max3A = arith.constant 1.000000e+00 : f32
    %max3A_6 = vector.broadcast %max3A : f32 to vector<2000x1xf32>
    %max3A_7 = arith.maximumf %broadcast_in_dim3A, %max3A_6 : vector<2000x1xf32>
    %div3A = arith.constant 1.000000e+00 : f32
    %div3A_8 = vector.broadcast %div3A : f32 to vector<2000x1xf32>
    %div3A_9 = arith.divf %div3A_8, %max3A_7 : vector<2000x1xf32>
    %mul3A = vector.broadcast %div3A_9 : vector<2000x1xf32> to vector<2000x128xf32>
    %mul3A_10 = arith.mulf %get3A_1, %mul3A : vector<2000x128xf32>
    %get3A_11 = arith.constant 0 : index
    %get3A_12 = arith.constant 0 : index
    %get3A_13 = vector.load %arg4[%get3A_11, %get3A_12] : memref<128x128xf32, #tpu.memory_space<vmem>>, vector<128x128xf32>
    %dot_general3A = arith.constant dense<0.000000e+00> : vector<2000x128xf32>
    %dot_general3A_14 = tpu.matmul %mul3A_10, %get3A_13, %dot_general3A {dimension_numbers = #tpu.dot_dimension_numbers<[1], [0], [0], [1], [0, 0, 1, 1], [], []>, transpose_lhs_hint = false} : vector<2000x128xf32>, vector<128x128xf32>, vector<2000x128xf32> -> vector<2000x128xf32>
    %get3A_15 = arith.constant 0 : index
    %get3A_16 = arith.constant 0 : index
    %get3A_17 = vector.load %arg5[%get3A_15, %get3A_16] : memref<1x128xf32, #tpu.memory_space<vmem>>, vector<1x128xf32>
    %add3A = vector.broadcast %get3A_17 : vector<1x128xf32> to vector<2000x128xf32>
    %add3A_18 = arith.addf %dot_general3A_14, %add3A : vector<2000x128xf32>
    %get3A_19 = arith.constant 0 : index
    %get3A_20 = arith.constant 0 : index
    %get3A_21 = vector.load %arg3[%get3A_19, %get3A_20] : memref<2000x128xf32, #tpu.memory_space<vmem>>, vector<2000x128xf32>
    %get3A_22 = arith.constant 0 : index
    %get3A_23 = arith.constant 0 : index
    %get3A_24 = vector.load %arg6[%get3A_22, %get3A_23] : memref<128x128xf32, #tpu.memory_space<vmem>>, vector<128x128xf32>
    %dot_general3A_25 = arith.constant dense<0.000000e+00> : vector<2000x128xf32>
    %dot_general3A_26 = tpu.matmul %get3A_21, %get3A_24, %dot_general3A_25 {dimension_numbers = #tpu.dot_dimension_numbers<[1], [0], [0], [1], [0, 0, 1, 1], [], []>, transpose_lhs_hint = false} : vector<2000x128xf32>, vector<128x128xf32>, vector<2000x128xf32> -> vector<2000x128xf32>
    %add3A_27 = arith.addf %add3A_18, %dot_general3A_26 : vector<2000x128xf32>
    %reduce_sum3A_28 = arith.constant dense<0.000000e+00> : vector<2000xf32>
    %reduce_sum3A_29 = vector.multi_reduction <add>, %add3A_27, %reduce_sum3A_28 [1] : vector<2000x128xf32> to vector<2000xf32>
    %broadcast_in_dim3A_30 = vector.shape_cast %reduce_sum3A_29 : vector<2000xf32> to vector<2000x1xf32>
    %div3A_31 = arith.constant 1.280000e+02 : f32
    %div3A_32 = vector.broadcast %div3A_31 : f32 to vector<2000x1xf32>
    %div3A_33 = arith.divf %broadcast_in_dim3A_30, %div3A_32 : vector<2000x1xf32>
    %sub3A = vector.broadcast %div3A_33 : vector<2000x1xf32> to vector<2000x128xf32>
    %sub3A_34 = arith.subf %add3A_27, %sub3A : vector<2000x128xf32>
    %mul3A_35 = arith.mulf %sub3A_34, %sub3A_34 : vector<2000x128xf32>
    %reduce_sum3A_36 = arith.constant dense<0.000000e+00> : vector<2000xf32>
    %reduce_sum3A_37 = vector.multi_reduction <add>, %mul3A_35, %reduce_sum3A_36 [1] : vector<2000x128xf32> to vector<2000xf32>
    %broadcast_in_dim3A_38 = vector.shape_cast %reduce_sum3A_37 : vector<2000xf32> to vector<2000x1xf32>
    %div3A_39 = arith.constant 1.280000e+02 : f32
    %div3A_40 = vector.broadcast %div3A_39 : f32 to vector<2000x1xf32>
    %div3A_41 = arith.divf %broadcast_in_dim3A_38, %div3A_40 : vector<2000x1xf32>
    %add3A_42 = arith.constant 9.99999974E-6 : f32
    %add3A_43 = vector.broadcast %add3A_42 : f32 to vector<2000x1xf32>
    %add3A_44 = arith.addf %div3A_41, %add3A_43 : vector<2000x1xf32>
    %sqrt3A = math.sqrt %add3A_44 : vector<2000x1xf32>
    %div3A_45 = vector.broadcast %sqrt3A : vector<2000x1xf32> to vector<2000x128xf32>
    %div3A_46 = arith.divf %sub3A_34, %div3A_45 : vector<2000x128xf32>
    %get3A_47 = arith.constant 0 : index
    %get3A_48 = arith.constant 0 : index
    %get3A_49 = vector.load %arg7[%get3A_47, %get3A_48] : memref<1x128xf32, #tpu.memory_space<vmem>>, vector<1x128xf32>
    %mul3A_50 = vector.broadcast %get3A_49 : vector<1x128xf32> to vector<2000x128xf32>
    %mul3A_51 = arith.mulf %div3A_46, %mul3A_50 : vector<2000x128xf32>
    %get3A_52 = arith.constant 0 : index
    %get3A_53 = arith.constant 0 : index
    %get3A_54 = vector.load %arg8[%get3A_52, %get3A_53] : memref<1x128xf32, #tpu.memory_space<vmem>>, vector<1x128xf32>
    %add3A_55 = vector.broadcast %get3A_54 : vector<1x128xf32> to vector<2000x128xf32>
    %add3A_56 = arith.addf %mul3A_51, %add3A_55 : vector<2000x128xf32>
    %max3A_57 = arith.constant 0.000000e+00 : f32
    %max3A_58 = vector.broadcast %max3A_57 : f32 to vector<2000x128xf32>
    %max3A_59 = arith.maximumf %add3A_56, %max3A_58 : vector<2000x128xf32>
    %broadcast_in_dim3A_60 = vector.shape_cast %max3A_59 : vector<2000x128xf32> to vector<1x2000x128xf32>
    %broadcast_in_dim3A_61 = vector.shape_cast %broadcast_in_dim3A_60 : vector<1x2000x128xf32> to vector<1x2000x128xf32>
    %broadcast_in_dim3A_62 = vector.broadcast %broadcast_in_dim3A_61 : vector<1x2000x128xf32> to vector<8x2000x128xf32>
    %swap3A = arith.constant 0 : index
    %swap3A_63 = arith.constant 0 : index
    %swap3A_64 = arith.constant 0 : index
    %swap3A_65 = vector.load %arg9[%swap3A, %swap3A_63, %swap3A_64] : memref<8x2000x128xf32, #tpu.memory_space<vmem>>, vector<8x2000x128xf32>
    tpu.vector_store %arg9[%swap3A, %swap3A_63, %swap3A_64], %broadcast_in_dim3A_62 {strides = array<i32>} : memref<8x2000x128xf32, #tpu.memory_space<vmem>>, vector<8x2000x128xf32>,
    return
  }
  func.func @transform_0(%arg0: i32) -> (i32, i32) {
    %c0_i32 = arith.constant 0 : i32
    %c0_i32_0 = arith.constant 0 : i32
    return %arg0, %c0_i32 : i32, i32
  }
  func.func @transform_1(%arg0: i32) -> (i32, i32) {
    %c0_i32 = arith.constant 0 : i32
    %c0_i32_0 = arith.constant 0 : i32
    return %arg0, %c0_i32 : i32, i32
  }
  func.func @transform_2(%arg0: i32) -> (i32, i32) {
    %c0_i32 = arith.constant 0 : i32
    %c0_i32_0 = arith.constant 0 : i32
    return %arg0, %c0_i32 : i32, i32
  }
  func.func @transform_3(%arg0: i32) -> (i32, i32) {
    %c0_i32 = arith.constant 0 : i32
    %c0_i32_0 = arith.constant 0 : i32
    %c0_i32_1 = arith.constant 0 : i32
    return %c0_i32, %c0_i32_0 : i32, i32
  }
  func.func @transform_4(%arg0: i32) -> (i32, i32) {
    %c0_i32 = arith.constant 0 : i32
    %c0_i32_0 = arith.constant 0 : i32
    %c0_i32_1 = arith.constant 0 : i32
    return %c0_i32, %c0_i32_0 : i32, i32
  }
  func.func @transform_5(%arg0: i32) -> (i32, i32) {
    %c0_i32 = arith.constant 0 : i32
    %c0_i32_0 = arith.constant 0 : i32
    %c0_i32_1 = arith.constant 0 : i32
    return %c0_i32, %c0_i32_0 : i32, i32
  }
  func.func @transform_6(%arg0: i32) -> (i32, i32) {
    %c0_i32 = arith.constant 0 : i32
    %c0_i32_0 = arith.constant 0 : i32
    %c0_i32_1 = arith.constant 0 : i32
    return %c0_i32, %c0_i32_0 : i32, i32
  }
  func.func @transform_7(%arg0: i32) -> (i32, i32) {
    %c0_i32 = arith.constant 0 : i32
    %c0_i32_0 = arith.constant 0 : i32
    %c0_i32_1 = arith.constant 0 : i32
    return %c0_i32, %c0_i32_0 : i32, i32
  }
  func.func @transform_8(%arg0: i32) -> (i32, i32, i32) {
    %c0_i32 = arith.constant 0 : i32
    %c0_i32_0 = arith.constant 0 : i32
    %c0_i32_1 = arith.constant 0 : i32
    return %c0_i32, %arg0, %c0_i32_0 : i32, i32, i32
  }
}

module attributes {stable_mosaic.version = 14 : i64} {
  func.func @_lambda_(%arg0: i32, %arg1: memref<2000x128xf32, #tpu.memory_space<vmem>>, %arg2: memref<2000x16xf32, #tpu.memory_space<vmem>>, %arg3: memref<2000x128xf32, #tpu.memory_space<vmem>>, %arg4: memref<128x128xf32, #tpu.memory_space<vmem>>, %arg5: memref<1x128xf32, #tpu.memory_space<vmem>>, %arg6: memref<128x128xf32, #tpu.memory_space<vmem>>, %arg7: memref<1x128xf32, #tpu.memory_space<vmem>>, %arg8: memref<1x128xf32, #tpu.memory_space<vmem>>, %arg9: memref<2000x128xf32, #tpu.memory_space<vmem>>) attributes {dimension_semantics = [#tpu.dimension_semantics<arbitrary>], iteration_bounds = array<i64: 5>, scalar_prefetch = 0 : i64, scratch_operands = 0 : i64, tpu.core_type = #tpu.core_type<tc>, window_params = [{transform_indices = @transform_0, window_bounds = array<i64: 2000, 128>}, {transform_indices = @transform_1, window_bounds = array<i64: 2000, 16>}, {transform_indices = @transform_2, window_bounds = array<i64: 2000, 128>}, {pipeline_mode = #tpu.pipeline_mode<synchronous>, transform_indices = @transform_3, window_bounds = array<i64: 128, 128>}, {pipeline_mode = #tpu.pipeline_mode<synchronous>, transform_indices = @transform_4, window_bounds = array<i64: 1, 128>}, {pipeline_mode = #tpu.pipeline_mode<synchronous>, transform_indices = @transform_5, window_bounds = array<i64: 128, 128>}, {pipeline_mode = #tpu.pipeline_mode<synchronous>, transform_indices = @transform_6, window_bounds = array<i64: 1, 128>}, {pipeline_mode = #tpu.pipeline_mode<synchronous>, transform_indices = @transform_7, window_bounds = array<i64: 1, 128>}, {transform_indices = @transform_8, window_bounds = array<i64: 2000, 128>}]} {
    %get3A = arith.constant 0 : index
    %get3A_0 = arith.constant 0 : index
    %get3A_1 = vector.load %arg1[%get3A, %get3A_0] : memref<2000x128xf32, #tpu.memory_space<vmem>>, vector<2000x128xf32>
    %get3A_2 = arith.constant 0 : index
    %get3A_3 = arith.constant 0 : index
    %get3A_4 = vector.load %arg2[%get3A_2, %get3A_3] : memref<2000x16xf32, #tpu.memory_space<vmem>>, vector<2000x16xf32>
    %reduce_sum3A = arith.constant dense<0.000000e+00> : vector<2000xf32>
    %reduce_sum3A_5 = vector.multi_reduction <add>, %get3A_4, %reduce_sum3A [1] : vector<2000x16xf32> to vector<2000xf32>
    %broadcast_in_dim3A = vector.shape_cast %reduce_sum3A_5 : vector<2000xf32> to vector<2000x1xf32>
    %max3A = arith.constant 1.000000e+00 : f32
    %max3A_6 = vector.broadcast %max3A : f32 to vector<2000x1xf32>
    %max3A_7 = arith.maximumf %broadcast_in_dim3A, %max3A_6 : vector<2000x1xf32>
    %div3A = arith.constant 1.000000e+00 : f32
    %div3A_8 = vector.broadcast %div3A : f32 to vector<2000x1xf32>
    %div3A_9 = arith.divf %div3A_8, %max3A_7 : vector<2000x1xf32>
    %mul3A = vector.broadcast %div3A_9 : vector<2000x1xf32> to vector<2000x128xf32>
    %mul3A_10 = arith.mulf %get3A_1, %mul3A : vector<2000x128xf32>
    %get3A_11 = arith.constant 0 : index
    %get3A_12 = arith.constant 0 : index
    %get3A_13 = vector.load %arg4[%get3A_11, %get3A_12] : memref<128x128xf32, #tpu.memory_space<vmem>>, vector<128x128xf32>
    %dot_general3A = arith.constant dense<0.000000e+00> : vector<2000x128xf32>
    %dot_general3A_14 = tpu.matmul %mul3A_10, %get3A_13, %dot_general3A {dimension_numbers = #tpu.dot_dimension_numbers<[1], [0], [0], [1], [0, 0, 1, 1], [], []>, transpose_lhs_hint = false} : vector<2000x128xf32>, vector<128x128xf32>, vector<2000x128xf32> -> vector<2000x128xf32>
    %get3A_15 = arith.constant 0 : index
    %get3A_16 = arith.constant 0 : index
    %get3A_17 = vector.load %arg5[%get3A_15, %get3A_16] : memref<1x128xf32, #tpu.memory_space<vmem>>, vector<1x128xf32>
    %add3A = vector.broadcast %get3A_17 : vector<1x128xf32> to vector<2000x128xf32>
    %add3A_18 = arith.addf %dot_general3A_14, %add3A : vector<2000x128xf32>
    %get3A_19 = arith.constant 0 : index
    %get3A_20 = arith.constant 0 : index
    %get3A_21 = vector.load %arg3[%get3A_19, %get3A_20] : memref<2000x128xf32, #tpu.memory_space<vmem>>, vector<2000x128xf32>
    %get3A_22 = arith.constant 0 : index
    %get3A_23 = arith.constant 0 : index
    %get3A_24 = vector.load %arg6[%get3A_22, %get3A_23] : memref<128x128xf32, #tpu.memory_space<vmem>>, vector<128x128xf32>
    %dot_general3A_25 = arith.constant dense<0.000000e+00> : vector<2000x128xf32>
    %dot_general3A_26 = tpu.matmul %get3A_21, %get3A_24, %dot_general3A_25 {dimension_numbers = #tpu.dot_dimension_numbers<[1], [0], [0], [1], [0, 0, 1, 1], [], []>, transpose_lhs_hint = false} : vector<2000x128xf32>, vector<128x128xf32>, vector<2000x128xf32> -> vector<2000x128xf32>
    %add3A_27 = arith.addf %add3A_18, %dot_general3A_26 : vector<2000x128xf32>
    %reduce_sum3A_28 = arith.constant dense<0.000000e+00> : vector<2000xf32>
    %reduce_sum3A_29 = vector.multi_reduction <add>, %add3A_27, %reduce_sum3A_28 [1] : vector<2000x128xf32> to vector<2000xf32>
    %broadcast_in_dim3A_30 = vector.shape_cast %reduce_sum3A_29 : vector<2000xf32> to vector<2000x1xf32>
    %div3A_31 = arith.constant 1.280000e+02 : f32
    %div3A_32 = vector.broadcast %div3A_31 : f32 to vector<2000x1xf32>
    %div3A_33 = arith.divf %broadcast_in_dim3A_30, %div3A_32 : vector<2000x1xf32>
    %sub3A = vector.broadcast %div3A_33 : vector<2000x1xf32> to vector<2000x128xf32>
    %sub3A_34 = arith.subf %add3A_27, %sub3A : vector<2000x128xf32>
    %mul3A_35 = arith.mulf %sub3A_34, %sub3A_34 : vector<2000x128xf32>
    %reduce_sum3A_36 = arith.constant dense<0.000000e+00> : vector<2000xf32>
    %reduce_sum3A_37 = vector.multi_reduction <add>, %mul3A_35, %reduce_sum3A_36 [1] : vector<2000x128xf32> to vector<2000xf32>
    %broadcast_in_dim3A_38 = vector.shape_cast %reduce_sum3A_37 : vector<2000xf32> to vector<2000x1xf32>
    %div3A_39 = arith.constant 1.280000e+02 : f32
    %div3A_40 = vector.broadcast %div3A_39 : f32 to vector<2000x1xf32>
    %div3A_41 = arith.divf %broadcast_in_dim3A_38, %div3A_40 : vector<2000x1xf32>
    %add3A_42 = arith.constant 9.99999974E-6 : f32
    %add3A_43 = vector.broadcast %add3A_42 : f32 to vector<2000x1xf32>
    %add3A_44 = arith.addf %div3A_41, %add3A_43 : vector<2000x1xf32>
    %sqrt3A = math.sqrt %add3A_44 : vector<2000x1xf32>
    %div3A_45 = vector.broadcast %sqrt3A : vector<2000x1xf32> to vector<2000x128xf32>
    %div3A_46 = arith.divf %sub3A_34, %div3A_45 : vector<2000x128xf32>
    %get3A_47 = arith.constant 0 : index
    %get3A_48 = arith.constant 0 : index
    %get3A_49 = vector.load %arg7[%get3A_47, %get3A_48] : memref<1x128xf32, #tpu.memory_space<vmem>>, vector<1x128xf32>
    %mul3A_50 = vector.broadcast %get3A_49 : vector<1x128xf32> to vector<2000x128xf32>
    %mul3A_51 = arith.mulf %div3A_46, %mul3A_50 : vector<2000x128xf32>
    %get3A_52 = arith.constant 0 : index
    %get3A_53 = arith.constant 0 : index
    %get3A_54 = vector.load %arg8[%get3A_52, %get3A_53] : memref<1x128xf32, #tpu.memory_space<vmem>>, vector<1x128xf32>
    %add3A_55 = vector.broadcast %get3A_54 : vector<1x128xf32> to vector<2000x128xf32>
    %add3A_56 = arith.addf %mul3A_51, %add3A_55 : vector<2000x128xf32>
    %max3A_57 = arith.constant 0.000000e+00 : f32
    %max3A_58 = vector.broadcast %max3A_57 : f32 to vector<2000x128xf32>
    %max3A_59 = arith.maximumf %add3A_56, %max3A_58 : vector<2000x128xf32>
    %swap3A = arith.constant 0 : index
    %swap3A_60 = arith.constant 0 : index
    %swap3A_61 = vector.load %arg9[%swap3A, %swap3A_60] : memref<2000x128xf32, #tpu.memory_space<vmem>>, vector<2000x128xf32>
    tpu.vector_store %arg9[%swap3A, %swap3A_60], %max3A_59 {strides = array<i32>} : memref<2000x128xf32, #tpu.memory_space<vmem>>, vector<2000x128xf32>,
    return
  }
  func.func @transform_0(%arg0: i32) -> (i32, i32) {
    %c0_i32 = arith.constant 0 : i32
    %c0_i32_0 = arith.constant 0 : i32
    return %arg0, %c0_i32 : i32, i32
  }
  func.func @transform_1(%arg0: i32) -> (i32, i32) {
    %c0_i32 = arith.constant 0 : i32
    %c0_i32_0 = arith.constant 0 : i32
    return %arg0, %c0_i32 : i32, i32
  }
  func.func @transform_2(%arg0: i32) -> (i32, i32) {
    %c0_i32 = arith.constant 0 : i32
    %c0_i32_0 = arith.constant 0 : i32
    return %arg0, %c0_i32 : i32, i32
  }
  func.func @transform_3(%arg0: i32) -> (i32, i32) {
    %c0_i32 = arith.constant 0 : i32
    %c0_i32_0 = arith.constant 0 : i32
    %c0_i32_1 = arith.constant 0 : i32
    return %c0_i32, %c0_i32_0 : i32, i32
  }
  func.func @transform_4(%arg0: i32) -> (i32, i32) {
    %c0_i32 = arith.constant 0 : i32
    %c0_i32_0 = arith.constant 0 : i32
    %c0_i32_1 = arith.constant 0 : i32
    return %c0_i32, %c0_i32_0 : i32, i32
  }
  func.func @transform_5(%arg0: i32) -> (i32, i32) {
    %c0_i32 = arith.constant 0 : i32
    %c0_i32_0 = arith.constant 0 : i32
    %c0_i32_1 = arith.constant 0 : i32
    return %c0_i32, %c0_i32_0 : i32, i32
  }
  func.func @transform_6(%arg0: i32) -> (i32, i32) {
    %c0_i32 = arith.constant 0 : i32
    %c0_i32_0 = arith.constant 0 : i32
    %c0_i32_1 = arith.constant 0 : i32
    return %c0_i32, %c0_i32_0 : i32, i32
  }
  func.func @transform_7(%arg0: i32) -> (i32, i32) {
    %c0_i32 = arith.constant 0 : i32
    %c0_i32_0 = arith.constant 0 : i32
    %c0_i32_1 = arith.constant 0 : i32
    return %c0_i32, %c0_i32_0 : i32, i32
  }
  func.func @transform_8(%arg0: i32) -> (i32, i32) {
    %c0_i32 = arith.constant 0 : i32
    %c0_i32_0 = arith.constant 0 : i32
    return %arg0, %c0_i32 : i32, i32
  }
}

module attributes {stable_mosaic.version = 14 : i64} {
  func.func @_lambda_(%arg0: i32, %arg1: memref<2000x128xf32, #tpu.memory_space<vmem>>, %arg2: memref<2000x128xf32, #tpu.memory_space<vmem>>, %arg3: memref<2000x16xf32, #tpu.memory_space<vmem>>, %arg4: memref<2000x128xf32, #tpu.memory_space<vmem>>, %arg5: memref<128x128xf32, #tpu.memory_space<vmem>>, %arg6: memref<1x128xf32, #tpu.memory_space<vmem>>, %arg7: memref<128x128xf32, #tpu.memory_space<vmem>>, %arg8: memref<1x128xf32, #tpu.memory_space<vmem>>, %arg9: memref<1x128xf32, #tpu.memory_space<vmem>>, %arg10: memref<2000x128xf32, #tpu.memory_space<vmem>>) attributes {dimension_semantics = [#tpu.dimension_semantics<arbitrary>], iteration_bounds = array<i64: 5>, scalar_prefetch = 0 : i64, scratch_operands = 0 : i64, tpu.core_type = #tpu.core_type<tc>, window_params = [{transform_indices = @transform_0, window_bounds = array<i64: 2000, 128>}, {transform_indices = @transform_1, window_bounds = array<i64: 2000, 128>}, {transform_indices = @transform_2, window_bounds = array<i64: 2000, 16>}, {transform_indices = @transform_3, window_bounds = array<i64: 2000, 128>}, {pipeline_mode = #tpu.pipeline_mode<synchronous>, transform_indices = @transform_4, window_bounds = array<i64: 128, 128>}, {pipeline_mode = #tpu.pipeline_mode<synchronous>, transform_indices = @transform_5, window_bounds = array<i64: 1, 128>}, {pipeline_mode = #tpu.pipeline_mode<synchronous>, transform_indices = @transform_6, window_bounds = array<i64: 128, 128>}, {pipeline_mode = #tpu.pipeline_mode<synchronous>, transform_indices = @transform_7, window_bounds = array<i64: 1, 128>}, {pipeline_mode = #tpu.pipeline_mode<synchronous>, transform_indices = @transform_8, window_bounds = array<i64: 1, 128>}, {transform_indices = @transform_9, window_bounds = array<i64: 2000, 128>}]} {
    %get3A = arith.constant 0 : index
    %get3A_0 = arith.constant 0 : index
    %get3A_1 = vector.load %arg1[%get3A, %get3A_0] : memref<2000x128xf32, #tpu.memory_space<vmem>>, vector<2000x128xf32>
    %get3A_2 = arith.constant 0 : index
    %get3A_3 = arith.constant 0 : index
    %get3A_4 = vector.load %arg2[%get3A_2, %get3A_3] : memref<2000x128xf32, #tpu.memory_space<vmem>>, vector<2000x128xf32>
    %add3A = arith.addf %get3A_1, %get3A_4 : vector<2000x128xf32>
    %get3A_5 = arith.constant 0 : index
    %get3A_6 = arith.constant 0 : index
    %get3A_7 = vector.load %arg3[%get3A_5, %get3A_6] : memref<2000x16xf32, #tpu.memory_space<vmem>>, vector<2000x16xf32>
    %reduce_sum3A = arith.constant dense<0.000000e+00> : vector<2000xf32>
    %reduce_sum3A_8 = vector.multi_reduction <add>, %get3A_7, %reduce_sum3A [1] : vector<2000x16xf32> to vector<2000xf32>
    %broadcast_in_dim3A = vector.shape_cast %reduce_sum3A_8 : vector<2000xf32> to vector<2000x1xf32>
    %max3A = arith.constant 1.000000e+00 : f32
    %max3A_9 = vector.broadcast %max3A : f32 to vector<2000x1xf32>
    %max3A_10 = arith.maximumf %broadcast_in_dim3A, %max3A_9 : vector<2000x1xf32>
    %div3A = arith.constant 1.000000e+00 : f32
    %div3A_11 = vector.broadcast %div3A : f32 to vector<2000x1xf32>
    %div3A_12 = arith.divf %div3A_11, %max3A_10 : vector<2000x1xf32>
    %mul3A = vector.broadcast %div3A_12 : vector<2000x1xf32> to vector<2000x128xf32>
    %mul3A_13 = arith.mulf %add3A, %mul3A : vector<2000x128xf32>
    %get3A_14 = arith.constant 0 : index
    %get3A_15 = arith.constant 0 : index
    %get3A_16 = vector.load %arg5[%get3A_14, %get3A_15] : memref<128x128xf32, #tpu.memory_space<vmem>>, vector<128x128xf32>
    %dot_general3A = arith.constant dense<0.000000e+00> : vector<2000x128xf32>
    %dot_general3A_17 = tpu.matmul %mul3A_13, %get3A_16, %dot_general3A {dimension_numbers = #tpu.dot_dimension_numbers<[1], [0], [0], [1], [0, 0, 1, 1], [], []>, transpose_lhs_hint = false} : vector<2000x128xf32>, vector<128x128xf32>, vector<2000x128xf32> -> vector<2000x128xf32>
    %get3A_18 = arith.constant 0 : index
    %get3A_19 = arith.constant 0 : index
    %get3A_20 = vector.load %arg6[%get3A_18, %get3A_19] : memref<1x128xf32, #tpu.memory_space<vmem>>, vector<1x128xf32>
    %add3A_21 = vector.broadcast %get3A_20 : vector<1x128xf32> to vector<2000x128xf32>
    %add3A_22 = arith.addf %dot_general3A_17, %add3A_21 : vector<2000x128xf32>
    %get3A_23 = arith.constant 0 : index
    %get3A_24 = arith.constant 0 : index
    %get3A_25 = vector.load %arg4[%get3A_23, %get3A_24] : memref<2000x128xf32, #tpu.memory_space<vmem>>, vector<2000x128xf32>
    %get3A_26 = arith.constant 0 : index
    %get3A_27 = arith.constant 0 : index
    %get3A_28 = vector.load %arg7[%get3A_26, %get3A_27] : memref<128x128xf32, #tpu.memory_space<vmem>>, vector<128x128xf32>
    %dot_general3A_29 = arith.constant dense<0.000000e+00> : vector<2000x128xf32>
    %dot_general3A_30 = tpu.matmul %get3A_25, %get3A_28, %dot_general3A_29 {dimension_numbers = #tpu.dot_dimension_numbers<[1], [0], [0], [1], [0, 0, 1, 1], [], []>, transpose_lhs_hint = false} : vector<2000x128xf32>, vector<128x128xf32>, vector<2000x128xf32> -> vector<2000x128xf32>
    %add3A_31 = arith.addf %add3A_22, %dot_general3A_30 : vector<2000x128xf32>
    %reduce_sum3A_32 = arith.constant dense<0.000000e+00> : vector<2000xf32>
    %reduce_sum3A_33 = vector.multi_reduction <add>, %add3A_31, %reduce_sum3A_32 [1] : vector<2000x128xf32> to vector<2000xf32>
    %broadcast_in_dim3A_34 = vector.shape_cast %reduce_sum3A_33 : vector<2000xf32> to vector<2000x1xf32>
    %div3A_35 = arith.constant 1.280000e+02 : f32
    %div3A_36 = vector.broadcast %div3A_35 : f32 to vector<2000x1xf32>
    %div3A_37 = arith.divf %broadcast_in_dim3A_34, %div3A_36 : vector<2000x1xf32>
    %sub3A = vector.broadcast %div3A_37 : vector<2000x1xf32> to vector<2000x128xf32>
    %sub3A_38 = arith.subf %add3A_31, %sub3A : vector<2000x128xf32>
    %mul3A_39 = arith.mulf %sub3A_38, %sub3A_38 : vector<2000x128xf32>
    %reduce_sum3A_40 = arith.constant dense<0.000000e+00> : vector<2000xf32>
    %reduce_sum3A_41 = vector.multi_reduction <add>, %mul3A_39, %reduce_sum3A_40 [1] : vector<2000x128xf32> to vector<2000xf32>
    %broadcast_in_dim3A_42 = vector.shape_cast %reduce_sum3A_41 : vector<2000xf32> to vector<2000x1xf32>
    %div3A_43 = arith.constant 1.280000e+02 : f32
    %div3A_44 = vector.broadcast %div3A_43 : f32 to vector<2000x1xf32>
    %div3A_45 = arith.divf %broadcast_in_dim3A_42, %div3A_44 : vector<2000x1xf32>
    %add3A_46 = arith.constant 9.99999974E-6 : f32
    %add3A_47 = vector.broadcast %add3A_46 : f32 to vector<2000x1xf32>
    %add3A_48 = arith.addf %div3A_45, %add3A_47 : vector<2000x1xf32>
    %sqrt3A = math.sqrt %add3A_48 : vector<2000x1xf32>
    %div3A_49 = vector.broadcast %sqrt3A : vector<2000x1xf32> to vector<2000x128xf32>
    %div3A_50 = arith.divf %sub3A_38, %div3A_49 : vector<2000x128xf32>
    %get3A_51 = arith.constant 0 : index
    %get3A_52 = arith.constant 0 : index
    %get3A_53 = vector.load %arg8[%get3A_51, %get3A_52] : memref<1x128xf32, #tpu.memory_space<vmem>>, vector<1x128xf32>
    %mul3A_54 = vector.broadcast %get3A_53 : vector<1x128xf32> to vector<2000x128xf32>
    %mul3A_55 = arith.mulf %div3A_50, %mul3A_54 : vector<2000x128xf32>
    %get3A_56 = arith.constant 0 : index
    %get3A_57 = arith.constant 0 : index
    %get3A_58 = vector.load %arg9[%get3A_56, %get3A_57] : memref<1x128xf32, #tpu.memory_space<vmem>>, vector<1x128xf32>
    %add3A_59 = vector.broadcast %get3A_58 : vector<1x128xf32> to vector<2000x128xf32>
    %add3A_60 = arith.addf %mul3A_55, %add3A_59 : vector<2000x128xf32>
    %max3A_61 = arith.constant 0.000000e+00 : f32
    %max3A_62 = vector.broadcast %max3A_61 : f32 to vector<2000x128xf32>
    %max3A_63 = arith.maximumf %add3A_60, %max3A_62 : vector<2000x128xf32>
    %swap3A = arith.constant 0 : index
    %swap3A_64 = arith.constant 0 : index
    %swap3A_65 = vector.load %arg10[%swap3A, %swap3A_64] : memref<2000x128xf32, #tpu.memory_space<vmem>>, vector<2000x128xf32>
    tpu.vector_store %arg10[%swap3A, %swap3A_64], %max3A_63 {strides = array<i32>} : memref<2000x128xf32, #tpu.memory_space<vmem>>, vector<2000x128xf32>,
    return
  }
  func.func @transform_0(%arg0: i32) -> (i32, i32) {
    %c0_i32 = arith.constant 0 : i32
    %c0_i32_0 = arith.constant 0 : i32
    return %arg0, %c0_i32 : i32, i32
  }
  func.func @transform_1(%arg0: i32) -> (i32, i32) {
    %c0_i32 = arith.constant 0 : i32
    %c0_i32_0 = arith.constant 0 : i32
    return %arg0, %c0_i32 : i32, i32
  }
  func.func @transform_2(%arg0: i32) -> (i32, i32) {
    %c0_i32 = arith.constant 0 : i32
    %c0_i32_0 = arith.constant 0 : i32
    return %arg0, %c0_i32 : i32, i32
  }
  func.func @transform_3(%arg0: i32) -> (i32, i32) {
    %c0_i32 = arith.constant 0 : i32
    %c0_i32_0 = arith.constant 0 : i32
    return %arg0, %c0_i32 : i32, i32
  }
  func.func @transform_4(%arg0: i32) -> (i32, i32) {
    %c0_i32 = arith.constant 0 : i32
    %c0_i32_0 = arith.constant 0 : i32
    %c0_i32_1 = arith.constant 0 : i32
    return %c0_i32, %c0_i32_0 : i32, i32
  }
  func.func @transform_5(%arg0: i32) -> (i32, i32) {
    %c0_i32 = arith.constant 0 : i32
    %c0_i32_0 = arith.constant 0 : i32
    %c0_i32_1 = arith.constant 0 : i32
    return %c0_i32, %c0_i32_0 : i32, i32
  }
  func.func @transform_6(%arg0: i32) -> (i32, i32) {
    %c0_i32 = arith.constant 0 : i32
    %c0_i32_0 = arith.constant 0 : i32
    %c0_i32_1 = arith.constant 0 : i32
    return %c0_i32, %c0_i32_0 : i32, i32
  }
  func.func @transform_7(%arg0: i32) -> (i32, i32) {
    %c0_i32 = arith.constant 0 : i32
    %c0_i32_0 = arith.constant 0 : i32
    %c0_i32_1 = arith.constant 0 : i32
    return %c0_i32, %c0_i32_0 : i32, i32
  }
  func.func @transform_8(%arg0: i32) -> (i32, i32) {
    %c0_i32 = arith.constant 0 : i32
    %c0_i32_0 = arith.constant 0 : i32
    %c0_i32_1 = arith.constant 0 : i32
    return %c0_i32, %c0_i32_0 : i32, i32
  }
  func.func @transform_9(%arg0: i32) -> (i32, i32) {
    %c0_i32 = arith.constant 0 : i32
    %c0_i32_0 = arith.constant 0 : i32
    return %arg0, %c0_i32 : i32, i32
  }
}

module attributes {stable_mosaic.version = 14 : i64} {
  func.func @_head_body(%arg0: i32, %arg1: memref<1024x128xf32, #tpu.memory_space<vmem>>, %arg2: memref<128x64xf32, #tpu.memory_space<vmem>>, %arg3: memref<1x64xf32, #tpu.memory_space<vmem>>, %arg4: memref<64x1xf32, #tpu.memory_space<vmem>>, %arg5: memref<1x1xf32, #tpu.memory_space<vmem>>, %arg6: memref<1024x1xf32, #tpu.memory_space<vmem>>) attributes {dimension_semantics = [#tpu.dimension_semantics<arbitrary>], iteration_bounds = array<i64: 4>, scalar_prefetch = 0 : i64, scratch_operands = 0 : i64, tpu.core_type = #tpu.core_type<tc>, window_params = [{transform_indices = @transform_0, window_bounds = array<i64: 1024, 128>}, {pipeline_mode = #tpu.pipeline_mode<synchronous>, transform_indices = @transform_1, window_bounds = array<i64: 128, 64>}, {pipeline_mode = #tpu.pipeline_mode<synchronous>, transform_indices = @transform_2, window_bounds = array<i64: 1, 64>}, {pipeline_mode = #tpu.pipeline_mode<synchronous>, transform_indices = @transform_3, window_bounds = array<i64: 64, 1>}, {pipeline_mode = #tpu.pipeline_mode<synchronous>, transform_indices = @transform_4, window_bounds = array<i64: 1, 1>}, {transform_indices = @transform_5, window_bounds = array<i64: 1024, 1>}]} {
    %get3A = arith.constant 0 : index
    %get3A_0 = arith.constant 0 : index
    %get3A_1 = vector.load %arg1[%get3A, %get3A_0] : memref<1024x128xf32, #tpu.memory_space<vmem>>, vector<1024x128xf32>
    %get3A_2 = arith.constant 0 : index
    %get3A_3 = arith.constant 0 : index
    %get3A_4 = vector.load %arg2[%get3A_2, %get3A_3] : memref<128x64xf32, #tpu.memory_space<vmem>>, vector<128x64xf32>
    %dot_general3A = arith.constant dense<0.000000e+00> : vector<1024x64xf32>
    %dot_general3A_5 = tpu.matmul %get3A_1, %get3A_4, %dot_general3A {dimension_numbers = #tpu.dot_dimension_numbers<[1], [0], [0], [1], [0, 0, 1, 1], [], []>, transpose_lhs_hint = false} : vector<1024x128xf32>, vector<128x64xf32>, vector<1024x64xf32> -> vector<1024x64xf32>
    %get3A_6 = arith.constant 0 : index
    %get3A_7 = arith.constant 0 : index
    %get3A_8 = vector.load %arg3[%get3A_6, %get3A_7] : memref<1x64xf32, #tpu.memory_space<vmem>>, vector<1x64xf32>
    %add3A = vector.broadcast %get3A_8 : vector<1x64xf32> to vector<1024x64xf32>
    %add3A_9 = arith.addf %dot_general3A_5, %add3A : vector<1024x64xf32>
    %max3A = arith.constant 0.000000e+00 : f32
    %max3A_10 = vector.broadcast %max3A : f32 to vector<1024x64xf32>
    %max3A_11 = arith.maximumf %add3A_9, %max3A_10 : vector<1024x64xf32>
    %get3A_12 = arith.constant 0 : index
    %get3A_13 = arith.constant 0 : index
    %get3A_14 = vector.load %arg4[%get3A_12, %get3A_13] : memref<64x1xf32, #tpu.memory_space<vmem>>, vector<64x1xf32>
    %squeeze3A = vector.shape_cast %get3A_14 : vector<64x1xf32> to vector<64xf32>
    %broadcast_in_dim3A = vector.shape_cast %squeeze3A : vector<64xf32> to vector<1x64xf32>
    %mul3A = vector.broadcast %broadcast_in_dim3A : vector<1x64xf32> to vector<1024x64xf32>
    %mul3A_15 = arith.mulf %max3A_11, %mul3A : vector<1024x64xf32>
    %reduce_sum3A = arith.constant dense<0.000000e+00> : vector<1024xf32>
    %reduce_sum3A_16 = vector.multi_reduction <add>, %mul3A_15, %reduce_sum3A [1] : vector<1024x64xf32> to vector<1024xf32>
    %broadcast_in_dim3A_17 = vector.shape_cast %reduce_sum3A_16 : vector<1024xf32> to vector<1024x1xf32>
    %get3A_18 = arith.constant 0 : index
    %get3A_19 = arith.constant 0 : index
    %get3A_20 = vector.load %arg5[%get3A_18, %get3A_19] : memref<1x1xf32, #tpu.memory_space<vmem>>, vector<1x1xf32>
    %add3A_21 = vector.broadcast %get3A_20 : vector<1x1xf32> to vector<1024x1xf32>
    %add3A_22 = arith.addf %broadcast_in_dim3A_17, %add3A_21 : vector<1024x1xf32>
    %swap3A = arith.constant 0 : index
    %swap3A_23 = arith.constant 0 : index
    %swap3A_24 = vector.load %arg6[%swap3A, %swap3A_23] : memref<1024x1xf32, #tpu.memory_space<vmem>>, vector<1024x1xf32>
    tpu.vector_store %arg6[%swap3A, %swap3A_23], %add3A_22 {strides = array<i32>} : memref<1024x1xf32, #tpu.memory_space<vmem>>, vector<1024x1xf32>,
    return
  }
  func.func @transform_0(%arg0: i32) -> (i32, i32) {
    %c0_i32 = arith.constant 0 : i32
    %c0_i32_0 = arith.constant 0 : i32
    return %arg0, %c0_i32 : i32, i32
  }
  func.func @transform_1(%arg0: i32) -> (i32, i32) {
    %c0_i32 = arith.constant 0 : i32
    %c0_i32_0 = arith.constant 0 : i32
    %c0_i32_1 = arith.constant 0 : i32
    return %c0_i32, %c0_i32_0 : i32, i32
  }
  func.func @transform_2(%arg0: i32) -> (i32, i32) {
    %c0_i32 = arith.constant 0 : i32
    %c0_i32_0 = arith.constant 0 : i32
    %c0_i32_1 = arith.constant 0 : i32
    return %c0_i32, %c0_i32_0 : i32, i32
  }
  func.func @transform_3(%arg0: i32) -> (i32, i32) {
    %c0_i32 = arith.constant 0 : i32
    %c0_i32_0 = arith.constant 0 : i32
    %c0_i32_1 = arith.constant 0 : i32
    return %c0_i32, %c0_i32_0 : i32, i32
  }
  func.func @transform_4(%arg0: i32) -> (i32, i32) {
    %c0_i32 = arith.constant 0 : i32
    %c0_i32_0 = arith.constant 0 : i32
    %c0_i32_1 = arith.constant 0 : i32
    return %c0_i32, %c0_i32_0 : i32, i32
  }
  func.func @transform_5(%arg0: i32) -> (i32, i32) {
    %c0_i32 = arith.constant 0 : i32
    %c0_i32_0 = arith.constant 0 : i32
    return %arg0, %c0_i32 : i32, i32
  }
}

</mosaic_0001>

<sc_bundles>
// kernel: kernel.12.cloned.1.call-start
scs
__scs_entry_jumppad:
0x0: {  	(pc) =	sbr.rel $0x88, $3  }
0x1: {  	(tag) =	ssettag $0x0;
	lr =	simm.s32 $0x1  }
0x2: {  	[smem:$0x3F89] =	sst lr;
	_ =	strace $0xD0000000  }
0x3: {  	_ = 	snop  }
0x4: {  	_ = 	snop  }
0x5: {  	_ = 	snop  }
0x6: {  	_ = 	snop  }
0x7: {  	_ = 	snop  }
__scs_overlays_trampoline_lowered:
0x8: {  	[smem:$0x3F98] =	sst s0  }
0x9: {  	[smem:$0x3F99] =	sst s1  }
0xa: {  	[smem:$0x3F9A] =	sst s2  }
0xb: {  	[smem:$0x3F9B] =	sst s3  }
0xc: {  	[smem:$0x3F9C] =	sst s4  }
0xd: {  	[smem:$0x3F9D] =	sst s5  }
0xe: {  	[smem:$0x3F9E] =	sst s6  }
0xf: {  	[smem:$0x3F9F] =	sst s7  }
0x10: {  	[smem:$0x3FA0] =	sst s8  }
0x11: {  	[smem:$0x3FA1] =	sst s9;
	s0 =	simm.s32 @!p0 $0x0  }
0x12: {  	s1 =	sld [smem:$0x3F87];
	s0 =	simm.s32 @p0 $0x1  }
0x13: {  	[smem:$0x3FA2] =	sst s0;
	s0 =	simm.s32 @!p1 $0x0  }
0x14: {  	s2 =	sld [smem:$0x3F86];
	s0 =	simm.s32 @p1 $0x1  }
0x15: {  	[smem:$0x3FA3] =	sst s0;
	s0 =	simm.s32 @!p2 $0x0  }
0x16: {  	s3 =	sld [smem:$0x3FDB];
	s0 =	simm.s32 @p2 $0x1  }
0x17: {  	s4 =	simm.s32 $0x1BF5;
	[smem:$0x3FA5] =	sst s0  }
0x18: {  	s0 =	sld [smem:$0x3F88];
	_ =	swait.ge [sflag:s4], $0x0  }
0x19: {  	s7 =	sld [smem:$0x3F89]  }
0x1a: {  	s8 =	sadd.s32 $0xFFFFE003, lr  }
0x1b: {  	s9 =	sadd.s32 $0xFFFFFEF7, lr;
	s5 =	simm.s32 $0xFFFFFFFF;
	p2 =	slt.u32 s8, $0xFFFFF086  }
0x1c: {  	p1 =	slt.u32 s9, $0xF7A;
	s5 =	simm.s32 @!p2 $0x0  }
0x1d: {  	s5 =	simm.s32 @p1 $0x1;
	p0 =	seq.s32 s7, s2  }
0x1e: {  	s7 =	smul.u32 @!p0 $0xF7A, s2;
	p2 =	seq.s32 @!p0 s5, $0x0  }
0x1f: {  	s9 =	smul.u32 $0xF7A, s1;
	s8 =	simm.s32 @!p0 $0x1BF5;
	p2 =	por !p2, p0  }
0x20: {  	[sflag:s8] =	ssyncset.s32 @!p0 $0xFFFFF086;
	s6 =	sadd.s32 @!p0 s3, s7;
	s7 =	simm.s32 @!p0 $0x108  }
0x21: {  	s3 =	sadd.s32 s3, s9;
	s6 =	sadd.s32 @!p0 $0x88, s6;
	s7 =	simm.s32 @p2 $0x1082  }
0x22: {  	[simem:s7], [sflag:s8] =	dma.local @!p0 [hbm:s6], $0xF7A  }
0x23: {  	s9 =	sor.u32 $0xD0000000, s2;
	s6 =	simm.s32 $0x108;
	_ =	swait.ge @!p0 [sflag:s8], $0x0  }
0x24: {  	s3 =	sadd.s32 $0x88, s3;
	s6 =	simm.s32 @!p1 $0x1082;
	[sflag:s4] =	ssyncset.s32 $0xFFFFF086  }
0x25: {  	[simem:s6], [sflag:s4] =	dma.local [hbm:s3], $0xF7A  }
0x26: {  	[smem:$0x3F89] =	sst s1;
	(tag) =	ssettag s2;
	_ =	strace s9  }
0x27: {  	s1 =	sld [smem:$0x3F99]  }
0x28: {  	s2 =	sld [smem:$0x3F9A]  }
0x29: {  	s4 =	sld [smem:$0x3F9C]  }
0x2a: {  	p0 =	seq.s32 s5, $0x0;
	s5 =	sld [smem:$0x3F9D]  }
0x2b: {  	s6 =	sld [smem:$0x3F9E]  }
0x2c: {  	s7 =	sld [smem:$0x3F9F]  }
0x2d: {  	s3 =	simm.s32 $0x108;
	s8 =	sld [smem:$0x3FA0]  }
0x2e: {  	s3 =	simm.s32 @!p0 $0x1082;
	s9 =	sld [smem:$0x3FA1]  }
0x2f: {  	lr =	sadd.s32 s0, s3;
	s0 =	sld [smem:$0x3F98]  }
0x30: {  	s3 =	sld [smem:$0x3F9B]  }
0x31: {  	[smem:$0x3FA4] =	sst s10  }
0x32: {  	s10 =	sld [smem:$0x3FA2];
	_ =	sdelay $0x3  }
0x33: {  	p0 =	seq.s32 s10, $0x1;
	s10 =	sld [smem:$0x3FA4];
	_ =	sdelay $0x3  }
0x34: {  	[smem:$0x3FA4] =	sst s10  }
0x35: {  	s10 =	sld [smem:$0x3FA3];
	_ =	sdelay $0x3  }
0x36: {  	p1 =	seq.s32 s10, $0x1;
	s10 =	sld [smem:$0x3FA4];
	_ =	sdelay $0x3  }
0x37: {  	[smem:$0x3FA4] =	sst s10  }
0x38: {  	s10 =	sld [smem:$0x3FA5]  }
0x39: {  	_ = 	snop;
	(pc) =	sbr.ind lr, $3  }
0x3a: {  	_ = 	snop  }
0x3b: {  	_ = 	snop  }
0x3c: {  	p2 =	seq.s32 s10, $0x1;
	s10 =	sld [smem:$0x3FA4]  }
0x3d: {  	_ =	shalt  }
0x3e: {  	_ =	shalt  }
0x3f: {  	_ =	shalt  }
0x40: {  	_ =	shalt  }
0x41: {  	_ =	shalt  }
0x42: {  	_ =	shalt  }
0x43: {  	_ =	shalt  }
0x44: {  	_ =	shalt  }
0x45: {  	_ =	shalt  }
0x46: {  	_ =	shalt  }
0x47: {  	_ =	shalt  }
0x48: {  	_ =	shalt  }
0x49: {  	_ =	shalt  }
0x4a: {  	_ =	shalt  }
0x4b: {  	_ =	shalt  }
0x4c: {  	_ =	shalt  }
0x4d: {  	_ =	shalt  }
0x4e: {  	_ =	shalt  }
0x4f: {  	_ =	shalt  }
0x50: {  	_ =	shalt  }
0x51: {  	_ =	shalt  }
0x52: {  	_ =	shalt  }
0x53: {  	_ =	shalt  }
0x54: {  	_ =	shalt  }
0x55: {  	_ =	shalt  }
0x56: {  	_ =	shalt  }
0x57: {  	_ =	shalt  }
0x58: {  	_ =	shalt  }
0x59: {  	_ =	shalt  }
0x5a: {  	_ =	shalt  }
0x5b: {  	_ =	shalt  }
0x5c: {  	_ =	shalt  }
0x5d: {  	_ =	shalt  }
0x5e: {  	_ =	shalt  }
0x5f: {  	_ =	shalt  }
0x60: {  	_ =	shalt  }
0x61: {  	_ =	shalt  }
0x62: {  	_ =	shalt  }
0x63: {  	_ =	shalt  }
0x64: {  	_ =	shalt  }
0x65: {  	_ =	shalt  }
0x66: {  	_ =	shalt  }
0x67: {  	_ =	shalt  }
0x68: {  	_ =	shalt  }
0x69: {  	_ =	shalt  }
0x6a: {  	_ =	shalt  }
0x6b: {  	_ =	shalt  }
0x6c: {  	_ =	shalt  }
0x6d: {  	_ =	shalt  }
0x6e: {  	_ =	shalt  }
0x6f: {  	_ =	shalt  }
0x70: {  	_ =	shalt  }
0x71: {  	_ =	shalt  }
0x72: {  	_ =	shalt  }
0x73: {  	_ =	shalt  }
0x74: {  	_ =	shalt  }
0x75: {  	_ =	shalt  }
0x76: {  	_ =	shalt  }
0x77: {  	_ =	shalt  }
0x78: {  	_ =	shalt  }
0x79: {  	_ =	shalt  }
0x7a: {  	_ =	shalt  }
0x7b: {  	_ =	shalt  }
0x7c: {  	_ =	shalt  }
0x7d: {  	_ =	shalt  }
0x7e: {  	_ =	shalt  }
0x7f: {  	_ =	shalt  }
0x80: {  	_ =	shalt  }
0x81: {  	_ =	shalt  }
0x82: {  	_ =	shalt  }
0x83: {  	_ =	shalt  }
0x84: {  	_ =	shalt  }
0x85: {  	_ =	shalt  }
0x86: {  	_ =	shalt  }
0x87: {  	_ =	shalt  }
.Lfunc_end0:
.L_simem_size_0:
called_computation.1_lowered:
.L_overlay_start_0:
0x88: {  	s2 =	sld [smem:$0x3FD9]  }
0x89: {  	s3 =	sld [smem:$0x3FFE];
	_ =	sdelay $0x1  }
0x8a: {  	s1 =	srdreg.scid  }
0x8b: {  	s0 =	sand.u32 $0x1, s1  }
0x8c: {  	s16 =	sshll.u32 s0, $0xA;
	s2 =	sadd.s32 s3, s2  }
0x8d: {  	s2 =	sadd.s32 s2, s16  }
0x8e: {  	[smem:$0x3FB0] =	sst s2  }
0x8f: {  	_ = 	snop  }
0x90: {  	(tm) =	ssettm $0x1  }
0x91: {  	s17 =	sld [smem:$0x3FFB];
	_ =	sdelay $0x3  }
0x92: {  	_ =	strace s17  }
0x93: {  	s2 =	sld [smem:$0x3FFC];
	_ =	sdelay $0x3  }
0x94: {  	_ =	strace s2  }
0x95: {  	s2 =	sld [smem:$0x3FFD];
	_ =	sdelay $0x3  }
0x96: {  	_ =	strace s2  }
0x97: {  	_ =	strace $0x8FFFFFFF  }
0x98: {  	s18 =	sld [smem:$0x3FDB];
	_ =	sdelay $0x1  }
0x99: {  	s19 =	simm.s32 $_scs_section_size  }
0x9a: {  	s4 =	simm.s32 $_size__tile_overlayer_lowered;
	s5 =	simm.s32 $_tile_overlayer_lowered  }
0x9b: {  	s22 =	simm.s32 $0x1BFF;
	s21 =	sshll.u32 s5, $0x1;
	s2 =	sadd.s32 s19, s18  }
0x9c: {  	s6 =	simm.s32 $0x0;
	s20 =	sshll.u32 s4, $0x1;
	s4 =	sadd.s32 s21, s2  }
0x9d: {  	[timem:s6], [sflag:s22] =	dma.local [hbm:s4], s20  }
0x9e: {  	_ =	swait.ge [sflag:s22], s20  }
0x9f: {  	s3 =	ssub.s32 $0x0, s20;
	[sflag:s22] =	ssyncset.done $0x0  }
0xa0: {  	[sflag:s22] =	ssyncadd.s32 s3;
	_ =	sdelay $0x1  }
0xa1: {  	s23 =	simm.s32 $0x1B8B  }
0xa2: {  	_ =	swait.ge [sflag:s23], $0x1  }
0xa3: {  	[sflag:s23] =	ssyncset.done $0x0  }
0xa4: {  	s25 =	simm.s32 $0x1B8E;
	s24 =	sld [smem:$0x3FFE];
	[sflag:s23] =	ssyncadd.s32 $0xFFFFFFFF  }
0xa5: {  	s26 =	simm.s32 $execute0_lowered;
	[smem:$0x3FD2] =	sst s25  }
0xa6: {  	s4 =	sshll.u32 s26, $0x1;
	_ =	strace $0x80000049;
	[dreg:$0x1] =	wrdreg $0xFFFFFFFF  }
0xa7: {  	s28 =	simm.s32 $_size_execute0_lowered;
	s2 =	sadd.s32 s2, s4;
	[dreg:$0x0] =	wrdreg $0x0  }
0xa8: {  	s4 =	sshll.u32 s28, $0x1;
	[dreg:$0x2] =	wrdreg s2  }
0xa9: {  	[dreg:$0x3] =	wrdreg s4  }
0xaa: {  	[dreg:$0x4] =	wrdreg $0xC0  }
0xab: {  	_ =	task [dreg:s6], $0x5FFFF  }
0xac: {  	[dreg:$0x1] =	wrdreg $0xFFFFFFFF  }
0xad: {  	[dreg:$0x0] =	wrdreg $0x60  }
0xae: {  	[dreg:$0x2] =	wrdreg s24  }
0xaf: {  	[dreg:$0x3] =	wrdreg $0x90000  }
0xb0: {  	[dreg:$0x4] =	wrdreg $0x9  }
0xb1: {  	_ =	task.clear_ibuf [dreg:s6], $0x5FFFF;
	_ =	strace $0x90000049  }
0xb2: {  	s29 =	simm.s32 $0x9;
	_ =	strace $0x8000004B  }
0xb3: {  	_ =	swait.ge [sflag:s29], $0x1  }
0xb4: {  	[sflag:s29] =	ssyncadd.s32 $0xFFFFFFFF  }
0xb5: {  	_ =	strace $0x9000004B  }
0xb6: {  	_ =	sfence  }
0xb7: {  	s30 =	sld [smem:$0x0];
	_ =	sdelay $0x2  }
0xb8: {  	s31 =	sshll.u32 s1, $0xD;
	s1 =	sshrl.u32 s1, $0x2  }
0xb9: {  	s3 =	sand.u32 $0x4000, s31;
	s1 =	sadd.s32 s1, s30  }
0xba: {  	s0 =	sor.u32 s3, s0;
	s1 =	sshll.u32 s1, $0x11  }
0xbb: {  	s0 =	sor.u32 s1, s0  }
0xbc: {  	s0 =	sadd.s32 $0x8F2B, s0  }
0xbd: {  	[sflag:s0] =	ssyncadd.remote.s32 $0x1  }
0xbe: {  	_ =	sfence.sel $0xFFFF  }
0xbf: {  	[dreg:$0x0] =	wrdreg $0xFFFFFFFF;
	(pc) =	sbr.abs _section_cstart, $3  }
0xc0: {  	[dreg:$0x1] =	wrdreg $0xFFFFFFFF  }
0xc1: {  	_ =	task.clear_ibuf [dreg:s6], $0x2FFFF;
	_ =	strace $0x9FFFFFFF  }
0xc2: {  	(tm) =	ssettm $0x7FFFFFFF  }
0xc3: {  	_ =	shalt  }
tec
execute0_lowered:
.L_overlay_start_1:
0x0: {  	(tag) =	ssettag $0x1  }
0x1: {  	s1 =	srdreg.scid;
	s4 =	rddreg [dreg:$0x0]  }
0x2: {  	s0 =	stileid.u32;
	s2 =	rddreg [dreg:$0x1]  }
0x3: {  	s13 =	simm.s32 $0x100;
	s15 =	simm.s32 $0x180;
	s17 =	simm.s32 $0x200  }
0x4: {  	s18 =	simm.s32 $0x880;
	s20 =	simm.s32 $0x280;
	s5 =	sand.u32 $0x1, s1  }
0x5: {  	s21 =	simm.s32 $0x900;
	s3 =	sand.u32 $0x3, s0;
	s1 =	sshll.u32 s5, $0x2  }
0x6: {  	s22 =	simm.s32 $0x300;
	s24 =	simm.s32 $0x980;
	s3 =	sor.u32 s3, s1  }
0x7: {  	s25 =	simm.s32 $0x380;
	s8 =	smul.u32 $0x27100, s3;
	s3 =	simm.s32 $0x0  }
0x8: {  	s26 =	simm.s32 $0xA00;
	s28 =	simm.s32 $0x400;
	[smem:$0x7FF] =	sst s3  }
0x9: {  	s7 =	smul.u32 $0x5000, s0;
	_ =	strace $0x8000004A;
	[dreg:$0x5] =	wrdreg s13  }
0xa: {  	s29 =	simm.s32 $0xA80;
	s31 =	smul.u32 $0x14000, s0;
	[dreg:$0x6] =	wrdreg s15  }
0xb: {  	s30 =	simm.s32 $0x480;
	s16 =	smul.u32 $0x50000, s0;
	[dreg:$0x7] =	wrdreg s17  }
0xc: {  	s23 =	sshll.u32 s0, $0x6;
	s6 =	smul.u32 $0x50000, s5;
	[dreg:$0x8] =	wrdreg s18  }
0xd: {  	s9 =	smul.u32 $0x140000, s5;
	s5 =	ssub.s32 $0x2, s5;
	[dreg:$0x9] =	wrdreg s20  }
0xe: {  	s10 =	sshrl.u32 s31, $0x3;
	s14 =	sshrl.u32 s5, $0x1;
	[dreg:$0xa] =	wrdreg s21  }
0xf: {  	s19 =	sshrl.u32 s16, $0x2;
	s16 =	simm.s32 $0xC00;
	[dreg:$0xb] =	wrdreg s22  }
0x10: {  	s6 =	sadd.s32 s7, s6;
	s7 =	sadd.s32 s31, s9;
	[dreg:$0xc] =	wrdreg s24  }
0x11: {  	s1 =	sadd.s32 s10, s4;
	s10 =	sadd.s32 s19, s2;
	[dreg:$0xd] =	wrdreg s25  }
0x12: {  	s19 =	simm.s32 $0x680;
	s31 =	simm.s32 $0xF00;
	[dreg:$0xe] =	wrdreg s26  }
0x13: {  	s6 =	sshrl.u32 s6, $0x3;
	s7 =	sshrl.u32 s7, $0x3;
	[dreg:$0xf] =	wrdreg s28  }
0x14: {  	s9 =	sshrl.u32 s10, $0x3;
	s10 =	simm.s32 $0x9;
	[dreg:$0x10] =	wrdreg s29  }
0x15: {  	s6 =	sadd.s32 s6, s4;
	s8 =	sadd.s32 s8, s4;
	[dreg:$0x11] =	wrdreg s30  }
0x16: {  	s7 =	sadd.s32 s7, s4;
	s4 =	sadd.s32 $0x18D200, s1;
	[dreg:$0x16] =	wrdreg s16  }
0x17: {  	s13 =	simm.s32 $0x500;
	s15 =	simm.s32 $0x580;
	[dreg:$0x19] =	wrdreg s19  }
0x18: {  	s17 =	simm.s32 $0x600;
	s16 =	simm.s32 $0x7000;
	[smem:$0x7FD] =	sst s31  }
0x19: {  	s18 =	simm.s32 $0xC80;
	s20 =	simm.s32 $0xD00;
	[dreg:$0x13] =	wrdreg s13  }
0x1a: {  	s19 =	simm.s32 $0x3000;
	s21 =	simm.s32 $0x700;
	[dreg:$0x15] =	wrdreg s15  }
0x1b: {  	s22 =	simm.s32 $0xD80;
	s24 =	simm.s32 $0xE00;
	[dreg:$0x17] =	wrdreg s17  }
0x1c: {  	s25 =	simm.s32 $0xE80;
	s26 =	simm.s32 $0x0;
	[dreg:$0x18] =	wrdreg s18  }
0x1d: {  	s11 =	sadd.s32 $0x223200, s6;
	s12 =	sadd.s32 $0x20F200, s6;
	[dreg:$0x1a] =	wrdreg s20  }
0x1e: {  	s6 =	sadd.s32 $0x4A00, s8;
	s7 =	sadd.s32 $0x13D200, s7;
	[dreg:$0x1b] =	wrdreg s21  }
0x1f: {  	s13 =	simm.s32 $0x1000;
	s15 =	simm.s32 $0x1;
	[dreg:$0x1c] =	wrdreg s22  }
0x20: {  	s17 =	simm.s32 $0x2;
	s18 =	simm.s32 $0x5;
	[dreg:$0x1e] =	wrdreg s24  }
0x21: {  	s20 =	simm.s32 $0x3;
	s21 =	simm.s32 $0x6;
	[dreg:$0x1f] =	wrdreg s25  }
0x22: {  	s22 =	simm.s32 $0x4;
	s24 =	simm.s32 $0x8;
	[dreg:$0x3] =	wrdreg s11  }
0x23: {  	s25 =	simm.s32 $0xF80;
	[dreg:$0x4] =	wrdreg s12;
	s11 =	ssub.s32 s5, s14  }
0x24: {  	s5 =	sor.u32 $0x1C09, s23;
	s12 =	simm.s32 $0xB00;
	s14 =	simm.s32 $0xB80  }
0x25: {  	s23 =	simm.s32 $0x780;
	s8 =	smax.u32 s11, $0x1;
	[dreg:$0x12] =	wrdreg s12  }
0x26: {  	s11 =	simm.s32 $0x800;
	s12 =	simm.s32 $0x40;
	[dreg:$0x14] =	wrdreg s14  }
0x27: {  	s14 =	simm.s32 $0x5000;
	[dreg:$0x1d] =	wrdreg s23;
	s23 =	simm.s32 $0x7  }
.LBB2_1:
0x28: {  	[spmem:s9], [sflag:s5] =	dma.local [hbm:s4], $0x2800  }
0x29: {  	_ =	swait.ge [sflag:s10], $0x2800  }
0x2a: {  	[sflag:s10] =	ssyncset.done $0x0  }
0x2b: {  	[sflag:s10] =	ssyncadd.s32 $0xFFFFD800  }
0x2c: {  	[bflag:$0x0] =	sbarrier.arrive $0xFFFF  }
0x2d: {  	s28 =	rddreg [dreg:$0x4]  }
0x2e: {  	s28 =	sadd.s32 $0x0, s28  }
0x2f: {  	[tilespmem:s3], [sflag:$0x9] =	stream.linear.gather [hbm4b:s28+s3], $0x800, $0x38;
	[tilespmem:$0x1D000] =	vst v63  }
0x30: {  	_ =	swait.ge [sflag:s10], $0x800  }
0x31: {  	s28 =	rddreg [dreg:$0x3];
	[sflag:s10] =	ssyncset.done $0x0  }
0x32: {  	[sflag:s10] =	ssyncadd.s32 $0xFFFFF800;
	s28 =	sadd.s32 $0x0, s28  }
0x33: {  	[tilespmem:s11], [sflag:$0x9] =	stream.linear.gather [hbm4b:s28+s3], $0x800, $0x38;
	[tilespmem:$0x1D000] =	vst v63  }
0x34: {  	_ =	swait.ge [sflag:s10], $0x800  }
0x35: {  	p0 =	por $0x1, $0x1;
	[sflag:s10] =	ssyncset.done $0x0  }
0x36: {  	s28 =	simm.s32 @!p0 $0x5;
	[sflag:s10] =	ssyncadd.s32 $0xFFFFF800  }
0x37: {  	_ =	swait.ge @!p0 [sflag:s28], $0x2000  }
0x38: {  	[sflag:s28] =	ssyncset.done @!p0 $0x0  }
0x39: {  	[sflag:s28] =	ssyncadd.s32 @!p0 $0xFFFFE000  }
0x3a: {  	[tilespmem:s13], [sflag:$0x1] =	stream.indirect.gather [hbm4b:s6+s12], $0x80, s3, s12, $0xb8;
	[tilespmem:$0x1D000] =	vst v63  }
0x3b: {  	s29 =	simm.s32 @p0 $0x80;
	s30 =	simm.s32 @p0 $0x3000;
	s28 =	simm.s32 @p0 $0x40  }
0x3c: {  	[tilespmem:s30], [sflag:$0x2] =	stream.indirect.gather @p0 [hbm4b:s6+s28], $0x80, s29, s28, $0xb8;
	[tilespmem:$0x1D000] =	vst v63  }
0x3d: {  	s28 =	simm.s32 @!p0 $0x6  }
0x3e: {  	_ =	swait.ge @!p0 [sflag:s28], $0x2000  }
0x3f: {  	s29 =	simm.s32 @!p0 $0x3000;
	[sflag:s28] =	ssyncset.done @!p0 $0x0  }
0x40: {  	s30 =	simm.s32 @!p0 $0x80;
	[sflag:s28] =	ssyncadd.s32 @!p0 $0xFFFFE000;
	s28 =	simm.s32 @!p0 $0x40  }
0x41: {  	[tilespmem:s29], [sflag:$0x2] =	stream.indirect.gather @!p0 [hbm4b:s6+s28], $0x80, s30, s28, $0xb8;
	[tilespmem:$0x1D000] =	vst v63  }
0x42: {  	s28 =	simm.s32 @!p0 $0x7  }
0x43: {  	_ =	swait.ge @!p0 [sflag:s28], $0x2000  }
0x44: {  	[sflag:s28] =	ssyncset.done @!p0 $0x0  }
0x45: {  	s29 =	rddreg [dreg:$0x5];
	[sflag:s28] =	ssyncadd.s32 @!p0 $0xFFFFE000  }
0x46: {  	[tilespmem:s14], [sflag:$0x3] =	stream.indirect.gather [hbm4b:s6+s12], $0x80, s29, s12, $0xb8;
	[tilespmem:$0x1D000] =	vst v63  }
0x47: {  	_ =	swait.ge [sflag:s15], $0x2000  }
0x48: {  	[sflag:s15] =	ssyncset.done $0x0  }
0x49: {  	s28 =	simm.s32 @!p0 $0x8;
	[sflag:s15] =	ssyncadd.s32 $0xFFFFE000  }
0x4a: {  	_ =	swait.ge @!p0 [sflag:s28], $0x2000  }
0x4b: {  	[sflag:s28] =	ssyncset.done @!p0 $0x0  }
0x4c: {  	s29 =	rddreg [dreg:$0x6];
	[sflag:s28] =	ssyncadd.s32 @!p0 $0xFFFFE000  }
0x4d: {  	[tilespmem:s16], [sflag:$0x4] =	stream.indirect.gather [hbm4b:s6+s12], $0x80, s29, s12, $0xb8;
	[tilespmem:$0x1D000] =	vst v63  }
0x4e: {  	_ = 	snop  }
0x4f: {  	[spmem:s2] =	stream.indirect.scatter.add.f32 [tilespmem:s13], [sflag:$0x5], $0x80, s11, s12, $0xb8;
	[tilespmem:$0x1D000] =	vst v63  }
0x50: {  	_ =	swait.ge [sflag:s17], $0x2000  }
0x51: {  	[sflag:s17] =	ssyncset.done $0x0  }
0x52: {  	[sflag:s17] =	ssyncadd.s32 $0xFFFFE000  }
0x53: {  	_ =	swait.ge [sflag:s18], $0x2000  }
0x54: {  	[sflag:s18] =	ssyncset.done $0x0  }
0x55: {  	s28 =	rddreg [dreg:$0x7];
	[sflag:s18] =	ssyncadd.s32 $0xFFFFE000  }
0x56: {  	[tilespmem:s13], [sflag:$0x1] =	stream.indirect.gather [hbm4b:s6+s12], $0x80, s28, s12, $0xb8;
	[tilespmem:$0x1D000] =	vst v63  }
0x57: {  	s29 =	rddreg [dreg:$0x8]  }
0x58: {  	[spmem:s2] =	stream.indirect.scatter.add.f32 [tilespmem:s19], [sflag:$0x6], $0x80, s29, s12, $0xb8;
	[tilespmem:$0x1D000] =	vst v63  }
0x59: {  	_ =	swait.ge [sflag:s20], $0x2000  }
0x5a: {  	[sflag:s20] =	ssyncset.done $0x0  }
0x5b: {  	[sflag:s20] =	ssyncadd.s32 $0xFFFFE000  }
0x5c: {  	_ =	swait.ge [sflag:s21], $0x2000  }
0x5d: {  	[sflag:s21] =	ssyncset.done $0x0  }
0x5e: {  	s28 =	rddreg [dreg:$0x9];
	[sflag:s21] =	ssyncadd.s32 $0xFFFFE000  }
0x5f: {  	[tilespmem:s19], [sflag:$0x2] =	stream.indirect.gather [hbm4b:s6+s12], $0x80, s28, s12, $0xb8;
	[tilespmem:$0x1D000] =	vst v63  }
0x60: {  	s29 =	rddreg [dreg:$0xa]  }
0x61: {  	[spmem:s2] =	stream.indirect.scatter.add.f32 [tilespmem:s14], [sflag:$0x7], $0x80, s29, s12, $0xb8;
	[tilespmem:$0x1D000] =	vst v63  }
0x62: {  	_ =	swait.ge [sflag:s22], $0x2000  }
0x63: {  	[sflag:s22] =	ssyncset.done $0x0  }
0x64: {  	[sflag:s22] =	ssyncadd.s32 $0xFFFFE000  }
0x65: {  	_ =	swait.ge [sflag:s23], $0x2000  }
0x66: {  	[sflag:s23] =	ssyncset.done $0x0  }
0x67: {  	s28 =	rddreg [dreg:$0xb];
	[sflag:s23] =	ssyncadd.s32 $0xFFFFE000  }
0x68: {  	[tilespmem:s14], [sflag:$0x3] =	stream.indirect.gather [hbm4b:s6+s12], $0x80, s28, s12, $0xb8;
	[tilespmem:$0x1D000] =	vst v63  }
0x69: {  	s29 =	rddreg [dreg:$0xc]  }
0x6a: {  	[spmem:s2] =	stream.indirect.scatter.add.f32 [tilespmem:s16], [sflag:$0x8], $0x80, s29, s12, $0xb8;
	[tilespmem:$0x1D000] =	vst v63  }
0x6b: {  	_ =	swait.ge [sflag:s15], $0x2000  }
0x6c: {  	[sflag:s15] =	ssyncset.done $0x0  }
0x6d: {  	[sflag:s15] =	ssyncadd.s32 $0xFFFFE000  }
0x6e: {  	_ =	swait.ge [sflag:s24], $0x2000  }
0x6f: {  	[sflag:s24] =	ssyncset.done $0x0  }
0x70: {  	s28 =	rddreg [dreg:$0xd];
	[sflag:s24] =	ssyncadd.s32 $0xFFFFE000  }
0x71: {  	[tilespmem:s16], [sflag:$0x4] =	stream.indirect.gather [hbm4b:s6+s12], $0x80, s28, s12, $0xb8;
	[tilespmem:$0x1D000] =	vst v63  }
0x72: {  	s29 =	rddreg [dreg:$0xe]  }
0x73: {  	[spmem:s2] =	stream.indirect.scatter.add.f32 [tilespmem:s13], [sflag:$0x5], $0x80, s29, s12, $0xb8;
	[tilespmem:$0x1D000] =	vst v63  }
0x74: {  	_ =	swait.ge [sflag:s17], $0x2000  }
0x75: {  	[sflag:s17] =	ssyncset.done $0x0  }
0x76: {  	[sflag:s17] =	ssyncadd.s32 $0xFFFFE000  }
0x77: {  	_ =	swait.ge [sflag:s18], $0x2000  }
0x78: {  	[sflag:s18] =	ssyncset.done $0x0  }
0x79: {  	s28 =	rddreg [dreg:$0xf];
	[sflag:s18] =	ssyncadd.s32 $0xFFFFE000  }
0x7a: {  	[tilespmem:s13], [sflag:$0x1] =	stream.indirect.gather [hbm4b:s6+s12], $0x80, s28, s12, $0xb8;
	[tilespmem:$0x1D000] =	vst v63  }
0x7b: {  	s29 =	rddreg [dreg:$0x10]  }
0x7c: {  	[spmem:s2] =	stream.indirect.scatter.add.f32 [tilespmem:s19], [sflag:$0x6], $0x80, s29, s12, $0xb8;
	[tilespmem:$0x1D000] =	vst v63  }
0x7d: {  	_ =	swait.ge [sflag:s20], $0x2000  }
0x7e: {  	[sflag:s20] =	ssyncset.done $0x0  }
0x7f: {  	[sflag:s20] =	ssyncadd.s32 $0xFFFFE000  }
0x80: {  	_ =	swait.ge [sflag:s21], $0x2000  }
0x81: {  	[sflag:s21] =	ssyncset.done $0x0  }
0x82: {  	s28 =	rddreg [dreg:$0x11];
	[sflag:s21] =	ssyncadd.s32 $0xFFFFE000  }
0x83: {  	[tilespmem:s19], [sflag:$0x2] =	stream.indirect.gather [hbm4b:s6+s12], $0x80, s28, s12, $0xb8;
	[tilespmem:$0x1D000] =	vst v63  }
0x84: {  	s29 =	rddreg [dreg:$0x12]  }
0x85: {  	[spmem:s2] =	stream.indirect.scatter.add.f32 [tilespmem:s14], [sflag:$0x7], $0x80, s29, s12, $0xb8;
	[tilespmem:$0x1D000] =	vst v63  }
0x86: {  	_ =	swait.ge [sflag:s22], $0x2000  }
0x87: {  	[sflag:s22] =	ssyncset.done $0x0  }
0x88: {  	[sflag:s22] =	ssyncadd.s32 $0xFFFFE000  }
0x89: {  	_ =	swait.ge [sflag:s23], $0x2000  }
0x8a: {  	[sflag:s23] =	ssyncset.done $0x0  }
0x8b: {  	s28 =	rddreg [dreg:$0x13];
	[sflag:s23] =	ssyncadd.s32 $0xFFFFE000  }
0x8c: {  	[tilespmem:s14], [sflag:$0x3] =	stream.indirect.gather [hbm4b:s6+s12], $0x80, s28, s12, $0xb8;
	[tilespmem:$0x1D000] =	vst v63  }
0x8d: {  	s29 =	rddreg [dreg:$0x14]  }
0x8e: {  	[spmem:s2] =	stream.indirect.scatter.add.f32 [tilespmem:s16], [sflag:$0x8], $0x80, s29, s12, $0xb8;
	[tilespmem:$0x1D000] =	vst v63  }
0x8f: {  	_ =	swait.ge [sflag:s15], $0x2000  }
0x90: {  	[sflag:s15] =	ssyncset.done $0x0  }
0x91: {  	[sflag:s15] =	ssyncadd.s32 $0xFFFFE000  }
0x92: {  	_ =	swait.ge [sflag:s24], $0x2000  }
0x93: {  	[sflag:s24] =	ssyncset.done $0x0  }
0x94: {  	s28 =	rddreg [dreg:$0x15];
	[sflag:s24] =	ssyncadd.s32 $0xFFFFE000  }
0x95: {  	[tilespmem:s16], [sflag:$0x4] =	stream.indirect.gather [hbm4b:s6+s12], $0x80, s28, s12, $0xb8;
	[tilespmem:$0x1D000] =	vst v63  }
0x96: {  	s29 =	rddreg [dreg:$0x16]  }
0x97: {  	[spmem:s2] =	stream.indirect.scatter.add.f32 [tilespmem:s13], [sflag:$0x5], $0x80, s29, s12, $0xb8;
	[tilespmem:$0x1D000] =	vst v63  }
0x98: {  	_ =	swait.ge [sflag:s17], $0x2000  }
0x99: {  	[sflag:s17] =	ssyncset.done $0x0  }
0x9a: {  	[sflag:s17] =	ssyncadd.s32 $0xFFFFE000  }
0x9b: {  	_ =	swait.ge [sflag:s18], $0x2000  }
0x9c: {  	[sflag:s18] =	ssyncset.done $0x0  }
0x9d: {  	s28 =	rddreg [dreg:$0x17];
	[sflag:s18] =	ssyncadd.s32 $0xFFFFE000  }
0x9e: {  	[tilespmem:s13], [sflag:$0x1] =	stream.indirect.gather [hbm4b:s6+s12], $0x80, s28, s12, $0xb8;
	[tilespmem:$0x1D000] =	vst v63  }
0x9f: {  	s29 =	rddreg [dreg:$0x18]  }
0xa0: {  	[spmem:s2] =	stream.indirect.scatter.add.f32 [tilespmem:s19], [sflag:$0x6], $0x80, s29, s12, $0xb8;
	[tilespmem:$0x1D000] =	vst v63  }
0xa1: {  	_ =	swait.ge [sflag:s20], $0x2000  }
0xa2: {  	[sflag:s20] =	ssyncset.done $0x0  }
0xa3: {  	[sflag:s20] =	ssyncadd.s32 $0xFFFFE000  }
0xa4: {  	_ =	swait.ge [sflag:s21], $0x2000  }
0xa5: {  	[sflag:s21] =	ssyncset.done $0x0  }
0xa6: {  	s28 =	rddreg [dreg:$0x19];
	[sflag:s21] =	ssyncadd.s32 $0xFFFFE000  }
0xa7: {  	[tilespmem:s19], [sflag:$0x2] =	stream.indirect.gather [hbm4b:s6+s12], $0x80, s28, s12, $0xb8;
	[tilespmem:$0x1D000] =	vst v63  }
0xa8: {  	s29 =	rddreg [dreg:$0x1a]  }
0xa9: {  	[spmem:s2] =	stream.indirect.scatter.add.f32 [tilespmem:s14], [sflag:$0x7], $0x80, s29, s12, $0xb8;
	[tilespmem:$0x1D000] =	vst v63  }
0xaa: {  	_ =	swait.ge [sflag:s22], $0x2000  }
0xab: {  	[sflag:s22] =	ssyncset.done $0x0  }
0xac: {  	[sflag:s22] =	ssyncadd.s32 $0xFFFFE000  }
0xad: {  	_ =	swait.ge [sflag:s23], $0x2000  }
0xae: {  	[sflag:s23] =	ssyncset.done $0x0  }
0xaf: {  	s28 =	rddreg [dreg:$0x1b];
	[sflag:s23] =	ssyncadd.s32 $0xFFFFE000  }
0xb0: {  	[tilespmem:s14], [sflag:$0x3] =	stream.indirect.gather [hbm4b:s6+s12], $0x80, s28, s12, $0xb8;
	[tilespmem:$0x1D000] =	vst v63  }
0xb1: {  	s29 =	rddreg [dreg:$0x1c]  }
0xb2: {  	[spmem:s2] =	stream.indirect.scatter.add.f32 [tilespmem:s16], [sflag:$0x8], $0x80, s29, s12, $0xb8;
	[tilespmem:$0x1D000] =	vst v63  }
0xb3: {  	_ =	swait.ge [sflag:s15], $0x2000  }
0xb4: {  	[sflag:s15] =	ssyncset.done $0x0  }
0xb5: {  	[sflag:s15] =	ssyncadd.s32 $0xFFFFE000  }
0xb6: {  	_ =	swait.ge [sflag:s24], $0x2000  }
0xb7: {  	[sflag:s24] =	ssyncset.done $0x0  }
0xb8: {  	s28 =	rddreg [dreg:$0x1d];
	[sflag:s24] =	ssyncadd.s32 $0xFFFFE000  }
0xb9: {  	[tilespmem:s16], [sflag:$0x4] =	stream.indirect.gather [hbm4b:s6+s12], $0x80, s28, s12, $0xb8;
	[tilespmem:$0x1D000] =	vst v63  }
0xba: {  	s29 =	rddreg [dreg:$0x1e]  }
0xbb: {  	[spmem:s2] =	stream.indirect.scatter.add.f32 [tilespmem:s13], [sflag:$0x5], $0x80, s29, s12, $0xb8;
	[tilespmem:$0x1D000] =	vst v63  }
0xbc: {  	_ =	swait.ge [sflag:s17], $0x2000  }
0xbd: {  	[sflag:s17] =	ssyncset.done $0x0  }
0xbe: {  	s28 =	rddreg [dreg:$0x1f];
	[sflag:s17] =	ssyncadd.s32 $0xFFFFE000  }
0xbf: {  	[spmem:s2] =	stream.indirect.scatter.add.f32 [tilespmem:s19], [sflag:$0x6], $0x80, s28, s12, $0xb8;
	[tilespmem:$0x1D000] =	vst v63  }
0xc0: {  	_ =	swait.ge [sflag:s20], $0x2000  }
0xc1: {  	s28 =	sld [smem:$0x7FD]  }
0xc2: {  	[sflag:s20] =	ssyncset.done $0x0  }
0xc3: {  	[sflag:s20] =	ssyncadd.s32 $0xFFFFE000  }
0xc4: {  	[spmem:s2] =	stream.indirect.scatter.add.f32 [tilespmem:s14], [sflag:$0x7], $0x80, s28, s12, $0xb8;
	[tilespmem:$0x1D000] =	vst v63  }
0xc5: {  	_ =	swait.ge [sflag:s22], $0x2000  }
0xc6: {  	s29 =	simm.s32 $0x200;
	[sflag:s22] =	ssyncset.done $0x0  }
0xc7: {  	s28 =	simm.s32 $0x100;
	s30 =	rddreg [dreg:$0x4];
	[sflag:s22] =	ssyncadd.s32 $0xFFFFE000  }
.LBB2_2:
0xc8: {  	[spmem:s2] =	stream.indirect.scatter.add.f32 [tilespmem:s16], [sflag:$0x8], $0x80, s25, s12, $0xb8;
	[tilespmem:$0x1D000] =	vst v63  }
0xc9: {  	s30 =	sadd.s32 s28, s30  }
0xca: {  	[tilespmem:s3], [sflag:$0x9] =	stream.linear.gather [hbm4b:s30+s3], $0x800, $0x38;
	[tilespmem:$0x1D000] =	vst v63  }
0xcb: {  	_ =	swait.ge [sflag:s10], $0x800  }
0xcc: {  	s30 =	rddreg [dreg:$0x3];
	[sflag:s10] =	ssyncset.done $0x0  }
0xcd: {  	[sflag:s10] =	ssyncadd.s32 $0xFFFFF800;
	s30 =	sadd.s32 s28, s30  }
0xce: {  	[tilespmem:s11], [sflag:$0x9] =	stream.linear.gather [hbm4b:s30+s3], $0x800, $0x38;
	[tilespmem:$0x1D000] =	vst v63  }
0xcf: {  	_ =	swait.ge [sflag:s10], $0x800  }
0xd0: {  	p1 =	seq.s32 s28, $0x0;
	[sflag:s10] =	ssyncset.done $0x0  }
0xd1: {  	s30 =	simm.s32 @!p1 $0x5;
	[sflag:s10] =	ssyncadd.s32 $0xFFFFF800  }
0xd2: {  	_ =	swait.ge @!p1 [sflag:s30], $0x2000  }
0xd3: {  	s31 =	smov.u32 s29;
	[sflag:s30] =	ssyncset.done @!p1 $0x0  }
0xd4: {  	s1 =	simm.s32 @p1 $0x80;
	s0 =	simm.s32 @p1 $0x3000;
	[sflag:s30] =	ssyncadd.s32 @!p1 $0xFFFFE000  }
0xd5: {  	[tilespmem:s13], [sflag:$0x1] =	stream.indirect.gather [hbm4b:s6+s12], $0x80, s3, s12, $0xb8;
	[tilespmem:$0x1D000] =	vst v63  }
0xd6: {  	s28 =	smov.u32 s31;
	s31 =	simm.s32 @p1 $0x40;
	s30 =	simm.s32 @!p1 $0x6  }
0xd7: {  	[tilespmem:s0], [sflag:$0x2] =	stream.indirect.gather @p1 [hbm4b:s6+s31], $0x80, s1, s31, $0xb8;
	[tilespmem:$0x1D000] =	vst v63  }
0xd8: {  	_ =	swait.ge @!p1 [sflag:s30], $0x2000  }
0xd9: {  	s0 =	simm.s32 @!p1 $0x3000;
	s1 =	simm.s32 @!p1 $0x7;
	[sflag:s30] =	ssyncset.done @!p1 $0x0  }
0xda: {  	s31 =	simm.s32 @!p1 $0x80;
	[sflag:s30] =	ssyncadd.s32 @!p1 $0xFFFFE000;
	s30 =	simm.s32 @!p1 $0x40  }
0xdb: {  	[tilespmem:s0], [sflag:$0x2] =	stream.indirect.gather @!p1 [hbm4b:s6+s30], $0x80, s31, s30, $0xb8;
	[tilespmem:$0x1D000] =	vst v63  }
0xdc: {  	_ =	swait.ge @!p1 [sflag:s1], $0x2000  }
0xdd: {  	[sflag:s1] =	ssyncset.done @!p1 $0x0  }
0xde: {  	s31 =	rddreg [dreg:$0x5];
	[sflag:s1] =	ssyncadd.s32 @!p1 $0xFFFFE000  }
0xdf: {  	[tilespmem:s14], [sflag:$0x3] =	stream.indirect.gather [hbm4b:s6+s12], $0x80, s31, s12, $0xb8;
	[tilespmem:$0x1D000] =	vst v63  }
0xe0: {  	_ =	swait.ge [sflag:s15], $0x2000  }
0xe1: {  	[sflag:s15] =	ssyncset.done $0x0  }
0xe2: {  	s0 =	simm.s32 @!p1 $0x8;
	[sflag:s15] =	ssyncadd.s32 $0xFFFFE000  }
0xe3: {  	_ =	swait.ge @!p1 [sflag:s0], $0x2000  }
0xe4: {  	[sflag:s0] =	ssyncset.done @!p1 $0x0  }
0xe5: {  	s31 =	rddreg [dreg:$0x6];
	[sflag:s0] =	ssyncadd.s32 @!p1 $0xFFFFE000  }
0xe6: {  	[tilespmem:s16], [sflag:$0x4] =	stream.indirect.gather [hbm4b:s6+s12], $0x80, s31, s12, $0xb8;
	[tilespmem:$0x1D000] =	vst v63  }
0xe7: {  	_ = 	snop  }
0xe8: {  	[spmem:s2] =	stream.indirect.scatter.add.f32 [tilespmem:s13], [sflag:$0x5], $0x80, s11, s12, $0xb8;
	[tilespmem:$0x1D000] =	vst v63  }
0xe9: {  	_ =	swait.ge [sflag:s17], $0x2000  }
0xea: {  	[sflag:s17] =	ssyncset.done $0x0  }
0xeb: {  	[sflag:s17] =	ssyncadd.s32 $0xFFFFE000  }
0xec: {  	_ =	swait.ge [sflag:s18], $0x2000  }
0xed: {  	[sflag:s18] =	ssyncset.done $0x0  }
0xee: {  	s1 =	rddreg [dreg:$0x7];
	[sflag:s18] =	ssyncadd.s32 $0xFFFFE000  }
0xef: {  	[tilespmem:s13], [sflag:$0x1] =	stream.indirect.gather [hbm4b:s6+s12], $0x80, s1, s12, $0xb8;
	[tilespmem:$0x1D000] =	vst v63  }
0xf0: {  	s31 =	rddreg [dreg:$0x8]  }
0xf1: {  	[spmem:s2] =	stream.indirect.scatter.add.f32 [tilespmem:s19], [sflag:$0x6], $0x80, s31, s12, $0xb8;
	[tilespmem:$0x1D000] =	vst v63  }
0xf2: {  	_ =	swait.ge [sflag:s20], $0x2000  }
0xf3: {  	[sflag:s20] =	ssyncset.done $0x0  }
0xf4: {  	[sflag:s20] =	ssyncadd.s32 $0xFFFFE000  }
0xf5: {  	_ =	swait.ge [sflag:s21], $0x2000  }
0xf6: {  	[sflag:s21] =	ssyncset.done $0x0  }
0xf7: {  	s1 =	rddreg [dreg:$0x9];
	[sflag:s21] =	ssyncadd.s32 $0xFFFFE000  }
0xf8: {  	[tilespmem:s19], [sflag:$0x2] =	stream.indirect.gather [hbm4b:s6+s12], $0x80, s1, s12, $0xb8;
	[tilespmem:$0x1D000] =	vst v63  }
0xf9: {  	s31 =	rddreg [dreg:$0xa]  }
0xfa: {  	[spmem:s2] =	stream.indirect.scatter.add.f32 [tilespmem:s14], [sflag:$0x7], $0x80, s31, s12, $0xb8;
	[tilespmem:$0x1D000] =	vst v63  }
0xfb: {  	_ =	swait.ge [sflag:s22], $0x2000  }
0xfc: {  	[sflag:s22] =	ssyncset.done $0x0  }
0xfd: {  	[sflag:s22] =	ssyncadd.s32 $0xFFFFE000  }
0xfe: {  	_ =	swait.ge [sflag:s23], $0x2000  }
0xff: {  	[sflag:s23] =	ssyncset.done $0x0  }
0x100: {  	s1 =	rddreg [dreg:$0xb];
	[sflag:s23] =	ssyncadd.s32 $0xFFFFE000  }
0x101: {  	[tilespmem:s14], [sflag:$0x3] =	stream.indirect.gather [hbm4b:s6+s12], $0x80, s1, s12, $0xb8;
	[tilespmem:$0x1D000] =	vst v63  }
0x102: {  	s31 =	rddreg [dreg:$0xc]  }
0x103: {  	[spmem:s2] =	stream.indirect.scatter.add.f32 [tilespmem:s16], [sflag:$0x8], $0x80, s31, s12, $0xb8;
	[tilespmem:$0x1D000] =	vst v63  }
0x104: {  	_ =	swait.ge [sflag:s15], $0x2000  }
0x105: {  	[sflag:s15] =	ssyncset.done $0x0  }
0x106: {  	[sflag:s15] =	ssyncadd.s32 $0xFFFFE000  }
0x107: {  	_ =	swait.ge [sflag:s24], $0x2000  }
0x108: {  	[sflag:s24] =	ssyncset.done $0x0  }
0x109: {  	s1 =	rddreg [dreg:$0xd];
	[sflag:s24] =	ssyncadd.s32 $0xFFFFE000  }
0x10a: {  	[tilespmem:s16], [sflag:$0x4] =	stream.indirect.gather [hbm4b:s6+s12], $0x80, s1, s12, $0xb8;
	[tilespmem:$0x1D000] =	vst v63  }
0x10b: {  	s31 =	rddreg [dreg:$0xe]  }
0x10c: {  	[spmem:s2] =	stream.indirect.scatter.add.f32 [tilespmem:s13], [sflag:$0x5], $0x80, s31, s12, $0xb8;
	[tilespmem:$0x1D000] =	vst v63  }
0x10d: {  	_ =	swait.ge [sflag:s17], $0x2000  }
0x10e: {  	[sflag:s17] =	ssyncset.done $0x0  }
0x10f: {  	[sflag:s17] =	ssyncadd.s32 $0xFFFFE000  }
0x110: {  	_ =	swait.ge [sflag:s18], $0x2000  }
0x111: {  	[sflag:s18] =	ssyncset.done $0x0  }
0x112: {  	s1 =	rddreg [dreg:$0xf];
	[sflag:s18] =	ssyncadd.s32 $0xFFFFE000  }
0x113: {  	[tilespmem:s13], [sflag:$0x1] =	stream.indirect.gather [hbm4b:s6+s12], $0x80, s1, s12, $0xb8;
	[tilespmem:$0x1D000] =	vst v63  }
0x114: {  	s31 =	rddreg [dreg:$0x10]  }
0x115: {  	[spmem:s2] =	stream.indirect.scatter.add.f32 [tilespmem:s19], [sflag:$0x6], $0x80, s31, s12, $0xb8;
	[tilespmem:$0x1D000] =	vst v63  }
0x116: {  	_ =	swait.ge [sflag:s20], $0x2000  }
0x117: {  	[sflag:s20] =	ssyncset.done $0x0  }
0x118: {  	[sflag:s20] =	ssyncadd.s32 $0xFFFFE000  }
0x119: {  	_ =	swait.ge [sflag:s21], $0x2000  }
0x11a: {  	[sflag:s21] =	ssyncset.done $0x0  }
0x11b: {  	s1 =	rddreg [dreg:$0x11];
	[sflag:s21] =	ssyncadd.s32 $0xFFFFE000  }
0x11c: {  	[tilespmem:s19], [sflag:$0x2] =	stream.indirect.gather [hbm4b:s6+s12], $0x80, s1, s12, $0xb8;
	[tilespmem:$0x1D000] =	vst v63  }
0x11d: {  	s31 =	rddreg [dreg:$0x12]  }
0x11e: {  	[spmem:s2] =	stream.indirect.scatter.add.f32 [tilespmem:s14], [sflag:$0x7], $0x80, s31, s12, $0xb8;
	[tilespmem:$0x1D000] =	vst v63  }
0x11f: {  	_ =	swait.ge [sflag:s22], $0x2000  }
0x120: {  	[sflag:s22] =	ssyncset.done $0x0  }
0x121: {  	[sflag:s22] =	ssyncadd.s32 $0xFFFFE000  }
0x122: {  	_ =	swait.ge [sflag:s23], $0x2000  }
0x123: {  	[sflag:s23] =	ssyncset.done $0x0  }
0x124: {  	s1 =	rddreg [dreg:$0x13];
	[sflag:s23] =	ssyncadd.s32 $0xFFFFE000  }
0x125: {  	[tilespmem:s14], [sflag:$0x3] =	stream.indirect.gather [hbm4b:s6+s12], $0x80, s1, s12, $0xb8;
	[tilespmem:$0x1D000] =	vst v63  }
0x126: {  	s31 =	rddreg [dreg:$0x14]  }
0x127: {  	[spmem:s2] =	stream.indirect.scatter.add.f32 [tilespmem:s16], [sflag:$0x8], $0x80, s31, s12, $0xb8;
	[tilespmem:$0x1D000] =	vst v63  }
0x128: {  	_ =	swait.ge [sflag:s15], $0x2000  }
0x129: {  	[sflag:s15] =	ssyncset.done $0x0  }
0x12a: {  	[sflag:s15] =	ssyncadd.s32 $0xFFFFE000  }
0x12b: {  	_ =	swait.ge [sflag:s24], $0x2000  }
0x12c: {  	[sflag:s24] =	ssyncset.done $0x0  }
0x12d: {  	s1 =	rddreg [dreg:$0x15];
	[sflag:s24] =	ssyncadd.s32 $0xFFFFE000  }
0x12e: {  	[tilespmem:s16], [sflag:$0x4] =	stream.indirect.gather [hbm4b:s6+s12], $0x80, s1, s12, $0xb8;
	[tilespmem:$0x1D000] =	vst v63  }
0x12f: {  	s31 =	rddreg [dreg:$0x16]  }
0x130: {  	[spmem:s2] =	stream.indirect.scatter.add.f32 [tilespmem:s13], [sflag:$0x5], $0x80, s31, s12, $0xb8;
	[tilespmem:$0x1D000] =	vst v63  }
0x131: {  	_ =	swait.ge [sflag:s17], $0x2000  }
0x132: {  	[sflag:s17] =	ssyncset.done $0x0  }
0x133: {  	[sflag:s17] =	ssyncadd.s32 $0xFFFFE000  }
0x134: {  	_ =	swait.ge [sflag:s18], $0x2000  }
0x135: {  	[sflag:s18] =	ssyncset.done $0x0  }
0x136: {  	s1 =	rddreg [dreg:$0x17];
	[sflag:s18] =	ssyncadd.s32 $0xFFFFE000  }
0x137: {  	[tilespmem:s13], [sflag:$0x1] =	stream.indirect.gather [hbm4b:s6+s12], $0x80, s1, s12, $0xb8;
	[tilespmem:$0x1D000] =	vst v63  }
0x138: {  	s31 =	rddreg [dreg:$0x18]  }
0x139: {  	[spmem:s2] =	stream.indirect.scatter.add.f32 [tilespmem:s19], [sflag:$0x6], $0x80, s31, s12, $0xb8;
	[tilespmem:$0x1D000] =	vst v63  }
0x13a: {  	_ =	swait.ge [sflag:s20], $0x2000  }
0x13b: {  	[sflag:s20] =	ssyncset.done $0x0  }
0x13c: {  	[sflag:s20] =	ssyncadd.s32 $0xFFFFE000  }
0x13d: {  	_ =	swait.ge [sflag:s21], $0x2000  }
0x13e: {  	[sflag:s21] =	ssyncset.done $0x0  }
0x13f: {  	s1 =	rddreg [dreg:$0x19];
	[sflag:s21] =	ssyncadd.s32 $0xFFFFE000  }
0x140: {  	[tilespmem:s19], [sflag:$0x2] =	stream.indirect.gather [hbm4b:s6+s12], $0x80, s1, s12, $0xb8;
	[tilespmem:$0x1D000] =	vst v63  }
0x141: {  	s31 =	rddreg [dreg:$0x1a]  }
0x142: {  	[spmem:s2] =	stream.indirect.scatter.add.f32 [tilespmem:s14], [sflag:$0x7], $0x80, s31, s12, $0xb8;
	[tilespmem:$0x1D000] =	vst v63  }
0x143: {  	_ =	swait.ge [sflag:s22], $0x2000  }
0x144: {  	[sflag:s22] =	ssyncset.done $0x0  }
0x145: {  	[sflag:s22] =	ssyncadd.s32 $0xFFFFE000  }
0x146: {  	_ =	swait.ge [sflag:s23], $0x2000  }
0x147: {  	[sflag:s23] =	ssyncset.done $0x0  }
0x148: {  	s1 =	rddreg [dreg:$0x1b];
	[sflag:s23] =	ssyncadd.s32 $0xFFFFE000  }
0x149: {  	[tilespmem:s14], [sflag:$0x3] =	stream.indirect.gather [hbm4b:s6+s12], $0x80, s1, s12, $0xb8;
	[tilespmem:$0x1D000] =	vst v63  }
0x14a: {  	s31 =	rddreg [dreg:$0x1c]  }
0x14b: {  	[spmem:s2] =	stream.indirect.scatter.add.f32 [tilespmem:s16], [sflag:$0x8], $0x80, s31, s12, $0xb8;
	[tilespmem:$0x1D000] =	vst v63  }
0x14c: {  	_ =	swait.ge [sflag:s15], $0x2000  }
0x14d: {  	[sflag:s15] =	ssyncset.done $0x0  }
0x14e: {  	[sflag:s15] =	ssyncadd.s32 $0xFFFFE000  }
0x14f: {  	_ =	swait.ge [sflag:s24], $0x2000  }
0x150: {  	[sflag:s24] =	ssyncset.done $0x0  }
0x151: {  	s1 =	rddreg [dreg:$0x1d];
	[sflag:s24] =	ssyncadd.s32 $0xFFFFE000  }
0x152: {  	[tilespmem:s16], [sflag:$0x4] =	stream.indirect.gather [hbm4b:s6+s12], $0x80, s1, s12, $0xb8;
	[tilespmem:$0x1D000] =	vst v63  }
0x153: {  	s31 =	rddreg [dreg:$0x1e]  }
0x154: {  	[spmem:s2] =	stream.indirect.scatter.add.f32 [tilespmem:s13], [sflag:$0x5], $0x80, s31, s12, $0xb8;
	[tilespmem:$0x1D000] =	vst v63  }
0x155: {  	_ =	swait.ge [sflag:s17], $0x2000  }
0x156: {  	[sflag:s17] =	ssyncset.done $0x0  }
0x157: {  	s1 =	rddreg [dreg:$0x1f];
	[sflag:s17] =	ssyncadd.s32 $0xFFFFE000  }
0x158: {  	[spmem:s2] =	stream.indirect.scatter.add.f32 [tilespmem:s19], [sflag:$0x6], $0x80, s1, s12, $0xb8;
	[tilespmem:$0x1D000] =	vst v63  }
0x159: {  	_ =	swait.ge [sflag:s20], $0x2000  }
0x15a: {  	s29 =	sadd.s32 $0x100, s29;
	s31 =	sld [smem:$0x7FD]  }
0x15b: {  	p0 =	sne.s32 s29, $0xA00;
	[sflag:s20] =	ssyncset.done $0x0  }
.Ltmp0:
0x15c: {  	[sflag:s20] =	ssyncadd.s32 $0xFFFFE000;
	(pc) =	sbr.rel @p0 .LBB2_2-.Ltmp0, $4  }
0x15d: {  	[spmem:s2] =	stream.indirect.scatter.add.f32 [tilespmem:s14], [sflag:$0x7], $0x80, s31, s12, $0xb8;
	[tilespmem:$0x1D000] =	vst v63  }
0x15e: {  	_ =	swait.ge [sflag:s22], $0x2000  }
0x15f: {  	[sflag:s22] =	ssyncset.done $0x0  }
0x160: {  	s30 =	rddreg [dreg:$0x4];
	[sflag:s22] =	ssyncadd.s32 $0xFFFFE000  }
0x161: {  	[spmem:s2] =	stream.indirect.scatter.add.f32 [tilespmem:s16], [sflag:$0x8], $0x80, s25, s12, $0xb8;
	[tilespmem:$0x1D000] =	vst v63  }
0x162: {  	s0 =	sadd.s32 s28, s30  }
0x163: {  	[tilespmem:s3], [sflag:$0x9] =	stream.linear.gather [hbm4b:s0+s3], $0x800, $0x38;
	[tilespmem:$0x1D000] =	vst v63  }
0x164: {  	_ =	swait.ge [sflag:s10], $0x800  }
0x165: {  	s1 =	rddreg [dreg:$0x3];
	[sflag:s10] =	ssyncset.done $0x0  }
0x166: {  	[sflag:s10] =	ssyncadd.s32 $0xFFFFF800;
	s0 =	sadd.s32 s28, s1  }
0x167: {  	[tilespmem:s11], [sflag:$0x9] =	stream.linear.gather [hbm4b:s0+s3], $0x800, $0x38;
	[tilespmem:$0x1D000] =	vst v63  }
0x168: {  	_ =	swait.ge [sflag:s10], $0x800  }
0x169: {  	p0 =	seq.s32 s28, $0x0;
	[sflag:s10] =	ssyncset.done $0x0  }
0x16a: {  	s0 =	simm.s32 @!p0 $0x5;
	[sflag:s10] =	ssyncadd.s32 $0xFFFFF800  }
0x16b: {  	_ =	swait.ge @!p0 [sflag:s0], $0x2000  }
0x16c: {  	[sflag:s0] =	ssyncset.done @!p0 $0x0  }
0x16d: {  	[sflag:s0] =	ssyncadd.s32 @!p0 $0xFFFFE000  }
0x16e: {  	[tilespmem:s13], [sflag:$0x1] =	stream.indirect.gather [hbm4b:s6+s12], $0x80, s3, s12, $0xb8;
	[tilespmem:$0x1D000] =	vst v63  }
0x16f: {  	s1 =	simm.s32 @p0 $0x80;
	s28 =	simm.s32 @p0 $0x3000;
	s0 =	simm.s32 @p0 $0x40  }
0x170: {  	[tilespmem:s28], [sflag:$0x2] =	stream.indirect.gather @p0 [hbm4b:s6+s0], $0x80, s1, s0, $0xb8;
	[tilespmem:$0x1D000] =	vst v63  }
0x171: {  	s0 =	simm.s32 @!p0 $0x6  }
0x172: {  	_ =	swait.ge @!p0 [sflag:s0], $0x2000  }
0x173: {  	s1 =	simm.s32 @!p0 $0x3000;
	[sflag:s0] =	ssyncset.done @!p0 $0x0  }
0x174: {  	s28 =	simm.s32 @!p0 $0x80;
	[sflag:s0] =	ssyncadd.s32 @!p0 $0xFFFFE000;
	s0 =	simm.s32 @!p0 $0x40  }
0x175: {  	[tilespmem:s1], [sflag:$0x2] =	stream.indirect.gather @!p0 [hbm4b:s6+s0], $0x80, s28, s0, $0xb8;
	[tilespmem:$0x1D000] =	vst v63  }
0x176: {  	s0 =	simm.s32 @!p0 $0x7  }
0x177: {  	_ =	swait.ge @!p0 [sflag:s0], $0x2000  }
0x178: {  	[sflag:s0] =	ssyncset.done @!p0 $0x0  }
0x179: {  	s28 =	rddreg [dreg:$0x5];
	[sflag:s0] =	ssyncadd.s32 @!p0 $0xFFFFE000  }
0x17a: {  	[tilespmem:s14], [sflag:$0x3] =	stream.indirect.gather [hbm4b:s6+s12], $0x80, s28, s12, $0xb8;
	[tilespmem:$0x1D000] =	vst v63  }
0x17b: {  	_ =	swait.ge [sflag:s15], $0x2000  }
0x17c: {  	[sflag:s15] =	ssyncset.done $0x0  }
0x17d: {  	s0 =	simm.s32 @!p0 $0x8;
	[sflag:s15] =	ssyncadd.s32 $0xFFFFE000  }
0x17e: {  	_ =	swait.ge @!p0 [sflag:s0], $0x2000  }
0x17f: {  	[sflag:s0] =	ssyncset.done @!p0 $0x0  }
0x180: {  	s29 =	rddreg [dreg:$0x6];
	[sflag:s0] =	ssyncadd.s32 @!p0 $0xFFFFE000  }
0x181: {  	[tilespmem:s16], [sflag:$0x4] =	stream.indirect.gather [hbm4b:s6+s12], $0x80, s29, s12, $0xb8;
	[tilespmem:$0x1D000] =	vst v63  }
0x182: {  	_ = 	snop  }
0x183: {  	[spmem:s2] =	stream.indirect.scatter.add.f32 [tilespmem:s13], [sflag:$0x5], $0x80, s11, s12, $0xb8;
	[tilespmem:$0x1D000] =	vst v63  }
0x184: {  	_ =	swait.ge [sflag:s17], $0x2000  }
0x185: {  	[sflag:s17] =	ssyncset.done $0x0  }
0x186: {  	[sflag:s17] =	ssyncadd.s32 $0xFFFFE000  }
0x187: {  	_ =	swait.ge [sflag:s18], $0x2000  }
0x188: {  	[sflag:s18] =	ssyncset.done $0x0  }
0x189: {  	s30 =	rddreg [dreg:$0x7];
	[sflag:s18] =	ssyncadd.s32 $0xFFFFE000  }
0x18a: {  	[tilespmem:s13], [sflag:$0x1] =	stream.indirect.gather [hbm4b:s6+s12], $0x80, s30, s12, $0xb8;
	[tilespmem:$0x1D000] =	vst v63  }
0x18b: {  	s31 =	rddreg [dreg:$0x8]  }
0x18c: {  	[spmem:s2] =	stream.indirect.scatter.add.f32 [tilespmem:s19], [sflag:$0x6], $0x80, s31, s12, $0xb8;
	[tilespmem:$0x1D000] =	vst v63  }
0x18d: {  	_ =	swait.ge [sflag:s20], $0x2000  }
0x18e: {  	[sflag:s20] =	ssyncset.done $0x0  }
0x18f: {  	[sflag:s20] =	ssyncadd.s32 $0xFFFFE000  }
0x190: {  	_ =	swait.ge [sflag:s21], $0x2000  }
0x191: {  	[sflag:s21] =	ssyncset.done $0x0  }
0x192: {  	s28 =	rddreg [dreg:$0x9];
	[sflag:s21] =	ssyncadd.s32 $0xFFFFE000  }
0x193: {  	[tilespmem:s19], [sflag:$0x2] =	stream.indirect.gather [hbm4b:s6+s12], $0x80, s28, s12, $0xb8;
	[tilespmem:$0x1D000] =	vst v63  }
0x194: {  	s29 =	rddreg [dreg:$0xa]  }
0x195: {  	[spmem:s2] =	stream.indirect.scatter.add.f32 [tilespmem:s14], [sflag:$0x7], $0x80, s29, s12, $0xb8;
	[tilespmem:$0x1D000] =	vst v63  }
0x196: {  	_ =	swait.ge [sflag:s22], $0x2000  }
0x197: {  	[sflag:s22] =	ssyncset.done $0x0  }
0x198: {  	[sflag:s22] =	ssyncadd.s32 $0xFFFFE000  }
0x199: {  	_ =	swait.ge [sflag:s23], $0x2000  }
0x19a: {  	[sflag:s23] =	ssyncset.done $0x0  }
0x19b: {  	s30 =	rddreg [dreg:$0xb];
	[sflag:s23] =	ssyncadd.s32 $0xFFFFE000  }
0x19c: {  	[tilespmem:s14], [sflag:$0x3] =	stream.indirect.gather [hbm4b:s6+s12], $0x80, s30, s12, $0xb8;
	[tilespmem:$0x1D000] =	vst v63  }
0x19d: {  	s31 =	rddreg [dreg:$0xc]  }
0x19e: {  	[spmem:s2] =	stream.indirect.scatter.add.f32 [tilespmem:s16], [sflag:$0x8], $0x80, s31, s12, $0xb8;
	[tilespmem:$0x1D000] =	vst v63  }
0x19f: {  	_ =	swait.ge [sflag:s15], $0x2000  }
0x1a0: {  	[sflag:s15] =	ssyncset.done $0x0  }
0x1a1: {  	[sflag:s15] =	ssyncadd.s32 $0xFFFFE000  }
0x1a2: {  	_ =	swait.ge [sflag:s24], $0x2000  }
0x1a3: {  	[sflag:s24] =	ssyncset.done $0x0  }
0x1a4: {  	s28 =	rddreg [dreg:$0xd];
	[sflag:s24] =	ssyncadd.s32 $0xFFFFE000  }
0x1a5: {  	[tilespmem:s16], [sflag:$0x4] =	stream.indirect.gather [hbm4b:s6+s12], $0x80, s28, s12, $0xb8;
	[tilespmem:$0x1D000] =	vst v63  }
0x1a6: {  	s29 =	rddreg [dreg:$0xe]  }
0x1a7: {  	[spmem:s2] =	stream.indirect.scatter.add.f32 [tilespmem:s13], [sflag:$0x5], $0x80, s29, s12, $0xb8;
	[tilespmem:$0x1D000] =	vst v63  }
0x1a8: {  	_ =	swait.ge [sflag:s17], $0x2000  }
0x1a9: {  	[sflag:s17] =	ssyncset.done $0x0  }
0x1aa: {  	[sflag:s17] =	ssyncadd.s32 $0xFFFFE000  }
0x1ab: {  	_ =	swait.ge [sflag:s18], $0x2000  }
0x1ac: {  	[sflag:s18] =	ssyncset.done $0x0  }
0x1ad: {  	s30 =	rddreg [dreg:$0xf];
	[sflag:s18] =	ssyncadd.s32 $0xFFFFE000  }
0x1ae: {  	[tilespmem:s13], [sflag:$0x1] =	stream.indirect.gather [hbm4b:s6+s12], $0x80, s30, s12, $0xb8;
	[tilespmem:$0x1D000] =	vst v63  }
0x1af: {  	s31 =	rddreg [dreg:$0x10]  }
0x1b0: {  	[spmem:s2] =	stream.indirect.scatter.add.f32 [tilespmem:s19], [sflag:$0x6], $0x80, s31, s12, $0xb8;
	[tilespmem:$0x1D000] =	vst v63  }
0x1b1: {  	_ =	swait.ge [sflag:s20], $0x2000  }
0x1b2: {  	[sflag:s20] =	ssyncset.done $0x0  }
0x1b3: {  	[sflag:s20] =	ssyncadd.s32 $0xFFFFE000  }
0x1b4: {  	_ =	swait.ge [sflag:s21], $0x2000  }
0x1b5: {  	[sflag:s21] =	ssyncset.done $0x0  }
0x1b6: {  	s28 =	rddreg [dreg:$0x11];
	[sflag:s21] =	ssyncadd.s32 $0xFFFFE000  }
0x1b7: {  	[tilespmem:s19], [sflag:$0x2] =	stream.indirect.gather [hbm4b:s6+s12], $0x80, s28, s12, $0xb8;
	[tilespmem:$0x1D000] =	vst v63  }
0x1b8: {  	s29 =	rddreg [dreg:$0x12]  }
0x1b9: {  	[spmem:s2] =	stream.indirect.scatter.add.f32 [tilespmem:s14], [sflag:$0x7], $0x80, s29, s12, $0xb8;
	[tilespmem:$0x1D000] =	vst v63  }
0x1ba: {  	_ =	swait.ge [sflag:s22], $0x2000  }
0x1bb: {  	[sflag:s22] =	ssyncset.done $0x0  }
0x1bc: {  	[sflag:s22] =	ssyncadd.s32 $0xFFFFE000  }
0x1bd: {  	_ =	swait.ge [sflag:s23], $0x2000  }
0x1be: {  	[sflag:s23] =	ssyncset.done $0x0  }
0x1bf: {  	s30 =	rddreg [dreg:$0x13];
	[sflag:s23] =	ssyncadd.s32 $0xFFFFE000  }
0x1c0: {  	[tilespmem:s14], [sflag:$0x3] =	stream.indirect.gather [hbm4b:s6+s12], $0x80, s30, s12, $0xb8;
	[tilespmem:$0x1D000] =	vst v63  }
0x1c1: {  	s31 =	rddreg [dreg:$0x14]  }
0x1c2: {  	[spmem:s2] =	stream.indirect.scatter.add.f32 [tilespmem:s16], [sflag:$0x8], $0x80, s31, s12, $0xb8;
	[tilespmem:$0x1D000] =	vst v63  }
0x1c3: {  	_ =	swait.ge [sflag:s15], $0x2000  }
0x1c4: {  	[sflag:s15] =	ssyncset.done $0x0  }
0x1c5: {  	[sflag:s15] =	ssyncadd.s32 $0xFFFFE000  }
0x1c6: {  	_ =	swait.ge [sflag:s24], $0x2000  }
0x1c7: {  	[sflag:s24] =	ssyncset.done $0x0  }
0x1c8: {  	s28 =	rddreg [dreg:$0x15];
	[sflag:s24] =	ssyncadd.s32 $0xFFFFE000  }
0x1c9: {  	[tilespmem:s16], [sflag:$0x4] =	stream.indirect.gather [hbm4b:s6+s12], $0x80, s28, s12, $0xb8;
	[tilespmem:$0x1D000] =	vst v63  }
0x1ca: {  	s29 =	rddreg [dreg:$0x16]  }
0x1cb: {  	[spmem:s2] =	stream.indirect.scatter.add.f32 [tilespmem:s13], [sflag:$0x5], $0x80, s29, s12, $0xb8;
	[tilespmem:$0x1D000] =	vst v63  }
0x1cc: {  	_ =	swait.ge [sflag:s17], $0x2000  }
0x1cd: {  	[sflag:s17] =	ssyncset.done $0x0  }
0x1ce: {  	[sflag:s17] =	ssyncadd.s32 $0xFFFFE000  }
0x1cf: {  	_ =	swait.ge [sflag:s18], $0x2000  }
0x1d0: {  	[sflag:s18] =	ssyncset.done $0x0  }
0x1d1: {  	s30 =	rddreg [dreg:$0x17];
	[sflag:s18] =	ssyncadd.s32 $0xFFFFE000  }
0x1d2: {  	[tilespmem:s13], [sflag:$0x1] =	stream.indirect.gather [hbm4b:s6+s12], $0x80, s30, s12, $0xb8;
	[tilespmem:$0x1D000] =	vst v63  }
0x1d3: {  	s31 =	rddreg [dreg:$0x18]  }
0x1d4: {  	[spmem:s2] =	stream.indirect.scatter.add.f32 [tilespmem:s19], [sflag:$0x6], $0x80, s31, s12, $0xb8;
	[tilespmem:$0x1D000] =	vst v63  }
0x1d5: {  	_ =	swait.ge [sflag:s20], $0x2000  }
0x1d6: {  	[sflag:s20] =	ssyncset.done $0x0  }
0x1d7: {  	[sflag:s20] =	ssyncadd.s32 $0xFFFFE000  }
0x1d8: {  	_ =	swait.ge [sflag:s21], $0x2000  }
0x1d9: {  	[sflag:s21] =	ssyncset.done $0x0  }
0x1da: {  	s28 =	rddreg [dreg:$0x19];
	[sflag:s21] =	ssyncadd.s32 $0xFFFFE000  }
0x1db: {  	[tilespmem:s19], [sflag:$0x2] =	stream.indirect.gather [hbm4b:s6+s12], $0x80, s28, s12, $0xb8;
	[tilespmem:$0x1D000] =	vst v63  }
0x1dc: {  	s29 =	rddreg [dreg:$0x1a]  }
0x1dd: {  	[spmem:s2] =	stream.indirect.scatter.add.f32 [tilespmem:s14], [sflag:$0x7], $0x80, s29, s12, $0xb8;
	[tilespmem:$0x1D000] =	vst v63  }
0x1de: {  	_ =	swait.ge [sflag:s22], $0x2000  }
0x1df: {  	[sflag:s22] =	ssyncset.done $0x0  }
0x1e0: {  	[sflag:s22] =	ssyncadd.s32 $0xFFFFE000  }
0x1e1: {  	_ =	swait.ge [sflag:s23], $0x2000  }
0x1e2: {  	[sflag:s23] =	ssyncset.done $0x0  }
0x1e3: {  	s30 =	rddreg [dreg:$0x1b];
	[sflag:s23] =	ssyncadd.s32 $0xFFFFE000  }
0x1e4: {  	[tilespmem:s14], [sflag:$0x3] =	stream.indirect.gather [hbm4b:s6+s12], $0x80, s30, s12, $0xb8;
	[tilespmem:$0x1D000] =	vst v63  }
0x1e5: {  	s31 =	rddreg [dreg:$0x1c]  }
0x1e6: {  	[spmem:s2] =	stream.indirect.scatter.add.f32 [tilespmem:s16], [sflag:$0x8], $0x80, s31, s12, $0xb8;
	[tilespmem:$0x1D000] =	vst v63  }
0x1e7: {  	_ =	swait.ge [sflag:s15], $0x2000  }
0x1e8: {  	[sflag:s15] =	ssyncset.done $0x0  }
0x1e9: {  	[sflag:s15] =	ssyncadd.s32 $0xFFFFE000  }
0x1ea: {  	_ =	swait.ge [sflag:s24], $0x2000  }
0x1eb: {  	[sflag:s24] =	ssyncset.done $0x0  }
0x1ec: {  	s28 =	rddreg [dreg:$0x1d];
	[sflag:s24] =	ssyncadd.s32 $0xFFFFE000  }
0x1ed: {  	[tilespmem:s16], [sflag:$0x4] =	stream.indirect.gather [hbm4b:s6+s12], $0x80, s28, s12, $0xb8;
	[tilespmem:$0x1D000] =	vst v63  }
0x1ee: {  	s29 =	rddreg [dreg:$0x1e]  }
0x1ef: {  	[spmem:s2] =	stream.indirect.scatter.add.f32 [tilespmem:s13], [sflag:$0x5], $0x80, s29, s12, $0xb8;
	[tilespmem:$0x1D000] =	vst v63  }
0x1f0: {  	_ =	swait.ge [sflag:s17], $0x2000  }
0x1f1: {  	[sflag:s17] =	ssyncset.done $0x0  }
0x1f2: {  	s30 =	rddreg [dreg:$0x1f];
	[sflag:s17] =	ssyncadd.s32 $0xFFFFE000  }
0x1f3: {  	[spmem:s2] =	stream.indirect.scatter.add.f32 [tilespmem:s19], [sflag:$0x6], $0x80, s30, s12, $0xb8;
	[tilespmem:$0x1D000] =	vst v63  }
0x1f4: {  	_ =	swait.ge [sflag:s20], $0x2000  }
0x1f5: {  	s31 =	sld [smem:$0x7FD]  }
0x1f6: {  	[sflag:s20] =	ssyncset.done $0x0  }
0x1f7: {  	[sflag:s20] =	ssyncadd.s32 $0xFFFFE000  }
0x1f8: {  	[spmem:s2] =	stream.indirect.scatter.add.f32 [tilespmem:s14], [sflag:$0x7], $0x80, s31, s12, $0xb8;
	[tilespmem:$0x1D000] =	vst v63  }
0x1f9: {  	_ =	swait.ge [sflag:s22], $0x2000  }
0x1fa: {  	[sflag:s22] =	ssyncset.done $0x0  }
0x1fb: {  	[sflag:s22] =	ssyncadd.s32 $0xFFFFE000  }
0x1fc: {  	[spmem:s2] =	stream.indirect.scatter.add.f32 [tilespmem:s16], [sflag:$0x8], $0x80, s25, s12, $0xb8;
	[tilespmem:$0x1D000] =	vst v63  }
0x1fd: {  	_ =	swait.ge [sflag:s18], $0x2000  }
0x1fe: {  	[sflag:s18] =	ssyncset.done $0x0  }
0x1ff: {  	[sflag:s18] =	ssyncadd.s32 $0xFFFFE000  }
0x200: {  	_ =	swait.ge [sflag:s21], $0x2000  }
0x201: {  	[sflag:s21] =	ssyncset.done $0x0  }
0x202: {  	[sflag:s21] =	ssyncadd.s32 $0xFFFFE000  }
0x203: {  	_ =	swait.ge [sflag:s23], $0x2000  }
0x204: {  	[sflag:s23] =	ssyncset.done $0x0  }
0x205: {  	[sflag:s23] =	ssyncadd.s32 $0xFFFFE000  }
0x206: {  	_ =	swait.ge [sflag:s24], $0x2000  }
0x207: {  	s26 =	sadd.s32 $0x1, s26;
	[sflag:s24] =	ssyncset.done $0x0  }
0x208: {  	p0 =	sne.s32 s26, s8;
	[sflag:s24] =	ssyncadd.s32 $0xFFFFE000  }
.Ltmp1:
0x209: {  	[bflag:$0x0] =	sbarrier.arrive $0xFFFF;
	(pc) =	sbr.rel @p0 .LBB2_1-.Ltmp1, $4  }
0x20a: {  	[hbm:s7], [sflag:s5] =	dma.local [spmem:s9], $0x2800  }
0x20b: {  	_ =	swait.ge [sflag:s10], $0x2800  }
0x20c: {  	[sflag:s10] =	ssyncset.done $0x0  }
0x20d: {  	[sflag:s10] =	ssyncadd.s32 $0xFFFFD800  }
0x20e: {  	_ =	sfence.sel $0x180000  }
0x20f: {  	[bflag:$0x0] =	sbarrier.arrive $0xFFFF  }
0x210: {  	_ =	strace $0x9000004A  }
0x211: {  	s0 =	stileid.u32;
	[bflag:$0x2] =	sbarrier.arrive $0xFFFF  }
0x212: {  	p0 =	sne.s32 s0, $0x0;
	s0 =	rddreg [dreg:$0x2]  }
0x213: {  	s0 =	sadd.s32 @!p0 $0x100000, s0  }
0x214: {  	[sflag:s0] =	ssyncadd.tile.s32 @!p0 $0x1;
	_ =	shalt  }
.Lfunc_end2:
_tile_overlayer_lowered:
.L_overlay_start_2:
0x215: {  	(tag) =	ssettag $0x2  }
0x216: {  	s0 =	rddreg [dreg:$0x0];
	s2 =	stileid.u32  }
0x217: {  	s1 =	rddreg [dreg:$0x1];
	p0 =	sne.s32 s2, $0x0  }
0x218: {  	s3 =	rddreg [dreg:$0x2];
	[bflag:$0x3] =	sbarrier.arrive $0xFFFF;
	s2 =	simm.s32 @!p0 $0x1C09  }
0x219: {  	[timem:s3], [sflag:s2] =	dma.local @!p0 [hbm:s0], s1  }
0x21a: {  	s0 =	simm.s32 @!p0 $0x9  }
0x21b: {  	_ =	swait.ge @!p0 [sflag:s0], s1  }
0x21c: {  	s1 =	ssub.s32 @!p0 $0x0, s1;
	[sflag:s0] =	ssyncset.done @!p0 $0x0  }
0x21d: {  	[sflag:s0] =	ssyncadd.s32 @!p0 s1  }
0x21e: {  	[bflag:$0x3] =	sbarrier.arrive $0xFFFF  }
0x21f: {  	_ =	shalt  }

// kernel: kernel.15.cloned.1.call-start
scs
__scs_entry_jumppad:
0x0: {  	(pc) =	sbr.rel $0x88, $3  }
0x1: {  	(tag) =	ssettag $0x0;
	lr =	simm.s32 $0x1  }
0x2: {  	[smem:$0x3F89] =	sst lr;
	_ =	strace $0xD0000000  }
0x3: {  	_ = 	snop  }
0x4: {  	_ = 	snop  }
0x5: {  	_ = 	snop  }
0x6: {  	_ = 	snop  }
0x7: {  	_ = 	snop  }
__scs_overlays_trampoline_lowered:
0x8: {  	[smem:$0x3F98] =	sst s0  }
0x9: {  	[smem:$0x3F99] =	sst s1  }
0xa: {  	[smem:$0x3F9A] =	sst s2  }
0xb: {  	[smem:$0x3F9B] =	sst s3  }
0xc: {  	[smem:$0x3F9C] =	sst s4  }
0xd: {  	[smem:$0x3F9D] =	sst s5  }
0xe: {  	[smem:$0x3F9E] =	sst s6  }
0xf: {  	[smem:$0x3F9F] =	sst s7  }
0x10: {  	[smem:$0x3FA0] =	sst s8  }
0x11: {  	[smem:$0x3FA1] =	sst s9;
	s0 =	simm.s32 @!p0 $0x0  }
0x12: {  	s1 =	sld [smem:$0x3F87];
	s0 =	simm.s32 @p0 $0x1  }
0x13: {  	[smem:$0x3FA2] =	sst s0;
	s0 =	simm.s32 @!p1 $0x0  }
0x14: {  	s2 =	sld [smem:$0x3F86];
	s0 =	simm.s32 @p1 $0x1  }
0x15: {  	[smem:$0x3FA3] =	sst s0;
	s0 =	simm.s32 @!p2 $0x0  }
0x16: {  	s3 =	sld [smem:$0x3FDB];
	s0 =	simm.s32 @p2 $0x1  }
0x17: {  	s4 =	simm.s32 $0x1BF5;
	[smem:$0x3FA5] =	sst s0  }
0x18: {  	s0 =	sld [smem:$0x3F88];
	_ =	swait.ge [sflag:s4], $0x0  }
0x19: {  	s7 =	sld [smem:$0x3F89]  }
0x1a: {  	s8 =	sadd.s32 $0xFFFFE003, lr  }
0x1b: {  	s9 =	sadd.s32 $0xFFFFFEF7, lr;
	s5 =	simm.s32 $0xFFFFFFFF;
	p2 =	slt.u32 s8, $0xFFFFF086  }
0x1c: {  	p1 =	slt.u32 s9, $0xF7A;
	s5 =	simm.s32 @!p2 $0x0  }
0x1d: {  	s5 =	simm.s32 @p1 $0x1;
	p0 =	seq.s32 s7, s2  }
0x1e: {  	s7 =	smul.u32 @!p0 $0xF7A, s2;
	p2 =	seq.s32 @!p0 s5, $0x0  }
0x1f: {  	s9 =	smul.u32 $0xF7A, s1;
	s8 =	simm.s32 @!p0 $0x1BF5;
	p2 =	por !p2, p0  }
0x20: {  	[sflag:s8] =	ssyncset.s32 @!p0 $0xFFFFF086;
	s6 =	sadd.s32 @!p0 s3, s7;
	s7 =	simm.s32 @!p0 $0x108  }
0x21: {  	s3 =	sadd.s32 s3, s9;
	s6 =	sadd.s32 @!p0 $0x88, s6;
	s7 =	simm.s32 @p2 $0x1082  }
0x22: {  	[simem:s7], [sflag:s8] =	dma.local @!p0 [hbm:s6], $0xF7A  }
0x23: {  	s9 =	sor.u32 $0xD0000000, s2;
	s6 =	simm.s32 $0x108;
	_ =	swait.ge @!p0 [sflag:s8], $0x0  }
0x24: {  	s3 =	sadd.s32 $0x88, s3;
	s6 =	simm.s32 @!p1 $0x1082;
	[sflag:s4] =	ssyncset.s32 $0xFFFFF086  }
0x25: {  	[simem:s6], [sflag:s4] =	dma.local [hbm:s3], $0xF7A  }
0x26: {  	[smem:$0x3F89] =	sst s1;
	(tag) =	ssettag s2;
	_ =	strace s9  }
0x27: {  	s1 =	sld [smem:$0x3F99]  }
0x28: {  	s2 =	sld [smem:$0x3F9A]  }
0x29: {  	s4 =	sld [smem:$0x3F9C]  }
0x2a: {  	p0 =	seq.s32 s5, $0x0;
	s5 =	sld [smem:$0x3F9D]  }
0x2b: {  	s6 =	sld [smem:$0x3F9E]  }
0x2c: {  	s7 =	sld [smem:$0x3F9F]  }
0x2d: {  	s3 =	simm.s32 $0x108;
	s8 =	sld [smem:$0x3FA0]  }
0x2e: {  	s3 =	simm.s32 @!p0 $0x1082;
	s9 =	sld [smem:$0x3FA1]  }
0x2f: {  	lr =	sadd.s32 s0, s3;
	s0 =	sld [smem:$0x3F98]  }
0x30: {  	s3 =	sld [smem:$0x3F9B]  }
0x31: {  	[smem:$0x3FA4] =	sst s10  }
0x32: {  	s10 =	sld [smem:$0x3FA2];
	_ =	sdelay $0x3  }
0x33: {  	p0 =	seq.s32 s10, $0x1;
	s10 =	sld [smem:$0x3FA4];
	_ =	sdelay $0x3  }
0x34: {  	[smem:$0x3FA4] =	sst s10  }
0x35: {  	s10 =	sld [smem:$0x3FA3];
	_ =	sdelay $0x3  }
0x36: {  	p1 =	seq.s32 s10, $0x1;
	s10 =	sld [smem:$0x3FA4];
	_ =	sdelay $0x3  }
0x37: {  	[smem:$0x3FA4] =	sst s10  }
0x38: {  	s10 =	sld [smem:$0x3FA5]  }
0x39: {  	_ = 	snop;
	(pc) =	sbr.ind lr, $3  }
0x3a: {  	_ = 	snop  }
0x3b: {  	_ = 	snop  }
0x3c: {  	p2 =	seq.s32 s10, $0x1;
	s10 =	sld [smem:$0x3FA4]  }
0x3d: {  	_ =	shalt  }
0x3e: {  	_ =	shalt  }
0x3f: {  	_ =	shalt  }
0x40: {  	_ =	shalt  }
0x41: {  	_ =	shalt  }
0x42: {  	_ =	shalt  }
0x43: {  	_ =	shalt  }
0x44: {  	_ =	shalt  }
0x45: {  	_ =	shalt  }
0x46: {  	_ =	shalt  }
0x47: {  	_ =	shalt  }
0x48: {  	_ =	shalt  }
0x49: {  	_ =	shalt  }
0x4a: {  	_ =	shalt  }
0x4b: {  	_ =	shalt  }
0x4c: {  	_ =	shalt  }
0x4d: {  	_ =	shalt  }
0x4e: {  	_ =	shalt  }
0x4f: {  	_ =	shalt  }
0x50: {  	_ =	shalt  }
0x51: {  	_ =	shalt  }
0x52: {  	_ =	shalt  }
0x53: {  	_ =	shalt  }
0x54: {  	_ =	shalt  }
0x55: {  	_ =	shalt  }
0x56: {  	_ =	shalt  }
0x57: {  	_ =	shalt  }
0x58: {  	_ =	shalt  }
0x59: {  	_ =	shalt  }
0x5a: {  	_ =	shalt  }
0x5b: {  	_ =	shalt  }
0x5c: {  	_ =	shalt  }
0x5d: {  	_ =	shalt  }
0x5e: {  	_ =	shalt  }
0x5f: {  	_ =	shalt  }
0x60: {  	_ =	shalt  }
0x61: {  	_ =	shalt  }
0x62: {  	_ =	shalt  }
0x63: {  	_ =	shalt  }
0x64: {  	_ =	shalt  }
0x65: {  	_ =	shalt  }
0x66: {  	_ =	shalt  }
0x67: {  	_ =	shalt  }
0x68: {  	_ =	shalt  }
0x69: {  	_ =	shalt  }
0x6a: {  	_ =	shalt  }
0x6b: {  	_ =	shalt  }
0x6c: {  	_ =	shalt  }
0x6d: {  	_ =	shalt  }
0x6e: {  	_ =	shalt  }
0x6f: {  	_ =	shalt  }
0x70: {  	_ =	shalt  }
0x71: {  	_ =	shalt  }
0x72: {  	_ =	shalt  }
0x73: {  	_ =	shalt  }
0x74: {  	_ =	shalt  }
0x75: {  	_ =	shalt  }
0x76: {  	_ =	shalt  }
0x77: {  	_ =	shalt  }
0x78: {  	_ =	shalt  }
0x79: {  	_ =	shalt  }
0x7a: {  	_ =	shalt  }
0x7b: {  	_ =	shalt  }
0x7c: {  	_ =	shalt  }
0x7d: {  	_ =	shalt  }
0x7e: {  	_ =	shalt  }
0x7f: {  	_ =	shalt  }
0x80: {  	_ =	shalt  }
0x81: {  	_ =	shalt  }
0x82: {  	_ =	shalt  }
0x83: {  	_ =	shalt  }
0x84: {  	_ =	shalt  }
0x85: {  	_ =	shalt  }
0x86: {  	_ =	shalt  }
0x87: {  	_ =	shalt  }
.Lfunc_end0:
.L_simem_size_0:
called_computation.2_lowered:
.L_overlay_start_0:
0x88: {  	s2 =	sld [smem:$0x3FD9]  }
0x89: {  	s3 =	sld [smem:$0x3FFE];
	_ =	sdelay $0x1  }
0x8a: {  	s1 =	srdreg.scid  }
0x8b: {  	s0 =	sand.u32 $0x1, s1  }
0x8c: {  	s17 =	sshll.u32 s0, $0xA;
	s2 =	sadd.s32 s3, s2  }
0x8d: {  	s2 =	sadd.s32 s2, s17  }
0x8e: {  	[smem:$0x3FB0] =	sst s2  }
0x8f: {  	_ = 	snop  }
0x90: {  	s2 =	sld [smem:$0x3FC7];
	(tm) =	ssettm $0x1  }
0x91: {  	s18 =	sld [smem:$0x3FFB];
	_ =	sdelay $0x3  }
0x92: {  	_ =	strace s18  }
0x93: {  	s3 =	sld [smem:$0x3FFC];
	_ =	sdelay $0x3  }
0x94: {  	_ =	strace s3  }
0x95: {  	s3 =	sld [smem:$0x3FFD];
	_ =	sdelay $0x3  }
0x96: {  	_ =	strace s3  }
0x97: {  	_ =	strace $0x8FFFFFFF  }
0x98: {  	s19 =	sld [smem:$0x3FDB];
	_ =	sdelay $0x1  }
0x99: {  	s4 =	simm.s32 $_scs_section_size  }
0x9a: {  	s5 =	simm.s32 $_size__tile_overlayer_lowered;
	s6 =	simm.s32 $_tile_overlayer_lowered  }
0x9b: {  	s22 =	simm.s32 $0x1BFF;
	s21 =	sshll.u32 s6, $0x1;
	s3 =	sadd.s32 s4, s19  }
0x9c: {  	s7 =	simm.s32 $0x0;
	s20 =	sshll.u32 s5, $0x1;
	s5 =	sadd.s32 s21, s3  }
0x9d: {  	[timem:s7], [sflag:s22] =	dma.local [hbm:s5], s20  }
0x9e: {  	_ =	swait.ge [sflag:s22], s20  }
0x9f: {  	s4 =	ssub.s32 $0x0, s20;
	[sflag:s22] =	ssyncset.done $0x0  }
0xa0: {  	[sflag:s22] =	ssyncadd.s32 s4;
	_ =	sdelay $0x1  }
0xa1: {  	s23 =	simm.s32 $0x1B8B  }
0xa2: {  	_ =	swait.ge [sflag:s23], $0x1  }
0xa3: {  	[sflag:s23] =	ssyncset.done $0x0  }
0xa4: {  	s25 =	simm.s32 $0x1B8E;
	s24 =	sld [smem:$0x3FFE];
	[sflag:s23] =	ssyncadd.s32 $0xFFFFFFFF  }
0xa5: {  	s26 =	simm.s32 $execute0_lowered;
	[smem:$0x3FD2] =	sst s25  }
0xa6: {  	s5 =	sshll.u32 s26, $0x1;
	_ =	strace $0x8000004C;
	[dreg:$0x1] =	wrdreg $0xFFFFFFFF  }
0xa7: {  	s28 =	simm.s32 $_size_execute0_lowered;
	s3 =	sadd.s32 s3, s5;
	[dreg:$0x0] =	wrdreg $0x0  }
0xa8: {  	s5 =	sshll.u32 s28, $0x1;
	[dreg:$0x2] =	wrdreg s3  }
0xa9: {  	[dreg:$0x3] =	wrdreg s5  }
0xaa: {  	[dreg:$0x4] =	wrdreg $0xC0  }
0xab: {  	_ =	task [dreg:s7], $0x5FFFF  }
0xac: {  	[dreg:$0x1] =	wrdreg $0xFFFFFFFF  }
0xad: {  	[dreg:$0x0] =	wrdreg $0x60  }
0xae: {  	[dreg:$0x2] =	wrdreg s24  }
0xaf: {  	[dreg:$0x3] =	wrdreg s2  }
0xb0: {  	[dreg:$0x4] =	wrdreg $0x9  }
0xb1: {  	_ =	task.clear_ibuf [dreg:s7], $0x5FFFF;
	_ =	strace $0x9000004C  }
0xb2: {  	s29 =	simm.s32 $0x9;
	_ =	strace $0x8000004E  }
0xb3: {  	_ =	swait.ge [sflag:s29], $0x1  }
0xb4: {  	[sflag:s29] =	ssyncadd.s32 $0xFFFFFFFF  }
0xb5: {  	_ =	strace $0x9000004E  }
0xb6: {  	_ =	sfence  }
0xb7: {  	s30 =	sld [smem:$0x0];
	_ =	sdelay $0x2  }
0xb8: {  	s31 =	sshll.u32 s1, $0xD;
	s1 =	sshrl.u32 s1, $0x2  }
0xb9: {  	s3 =	sand.u32 $0x4000, s31;
	s1 =	sadd.s32 s1, s30  }
0xba: {  	s0 =	sor.u32 s3, s0;
	s1 =	sshll.u32 s1, $0x11  }
0xbb: {  	s0 =	sor.u32 s1, s0  }
0xbc: {  	s0 =	sadd.s32 $0x8F2B, s0  }
0xbd: {  	[sflag:s0] =	ssyncadd.remote.s32 $0x1  }
0xbe: {  	_ =	sfence.sel $0xFFFF  }
0xbf: {  	[dreg:$0x0] =	wrdreg $0xFFFFFFFF;
	(pc) =	sbr.abs _section_cstart, $3  }
0xc0: {  	[dreg:$0x1] =	wrdreg $0xFFFFFFFF  }
0xc1: {  	_ =	task.clear_ibuf [dreg:s7], $0x2FFFF;
	_ =	strace $0x9FFFFFFF  }
0xc2: {  	(tm) =	ssettm $0x7FFFFFFF  }
0xc3: {  	_ =	shalt  }
tec
execute0_lowered:
.L_overlay_start_1:
0x0: {  	(tag) =	ssettag $0x1  }
0x1: {  	s1 =	srdreg.scid  }
0x2: {  	s8 =	rddreg [dreg:$0x0];
	s0 =	stileid.u32  }
0x3: {  	s3 =	rddreg [dreg:$0x1];
	s2 =	simm.s32 $0x0;
	s6 =	sand.u32 $0x1, s1  }
0x4: {  	s5 =	sshll.u32 s0, $0x7;
	s1 =	rddreg [dreg:$0x2];
	s4 =	sshll.u32 s6, $0xB  }
0x5: {  	s7 =	simm.s32 $0x1;
	[smem:$0x7FF] =	sst s2;
	s9 =	sor.u32 s5, s4  }
0x6: {  	_ =	strace $0x8000004D;
	s10 =	ssub.s32 $0x2, s6;
	s4 =	sshrl.u32 s9, $0x3  }
0x7: {  	s6 =	simm.s32 $0x80;
	s4 =	sadd.s32 s3, s4;
	s3 =	simm.s32 $0x2  }
0x8: {  	[tilespmem:s2], [sflag:$0x2] =	stream.linear.gather [hbm4b:s4+s2], $0x80, $0x38;
	[tilespmem:$0x4080] =	vst v63  }
0x9: {  	s5 =	sadd.s32 $0x4A00, s8;
	s11 =	sshrl.u32 s10, $0x1;
	_ =	swait.ge [sflag:s3], $0x80  }
0xa: {  	s9 =	sshll.u32 s9, $0x4;
	s31 =	ssub.s32 s10, s11;
	[sflag:s3] =	ssyncset.done $0x0  }
0xb: {  	s8 =	sadd.s32 s9, s8;
	s9 =	smax.u32 s31, $0x1;
	[sflag:s3] =	ssyncadd.s32 $0xFFFFFF80  }
0xc: {  	[tilespmem:s6], [sflag:$0x1] =	stream.indirect.gather [hbm4b:s5+s6], $0x80, s2, s6, $0xb8;
	[tilespmem:$0x4080] =	vst v63  }
0xd: {  	p0 =	sne.s32 s9, $0x1;
	_ =	swait.ge [sflag:s7], $0x4000  }
.Ltmp0:
0xe: {  	[sflag:s7] =	ssyncset.done $0x0;
	(pc) =	sbr.rel @!p0 .LBB2_2-.Ltmp0, $4  }
0xf: {  	s8 =	sadd.s32 $0x2BC00, s8;
	[sflag:s7] =	ssyncadd.s32 $0xFFFFC000  }
0x10: {  	[hbm4b:s8+s2] =	stream.linear.scatter [tilespmem:s6], [sflag:$0x2], $0x4000, $0x38;
	[tilespmem:$0x4080] =	vst v63  }
0x11: {  	_ =	swait.ge [sflag:s3], $0x4000  }
0x12: {  	s9 =	sadd.s32 $0xFFFFFFFF, s9;
	[sflag:s3] =	ssyncset.done $0x0  }
.LBB2_1:
0x13: {  	p0 =	sne.s32 s9, $0x1;
	s9 =	sadd.s32 $0xFFFFFFFF, s9;
	[sflag:s3] =	ssyncadd.s32 $0xFFFFC000  }
0x14: {  	[tilespmem:s2], [sflag:$0x2] =	stream.linear.gather [hbm4b:s4+s2], $0x80, $0x38;
	[tilespmem:$0x4080] =	vst v63  }
0x15: {  	_ =	swait.ge [sflag:s3], $0x80  }
0x16: {  	[sflag:s3] =	ssyncset.done $0x0  }
0x17: {  	[sflag:s3] =	ssyncadd.s32 $0xFFFFFF80  }
0x18: {  	[tilespmem:s6], [sflag:$0x1] =	stream.indirect.gather [hbm4b:s5+s6], $0x80, s2, s6, $0xb8;
	[tilespmem:$0x4080] =	vst v63  }
0x19: {  	_ =	swait.ge [sflag:s7], $0x4000  }
.Ltmp1:
0x1a: {  	[sflag:s7] =	ssyncset.done $0x0;
	(pc) =	sbr.rel @p0 .LBB2_1-.Ltmp1, $4  }
0x1b: {  	[sflag:s7] =	ssyncadd.s32 $0xFFFFC000  }
0x1c: {  	[hbm4b:s8+s2] =	stream.linear.scatter [tilespmem:s6], [sflag:$0x2], $0x4000, $0x38;
	[tilespmem:$0x4080] =	vst v63  }
0x1d: {  	_ =	swait.ge [sflag:s3], $0x4000  }
0x1e: {  	[sflag:s3] =	ssyncset.done $0x0  }
.LBB2_2:
0x1f: {  	[sflag:s3] =	ssyncadd.s32 $0xFFFFC000  }
0x20: {  	_ =	sfence.sel $0x180000  }
0x21: {  	[bflag:$0x0] =	sbarrier.arrive $0xFFFF  }
0x22: {  	p0 =	sne.s32 s0, $0x0;
	_ =	strace $0x9000004D  }
0x23: {  	s0 =	sadd.s32 @!p0 $0x100000, s1;
	[bflag:$0x2] =	sbarrier.arrive $0xFFFF  }
0x24: {  	[sflag:s0] =	ssyncadd.tile.s32 @!p0 $0x1;
	_ =	shalt  }
.Lfunc_end2:
_tile_overlayer_lowered:
.L_overlay_start_2:
0x25: {  	(tag) =	ssettag $0x2  }
0x26: {  	s0 =	rddreg [dreg:$0x0];
	s2 =	stileid.u32  }
0x27: {  	s1 =	rddreg [dreg:$0x1];
	p0 =	sne.s32 s2, $0x0  }
0x28: {  	s3 =	rddreg [dreg:$0x2];
	[bflag:$0x3] =	sbarrier.arrive $0xFFFF;
	s2 =	simm.s32 @!p0 $0x1C02  }
0x29: {  	[timem:s3], [sflag:s2] =	dma.local @!p0 [hbm:s0], s1  }
0x2a: {  	s0 =	simm.s32 @!p0 $0x2  }
0x2b: {  	_ =	swait.ge @!p0 [sflag:s0], s1  }
0x2c: {  	s1 =	ssub.s32 @!p0 $0x0, s1;
	[sflag:s0] =	ssyncset.done @!p0 $0x0  }
0x2d: {  	[sflag:s0] =	ssyncadd.s32 @!p0 s1  }
0x2e: {  	[bflag:$0x3] =	sbarrier.arrive $0xFFFF  }
0x2f: {  	_ =	shalt  }

// kernel: kernel.9.cloned.1.call-start
scs
__scs_entry_jumppad:
0x0: {  	(pc) =	sbr.rel $0x88, $3  }
0x1: {  	(tag) =	ssettag $0x0;
	lr =	simm.s32 $0x1  }
0x2: {  	[smem:$0x3F89] =	sst lr;
	_ =	strace $0xD0000000  }
0x3: {  	_ = 	snop  }
0x4: {  	_ = 	snop  }
0x5: {  	_ = 	snop  }
0x6: {  	_ = 	snop  }
0x7: {  	_ = 	snop  }
__scs_overlays_trampoline_lowered:
0x8: {  	[smem:$0x3F98] =	sst s0  }
0x9: {  	[smem:$0x3F99] =	sst s1  }
0xa: {  	[smem:$0x3F9A] =	sst s2  }
0xb: {  	[smem:$0x3F9B] =	sst s3  }
0xc: {  	[smem:$0x3F9C] =	sst s4  }
0xd: {  	[smem:$0x3F9D] =	sst s5  }
0xe: {  	[smem:$0x3F9E] =	sst s6  }
0xf: {  	[smem:$0x3F9F] =	sst s7  }
0x10: {  	[smem:$0x3FA0] =	sst s8  }
0x11: {  	[smem:$0x3FA1] =	sst s9;
	s0 =	simm.s32 @!p0 $0x0  }
0x12: {  	s1 =	sld [smem:$0x3F87];
	s0 =	simm.s32 @p0 $0x1  }
0x13: {  	[smem:$0x3FA2] =	sst s0;
	s0 =	simm.s32 @!p1 $0x0  }
0x14: {  	s2 =	sld [smem:$0x3F86];
	s0 =	simm.s32 @p1 $0x1  }
0x15: {  	[smem:$0x3FA3] =	sst s0;
	s0 =	simm.s32 @!p2 $0x0  }
0x16: {  	s3 =	sld [smem:$0x3FDB];
	s0 =	simm.s32 @p2 $0x1  }
0x17: {  	s4 =	simm.s32 $0x1BF5;
	[smem:$0x3FA5] =	sst s0  }
0x18: {  	s0 =	sld [smem:$0x3F88];
	_ =	swait.ge [sflag:s4], $0x0  }
0x19: {  	s7 =	sld [smem:$0x3F89]  }
0x1a: {  	s8 =	sadd.s32 $0xFFFFE003, lr  }
0x1b: {  	s9 =	sadd.s32 $0xFFFFFEF7, lr;
	s5 =	simm.s32 $0xFFFFFFFF;
	p2 =	slt.u32 s8, $0xFFFFF086  }
0x1c: {  	p1 =	slt.u32 s9, $0xF7A;
	s5 =	simm.s32 @!p2 $0x0  }
0x1d: {  	s5 =	simm.s32 @p1 $0x1;
	p0 =	seq.s32 s7, s2  }
0x1e: {  	s7 =	smul.u32 @!p0 $0xF7A, s2;
	p2 =	seq.s32 @!p0 s5, $0x0  }
0x1f: {  	s9 =	smul.u32 $0xF7A, s1;
	s8 =	simm.s32 @!p0 $0x1BF5;
	p2 =	por !p2, p0  }
0x20: {  	[sflag:s8] =	ssyncset.s32 @!p0 $0xFFFFF086;
	s6 =	sadd.s32 @!p0 s3, s7;
	s7 =	simm.s32 @!p0 $0x108  }
0x21: {  	s3 =	sadd.s32 s3, s9;
	s6 =	sadd.s32 @!p0 $0x88, s6;
	s7 =	simm.s32 @p2 $0x1082  }
0x22: {  	[simem:s7], [sflag:s8] =	dma.local @!p0 [hbm:s6], $0xF7A  }
0x23: {  	s9 =	sor.u32 $0xD0000000, s2;
	s6 =	simm.s32 $0x108;
	_ =	swait.ge @!p0 [sflag:s8], $0x0  }
0x24: {  	s3 =	sadd.s32 $0x88, s3;
	s6 =	simm.s32 @!p1 $0x1082;
	[sflag:s4] =	ssyncset.s32 $0xFFFFF086  }
0x25: {  	[simem:s6], [sflag:s4] =	dma.local [hbm:s3], $0xF7A  }
0x26: {  	[smem:$0x3F89] =	sst s1;
	(tag) =	ssettag s2;
	_ =	strace s9  }
0x27: {  	s1 =	sld [smem:$0x3F99]  }
0x28: {  	s2 =	sld [smem:$0x3F9A]  }
0x29: {  	s4 =	sld [smem:$0x3F9C]  }
0x2a: {  	p0 =	seq.s32 s5, $0x0;
	s5 =	sld [smem:$0x3F9D]  }
0x2b: {  	s6 =	sld [smem:$0x3F9E]  }
0x2c: {  	s7 =	sld [smem:$0x3F9F]  }
0x2d: {  	s3 =	simm.s32 $0x108;
	s8 =	sld [smem:$0x3FA0]  }
0x2e: {  	s3 =	simm.s32 @!p0 $0x1082;
	s9 =	sld [smem:$0x3FA1]  }
0x2f: {  	lr =	sadd.s32 s0, s3;
	s0 =	sld [smem:$0x3F98]  }
0x30: {  	s3 =	sld [smem:$0x3F9B]  }
0x31: {  	[smem:$0x3FA4] =	sst s10  }
0x32: {  	s10 =	sld [smem:$0x3FA2];
	_ =	sdelay $0x3  }
0x33: {  	p0 =	seq.s32 s10, $0x1;
	s10 =	sld [smem:$0x3FA4];
	_ =	sdelay $0x3  }
0x34: {  	[smem:$0x3FA4] =	sst s10  }
0x35: {  	s10 =	sld [smem:$0x3FA3];
	_ =	sdelay $0x3  }
0x36: {  	p1 =	seq.s32 s10, $0x1;
	s10 =	sld [smem:$0x3FA4];
	_ =	sdelay $0x3  }
0x37: {  	[smem:$0x3FA4] =	sst s10  }
0x38: {  	s10 =	sld [smem:$0x3FA5]  }
0x39: {  	_ = 	snop;
	(pc) =	sbr.ind lr, $3  }
0x3a: {  	_ = 	snop  }
0x3b: {  	_ = 	snop  }
0x3c: {  	p2 =	seq.s32 s10, $0x1;
	s10 =	sld [smem:$0x3FA4]  }
0x3d: {  	_ =	shalt  }
0x3e: {  	_ =	shalt  }
0x3f: {  	_ =	shalt  }
0x40: {  	_ =	shalt  }
0x41: {  	_ =	shalt  }
0x42: {  	_ =	shalt  }
0x43: {  	_ =	shalt  }
0x44: {  	_ =	shalt  }
0x45: {  	_ =	shalt  }
0x46: {  	_ =	shalt  }
0x47: {  	_ =	shalt  }
0x48: {  	_ =	shalt  }
0x49: {  	_ =	shalt  }
0x4a: {  	_ =	shalt  }
0x4b: {  	_ =	shalt  }
0x4c: {  	_ =	shalt  }
0x4d: {  	_ =	shalt  }
0x4e: {  	_ =	shalt  }
0x4f: {  	_ =	shalt  }
0x50: {  	_ =	shalt  }
0x51: {  	_ =	shalt  }
0x52: {  	_ =	shalt  }
0x53: {  	_ =	shalt  }
0x54: {  	_ =	shalt  }
0x55: {  	_ =	shalt  }
0x56: {  	_ =	shalt  }
0x57: {  	_ =	shalt  }
0x58: {  	_ =	shalt  }
0x59: {  	_ =	shalt  }
0x5a: {  	_ =	shalt  }
0x5b: {  	_ =	shalt  }
0x5c: {  	_ =	shalt  }
0x5d: {  	_ =	shalt  }
0x5e: {  	_ =	shalt  }
0x5f: {  	_ =	shalt  }
0x60: {  	_ =	shalt  }
0x61: {  	_ =	shalt  }
0x62: {  	_ =	shalt  }
0x63: {  	_ =	shalt  }
0x64: {  	_ =	shalt  }
0x65: {  	_ =	shalt  }
0x66: {  	_ =	shalt  }
0x67: {  	_ =	shalt  }
0x68: {  	_ =	shalt  }
0x69: {  	_ =	shalt  }
0x6a: {  	_ =	shalt  }
0x6b: {  	_ =	shalt  }
0x6c: {  	_ =	shalt  }
0x6d: {  	_ =	shalt  }
0x6e: {  	_ =	shalt  }
0x6f: {  	_ =	shalt  }
0x70: {  	_ =	shalt  }
0x71: {  	_ =	shalt  }
0x72: {  	_ =	shalt  }
0x73: {  	_ =	shalt  }
0x74: {  	_ =	shalt  }
0x75: {  	_ =	shalt  }
0x76: {  	_ =	shalt  }
0x77: {  	_ =	shalt  }
0x78: {  	_ =	shalt  }
0x79: {  	_ =	shalt  }
0x7a: {  	_ =	shalt  }
0x7b: {  	_ =	shalt  }
0x7c: {  	_ =	shalt  }
0x7d: {  	_ =	shalt  }
0x7e: {  	_ =	shalt  }
0x7f: {  	_ =	shalt  }
0x80: {  	_ =	shalt  }
0x81: {  	_ =	shalt  }
0x82: {  	_ =	shalt  }
0x83: {  	_ =	shalt  }
0x84: {  	_ =	shalt  }
0x85: {  	_ =	shalt  }
0x86: {  	_ =	shalt  }
0x87: {  	_ =	shalt  }
.Lfunc_end0:
.L_simem_size_0:
called_computation_lowered:
.L_overlay_start_0:
0x88: {  	s2 =	sld [smem:$0x3FD9]  }
0x89: {  	s3 =	sld [smem:$0x3FFE];
	_ =	sdelay $0x1  }
0x8a: {  	s1 =	srdreg.scid  }
0x8b: {  	s0 =	sand.u32 $0x1, s1  }
0x8c: {  	s16 =	sshll.u32 s0, $0xA;
	s2 =	sadd.s32 s3, s2  }
0x8d: {  	s2 =	sadd.s32 s2, s16  }
0x8e: {  	[smem:$0x3FB0] =	sst s2  }
0x8f: {  	_ = 	snop  }
0x90: {  	(tm) =	ssettm $0x1  }
0x91: {  	s17 =	sld [smem:$0x3FFB];
	_ =	sdelay $0x3  }
0x92: {  	_ =	strace s17  }
0x93: {  	s2 =	sld [smem:$0x3FFC];
	_ =	sdelay $0x3  }
0x94: {  	_ =	strace s2  }
0x95: {  	s2 =	sld [smem:$0x3FFD];
	_ =	sdelay $0x3  }
0x96: {  	_ =	strace s2  }
0x97: {  	_ =	strace $0x8FFFFFFF  }
0x98: {  	s18 =	sld [smem:$0x3FDB];
	_ =	sdelay $0x1  }
0x99: {  	s19 =	simm.s32 $_scs_section_size  }
0x9a: {  	s4 =	simm.s32 $_size__tile_overlayer_lowered;
	s5 =	simm.s32 $_tile_overlayer_lowered  }
0x9b: {  	s22 =	simm.s32 $0x1BFF;
	s21 =	sshll.u32 s5, $0x1;
	s2 =	sadd.s32 s19, s18  }
0x9c: {  	s6 =	simm.s32 $0x0;
	s20 =	sshll.u32 s4, $0x1;
	s4 =	sadd.s32 s21, s2  }
0x9d: {  	[timem:s6], [sflag:s22] =	dma.local [hbm:s4], s20  }
0x9e: {  	_ =	swait.ge [sflag:s22], s20  }
0x9f: {  	s3 =	ssub.s32 $0x0, s20;
	[sflag:s22] =	ssyncset.done $0x0  }
0xa0: {  	[sflag:s22] =	ssyncadd.s32 s3;
	_ =	sdelay $0x1  }
0xa1: {  	s23 =	simm.s32 $0x1B8B  }
0xa2: {  	_ =	swait.ge [sflag:s23], $0x1  }
0xa3: {  	[sflag:s23] =	ssyncset.done $0x0  }
0xa4: {  	s25 =	simm.s32 $0x1B8E;
	s24 =	sld [smem:$0x3FFE];
	[sflag:s23] =	ssyncadd.s32 $0xFFFFFFFF  }
0xa5: {  	s26 =	simm.s32 $execute0_lowered;
	[smem:$0x3FD2] =	sst s25  }
0xa6: {  	s4 =	sshll.u32 s26, $0x1;
	_ =	strace $0x80000046;
	[dreg:$0x1] =	wrdreg $0xFFFFFFFF  }
0xa7: {  	s28 =	simm.s32 $_size_execute0_lowered;
	s2 =	sadd.s32 s2, s4;
	[dreg:$0x0] =	wrdreg $0x0  }
0xa8: {  	s4 =	sshll.u32 s28, $0x1;
	[dreg:$0x2] =	wrdreg s2  }
0xa9: {  	[dreg:$0x3] =	wrdreg s4  }
0xaa: {  	[dreg:$0x4] =	wrdreg $0xC0  }
0xab: {  	_ =	task [dreg:s6], $0x5FFFF  }
0xac: {  	[dreg:$0x1] =	wrdreg $0xFFFFFFFF  }
0xad: {  	[dreg:$0x0] =	wrdreg $0x60  }
0xae: {  	[dreg:$0x2] =	wrdreg s24  }
0xaf: {  	[dreg:$0x3] =	wrdreg $0xB8000  }
0xb0: {  	[dreg:$0x4] =	wrdreg $0x9  }
0xb1: {  	_ =	task.clear_ibuf [dreg:s6], $0x5FFFF;
	_ =	strace $0x90000046  }
0xb2: {  	s29 =	simm.s32 $0x9;
	_ =	strace $0x80000048  }
0xb3: {  	_ =	swait.ge [sflag:s29], $0x1  }
0xb4: {  	[sflag:s29] =	ssyncadd.s32 $0xFFFFFFFF  }
0xb5: {  	_ =	strace $0x90000048  }
0xb6: {  	_ =	sfence  }
0xb7: {  	s30 =	sld [smem:$0x0];
	_ =	sdelay $0x2  }
0xb8: {  	s31 =	sshll.u32 s1, $0xD;
	s1 =	sshrl.u32 s1, $0x2  }
0xb9: {  	s3 =	sand.u32 $0x4000, s31;
	s1 =	sadd.s32 s1, s30  }
0xba: {  	s0 =	sor.u32 s3, s0;
	s1 =	sshll.u32 s1, $0x11  }
0xbb: {  	s0 =	sor.u32 s1, s0  }
0xbc: {  	s0 =	sadd.s32 $0x8F2B, s0  }
0xbd: {  	[sflag:s0] =	ssyncadd.remote.s32 $0x1  }
0xbe: {  	_ =	sfence.sel $0xFFFF  }
0xbf: {  	[dreg:$0x0] =	wrdreg $0xFFFFFFFF;
	(pc) =	sbr.abs _section_cstart, $3  }
0xc0: {  	[dreg:$0x1] =	wrdreg $0xFFFFFFFF  }
0xc1: {  	_ =	task.clear_ibuf [dreg:s6], $0x2FFFF;
	_ =	strace $0x9FFFFFFF  }
0xc2: {  	(tm) =	ssettm $0x7FFFFFFF  }
0xc3: {  	_ =	shalt  }
tec
execute0_lowered:
.L_overlay_start_1:
0x0: {  	(tag) =	ssettag $0x1  }
0x1: {  	s0 =	rddreg [dreg:$0x0]  }
0x2: {  	s2 =	rddreg [dreg:$0x1]  }
0x3: {  	s3 =	simm.s32 $0x0;
	s11 =	stileid.u32;
	s5 =	srdreg.scid  }
0x4: {  	s14 =	simm.s32 $0x9;
	s15 =	simm.s32 $0x800;
	s16 =	simm.s32 $0x40  }
0x5: {  	s17 =	simm.s32 $0x1000;
	s29 =	simm.s32 $0x3000;
	s30 =	simm.s32 $0x3  }
0x6: {  	s31 =	simm.s32 $0x6;
	s28 =	simm.s32 $0xE00;
	s1 =	smul.u32 $0x1400, s11  }
0x7: {  	s13 =	simm.s32 $0x0;
	[smem:$0x7FF] =	sst s3;
	s7 =	smul.u32 $0x2800, s11  }
0x8: {  	s4 =	sand.u32 $0x3, s11;
	s5 =	sand.u32 $0x1, s5;
	s8 =	smul.u32 $0x50000, s11  }
0x9: {  	s9 =	sadd.s32 $0x1E7200, s0;
	s10 =	sadd.s32 $0x1B5200, s0;
	s21 =	sshll.u32 s11, $0x6  }
0xa: {  	s4 =	smul.u32 $0x27100, s4;
	_ =	strace $0x80000047;
	[dreg:$0x8] =	wrdreg s9  }
0xb: {  	s6 =	sshll.u32 s5, $0x4;
	s18 =	ssub.s32 $0x2, s5;
	[dreg:$0x9] =	wrdreg s10  }
0xc: {  	s12 =	sor.u32 $0x1C09, s21;
	p0 =	sne.s32 s5, $0x0;
	s5 =	simm.s32 $0x4  }
0xd: {  	s10 =	simm.s32 $0x8;
	s21 =	simm.s32 $0xD80;
	s1 =	sadd.s32 s1, s0  }
0xe: {  	[dreg:$0x7] =	wrdreg s7;
	s7 =	sadd.s32 s7, s0;
	s6 =	sor.u32 s11, s6  }
0xf: {  	s19 =	sshrl.u32 s18, $0x1;
	s8 =	sshrl.u32 s8, $0x2;
	[dreg:$0xb] =	wrdreg s12  }
0x10: {  	s4 =	sadd.s32 s4, s0;
	s6 =	smul.u32 $0x500, s6;
	s20 =	ssub.s32 s18, s19  }
0x11: {  	s8 =	sadd.s32 s8, s2;
	s7 =	sadd.s32 $0x18D200, s7;
	s22 =	sadd.s32 $0x40A00, s1  }
0x12: {  	s23 =	sadd.s32 $0x2CA00, s1;
	s24 =	sadd.s32 $0x18A00, s1;
	[dreg:$0xa] =	wrdreg s7  }
0x13: {  	s25 =	sadd.s32 $0x4A00, s1;
	s19 =	simm.s32 $0x5000;
	[dreg:$0x3] =	wrdreg s22  }
0x14: {  	s18 =	simm.s32 $0x700;
	s1 =	simm.s32 $0xF00;
	[dreg:$0x4] =	wrdreg s23  }
0x15: {  	s9 =	sadd.s32 $0xF0E00, s4;
	[dreg:$0x5] =	wrdreg s24;
	s11 =	sadd.s32 $0x54A00, s4  }
0x16: {  	s26 =	smax.u32 s20, $0x1;
	[dreg:$0x6] =	wrdreg s25;
	s8 =	sshrl.u32 s8, $0x3  }
.Ltmp0:
0x17: {  	s20 =	simm.s32 $0x1;
	s22 =	simm.s32 $0x7000;
	(pc) =	sbr.rel .LBB2_1-.Ltmp0, $4  }
0x18: {  	s23 =	simm.s32 $0x9000;
	s24 =	simm.s32 $0x2;
	s25 =	simm.s32 $0x5  }
0x19: {  	s7 =	simm.s32 $0xF80;
	s0 =	sadd.s32 s6, s0;
	[dreg:$0xd] =	wrdreg s26  }
0x1a: {  	s6 =	simm.s32 $0x7;
	[dreg:$0xe] =	wrdreg s8;
	s0 =	sadd.s32 $0x1DD200, s0  }
0x1b: {  	v0 =	vimm.f32 $0.0e+00;
	v1 =	vimm.f32 $1.000000000e+00;
	s26 =	simm.s32 $0x780;
	[dreg:$0xc] =	wrdreg s0;
	s0 =	simm.s32 $0xE80  }
.LBB2_8:
0x1c: {  	_ =	swait.ge [sflag:s25], $0x2000  }
0x1d: {  	[sflag:s25] =	ssyncset.done $0x0  }
0x1e: {  	[sflag:s25] =	ssyncadd.s32 $0xFFFFE000  }
0x1f: {  	_ =	swait.ge [sflag:s31], $0x2000  }
0x20: {  	[sflag:s31] =	ssyncset.done $0x0  }
0x21: {  	[sflag:s31] =	ssyncadd.s32 $0xFFFFE000  }
0x22: {  	_ =	swait.ge [sflag:s6], $0x2000  }
0x23: {  	[sflag:s6] =	ssyncset.done $0x0  }
0x24: {  	[sflag:s6] =	ssyncadd.s32 $0xFFFFE000  }
0x25: {  	_ =	swait.ge [sflag:s10], $0x2000  }
0x26: {  	[sflag:s10] =	ssyncset.done $0x0  }
0x27: {  	s8 =	rddreg [dreg:$0xc];
	[sflag:s10] =	ssyncadd.s32 $0xFFFFE000  }
0x28: {  	[hbm4b:s8+s3] =	stream.linear.scatter [tilespmem:s23], [sflag:$0x9], $0x2800, $0x38;
	[tilespmem:$0x1F800] =	vst v63  }
0x29: {  	_ =	swait.ge [sflag:s14], $0x2800  }
0x2a: {  	[sflag:s14] =	ssyncset.done $0x0  }
0x2b: {  	[sflag:s14] =	ssyncadd.s32 $0xFFFFD800  }
0x2c: {  	s12 =	rddreg [dreg:$0x7];
	[bflag:$0x0] =	sbarrier.arrive $0xFFFF  }
0x2d: {  	s4 =	sadd.s32 s4, s12;
	s12 =	rddreg [dreg:$0xb]  }
0x2e: {  	s8 =	rddreg [dreg:$0xe]  }
0x2f: {  	[hbm:s4], [sflag:s12] =	dma.local [spmem:s8], $0x2800  }
0x30: {  	_ =	swait.ge [sflag:s14], $0x2800  }
0x31: {  	s13 =	sadd.s32 $0x1, s13;
	s4 =	rddreg [dreg:$0xd]  }
0x32: {  	p1 =	sne.s32 s13, s4  }
.Ltmp1:
0x33: {  	_ = 	snop;
	(pc) =	sbr.rel @!p1 .LBB2_9-.Ltmp1, $3  }
0x34: {  	_ =	sdelay $0x1  }
0x35: {  	[sflag:s14] =	ssyncset.done $0x0  }
0x36: {  	[sflag:s14] =	ssyncadd.s32 $0xFFFFD800  }
.LBB2_1:
0x37: {  	[dreg:$0xf] =	wrdreg s13  }
0x38: {  	s4 =	rddreg [dreg:$0xa]  }
0x39: {  	[spmem:s8], [sflag:s12] =	dma.local [hbm:s4], $0x2800  }
0x3a: {  	_ =	swait.ge [sflag:s14], $0x2800  }
0x3b: {  	[sflag:s14] =	ssyncset.done $0x0  }
0x3c: {  	s4 =	simm.s32 $0x40;
	s12 =	simm.s32 $0x0;
	[sflag:s14] =	ssyncadd.s32 $0xFFFFD800  }
.LBB2_2:
0x3d: {  	p1 =	sne.s32 s4, $0x9FC0;
	[tilespmem:s12+$0x9000] =	vst v0;
	s12 =	smov.u32 s4;
	s4 =	sadd.s32 $0x40, s4  }
.Ltmp2:
0x3e: {  	(pc) =	sbr.rel @p1 .LBB2_2-.Ltmp2, $2  }
0x3f: {  	_ =	sdelay $0x2  }
0x40: {  	s12 =	sshra.s32 s12, $0x2  }
.Ltmp3:
0x41: {  	(pc) =	sbr.rel @p0 .LBB2_6-.Ltmp3, $4  }
0x42: {  	_ = 	snop  }
0x43: {  	[tilespmem:s12+$0x9000] =	vst v0  }
0x44: {  	[bflag:$0x0] =	sbarrier.arrive $0xFFFF  }
0x45: {  	s4 =	simm.s32 $0x0  }
.LBB2_4:
0x46: {  	s12 =	rddreg [dreg:$0x6]  }
0x47: {  	s12 =	sadd.s32 s4, s12  }
0x48: {  	[tilespmem:s3], [sflag:$0x9] =	stream.linear.gather [hbm4b:s12+s3], $0x800, $0x38;
	[tilespmem:$0x1F800] =	vst v63  }
0x49: {  	_ =	swait.ge [sflag:s14], $0x800  }
0x4a: {  	s8 =	rddreg [dreg:$0x5];
	[sflag:s14] =	ssyncset.done $0x0  }
0x4b: {  	[sflag:s14] =	ssyncadd.s32 $0xFFFFF800;
	s12 =	sadd.s32 s4, s8  }
0x4c: {  	[tilespmem:s15], [sflag:$0x9] =	stream.linear.gather [hbm4b:s12+s3], $0x800, $0x38;
	[tilespmem:$0x1F800] =	vst v63  }
0x4d: {  	_ =	swait.ge [sflag:s14], $0x800  }
0x4e: {  	p1 =	seq.s32 s4, $0x0;
	[sflag:s14] =	ssyncset.done $0x0  }
0x4f: {  	s12 =	simm.s32 @!p1 $0x5;
	[sflag:s14] =	ssyncadd.s32 $0xFFFFF800  }
0x50: {  	_ =	swait.ge @!p1 [sflag:s12], $0x2000  }
0x51: {  	[sflag:s12] =	ssyncset.done @!p1 $0x0  }
0x52: {  	[sflag:s12] =	ssyncadd.s32 @!p1 $0xFFFFE000  }
0x53: {  	[tilespmem:s17], [sflag:$0x1] =	stream.indirect.gather [hbm4b:s11+s16], $0x80, s3, s16, $0xb8;
	[tilespmem:$0x1F800] =	vst v63  }
0x54: {  	s13 =	simm.s32 @p1 $0x3000;
	s8 =	simm.s32 @p1 $0x80;
	s12 =	simm.s32 @p1 $0x40  }
0x55: {  	[tilespmem:s13], [sflag:$0x2] =	stream.indirect.gather @p1 [hbm4b:s11+s12], $0x80, s8, s12, $0xb8;
	[tilespmem:$0x1F800] =	vst v63  }
0x56: {  	s8 =	simm.s32 @!p1 $0x6  }
0x57: {  	_ =	swait.ge @!p1 [sflag:s8], $0x2000  }
0x58: {  	s12 =	simm.s32 @!p1 $0x80;
	[sflag:s8] =	ssyncset.done @!p1 $0x0  }
0x59: {  	s13 =	simm.s32 @!p1 $0x3000;
	[sflag:s8] =	ssyncadd.s32 @!p1 $0xFFFFE000;
	s8 =	simm.s32 @!p1 $0x40  }
0x5a: {  	[tilespmem:s13], [sflag:$0x2] =	stream.indirect.gather @!p1 [hbm4b:s11+s8], $0x80, s12, s8, $0xb8;
	[tilespmem:$0x1F800] =	vst v63  }
0x5b: {  	s8 =	simm.s32 @!p1 $0x7  }
0x5c: {  	_ =	swait.ge @!p1 [sflag:s8], $0x2000  }
0x5d: {  	[sflag:s8] =	ssyncset.done @!p1 $0x0  }
0x5e: {  	s12 =	simm.s32 $0x100;
	[sflag:s8] =	ssyncadd.s32 @!p1 $0xFFFFE000  }
0x5f: {  	[tilespmem:s19], [sflag:$0x3] =	stream.indirect.gather [hbm4b:s11+s16], $0x80, s12, s16, $0xb8;
	[tilespmem:$0x1F800] =	vst v63  }
0x60: {  	_ =	swait.ge [sflag:s20], $0x2000  }
0x61: {  	[sflag:s20] =	ssyncset.done $0x0  }
0x62: {  	s8 =	simm.s32 @!p1 $0x8;
	[sflag:s20] =	ssyncadd.s32 $0xFFFFE000  }
0x63: {  	_ =	swait.ge @!p1 [sflag:s8], $0x2000  }
0x64: {  	[sflag:s8] =	ssyncset.done @!p1 $0x0  }
0x65: {  	s13 =	simm.s32 $0x180;
	[sflag:s8] =	ssyncadd.s32 @!p1 $0xFFFFE000  }
0x66: {  	[tilespmem:s22], [sflag:$0x4] =	stream.indirect.gather [hbm4b:s11+s16], $0x80, s13, s16, $0xb8;
	[tilespmem:$0x1F800] =	vst v63  }
0x67: {  	_ = 	snop  }
0x68: {  	[spmem:s2] =	stream.indirect.scatter.add.f32 [tilespmem:s17], [sflag:$0x5], $0x80, s15, s16, $0xb8;
	[tilespmem:$0x1F800] =	vst v63  }
0x69: {  	v2 =	vld [tilespmem:$0x800];
	_ =	sdelay $0x7  }
0x6a: {  	[tilespmem:v2+s23+$0x0] =	vst.idx.add.f32.msk $0xffff, v1  }
0x6b: {  	v2 =	vld [tilespmem:$0x810];
	_ =	sdelay $0x7  }
0x6c: {  	[tilespmem:v2+s23+$0x0] =	vst.idx.add.f32.msk $0xffff, v1  }
0x6d: {  	v2 =	vld [tilespmem:$0x820];
	_ =	sdelay $0x7  }
0x6e: {  	[tilespmem:v2+s23+$0x0] =	vst.idx.add.f32.msk $0xffff, v1  }
0x6f: {  	v2 =	vld [tilespmem:$0x830];
	_ =	sdelay $0x7  }
0x70: {  	[tilespmem:v2+s23+$0x0] =	vst.idx.add.f32.msk $0xffff, v1  }
0x71: {  	_ =	swait.ge [sflag:s24], $0x2000  }
0x72: {  	[sflag:s24] =	ssyncset.done $0x0  }
0x73: {  	[sflag:s24] =	ssyncadd.s32 $0xFFFFE000  }
0x74: {  	_ =	swait.ge [sflag:s25], $0x2000  }
0x75: {  	[sflag:s25] =	ssyncset.done $0x0  }
0x76: {  	s8 =	simm.s32 $0x200;
	[sflag:s25] =	ssyncadd.s32 $0xFFFFE000  }
0x77: {  	[tilespmem:s17], [sflag:$0x1] =	stream.indirect.gather [hbm4b:s11+s16], $0x80, s8, s16, $0xb8;
	[tilespmem:$0x1F800] =	vst v63  }
0x78: {  	s12 =	simm.s32 $0x880  }
0x79: {  	[spmem:s2] =	stream.indirect.scatter.add.f32 [tilespmem:s29], [sflag:$0x6], $0x80, s12, s16, $0xb8;
	[tilespmem:$0x1F800] =	vst v63  }
0x7a: {  	v2 =	vld [tilespmem:$0x880];
	_ =	sdelay $0x7  }
0x7b: {  	[tilespmem:v2+s23+$0x0] =	vst.idx.add.f32.msk $0xffff, v1  }
0x7c: {  	v2 =	vld [tilespmem:$0x890];
	_ =	sdelay $0x7  }
0x7d: {  	[tilespmem:v2+s23+$0x0] =	vst.idx.add.f32.msk $0xffff, v1  }
0x7e: {  	v2 =	vld [tilespmem:$0x8A0];
	_ =	sdelay $0x7  }
0x7f: {  	[tilespmem:v2+s23+$0x0] =	vst.idx.add.f32.msk $0xffff, v1  }
0x80: {  	v2 =	vld [tilespmem:$0x8B0];
	_ =	sdelay $0x7  }
0x81: {  	[tilespmem:v2+s23+$0x0] =	vst.idx.add.f32.msk $0xffff, v1  }
0x82: {  	_ =	swait.ge [sflag:s30], $0x2000  }
0x83: {  	[sflag:s30] =	ssyncset.done $0x0  }
0x84: {  	[sflag:s30] =	ssyncadd.s32 $0xFFFFE000  }
0x85: {  	_ =	swait.ge [sflag:s31], $0x2000  }
0x86: {  	[sflag:s31] =	ssyncset.done $0x0  }
0x87: {  	s13 =	simm.s32 $0x280;
	[sflag:s31] =	ssyncadd.s32 $0xFFFFE000  }
0x88: {  	[tilespmem:s29], [sflag:$0x2] =	stream.indirect.gather [hbm4b:s11+s16], $0x80, s13, s16, $0xb8;
	[tilespmem:$0x1F800] =	vst v63  }
0x89: {  	s8 =	simm.s32 $0x900  }
0x8a: {  	[spmem:s2] =	stream.indirect.scatter.add.f32 [tilespmem:s19], [sflag:$0x7], $0x80, s8, s16, $0xb8;
	[tilespmem:$0x1F800] =	vst v63  }
0x8b: {  	v2 =	vld [tilespmem:$0x900];
	_ =	sdelay $0x7  }
0x8c: {  	[tilespmem:v2+s23+$0x0] =	vst.idx.add.f32.msk $0xffff, v1  }
0x8d: {  	v2 =	vld [tilespmem:$0x910];
	_ =	sdelay $0x7  }
0x8e: {  	[tilespmem:v2+s23+$0x0] =	vst.idx.add.f32.msk $0xffff, v1  }
0x8f: {  	v2 =	vld [tilespmem:$0x920];
	_ =	sdelay $0x7  }
0x90: {  	[tilespmem:v2+s23+$0x0] =	vst.idx.add.f32.msk $0xffff, v1  }
0x91: {  	v2 =	vld [tilespmem:$0x930];
	_ =	sdelay $0x7  }
0x92: {  	[tilespmem:v2+s23+$0x0] =	vst.idx.add.f32.msk $0xffff, v1  }
0x93: {  	_ =	swait.ge [sflag:s5], $0x2000  }
0x94: {  	[sflag:s5] =	ssyncset.done $0x0  }
0x95: {  	[sflag:s5] =	ssyncadd.s32 $0xFFFFE000  }
0x96: {  	_ =	swait.ge [sflag:s6], $0x2000  }
0x97: {  	[sflag:s6] =	ssyncset.done $0x0  }
0x98: {  	s12 =	simm.s32 $0x300;
	[sflag:s6] =	ssyncadd.s32 $0xFFFFE000  }
0x99: {  	[tilespmem:s19], [sflag:$0x3] =	stream.indirect.gather [hbm4b:s11+s16], $0x80, s12, s16, $0xb8;
	[tilespmem:$0x1F800] =	vst v63  }
0x9a: {  	s13 =	simm.s32 $0x980  }
0x9b: {  	[spmem:s2] =	stream.indirect.scatter.add.f32 [tilespmem:s22], [sflag:$0x8], $0x80, s13, s16, $0xb8;
	[tilespmem:$0x1F800] =	vst v63  }
0x9c: {  	v2 =	vld [tilespmem:$0x980];
	_ =	sdelay $0x7  }
0x9d: {  	[tilespmem:v2+s23+$0x0] =	vst.idx.add.f32.msk $0xffff, v1  }
0x9e: {  	v2 =	vld [tilespmem:$0x990];
	_ =	sdelay $0x7  }
0x9f: {  	[tilespmem:v2+s23+$0x0] =	vst.idx.add.f32.msk $0xffff, v1  }
0xa0: {  	v2 =	vld [tilespmem:$0x9A0];
	_ =	sdelay $0x7  }
0xa1: {  	[tilespmem:v2+s23+$0x0] =	vst.idx.add.f32.msk $0xffff, v1  }
0xa2: {  	v2 =	vld [tilespmem:$0x9B0];
	_ =	sdelay $0x7  }
0xa3: {  	[tilespmem:v2+s23+$0x0] =	vst.idx.add.f32.msk $0xffff, v1  }
0xa4: {  	_ =	swait.ge [sflag:s20], $0x2000  }
0xa5: {  	[sflag:s20] =	ssyncset.done $0x0  }
0xa6: {  	[sflag:s20] =	ssyncadd.s32 $0xFFFFE000  }
0xa7: {  	_ =	swait.ge [sflag:s10], $0x2000  }
0xa8: {  	[sflag:s10] =	ssyncset.done $0x0  }
0xa9: {  	s8 =	simm.s32 $0x380;
	[sflag:s10] =	ssyncadd.s32 $0xFFFFE000  }
0xaa: {  	[tilespmem:s22], [sflag:$0x4] =	stream.indirect.gather [hbm4b:s11+s16], $0x80, s8, s16, $0xb8;
	[tilespmem:$0x1F800] =	vst v63  }
0xab: {  	s12 =	simm.s32 $0xA00  }
0xac: {  	[spmem:s2] =	stream.indirect.scatter.add.f32 [tilespmem:s17], [sflag:$0x5], $0x80, s12, s16, $0xb8;
	[tilespmem:$0x1F800] =	vst v63  }
0xad: {  	v2 =	vld [tilespmem:$0xA00];
	_ =	sdelay $0x7  }
0xae: {  	[tilespmem:v2+s23+$0x0] =	vst.idx.add.f32.msk $0xffff, v1  }
0xaf: {  	v2 =	vld [tilespmem:$0xA10];
	_ =	sdelay $0x7  }
0xb0: {  	[tilespmem:v2+s23+$0x0] =	vst.idx.add.f32.msk $0xffff, v1  }
0xb1: {  	v2 =	vld [tilespmem:$0xA20];
	_ =	sdelay $0x7  }
0xb2: {  	[tilespmem:v2+s23+$0x0] =	vst.idx.add.f32.msk $0xffff, v1  }
0xb3: {  	v2 =	vld [tilespmem:$0xA30];
	_ =	sdelay $0x7  }
0xb4: {  	[tilespmem:v2+s23+$0x0] =	vst.idx.add.f32.msk $0xffff, v1  }
0xb5: {  	_ =	swait.ge [sflag:s24], $0x2000  }
0xb6: {  	[sflag:s24] =	ssyncset.done $0x0  }
0xb7: {  	[sflag:s24] =	ssyncadd.s32 $0xFFFFE000  }
0xb8: {  	_ =	swait.ge [sflag:s25], $0x2000  }
0xb9: {  	[sflag:s25] =	ssyncset.done $0x0  }
0xba: {  	s13 =	simm.s32 $0x400;
	[sflag:s25] =	ssyncadd.s32 $0xFFFFE000  }
0xbb: {  	[tilespmem:s17], [sflag:$0x1] =	stream.indirect.gather [hbm4b:s11+s16], $0x80, s13, s16, $0xb8;
	[tilespmem:$0x1F800] =	vst v63  }
0xbc: {  	s8 =	simm.s32 $0xA80  }
0xbd: {  	[spmem:s2] =	stream.indirect.scatter.add.f32 [tilespmem:s29], [sflag:$0x6], $0x80, s8, s16, $0xb8;
	[tilespmem:$0x1F800] =	vst v63  }
0xbe: {  	v2 =	vld [tilespmem:$0xA80];
	_ =	sdelay $0x7  }
0xbf: {  	[tilespmem:v2+s23+$0x0] =	vst.idx.add.f32.msk $0xffff, v1  }
0xc0: {  	v2 =	vld [tilespmem:$0xA90];
	_ =	sdelay $0x7  }
0xc1: {  	[tilespmem:v2+s23+$0x0] =	vst.idx.add.f32.msk $0xffff, v1  }
0xc2: {  	v2 =	vld [tilespmem:$0xAA0];
	_ =	sdelay $0x7  }
0xc3: {  	[tilespmem:v2+s23+$0x0] =	vst.idx.add.f32.msk $0xffff, v1  }
0xc4: {  	v2 =	vld [tilespmem:$0xAB0];
	_ =	sdelay $0x7  }
0xc5: {  	[tilespmem:v2+s23+$0x0] =	vst.idx.add.f32.msk $0xffff, v1  }
0xc6: {  	_ =	swait.ge [sflag:s30], $0x2000  }
0xc7: {  	[sflag:s30] =	ssyncset.done $0x0  }
0xc8: {  	[sflag:s30] =	ssyncadd.s32 $0xFFFFE000  }
0xc9: {  	_ =	swait.ge [sflag:s31], $0x2000  }
0xca: {  	[sflag:s31] =	ssyncset.done $0x0  }
0xcb: {  	s12 =	simm.s32 $0x480;
	[sflag:s31] =	ssyncadd.s32 $0xFFFFE000  }
0xcc: {  	[tilespmem:s29], [sflag:$0x2] =	stream.indirect.gather [hbm4b:s11+s16], $0x80, s12, s16, $0xb8;
	[tilespmem:$0x1F800] =	vst v63  }
0xcd: {  	s13 =	simm.s32 $0xB00  }
0xce: {  	[spmem:s2] =	stream.indirect.scatter.add.f32 [tilespmem:s19], [sflag:$0x7], $0x80, s13, s16, $0xb8;
	[tilespmem:$0x1F800] =	vst v63  }
0xcf: {  	v2 =	vld [tilespmem:$0xB00];
	_ =	sdelay $0x7  }
0xd0: {  	[tilespmem:v2+s23+$0x0] =	vst.idx.add.f32.msk $0xffff, v1  }
0xd1: {  	v2 =	vld [tilespmem:$0xB10];
	_ =	sdelay $0x7  }
0xd2: {  	[tilespmem:v2+s23+$0x0] =	vst.idx.add.f32.msk $0xffff, v1  }
0xd3: {  	v2 =	vld [tilespmem:$0xB20];
	_ =	sdelay $0x7  }
0xd4: {  	[tilespmem:v2+s23+$0x0] =	vst.idx.add.f32.msk $0xffff, v1  }
0xd5: {  	v2 =	vld [tilespmem:$0xB30];
	_ =	sdelay $0x7  }
0xd6: {  	[tilespmem:v2+s23+$0x0] =	vst.idx.add.f32.msk $0xffff, v1  }
0xd7: {  	_ =	swait.ge [sflag:s5], $0x2000  }
0xd8: {  	[sflag:s5] =	ssyncset.done $0x0  }
0xd9: {  	[sflag:s5] =	ssyncadd.s32 $0xFFFFE000  }
0xda: {  	_ =	swait.ge [sflag:s6], $0x2000  }
0xdb: {  	[sflag:s6] =	ssyncset.done $0x0  }
0xdc: {  	s8 =	simm.s32 $0x500;
	[sflag:s6] =	ssyncadd.s32 $0xFFFFE000  }
0xdd: {  	[tilespmem:s19], [sflag:$0x3] =	stream.indirect.gather [hbm4b:s11+s16], $0x80, s8, s16, $0xb8;
	[tilespmem:$0x1F800] =	vst v63  }
0xde: {  	s12 =	simm.s32 $0xB80  }
0xdf: {  	[spmem:s2] =	stream.indirect.scatter.add.f32 [tilespmem:s22], [sflag:$0x8], $0x80, s12, s16, $0xb8;
	[tilespmem:$0x1F800] =	vst v63  }
0xe0: {  	v2 =	vld [tilespmem:$0xB80];
	_ =	sdelay $0x7  }
0xe1: {  	[tilespmem:v2+s23+$0x0] =	vst.idx.add.f32.msk $0xffff, v1  }
0xe2: {  	v2 =	vld [tilespmem:$0xB90];
	_ =	sdelay $0x7  }
0xe3: {  	[tilespmem:v2+s23+$0x0] =	vst.idx.add.f32.msk $0xffff, v1  }
0xe4: {  	v2 =	vld [tilespmem:$0xBA0];
	_ =	sdelay $0x7  }
0xe5: {  	[tilespmem:v2+s23+$0x0] =	vst.idx.add.f32.msk $0xffff, v1  }
0xe6: {  	v2 =	vld [tilespmem:$0xBB0];
	_ =	sdelay $0x7  }
0xe7: {  	[tilespmem:v2+s23+$0x0] =	vst.idx.add.f32.msk $0xffff, v1  }
0xe8: {  	_ =	swait.ge [sflag:s20], $0x2000  }
0xe9: {  	[sflag:s20] =	ssyncset.done $0x0  }
0xea: {  	[sflag:s20] =	ssyncadd.s32 $0xFFFFE000  }
0xeb: {  	_ =	swait.ge [sflag:s10], $0x2000  }
0xec: {  	[sflag:s10] =	ssyncset.done $0x0  }
0xed: {  	s13 =	simm.s32 $0x580;
	[sflag:s10] =	ssyncadd.s32 $0xFFFFE000  }
0xee: {  	[tilespmem:s22], [sflag:$0x4] =	stream.indirect.gather [hbm4b:s11+s16], $0x80, s13, s16, $0xb8;
	[tilespmem:$0x1F800] =	vst v63  }
0xef: {  	s8 =	simm.s32 $0xC00  }
0xf0: {  	[spmem:s2] =	stream.indirect.scatter.add.f32 [tilespmem:s17], [sflag:$0x5], $0x80, s8, s16, $0xb8;
	[tilespmem:$0x1F800] =	vst v63  }
0xf1: {  	v2 =	vld [tilespmem:$0xC00];
	_ =	sdelay $0x7  }
0xf2: {  	[tilespmem:v2+s23+$0x0] =	vst.idx.add.f32.msk $0xffff, v1  }
0xf3: {  	v2 =	vld [tilespmem:$0xC10];
	_ =	sdelay $0x7  }
0xf4: {  	[tilespmem:v2+s23+$0x0] =	vst.idx.add.f32.msk $0xffff, v1  }
0xf5: {  	v2 =	vld [tilespmem:$0xC20];
	_ =	sdelay $0x7  }
0xf6: {  	[tilespmem:v2+s23+$0x0] =	vst.idx.add.f32.msk $0xffff, v1  }
0xf7: {  	v2 =	vld [tilespmem:$0xC30];
	_ =	sdelay $0x7  }
0xf8: {  	[tilespmem:v2+s23+$0x0] =	vst.idx.add.f32.msk $0xffff, v1  }
0xf9: {  	_ =	swait.ge [sflag:s24], $0x2000  }
0xfa: {  	[sflag:s24] =	ssyncset.done $0x0  }
0xfb: {  	[sflag:s24] =	ssyncadd.s32 $0xFFFFE000  }
0xfc: {  	_ =	swait.ge [sflag:s25], $0x2000  }
0xfd: {  	[sflag:s25] =	ssyncset.done $0x0  }
0xfe: {  	s12 =	simm.s32 $0x600;
	[sflag:s25] =	ssyncadd.s32 $0xFFFFE000  }
0xff: {  	[tilespmem:s17], [sflag:$0x1] =	stream.indirect.gather [hbm4b:s11+s16], $0x80, s12, s16, $0xb8;
	[tilespmem:$0x1F800] =	vst v63  }
0x100: {  	s13 =	simm.s32 $0xC80  }
0x101: {  	[spmem:s2] =	stream.indirect.scatter.add.f32 [tilespmem:s29], [sflag:$0x6], $0x80, s13, s16, $0xb8;
	[tilespmem:$0x1F800] =	vst v63  }
0x102: {  	v2 =	vld [tilespmem:$0xC80];
	_ =	sdelay $0x7  }
0x103: {  	[tilespmem:v2+s23+$0x0] =	vst.idx.add.f32.msk $0xffff, v1  }
0x104: {  	v2 =	vld [tilespmem:$0xC90];
	_ =	sdelay $0x7  }
0x105: {  	[tilespmem:v2+s23+$0x0] =	vst.idx.add.f32.msk $0xffff, v1  }
0x106: {  	v2 =	vld [tilespmem:$0xCA0];
	_ =	sdelay $0x7  }
0x107: {  	[tilespmem:v2+s23+$0x0] =	vst.idx.add.f32.msk $0xffff, v1  }
0x108: {  	v2 =	vld [tilespmem:$0xCB0];
	_ =	sdelay $0x7  }
0x109: {  	[tilespmem:v2+s23+$0x0] =	vst.idx.add.f32.msk $0xffff, v1  }
0x10a: {  	_ =	swait.ge [sflag:s30], $0x2000  }
0x10b: {  	[sflag:s30] =	ssyncset.done $0x0  }
0x10c: {  	[sflag:s30] =	ssyncadd.s32 $0xFFFFE000  }
0x10d: {  	_ =	swait.ge [sflag:s31], $0x2000  }
0x10e: {  	[sflag:s31] =	ssyncset.done $0x0  }
0x10f: {  	s13 =	simm.s32 $0x680;
	[sflag:s31] =	ssyncadd.s32 $0xFFFFE000  }
0x110: {  	[tilespmem:s29], [sflag:$0x2] =	stream.indirect.gather [hbm4b:s11+s16], $0x80, s13, s16, $0xb8;
	[tilespmem:$0x1F800] =	vst v63  }
0x111: {  	s12 =	simm.s32 $0xD00  }
0x112: {  	[spmem:s2] =	stream.indirect.scatter.add.f32 [tilespmem:s19], [sflag:$0x7], $0x80, s12, s16, $0xb8;
	[tilespmem:$0x1F800] =	vst v63  }
0x113: {  	v2 =	vld [tilespmem:$0xD00];
	_ =	sdelay $0x7  }
0x114: {  	[tilespmem:v2+s23+$0x0] =	vst.idx.add.f32.msk $0xffff, v1  }
0x115: {  	v2 =	vld [tilespmem:$0xD10];
	_ =	sdelay $0x7  }
0x116: {  	[tilespmem:v2+s23+$0x0] =	vst.idx.add.f32.msk $0xffff, v1  }
0x117: {  	v2 =	vld [tilespmem:$0xD20];
	_ =	sdelay $0x7  }
0x118: {  	[tilespmem:v2+s23+$0x0] =	vst.idx.add.f32.msk $0xffff, v1  }
0x119: {  	v2 =	vld [tilespmem:$0xD30];
	_ =	sdelay $0x7  }
0x11a: {  	[tilespmem:v2+s23+$0x0] =	vst.idx.add.f32.msk $0xffff, v1  }
0x11b: {  	_ =	swait.ge [sflag:s5], $0x2000  }
0x11c: {  	[sflag:s5] =	ssyncset.done $0x0  }
0x11d: {  	[sflag:s5] =	ssyncadd.s32 $0xFFFFE000  }
0x11e: {  	_ =	swait.ge [sflag:s6], $0x2000  }
0x11f: {  	[sflag:s6] =	ssyncset.done $0x0  }
0x120: {  	[sflag:s6] =	ssyncadd.s32 $0xFFFFE000  }
0x121: {  	[tilespmem:s19], [sflag:$0x3] =	stream.indirect.gather [hbm4b:s11+s16], $0x80, s18, s16, $0xb8;
	[tilespmem:$0x1F800] =	vst v63  }
0x122: {  	_ = 	snop  }
0x123: {  	[spmem:s2] =	stream.indirect.scatter.add.f32 [tilespmem:s22], [sflag:$0x8], $0x80, s21, s16, $0xb8;
	[tilespmem:$0x1F800] =	vst v63  }
0x124: {  	v2 =	vld [tilespmem:$0xD80];
	_ =	sdelay $0x7  }
0x125: {  	[tilespmem:v2+s23+$0x0] =	vst.idx.add.f32.msk $0xffff, v1  }
0x126: {  	v2 =	vld [tilespmem:$0xD90];
	_ =	sdelay $0x7  }
0x127: {  	[tilespmem:v2+s23+$0x0] =	vst.idx.add.f32.msk $0xffff, v1  }
0x128: {  	v2 =	vld [tilespmem:$0xDA0];
	_ =	sdelay $0x7  }
0x129: {  	[tilespmem:v2+s23+$0x0] =	vst.idx.add.f32.msk $0xffff, v1  }
0x12a: {  	v2 =	vld [tilespmem:$0xDB0];
	_ =	sdelay $0x7  }
0x12b: {  	[tilespmem:v2+s23+$0x0] =	vst.idx.add.f32.msk $0xffff, v1  }
0x12c: {  	_ =	swait.ge [sflag:s20], $0x2000  }
0x12d: {  	[sflag:s20] =	ssyncset.done $0x0  }
0x12e: {  	[sflag:s20] =	ssyncadd.s32 $0xFFFFE000  }
0x12f: {  	_ =	swait.ge [sflag:s10], $0x2000  }
0x130: {  	[sflag:s10] =	ssyncset.done $0x0  }
0x131: {  	[sflag:s10] =	ssyncadd.s32 $0xFFFFE000  }
0x132: {  	[tilespmem:s22], [sflag:$0x4] =	stream.indirect.gather [hbm4b:s11+s16], $0x80, s26, s16, $0xb8;
	[tilespmem:$0x1F800] =	vst v63  }
0x133: {  	_ = 	snop  }
0x134: {  	[spmem:s2] =	stream.indirect.scatter.add.f32 [tilespmem:s17], [sflag:$0x5], $0x80, s28, s16, $0xb8;
	[tilespmem:$0x1F800] =	vst v63  }
0x135: {  	v2 =	vld [tilespmem:$0xE00];
	_ =	sdelay $0x7  }
0x136: {  	[tilespmem:v2+s23+$0x0] =	vst.idx.add.f32.msk $0xffff, v1  }
0x137: {  	v2 =	vld [tilespmem:$0xE10];
	_ =	sdelay $0x7  }
0x138: {  	[tilespmem:v2+s23+$0x0] =	vst.idx.add.f32.msk $0xffff, v1  }
0x139: {  	v2 =	vld [tilespmem:$0xE20];
	_ =	sdelay $0x7  }
0x13a: {  	[tilespmem:v2+s23+$0x0] =	vst.idx.add.f32.msk $0xffff, v1  }
0x13b: {  	v2 =	vld [tilespmem:$0xE30];
	_ =	sdelay $0x7  }
0x13c: {  	[tilespmem:v2+s23+$0x0] =	vst.idx.add.f32.msk $0xffff, v1  }
0x13d: {  	_ =	swait.ge [sflag:s24], $0x2000  }
0x13e: {  	[sflag:s24] =	ssyncset.done $0x0  }
0x13f: {  	[sflag:s24] =	ssyncadd.s32 $0xFFFFE000  }
0x140: {  	[spmem:s2] =	stream.indirect.scatter.add.f32 [tilespmem:s29], [sflag:$0x6], $0x80, s0, s16, $0xb8;
	[tilespmem:$0x1F800] =	vst v63  }
0x141: {  	v2 =	vld [tilespmem:$0xE80];
	_ =	sdelay $0x7  }
0x142: {  	[tilespmem:v2+s23+$0x0] =	vst.idx.add.f32.msk $0xffff, v1  }
0x143: {  	v2 =	vld [tilespmem:$0xE90];
	_ =	sdelay $0x7  }
0x144: {  	[tilespmem:v2+s23+$0x0] =	vst.idx.add.f32.msk $0xffff, v1  }
0x145: {  	v2 =	vld [tilespmem:$0xEA0];
	_ =	sdelay $0x7  }
0x146: {  	[tilespmem:v2+s23+$0x0] =	vst.idx.add.f32.msk $0xffff, v1  }
0x147: {  	v2 =	vld [tilespmem:$0xEB0];
	_ =	sdelay $0x7  }
0x148: {  	[tilespmem:v2+s23+$0x0] =	vst.idx.add.f32.msk $0xffff, v1  }
0x149: {  	_ =	swait.ge [sflag:s30], $0x2000  }
0x14a: {  	[sflag:s30] =	ssyncset.done $0x0  }
0x14b: {  	[sflag:s30] =	ssyncadd.s32 $0xFFFFE000  }
0x14c: {  	[spmem:s2] =	stream.indirect.scatter.add.f32 [tilespmem:s19], [sflag:$0x7], $0x80, s1, s16, $0xb8;
	[tilespmem:$0x1F800] =	vst v63  }
0x14d: {  	v2 =	vld [tilespmem:$0xF00];
	_ =	sdelay $0x7  }
0x14e: {  	[tilespmem:v2+s23+$0x0] =	vst.idx.add.f32.msk $0xffff, v1  }
0x14f: {  	v2 =	vld [tilespmem:$0xF10];
	_ =	sdelay $0x7  }
0x150: {  	[tilespmem:v2+s23+$0x0] =	vst.idx.add.f32.msk $0xffff, v1  }
0x151: {  	v2 =	vld [tilespmem:$0xF20];
	_ =	sdelay $0x7  }
0x152: {  	[tilespmem:v2+s23+$0x0] =	vst.idx.add.f32.msk $0xffff, v1  }
0x153: {  	v2 =	vld [tilespmem:$0xF30];
	_ =	sdelay $0x7  }
0x154: {  	[tilespmem:v2+s23+$0x0] =	vst.idx.add.f32.msk $0xffff, v1  }
0x155: {  	_ =	swait.ge [sflag:s5], $0x2000  }
0x156: {  	[sflag:s5] =	ssyncset.done $0x0  }
0x157: {  	[sflag:s5] =	ssyncadd.s32 $0xFFFFE000  }
0x158: {  	[spmem:s2] =	stream.indirect.scatter.add.f32 [tilespmem:s22], [sflag:$0x8], $0x80, s7, s16, $0xb8;
	[tilespmem:$0x1F800] =	vst v63  }
0x159: {  	v2 =	vld [tilespmem:$0xF80];
	_ =	sdelay $0x7  }
0x15a: {  	[tilespmem:v2+s23+$0x0] =	vst.idx.add.f32.msk $0xffff, v1  }
0x15b: {  	v2 =	vld [tilespmem:$0xF90];
	_ =	sdelay $0x7  }
0x15c: {  	[tilespmem:v2+s23+$0x0] =	vst.idx.add.f32.msk $0xffff, v1  }
0x15d: {  	v2 =	vld [tilespmem:$0xFA0];
	_ =	sdelay $0x7  }
0x15e: {  	[tilespmem:v2+s23+$0x0] =	vst.idx.add.f32.msk $0xffff, v1  }
0x15f: {  	v2 =	vld [tilespmem:$0xFB0];
	_ =	sdelay $0x1  }
0x160: {  	s4 =	sadd.s32 $0x100, s4  }
0x161: {  	p1 =	seq.s32 s4, $0x1400  }
.Ltmp4:
0x162: {  	_ = 	snop;
	(pc) =	sbr.rel @!p1 .LBB2_4-.Ltmp4, $2  }
0x163: {  	_ =	sdelay $0x2  }
0x164: {  	[tilespmem:v2+s23+$0x0] =	vst.idx.add.f32.msk $0xffff, v1  }
.Ltmp5:
0x165: {  	(pc) =	sbr.rel .LBB2_8-.Ltmp5, $3  }
0x166: {  	_ =	sdelay $0x1  }
0x167: {  	s4 =	rddreg [dreg:$0x8]  }
0x168: {  	s13 =	rddreg [dreg:$0xf]  }
.LBB2_6:
0x169: {  	s8 =	rddreg [dreg:$0x4]  }
0x16a: {  	s8 =	sadd.s32 s4, s8  }
0x16b: {  	[tilespmem:s3], [sflag:$0x9] =	stream.linear.gather [hbm4b:s8+s3], $0x800, $0x38;
	[tilespmem:$0x1F800] =	vst v63  }
0x16c: {  	_ =	swait.ge [sflag:s14], $0x800  }
0x16d: {  	s12 =	rddreg [dreg:$0x3];
	[sflag:s14] =	ssyncset.done $0x0  }
0x16e: {  	[sflag:s14] =	ssyncadd.s32 $0xFFFFF800;
	s8 =	sadd.s32 s4, s12  }
0x16f: {  	[tilespmem:s15], [sflag:$0x9] =	stream.linear.gather [hbm4b:s8+s3], $0x800, $0x38;
	[tilespmem:$0x1F800] =	vst v63  }
0x170: {  	_ =	swait.ge [sflag:s14], $0x800  }
0x171: {  	p1 =	seq.s32 s4, $0x0;
	[sflag:s14] =	ssyncset.done $0x0  }
0x172: {  	s8 =	simm.s32 @!p1 $0x5;
	[sflag:s14] =	ssyncadd.s32 $0xFFFFF800  }
0x173: {  	_ =	swait.ge @!p1 [sflag:s8], $0x2000  }
0x174: {  	[sflag:s8] =	ssyncset.done @!p1 $0x0  }
0x175: {  	[sflag:s8] =	ssyncadd.s32 @!p1 $0xFFFFE000  }
0x176: {  	[tilespmem:s17], [sflag:$0x1] =	stream.indirect.gather [hbm4b:s9+s16], $0x80, s3, s16, $0xb8;
	[tilespmem:$0x1F800] =	vst v63  }
0x177: {  	s13 =	simm.s32 @p1 $0x3000;
	s12 =	simm.s32 @p1 $0x80;
	s8 =	simm.s32 @p1 $0x40  }
0x178: {  	[tilespmem:s13], [sflag:$0x2] =	stream.indirect.gather @p1 [hbm4b:s9+s8], $0x80, s12, s8, $0xb8;
	[tilespmem:$0x1F800] =	vst v63  }
0x179: {  	s8 =	simm.s32 @!p1 $0x6  }
0x17a: {  	_ =	swait.ge @!p1 [sflag:s8], $0x2000  }
0x17b: {  	s12 =	simm.s32 @!p1 $0x80;
	[sflag:s8] =	ssyncset.done @!p1 $0x0  }
0x17c: {  	s13 =	simm.s32 @!p1 $0x3000;
	[sflag:s8] =	ssyncadd.s32 @!p1 $0xFFFFE000;
	s8 =	simm.s32 @!p1 $0x40  }
0x17d: {  	[tilespmem:s13], [sflag:$0x2] =	stream.indirect.gather @!p1 [hbm4b:s9+s8], $0x80, s12, s8, $0xb8;
	[tilespmem:$0x1F800] =	vst v63  }
0x17e: {  	s8 =	simm.s32 @!p1 $0x7  }
0x17f: {  	_ =	swait.ge @!p1 [sflag:s8], $0x2000  }
0x180: {  	[sflag:s8] =	ssyncset.done @!p1 $0x0  }
0x181: {  	s12 =	simm.s32 $0x100;
	[sflag:s8] =	ssyncadd.s32 @!p1 $0xFFFFE000  }
0x182: {  	[tilespmem:s19], [sflag:$0x3] =	stream.indirect.gather [hbm4b:s9+s16], $0x80, s12, s16, $0xb8;
	[tilespmem:$0x1F800] =	vst v63  }
0x183: {  	_ =	swait.ge [sflag:s20], $0x2000  }
0x184: {  	[sflag:s20] =	ssyncset.done $0x0  }
0x185: {  	s8 =	simm.s32 @!p1 $0x8;
	[sflag:s20] =	ssyncadd.s32 $0xFFFFE000  }
0x186: {  	_ =	swait.ge @!p1 [sflag:s8], $0x2000  }
0x187: {  	[sflag:s8] =	ssyncset.done @!p1 $0x0  }
0x188: {  	s13 =	simm.s32 $0x180;
	[sflag:s8] =	ssyncadd.s32 @!p1 $0xFFFFE000  }
0x189: {  	[tilespmem:s22], [sflag:$0x4] =	stream.indirect.gather [hbm4b:s9+s16], $0x80, s13, s16, $0xb8;
	[tilespmem:$0x1F800] =	vst v63  }
0x18a: {  	_ = 	snop  }
0x18b: {  	[spmem:s2] =	stream.indirect.scatter.add.f32 [tilespmem:s17], [sflag:$0x5], $0x80, s15, s16, $0xb8;
	[tilespmem:$0x1F800] =	vst v63  }
0x18c: {  	v2 =	vld [tilespmem:$0x800];
	_ =	sdelay $0x7  }
0x18d: {  	[tilespmem:v2+s23+$0x0] =	vst.idx.add.f32.msk $0xffff, v1  }
0x18e: {  	v2 =	vld [tilespmem:$0x810];
	_ =	sdelay $0x7  }
0x18f: {  	[tilespmem:v2+s23+$0x0] =	vst.idx.add.f32.msk $0xffff, v1  }
0x190: {  	v2 =	vld [tilespmem:$0x820];
	_ =	sdelay $0x7  }
0x191: {  	[tilespmem:v2+s23+$0x0] =	vst.idx.add.f32.msk $0xffff, v1  }
0x192: {  	v2 =	vld [tilespmem:$0x830];
	_ =	sdelay $0x7  }
0x193: {  	[tilespmem:v2+s23+$0x0] =	vst.idx.add.f32.msk $0xffff, v1  }
0x194: {  	_ =	swait.ge [sflag:s24], $0x2000  }
0x195: {  	[sflag:s24] =	ssyncset.done $0x0  }
0x196: {  	[sflag:s24] =	ssyncadd.s32 $0xFFFFE000  }
0x197: {  	_ =	swait.ge [sflag:s25], $0x2000  }
0x198: {  	[sflag:s25] =	ssyncset.done $0x0  }
0x199: {  	s8 =	simm.s32 $0x200;
	[sflag:s25] =	ssyncadd.s32 $0xFFFFE000  }
0x19a: {  	[tilespmem:s17], [sflag:$0x1] =	stream.indirect.gather [hbm4b:s9+s16], $0x80, s8, s16, $0xb8;
	[tilespmem:$0x1F800] =	vst v63  }
0x19b: {  	s12 =	simm.s32 $0x880  }
0x19c: {  	[spmem:s2] =	stream.indirect.scatter.add.f32 [tilespmem:s29], [sflag:$0x6], $0x80, s12, s16, $0xb8;
	[tilespmem:$0x1F800] =	vst v63  }
0x19d: {  	v2 =	vld [tilespmem:$0x880];
	_ =	sdelay $0x7  }
0x19e: {  	[tilespmem:v2+s23+$0x0] =	vst.idx.add.f32.msk $0xffff, v1  }
0x19f: {  	v2 =	vld [tilespmem:$0x890];
	_ =	sdelay $0x7  }
0x1a0: {  	[tilespmem:v2+s23+$0x0] =	vst.idx.add.f32.msk $0xffff, v1  }
0x1a1: {  	v2 =	vld [tilespmem:$0x8A0];
	_ =	sdelay $0x7  }
0x1a2: {  	[tilespmem:v2+s23+$0x0] =	vst.idx.add.f32.msk $0xffff, v1  }
0x1a3: {  	v2 =	vld [tilespmem:$0x8B0];
	_ =	sdelay $0x7  }
0x1a4: {  	[tilespmem:v2+s23+$0x0] =	vst.idx.add.f32.msk $0xffff, v1  }
0x1a5: {  	_ =	swait.ge [sflag:s30], $0x2000  }
0x1a6: {  	[sflag:s30] =	ssyncset.done $0x0  }
0x1a7: {  	[sflag:s30] =	ssyncadd.s32 $0xFFFFE000  }
0x1a8: {  	_ =	swait.ge [sflag:s31], $0x2000  }
0x1a9: {  	[sflag:s31] =	ssyncset.done $0x0  }
0x1aa: {  	s13 =	simm.s32 $0x280;
	[sflag:s31] =	ssyncadd.s32 $0xFFFFE000  }
0x1ab: {  	[tilespmem:s29], [sflag:$0x2] =	stream.indirect.gather [hbm4b:s9+s16], $0x80, s13, s16, $0xb8;
	[tilespmem:$0x1F800] =	vst v63  }
0x1ac: {  	s8 =	simm.s32 $0x900  }
0x1ad: {  	[spmem:s2] =	stream.indirect.scatter.add.f32 [tilespmem:s19], [sflag:$0x7], $0x80, s8, s16, $0xb8;
	[tilespmem:$0x1F800] =	vst v63  }
0x1ae: {  	v2 =	vld [tilespmem:$0x900];
	_ =	sdelay $0x7  }
0x1af: {  	[tilespmem:v2+s23+$0x0] =	vst.idx.add.f32.msk $0xffff, v1  }
0x1b0: {  	v2 =	vld [tilespmem:$0x910];
	_ =	sdelay $0x7  }
0x1b1: {  	[tilespmem:v2+s23+$0x0] =	vst.idx.add.f32.msk $0xffff, v1  }
0x1b2: {  	v2 =	vld [tilespmem:$0x920];
	_ =	sdelay $0x7  }
0x1b3: {  	[tilespmem:v2+s23+$0x0] =	vst.idx.add.f32.msk $0xffff, v1  }
0x1b4: {  	v2 =	vld [tilespmem:$0x930];
	_ =	sdelay $0x7  }
0x1b5: {  	[tilespmem:v2+s23+$0x0] =	vst.idx.add.f32.msk $0xffff, v1  }
0x1b6: {  	_ =	swait.ge [sflag:s5], $0x2000  }
0x1b7: {  	[sflag:s5] =	ssyncset.done $0x0  }
0x1b8: {  	[sflag:s5] =	ssyncadd.s32 $0xFFFFE000  }
0x1b9: {  	_ =	swait.ge [sflag:s6], $0x2000  }
0x1ba: {  	[sflag:s6] =	ssyncset.done $0x0  }
0x1bb: {  	s12 =	simm.s32 $0x300;
	[sflag:s6] =	ssyncadd.s32 $0xFFFFE000  }
0x1bc: {  	[tilespmem:s19], [sflag:$0x3] =	stream.indirect.gather [hbm4b:s9+s16], $0x80, s12, s16, $0xb8;
	[tilespmem:$0x1F800] =	vst v63  }
0x1bd: {  	s13 =	simm.s32 $0x980  }
0x1be: {  	[spmem:s2] =	stream.indirect.scatter.add.f32 [tilespmem:s22], [sflag:$0x8], $0x80, s13, s16, $0xb8;
	[tilespmem:$0x1F800] =	vst v63  }
0x1bf: {  	v2 =	vld [tilespmem:$0x980];
	_ =	sdelay $0x7  }
0x1c0: {  	[tilespmem:v2+s23+$0x0] =	vst.idx.add.f32.msk $0xffff, v1  }
0x1c1: {  	v2 =	vld [tilespmem:$0x990];
	_ =	sdelay $0x7  }
0x1c2: {  	[tilespmem:v2+s23+$0x0] =	vst.idx.add.f32.msk $0xffff, v1  }
0x1c3: {  	v2 =	vld [tilespmem:$0x9A0];
	_ =	sdelay $0x7  }
0x1c4: {  	[tilespmem:v2+s23+$0x0] =	vst.idx.add.f32.msk $0xffff, v1  }
0x1c5: {  	v2 =	vld [tilespmem:$0x9B0];
	_ =	sdelay $0x7  }
0x1c6: {  	[tilespmem:v2+s23+$0x0] =	vst.idx.add.f32.msk $0xffff, v1  }
0x1c7: {  	_ =	swait.ge [sflag:s20], $0x2000  }
0x1c8: {  	[sflag:s20] =	ssyncset.done $0x0  }
0x1c9: {  	[sflag:s20] =	ssyncadd.s32 $0xFFFFE000  }
0x1ca: {  	_ =	swait.ge [sflag:s10], $0x2000  }
0x1cb: {  	[sflag:s10] =	ssyncset.done $0x0  }
0x1cc: {  	s8 =	simm.s32 $0x380;
	[sflag:s10] =	ssyncadd.s32 $0xFFFFE000  }
0x1cd: {  	[tilespmem:s22], [sflag:$0x4] =	stream.indirect.gather [hbm4b:s9+s16], $0x80, s8, s16, $0xb8;
	[tilespmem:$0x1F800] =	vst v63  }
0x1ce: {  	s12 =	simm.s32 $0xA00  }
0x1cf: {  	[spmem:s2] =	stream.indirect.scatter.add.f32 [tilespmem:s17], [sflag:$0x5], $0x80, s12, s16, $0xb8;
	[tilespmem:$0x1F800] =	vst v63  }
0x1d0: {  	v2 =	vld [tilespmem:$0xA00];
	_ =	sdelay $0x7  }
0x1d1: {  	[tilespmem:v2+s23+$0x0] =	vst.idx.add.f32.msk $0xffff, v1  }
0x1d2: {  	v2 =	vld [tilespmem:$0xA10];
	_ =	sdelay $0x7  }
0x1d3: {  	[tilespmem:v2+s23+$0x0] =	vst.idx.add.f32.msk $0xffff, v1  }
0x1d4: {  	v2 =	vld [tilespmem:$0xA20];
	_ =	sdelay $0x7  }
0x1d5: {  	[tilespmem:v2+s23+$0x0] =	vst.idx.add.f32.msk $0xffff, v1  }
0x1d6: {  	v2 =	vld [tilespmem:$0xA30];
	_ =	sdelay $0x7  }
0x1d7: {  	[tilespmem:v2+s23+$0x0] =	vst.idx.add.f32.msk $0xffff, v1  }
0x1d8: {  	_ =	swait.ge [sflag:s24], $0x2000  }
0x1d9: {  	[sflag:s24] =	ssyncset.done $0x0  }
0x1da: {  	[sflag:s24] =	ssyncadd.s32 $0xFFFFE000  }
0x1db: {  	_ =	swait.ge [sflag:s25], $0x2000  }
0x1dc: {  	[sflag:s25] =	ssyncset.done $0x0  }
0x1dd: {  	s13 =	simm.s32 $0x400;
	[sflag:s25] =	ssyncadd.s32 $0xFFFFE000  }
0x1de: {  	[tilespmem:s17], [sflag:$0x1] =	stream.indirect.gather [hbm4b:s9+s16], $0x80, s13, s16, $0xb8;
	[tilespmem:$0x1F800] =	vst v63  }
0x1df: {  	s8 =	simm.s32 $0xA80  }
0x1e0: {  	[spmem:s2] =	stream.indirect.scatter.add.f32 [tilespmem:s29], [sflag:$0x6], $0x80, s8, s16, $0xb8;
	[tilespmem:$0x1F800] =	vst v63  }
0x1e1: {  	v2 =	vld [tilespmem:$0xA80];
	_ =	sdelay $0x7  }
0x1e2: {  	[tilespmem:v2+s23+$0x0] =	vst.idx.add.f32.msk $0xffff, v1  }
0x1e3: {  	v2 =	vld [tilespmem:$0xA90];
	_ =	sdelay $0x7  }
0x1e4: {  	[tilespmem:v2+s23+$0x0] =	vst.idx.add.f32.msk $0xffff, v1  }
0x1e5: {  	v2 =	vld [tilespmem:$0xAA0];
	_ =	sdelay $0x7  }
0x1e6: {  	[tilespmem:v2+s23+$0x0] =	vst.idx.add.f32.msk $0xffff, v1  }
0x1e7: {  	v2 =	vld [tilespmem:$0xAB0];
	_ =	sdelay $0x7  }
0x1e8: {  	[tilespmem:v2+s23+$0x0] =	vst.idx.add.f32.msk $0xffff, v1  }
0x1e9: {  	_ =	swait.ge [sflag:s30], $0x2000  }
0x1ea: {  	[sflag:s30] =	ssyncset.done $0x0  }
0x1eb: {  	[sflag:s30] =	ssyncadd.s32 $0xFFFFE000  }
0x1ec: {  	_ =	swait.ge [sflag:s31], $0x2000  }
0x1ed: {  	[sflag:s31] =	ssyncset.done $0x0  }
0x1ee: {  	s12 =	simm.s32 $0x480;
	[sflag:s31] =	ssyncadd.s32 $0xFFFFE000  }
0x1ef: {  	[tilespmem:s29], [sflag:$0x2] =	stream.indirect.gather [hbm4b:s9+s16], $0x80, s12, s16, $0xb8;
	[tilespmem:$0x1F800] =	vst v63  }
0x1f0: {  	s13 =	simm.s32 $0xB00  }
0x1f1: {  	[spmem:s2] =	stream.indirect.scatter.add.f32 [tilespmem:s19], [sflag:$0x7], $0x80, s13, s16, $0xb8;
	[tilespmem:$0x1F800] =	vst v63  }
0x1f2: {  	v2 =	vld [tilespmem:$0xB00];
	_ =	sdelay $0x7  }
0x1f3: {  	[tilespmem:v2+s23+$0x0] =	vst.idx.add.f32.msk $0xffff, v1  }
0x1f4: {  	v2 =	vld [tilespmem:$0xB10];
	_ =	sdelay $0x7  }
0x1f5: {  	[tilespmem:v2+s23+$0x0] =	vst.idx.add.f32.msk $0xffff, v1  }
0x1f6: {  	v2 =	vld [tilespmem:$0xB20];
	_ =	sdelay $0x7  }
0x1f7: {  	[tilespmem:v2+s23+$0x0] =	vst.idx.add.f32.msk $0xffff, v1  }
0x1f8: {  	v2 =	vld [tilespmem:$0xB30];
	_ =	sdelay $0x7  }
0x1f9: {  	[tilespmem:v2+s23+$0x0] =	vst.idx.add.f32.msk $0xffff, v1  }
0x1fa: {  	_ =	swait.ge [sflag:s5], $0x2000  }
0x1fb: {  	[sflag:s5] =	ssyncset.done $0x0  }
0x1fc: {  	[sflag:s5] =	ssyncadd.s32 $0xFFFFE000  }
0x1fd: {  	_ =	swait.ge [sflag:s6], $0x2000  }
0x1fe: {  	[sflag:s6] =	ssyncset.done $0x0  }
0x1ff: {  	s8 =	simm.s32 $0x500;
	[sflag:s6] =	ssyncadd.s32 $0xFFFFE000  }
0x200: {  	[tilespmem:s19], [sflag:$0x3] =	stream.indirect.gather [hbm4b:s9+s16], $0x80, s8, s16, $0xb8;
	[tilespmem:$0x1F800] =	vst v63  }
0x201: {  	s12 =	simm.s32 $0xB80  }
0x202: {  	[spmem:s2] =	stream.indirect.scatter.add.f32 [tilespmem:s22], [sflag:$0x8], $0x80, s12, s16, $0xb8;
	[tilespmem:$0x1F800] =	vst v63  }
0x203: {  	v2 =	vld [tilespmem:$0xB80];
	_ =	sdelay $0x7  }
0x204: {  	[tilespmem:v2+s23+$0x0] =	vst.idx.add.f32.msk $0xffff, v1  }
0x205: {  	v2 =	vld [tilespmem:$0xB90];
	_ =	sdelay $0x7  }
0x206: {  	[tilespmem:v2+s23+$0x0] =	vst.idx.add.f32.msk $0xffff, v1  }
0x207: {  	v2 =	vld [tilespmem:$0xBA0];
	_ =	sdelay $0x7  }
0x208: {  	[tilespmem:v2+s23+$0x0] =	vst.idx.add.f32.msk $0xffff, v1  }
0x209: {  	v2 =	vld [tilespmem:$0xBB0];
	_ =	sdelay $0x7  }
0x20a: {  	[tilespmem:v2+s23+$0x0] =	vst.idx.add.f32.msk $0xffff, v1  }
0x20b: {  	_ =	swait.ge [sflag:s20], $0x2000  }
0x20c: {  	[sflag:s20] =	ssyncset.done $0x0  }
0x20d: {  	[sflag:s20] =	ssyncadd.s32 $0xFFFFE000  }
0x20e: {  	_ =	swait.ge [sflag:s10], $0x2000  }
0x20f: {  	[sflag:s10] =	ssyncset.done $0x0  }
0x210: {  	s13 =	simm.s32 $0x580;
	[sflag:s10] =	ssyncadd.s32 $0xFFFFE000  }
0x211: {  	[tilespmem:s22], [sflag:$0x4] =	stream.indirect.gather [hbm4b:s9+s16], $0x80, s13, s16, $0xb8;
	[tilespmem:$0x1F800] =	vst v63  }
0x212: {  	s8 =	simm.s32 $0xC00  }
0x213: {  	[spmem:s2] =	stream.indirect.scatter.add.f32 [tilespmem:s17], [sflag:$0x5], $0x80, s8, s16, $0xb8;
	[tilespmem:$0x1F800] =	vst v63  }
0x214: {  	v2 =	vld [tilespmem:$0xC00];
	_ =	sdelay $0x7  }
0x215: {  	[tilespmem:v2+s23+$0x0] =	vst.idx.add.f32.msk $0xffff, v1  }
0x216: {  	v2 =	vld [tilespmem:$0xC10];
	_ =	sdelay $0x7  }
0x217: {  	[tilespmem:v2+s23+$0x0] =	vst.idx.add.f32.msk $0xffff, v1  }
0x218: {  	v2 =	vld [tilespmem:$0xC20];
	_ =	sdelay $0x7  }
0x219: {  	[tilespmem:v2+s23+$0x0] =	vst.idx.add.f32.msk $0xffff, v1  }
0x21a: {  	v2 =	vld [tilespmem:$0xC30];
	_ =	sdelay $0x7  }
0x21b: {  	[tilespmem:v2+s23+$0x0] =	vst.idx.add.f32.msk $0xffff, v1  }
0x21c: {  	_ =	swait.ge [sflag:s24], $0x2000  }
0x21d: {  	[sflag:s24] =	ssyncset.done $0x0  }
0x21e: {  	[sflag:s24] =	ssyncadd.s32 $0xFFFFE000  }
0x21f: {  	_ =	swait.ge [sflag:s25], $0x2000  }
0x220: {  	[sflag:s25] =	ssyncset.done $0x0  }
0x221: {  	s12 =	simm.s32 $0x600;
	[sflag:s25] =	ssyncadd.s32 $0xFFFFE000  }
0x222: {  	[tilespmem:s17], [sflag:$0x1] =	stream.indirect.gather [hbm4b:s9+s16], $0x80, s12, s16, $0xb8;
	[tilespmem:$0x1F800] =	vst v63  }
0x223: {  	s13 =	simm.s32 $0xC80  }
0x224: {  	[spmem:s2] =	stream.indirect.scatter.add.f32 [tilespmem:s29], [sflag:$0x6], $0x80, s13, s16, $0xb8;
	[tilespmem:$0x1F800] =	vst v63  }
0x225: {  	v2 =	vld [tilespmem:$0xC80];
	_ =	sdelay $0x7  }
0x226: {  	[tilespmem:v2+s23+$0x0] =	vst.idx.add.f32.msk $0xffff, v1  }
0x227: {  	v2 =	vld [tilespmem:$0xC90];
	_ =	sdelay $0x7  }
0x228: {  	[tilespmem:v2+s23+$0x0] =	vst.idx.add.f32.msk $0xffff, v1  }
0x229: {  	v2 =	vld [tilespmem:$0xCA0];
	_ =	sdelay $0x7  }
0x22a: {  	[tilespmem:v2+s23+$0x0] =	vst.idx.add.f32.msk $0xffff, v1  }
0x22b: {  	v2 =	vld [tilespmem:$0xCB0];
	_ =	sdelay $0x7  }
0x22c: {  	[tilespmem:v2+s23+$0x0] =	vst.idx.add.f32.msk $0xffff, v1  }
0x22d: {  	_ =	swait.ge [sflag:s30], $0x2000  }
0x22e: {  	[sflag:s30] =	ssyncset.done $0x0  }
0x22f: {  	[sflag:s30] =	ssyncadd.s32 $0xFFFFE000  }
0x230: {  	_ =	swait.ge [sflag:s31], $0x2000  }
0x231: {  	[sflag:s31] =	ssyncset.done $0x0  }
0x232: {  	s13 =	simm.s32 $0x680;
	[sflag:s31] =	ssyncadd.s32 $0xFFFFE000  }
0x233: {  	[tilespmem:s29], [sflag:$0x2] =	stream.indirect.gather [hbm4b:s9+s16], $0x80, s13, s16, $0xb8;
	[tilespmem:$0x1F800] =	vst v63  }
0x234: {  	s12 =	simm.s32 $0xD00  }
0x235: {  	[spmem:s2] =	stream.indirect.scatter.add.f32 [tilespmem:s19], [sflag:$0x7], $0x80, s12, s16, $0xb8;
	[tilespmem:$0x1F800] =	vst v63  }
0x236: {  	v2 =	vld [tilespmem:$0xD00];
	_ =	sdelay $0x7  }
0x237: {  	[tilespmem:v2+s23+$0x0] =	vst.idx.add.f32.msk $0xffff, v1  }
0x238: {  	v2 =	vld [tilespmem:$0xD10];
	_ =	sdelay $0x7  }
0x239: {  	[tilespmem:v2+s23+$0x0] =	vst.idx.add.f32.msk $0xffff, v1  }
0x23a: {  	v2 =	vld [tilespmem:$0xD20];
	_ =	sdelay $0x7  }
0x23b: {  	[tilespmem:v2+s23+$0x0] =	vst.idx.add.f32.msk $0xffff, v1  }
0x23c: {  	v2 =	vld [tilespmem:$0xD30];
	_ =	sdelay $0x7  }
0x23d: {  	[tilespmem:v2+s23+$0x0] =	vst.idx.add.f32.msk $0xffff, v1  }
0x23e: {  	_ =	swait.ge [sflag:s5], $0x2000  }
0x23f: {  	[sflag:s5] =	ssyncset.done $0x0  }
0x240: {  	[sflag:s5] =	ssyncadd.s32 $0xFFFFE000  }
0x241: {  	_ =	swait.ge [sflag:s6], $0x2000  }
0x242: {  	[sflag:s6] =	ssyncset.done $0x0  }
0x243: {  	[sflag:s6] =	ssyncadd.s32 $0xFFFFE000  }
0x244: {  	[tilespmem:s19], [sflag:$0x3] =	stream.indirect.gather [hbm4b:s9+s16], $0x80, s18, s16, $0xb8;
	[tilespmem:$0x1F800] =	vst v63  }
0x245: {  	_ = 	snop  }
0x246: {  	[spmem:s2] =	stream.indirect.scatter.add.f32 [tilespmem:s22], [sflag:$0x8], $0x80, s21, s16, $0xb8;
	[tilespmem:$0x1F800] =	vst v63  }
0x247: {  	v2 =	vld [tilespmem:$0xD80];
	_ =	sdelay $0x7  }
0x248: {  	[tilespmem:v2+s23+$0x0] =	vst.idx.add.f32.msk $0xffff, v1  }
0x249: {  	v2 =	vld [tilespmem:$0xD90];
	_ =	sdelay $0x7  }
0x24a: {  	[tilespmem:v2+s23+$0x0] =	vst.idx.add.f32.msk $0xffff, v1  }
0x24b: {  	v2 =	vld [tilespmem:$0xDA0];
	_ =	sdelay $0x7  }
0x24c: {  	[tilespmem:v2+s23+$0x0] =	vst.idx.add.f32.msk $0xffff, v1  }
0x24d: {  	v2 =	vld [tilespmem:$0xDB0];
	_ =	sdelay $0x7  }
0x24e: {  	[tilespmem:v2+s23+$0x0] =	vst.idx.add.f32.msk $0xffff, v1  }
0x24f: {  	_ =	swait.ge [sflag:s20], $0x2000  }
0x250: {  	[sflag:s20] =	ssyncset.done $0x0  }
0x251: {  	[sflag:s20] =	ssyncadd.s32 $0xFFFFE000  }
0x252: {  	_ =	swait.ge [sflag:s10], $0x2000  }
0x253: {  	[sflag:s10] =	ssyncset.done $0x0  }
0x254: {  	[sflag:s10] =	ssyncadd.s32 $0xFFFFE000  }
0x255: {  	[tilespmem:s22], [sflag:$0x4] =	stream.indirect.gather [hbm4b:s9+s16], $0x80, s26, s16, $0xb8;
	[tilespmem:$0x1F800] =	vst v63  }
0x256: {  	_ = 	snop  }
0x257: {  	[spmem:s2] =	stream.indirect.scatter.add.f32 [tilespmem:s17], [sflag:$0x5], $0x80, s28, s16, $0xb8;
	[tilespmem:$0x1F800] =	vst v63  }
0x258: {  	v2 =	vld [tilespmem:$0xE00];
	_ =	sdelay $0x7  }
0x259: {  	[tilespmem:v2+s23+$0x0] =	vst.idx.add.f32.msk $0xffff, v1  }
0x25a: {  	v2 =	vld [tilespmem:$0xE10];
	_ =	sdelay $0x7  }
0x25b: {  	[tilespmem:v2+s23+$0x0] =	vst.idx.add.f32.msk $0xffff, v1  }
0x25c: {  	v2 =	vld [tilespmem:$0xE20];
	_ =	sdelay $0x7  }
0x25d: {  	[tilespmem:v2+s23+$0x0] =	vst.idx.add.f32.msk $0xffff, v1  }
0x25e: {  	v2 =	vld [tilespmem:$0xE30];
	_ =	sdelay $0x7  }
0x25f: {  	[tilespmem:v2+s23+$0x0] =	vst.idx.add.f32.msk $0xffff, v1  }
0x260: {  	_ =	swait.ge [sflag:s24], $0x2000  }
0x261: {  	[sflag:s24] =	ssyncset.done $0x0  }
0x262: {  	[sflag:s24] =	ssyncadd.s32 $0xFFFFE000  }
0x263: {  	[spmem:s2] =	stream.indirect.scatter.add.f32 [tilespmem:s29], [sflag:$0x6], $0x80, s0, s16, $0xb8;
	[tilespmem:$0x1F800] =	vst v63  }
0x264: {  	v2 =	vld [tilespmem:$0xE80];
	_ =	sdelay $0x7  }
0x265: {  	[tilespmem:v2+s23+$0x0] =	vst.idx.add.f32.msk $0xffff, v1  }
0x266: {  	v2 =	vld [tilespmem:$0xE90];
	_ =	sdelay $0x7  }
0x267: {  	[tilespmem:v2+s23+$0x0] =	vst.idx.add.f32.msk $0xffff, v1  }
0x268: {  	v2 =	vld [tilespmem:$0xEA0];
	_ =	sdelay $0x7  }
0x269: {  	[tilespmem:v2+s23+$0x0] =	vst.idx.add.f32.msk $0xffff, v1  }
0x26a: {  	v2 =	vld [tilespmem:$0xEB0];
	_ =	sdelay $0x7  }
0x26b: {  	[tilespmem:v2+s23+$0x0] =	vst.idx.add.f32.msk $0xffff, v1  }
0x26c: {  	_ =	swait.ge [sflag:s30], $0x2000  }
0x26d: {  	[sflag:s30] =	ssyncset.done $0x0  }
0x26e: {  	[sflag:s30] =	ssyncadd.s32 $0xFFFFE000  }
0x26f: {  	[spmem:s2] =	stream.indirect.scatter.add.f32 [tilespmem:s19], [sflag:$0x7], $0x80, s1, s16, $0xb8;
	[tilespmem:$0x1F800] =	vst v63  }
0x270: {  	v2 =	vld [tilespmem:$0xF00];
	_ =	sdelay $0x7  }
0x271: {  	[tilespmem:v2+s23+$0x0] =	vst.idx.add.f32.msk $0xffff, v1  }
0x272: {  	v2 =	vld [tilespmem:$0xF10];
	_ =	sdelay $0x7  }
0x273: {  	[tilespmem:v2+s23+$0x0] =	vst.idx.add.f32.msk $0xffff, v1  }
0x274: {  	v2 =	vld [tilespmem:$0xF20];
	_ =	sdelay $0x7  }
0x275: {  	[tilespmem:v2+s23+$0x0] =	vst.idx.add.f32.msk $0xffff, v1  }
0x276: {  	v2 =	vld [tilespmem:$0xF30];
	_ =	sdelay $0x7  }
0x277: {  	[tilespmem:v2+s23+$0x0] =	vst.idx.add.f32.msk $0xffff, v1  }
0x278: {  	_ =	swait.ge [sflag:s5], $0x2000  }
0x279: {  	[sflag:s5] =	ssyncset.done $0x0  }
0x27a: {  	[sflag:s5] =	ssyncadd.s32 $0xFFFFE000  }
0x27b: {  	[spmem:s2] =	stream.indirect.scatter.add.f32 [tilespmem:s22], [sflag:$0x8], $0x80, s7, s16, $0xb8;
	[tilespmem:$0x1F800] =	vst v63  }
0x27c: {  	v2 =	vld [tilespmem:$0xF80];
	_ =	sdelay $0x7  }
0x27d: {  	[tilespmem:v2+s23+$0x0] =	vst.idx.add.f32.msk $0xffff, v1  }
0x27e: {  	v2 =	vld [tilespmem:$0xF90];
	_ =	sdelay $0x7  }
0x27f: {  	[tilespmem:v2+s23+$0x0] =	vst.idx.add.f32.msk $0xffff, v1  }
0x280: {  	v2 =	vld [tilespmem:$0xFA0];
	_ =	sdelay $0x7  }
0x281: {  	[tilespmem:v2+s23+$0x0] =	vst.idx.add.f32.msk $0xffff, v1  }
0x282: {  	v2 =	vld [tilespmem:$0xFB0];
	_ =	sdelay $0x1  }
0x283: {  	s4 =	sadd.s32 $0x100, s4  }
0x284: {  	p1 =	sne.s32 s4, $0x1400  }
.Ltmp6:
0x285: {  	_ = 	snop;
	(pc) =	sbr.rel @p1 .LBB2_6-.Ltmp6, $2  }
0x286: {  	_ =	sdelay $0x2  }
0x287: {  	[tilespmem:v2+s23+$0x0] =	vst.idx.add.f32.msk $0xffff, v1  }
.Ltmp7:
0x288: {  	(pc) =	sbr.rel .LBB2_8-.Ltmp7, $3  }
0x289: {  	_ =	sdelay $0x1  }
0x28a: {  	s4 =	rddreg [dreg:$0x9]  }
0x28b: {  	s13 =	rddreg [dreg:$0xf]  }
.LBB2_9:
0x28c: {  	_ =	sfence.sel $0x180000  }
0x28d: {  	[bflag:$0x0] =	sbarrier.arrive $0xFFFF  }
0x28e: {  	_ =	strace $0x90000047  }
0x28f: {  	s0 =	stileid.u32;
	[bflag:$0x2] =	sbarrier.arrive $0xFFFF  }
0x290: {  	p0 =	sne.s32 s0, $0x0;
	s0 =	rddreg [dreg:$0x2]  }
0x291: {  	s0 =	sadd.s32 @!p0 $0x100000, s0  }
0x292: {  	[sflag:s0] =	ssyncadd.tile.s32 @!p0 $0x1;
	_ =	shalt  }
.Lfunc_end2:
_tile_overlayer_lowered:
.L_overlay_start_2:
0x293: {  	(tag) =	ssettag $0x2  }
0x294: {  	s0 =	rddreg [dreg:$0x0];
	s2 =	stileid.u32  }
0x295: {  	s1 =	rddreg [dreg:$0x1];
	p0 =	sne.s32 s2, $0x0  }
0x296: {  	s3 =	rddreg [dreg:$0x2];
	[bflag:$0x3] =	sbarrier.arrive $0xFFFF;
	s2 =	simm.s32 @!p0 $0x1C09  }
0x297: {  	[timem:s3], [sflag:s2] =	dma.local @!p0 [hbm:s0], s1  }
0x298: {  	s0 =	simm.s32 @!p0 $0x9  }
0x299: {  	_ =	swait.ge @!p0 [sflag:s0], s1  }
0x29a: {  	s1 =	ssub.s32 @!p0 $0x0, s1;
	[sflag:s0] =	ssyncset.done @!p0 $0x0  }
0x29b: {  	[sflag:s0] =	ssyncadd.s32 @!p0 s1  }
0x29c: {  	[bflag:$0x3] =	sbarrier.arrive $0xFFFF  }
0x29d: {  	_ =	shalt  }

</sc_bundles>
